<compile_context>
chip_gen: v7x
topology: tpu7x:2x2x1
jax: 0.10.2.dev20260603
libtpu: 0.0.44.dev20260713+nightly
codegen_flags: <defaults>
</compile_context>

<pallas_src>
import functools

import jax
import jax.numpy as jnp
from jax import lax
from jax.experimental import pallas as pl
from jax.experimental.pallas import tpu as pltpu
from jax.experimental.pallas import tpu_sc as plsc

B = 16384
NUM_NUM = 13
NUM_CAT = 26
CARD = 100000
STATE = 32
NF = NUM_NUM + NUM_CAT

NC = 2
NS = 16
L = 16
NW = NC * NS
BH = B // 2

mesh = plsc.VectorSubcoreMesh(core_axis_name="c", subcore_axis_name="s")


@functools.partial(
    pl.kernel,
    out_type=jax.ShapeDtypeStruct((NF * STATE, B), jnp.float32),
    mesh=mesh,
    compiler_params=pltpu.CompilerParams(use_tc_tiling_on_sc=True,
                                         needs_layout_passes=False),
    scratch_types=[
        pltpu.VMEM((1, CARD), jnp.float32),
        pltpu.VMEM((1, BH), jnp.int32),
        pltpu.VMEM((1, BH), jnp.float32),
        pltpu.VMEM((1, L), jnp.float32),
        pltpu.VMEM((1, L), jnp.float32),
        pltpu.SemaphoreType.DMA,
    ],
)
def _sc_embed(tab_hbm, xcat_hbm, xnum_hbm, wt_hbm, bt_hbm, out_hbm,
              row_v, idx_v, out_v, w_v, b_v, sem):
    w = lax.axis_index("s") * NC + lax.axis_index("c")

    pltpu.sync_copy(wt_hbm.at[pl.ds(w, 1), :], w_v)
    pltpu.sync_copy(bt_hbm.at[pl.ds(w, 1), :], b_v)

    for k in range(NUM_NUM):
        lane = jnp.full((L, 1), k, jnp.int32)
        dn = lax.GatherDimensionNumbers(
            offset_dims=(), collapsed_slice_dims=(0,), start_index_map=(0,))
        wk = lax.gather(w_v[0, :], lane, dn, slice_sizes=(1,),
                        mode=lax.GatherScatterMode.PROMISE_IN_BOUNDS)
        bk = lax.gather(b_v[0, :], lane, dn, slice_sizes=(1,),
                        mode=lax.GatherScatterMode.PROMISE_IN_BOUNDS)
        for hh in range(B // BH):
            pltpu.sync_copy(xnum_hbm.at[pl.ds(k, 1), pl.ds(hh * BH, BH)], out_v)

            @plsc.parallel_loop(0, BH, step=L, unroll=8)
            def num_body(p, wk=wk, bk=bk):
                out_v[0, pl.ds(p, L)] = out_v[0, pl.ds(p, L)] * wk + bk
            pltpu.sync_copy(out_v, out_hbm.at[pl.ds(STATE * k + w, 1),
                                              pl.ds(hh * BH, BH)])

    def cat_body(i, c):
        pltpu.sync_copy(tab_hbm.at[i, pl.ds(w, 1), :], row_v)
        for hh in range(B // BH):
            pltpu.sync_copy(xcat_hbm.at[pl.ds(i, 1), pl.ds(hh * BH, BH)], idx_v)

            @plsc.parallel_loop(0, BH, step=L, unroll=8)
            def gat_body(p):
                idx16 = idx_v[0, pl.ds(p, L)]
                out_v[0, pl.ds(p, L)] = plsc.load_gather(
                    row_v, [jnp.zeros((L,), jnp.int32), idx16])
            pltpu.sync_copy(out_v,
                            out_hbm.at[pl.ds(STATE * (NUM_NUM + i) + w, 1),
                                       pl.ds(hh * BH, BH)])
        return c
    lax.fori_loop(0, NUM_CAT, cat_body, 0)


def kernel(x_numeric, x_categorical, W_num, b_num, tables):
    tab_t = tables.transpose(0, 2, 1)
    xcat_t = x_categorical.astype(jnp.int32).T
    xnum_t = x_numeric.T
    w_t = jnp.pad(W_num.T, ((0, 0), (0, L - NUM_NUM)))
    b_t = jnp.pad(b_num.T, ((0, 0), (0, L - NUM_NUM)))
    out_t = _sc_embed(tab_t, xcat_t, xnum_t, w_t, b_t)
    return out_t.T

# --- scband reference (transcript-rebuilt; emitter-appended) ---
"""Pipeline reference for scband-input-channel-embedding-31361851195962 (READ-ONLY COPY).

The authoritative reference and input builder live on the scoring server;
editing this copy changes nothing except your own understanding.
"""

import jax, jax.numpy as jnp
import numpy as np

B = 16384
NUM_NUM = 13
NUM_CAT = 26
CARD = 100000
STATE = 32


def setup_inputs(seed: int = 0) -> dict:
    key = jax.random.key(seed)
    k0, k1, k2, k3, k4 = jax.random.split(key, 5)
    x_numeric = jax.random.normal(k0, (B, NUM_NUM), dtype=jnp.float32)
    x_categorical = jax.random.randint(k1, (B, NUM_CAT), 0, CARD)
    # Numeric projection params: one Linear(1, STATE) per numeric input
    W_num = jax.random.normal(k2, (NUM_NUM, STATE), dtype=jnp.float32) * 0.05
    b_num = jax.random.normal(k3, (NUM_NUM, STATE), dtype=jnp.float32) * 0.05
    # Categorical embedding tables: one [CARD, STATE] table per categorical input
    tables = jax.random.normal(k4, (NUM_CAT, CARD, STATE), dtype=jnp.float32) * 0.02
    return {"x_numeric": x_numeric, "x_categorical": x_categorical,
            "W_num": W_num, "b_num": b_num, "tables": tables}


def reference(x_numeric, x_categorical, W_num, b_num, tables):
    # NumericInputTransformation: per-variable Linear(1, STATE)
    processed_numeric = []
    for i in range(NUM_NUM):
        proj = x_numeric[:, i:i + 1] * W_num[i][None, :] + b_num[i][None, :]
        processed_numeric.append(proj)
    # CategoricalInputTransformation: per-variable Embedding(CARD, STATE)
    processed_categorical = []
    for i in range(NUM_CAT):
        emb = jnp.take(tables[i], x_categorical[:, i], axis=0)
        processed_categorical.append(emb)
    merged = jnp.concatenate(processed_numeric + processed_categorical, axis=1)
    return merged

if __name__ == "__main__":
    import jax
    _d = setup_inputs()
    print(jax.jit(kernel)(*tuple(_d.values())))

</pallas_src>

<mosaic_0001>
#map = affine_map<(d0, d1) -> (0, 0, 0)>
#map1 = affine_map<(d0, d1) -> (0, 0)>
module attributes {stable_mosaic.version = 14 : i64} {
  func.func @_sc_embed(%arg0: i32, %arg1: i32, %arg2: memref<26x32x100000xf32, #tpu.memory_space<hbm>>, %arg3: memref<26x16384xi32, #tpu.memory_space<hbm>>, %arg4: memref<13x16384xf32, #tpu.memory_space<hbm>>, %arg5: memref<32x16xf32, #tpu.memory_space<hbm>>, %arg6: memref<32x16xf32, #tpu.memory_space<hbm>>, %arg7: memref<1248x16384xf32, #tpu.memory_space<hbm>>, %arg8: memref<1x100000xf32, #tpu.memory_space<vmem>>, %arg9: memref<1x8192xi32, #tpu.memory_space<vmem>>, %arg10: memref<1x8192xf32, #tpu.memory_space<vmem>>, %arg11: memref<1x16xf32, #tpu.memory_space<vmem>>, %arg12: memref<1x16xf32, #tpu.memory_space<vmem>>, %arg13: memref<!tpu.dma_semaphore, #tpu.memory_space<semaphore_mem>>) attributes {dimension_semantics = [#tpu.dimension_semantics<core_parallel>, #tpu.dimension_semantics<subcore_parallel>], iteration_bounds = array<i64: 2, 16>, scalar_prefetch = 0 : i64, scratch_operands = 6 : i64, tpu.core_type = #tpu.core_type<sc_vector_subcore>, window_params = [{transform_indices = #map}, {transform_indices = #map1}, {transform_indices = #map1}, {transform_indices = #map1}, {transform_indices = #map1}, {transform_indices = #map1}]} {
    %mul3A = arith.constant 2 : i32
    %mul3A_0 = arith.muli %arg1, %mul3A : i32
    %add3A = arith.addi %mul3A_0, %arg0 : i32
    "tpu.region"() ({
      %run_scoped3A = tpu.sem_alloc : memref<!tpu.dma_semaphore, #tpu.memory_space<semaphore_mem>>
      %dma_start3A = arith.constant 0 : i32
      %dma_start3A_314 = tpu.memref_slice %arg5[%add3A, %dma_start3A] : memref<32x16xf32, #tpu.memory_space<hbm>> -> memref<1x16xf32, #tpu.memory_space<hbm>>
      %dma_start3A_315 = arith.constant 0 : i32
      %dma_start3A_316 = tpu.memref_slice %arg5[%add3A, %dma_start3A_315] : memref<32x16xf32, #tpu.memory_space<hbm>> -> memref<1x16xf32, #tpu.memory_space<hbm>>
      tpu.enqueue_dma source(%dma_start3A_316 : memref<1x16xf32, #tpu.memory_space<hbm>>) target(%arg11 : memref<1x16xf32, #tpu.memory_space<vmem>>) target_semaphore(%run_scoped3A : memref<!tpu.dma_semaphore, #tpu.memory_space<semaphore_mem>>)
      %dma_wait3A = arith.constant 0 : i32
      %dma_wait3A_317 = tpu.memref_slice %arg5[%add3A, %dma_wait3A] : memref<32x16xf32, #tpu.memory_space<hbm>> -> memref<1x16xf32, #tpu.memory_space<hbm>>
      %dma_wait3A_318 = arith.constant 0 : i32
      %dma_wait3A_319 = tpu.memref_slice %arg5[%add3A, %dma_wait3A_318] : memref<32x16xf32, #tpu.memory_space<hbm>> -> memref<1x16xf32, #tpu.memory_space<hbm>>
      tpu.wait_dma2 semaphore(%run_scoped3A : memref<!tpu.dma_semaphore, #tpu.memory_space<semaphore_mem>>) src(%dma_wait3A_319 : memref<1x16xf32, #tpu.memory_space<hbm>>) dst(%arg11 : memref<1x16xf32, #tpu.memory_space<vmem>>)
      tpu.yield
    }) : () -> ()
    "tpu.region"() ({
      %run_scoped3A = tpu.sem_alloc : memref<!tpu.dma_semaphore, #tpu.memory_space<semaphore_mem>>
      %dma_start3A = arith.constant 0 : i32
      %dma_start3A_314 = tpu.memref_slice %arg6[%add3A, %dma_start3A] : memref<32x16xf32, #tpu.memory_space<hbm>> -> memref<1x16xf32, #tpu.memory_space<hbm>>
      %dma_start3A_315 = arith.constant 0 : i32
      %dma_start3A_316 = tpu.memref_slice %arg6[%add3A, %dma_start3A_315] : memref<32x16xf32, #tpu.memory_space<hbm>> -> memref<1x16xf32, #tpu.memory_space<hbm>>
      tpu.enqueue_dma source(%dma_start3A_316 : memref<1x16xf32, #tpu.memory_space<hbm>>) target(%arg12 : memref<1x16xf32, #tpu.memory_space<vmem>>) target_semaphore(%run_scoped3A : memref<!tpu.dma_semaphore, #tpu.memory_space<semaphore_mem>>)
      %dma_wait3A = arith.constant 0 : i32
      %dma_wait3A_317 = tpu.memref_slice %arg6[%add3A, %dma_wait3A] : memref<32x16xf32, #tpu.memory_space<hbm>> -> memref<1x16xf32, #tpu.memory_space<hbm>>
      %dma_wait3A_318 = arith.constant 0 : i32
      %dma_wait3A_319 = tpu.memref_slice %arg6[%add3A, %dma_wait3A_318] : memref<32x16xf32, #tpu.memory_space<hbm>> -> memref<1x16xf32, #tpu.memory_space<hbm>>
      tpu.wait_dma2 semaphore(%run_scoped3A : memref<!tpu.dma_semaphore, #tpu.memory_space<semaphore_mem>>) src(%dma_wait3A_319 : memref<1x16xf32, #tpu.memory_space<hbm>>) dst(%arg12 : memref<1x16xf32, #tpu.memory_space<vmem>>)
      tpu.yield
    }) : () -> ()
    %broadcast_in_dim3A = arith.constant 0 : i32
    %broadcast_in_dim3A_1 = vector.broadcast %broadcast_in_dim3A : i32 to vector<16x1xi32>
    %get3A = arith.constant 0 : i32
    %get3A_2 = arith.index_cast %get3A : i32 to index
    %get3A_3 = arith.constant 0 : index
    %get3A_4 = tpu.vector_load %arg11[%get3A_2, %get3A_3] {strides = array<i32>} : memref<1x16xf32, #tpu.memory_space<vmem>>, vector<16xf32>,
    %gather3A = vector.shape_cast %broadcast_in_dim3A_1 : vector<16x1xi32> to vector<16xi32>
    %gather3A_5 = tpu.dynamic_gather %get3A_4[%gather3A] in [0] : vector<16xf32>, vector<16xi32> -> vector<16xf32>
    %get3A_6 = arith.constant 0 : i32
    %get3A_7 = arith.index_cast %get3A_6 : i32 to index
    %get3A_8 = arith.constant 0 : index
    %get3A_9 = tpu.vector_load %arg12[%get3A_7, %get3A_8] {strides = array<i32>} : memref<1x16xf32, #tpu.memory_space<vmem>>, vector<16xf32>,
    %gather3A_10 = vector.shape_cast %broadcast_in_dim3A_1 : vector<16x1xi32> to vector<16xi32>
    %gather3A_11 = tpu.dynamic_gather %get3A_9[%gather3A_10] in [0] : vector<16xf32>, vector<16xi32> -> vector<16xf32>
    "tpu.region"() ({
      %run_scoped3A = tpu.sem_alloc : memref<!tpu.dma_semaphore, #tpu.memory_space<semaphore_mem>>
      %dma_start3A = arith.constant 0 : i32
      %dma_start3A_314 = arith.constant 0 : i32
      %dma_start3A_315 = tpu.memref_slice %arg4[%dma_start3A, %dma_start3A_314] : memref<13x16384xf32, #tpu.memory_space<hbm>> -> memref<1x8192xf32, #tpu.memory_space<hbm>>
      %dma_start3A_316 = arith.constant 0 : i32
      %dma_start3A_317 = arith.constant 0 : i32
      %dma_start3A_318 = tpu.memref_slice %arg4[%dma_start3A_316, %dma_start3A_317] : memref<13x16384xf32, #tpu.memory_space<hbm>> -> memref<1x8192xf32, #tpu.memory_space<hbm>>
      tpu.enqueue_dma source(%dma_start3A_318 : memref<1x8192xf32, #tpu.memory_space<hbm>>) target(%arg10 : memref<1x8192xf32, #tpu.memory_space<vmem>>) target_semaphore(%run_scoped3A : memref<!tpu.dma_semaphore, #tpu.memory_space<semaphore_mem>>)
      %dma_wait3A = arith.constant 0 : i32
      %dma_wait3A_319 = arith.constant 0 : i32
      %dma_wait3A_320 = tpu.memref_slice %arg4[%dma_wait3A, %dma_wait3A_319] : memref<13x16384xf32, #tpu.memory_space<hbm>> -> memref<1x8192xf32, #tpu.memory_space<hbm>>
      %dma_wait3A_321 = arith.constant 0 : i32
      %dma_wait3A_322 = arith.constant 0 : i32
      %dma_wait3A_323 = tpu.memref_slice %arg4[%dma_wait3A_321, %dma_wait3A_322] : memref<13x16384xf32, #tpu.memory_space<hbm>> -> memref<1x8192xf32, #tpu.memory_space<hbm>>
      tpu.wait_dma2 semaphore(%run_scoped3A : memref<!tpu.dma_semaphore, #tpu.memory_space<semaphore_mem>>) src(%dma_wait3A_323 : memref<1x8192xf32, #tpu.memory_space<hbm>>) dst(%arg10 : memref<1x8192xf32, #tpu.memory_space<vmem>>)
      tpu.yield
    }) : () -> ()
    %parallel_loop3A = arith.constant 0 : i32
    %parallel_loop3A_12 = arith.constant 8192 : i32
    %parallel_loop3A_13 = arith.constant 16 : i32
    scf.for %parallel_loop3A_314 = %parallel_loop3A to %parallel_loop3A_12 step %parallel_loop3A_13  : i32 {
      %parallel_loop3A_315 = arith.constant 0 : i32
      %parallel_loop3A_316 = arith.index_cast %parallel_loop3A_315 : i32 to index
      %parallel_loop3A_317 = arith.index_cast %parallel_loop3A_314 : i32 to index
      %parallel_loop3A_318 = tpu.vector_load %arg10[%parallel_loop3A_316, %parallel_loop3A_317] {strides = array<i32>} : memref<1x8192xf32, #tpu.memory_space<vmem>>, vector<16xf32>,
      %parallel_loop3A_319 = arith.mulf %parallel_loop3A_318, %gather3A_5 : vector<16xf32>
      %parallel_loop3A_320 = arith.addf %parallel_loop3A_319, %gather3A_11 : vector<16xf32>
      %parallel_loop3A_321 = arith.constant 0 : i32
      %parallel_loop3A_322 = arith.index_cast %parallel_loop3A_321 : i32 to index
      %parallel_loop3A_323 = arith.index_cast %parallel_loop3A_314 : i32 to index
      %parallel_loop3A_324 = tpu.vector_load %arg10[%parallel_loop3A_322, %parallel_loop3A_323] {strides = array<i32>} : memref<1x8192xf32, #tpu.memory_space<vmem>>, vector<16xf32>,
      tpu.vector_store %arg10[%parallel_loop3A_322, %parallel_loop3A_323], %parallel_loop3A_320 {strides = array<i32>} : memref<1x8192xf32, #tpu.memory_space<vmem>>, vector<16xf32>,
    } {sc.loop_unroll_factor = 8 : i64, sc.parallel_access}
    %add3A_14 = arith.constant 0 : i32
    %add3A_15 = arith.addi %add3A_14, %add3A : i32
    "tpu.region"() ({
      %run_scoped3A = tpu.sem_alloc : memref<!tpu.dma_semaphore, #tpu.memory_space<semaphore_mem>>
      %dma_start3A = arith.constant 0 : i32
      %dma_start3A_314 = tpu.memref_slice %arg7[%add3A_15, %dma_start3A] : memref<1248x16384xf32, #tpu.memory_space<hbm>> -> memref<1x8192xf32, #tpu.memory_space<hbm>>
      %dma_start3A_315 = arith.constant 0 : i32
      %dma_start3A_316 = tpu.memref_slice %arg7[%add3A_15, %dma_start3A_315] : memref<1248x16384xf32, #tpu.memory_space<hbm>> -> memref<1x8192xf32, #tpu.memory_space<hbm>>
      tpu.enqueue_dma source(%arg10 : memref<1x8192xf32, #tpu.memory_space<vmem>>) target(%dma_start3A_316 : memref<1x8192xf32, #tpu.memory_space<hbm>>) target_semaphore(%run_scoped3A : memref<!tpu.dma_semaphore, #tpu.memory_space<semaphore_mem>>)
      %dma_wait3A = arith.constant 0 : i32
      %dma_wait3A_317 = tpu.memref_slice %arg7[%add3A_15, %dma_wait3A] : memref<1248x16384xf32, #tpu.memory_space<hbm>> -> memref<1x8192xf32, #tpu.memory_space<hbm>>
      %dma_wait3A_318 = arith.constant 0 : i32
      %dma_wait3A_319 = tpu.memref_slice %arg7[%add3A_15, %dma_wait3A_318] : memref<1248x16384xf32, #tpu.memory_space<hbm>> -> memref<1x8192xf32, #tpu.memory_space<hbm>>
      tpu.wait_dma2 semaphore(%run_scoped3A : memref<!tpu.dma_semaphore, #tpu.memory_space<semaphore_mem>>) src(%arg10 : memref<1x8192xf32, #tpu.memory_space<vmem>>) dst(%dma_wait3A_319 : memref<1x8192xf32, #tpu.memory_space<hbm>>)
      tpu.yield
    }) : () -> ()
    "tpu.region"() ({
      %run_scoped3A = tpu.sem_alloc : memref<!tpu.dma_semaphore, #tpu.memory_space<semaphore_mem>>
      %dma_start3A = arith.constant 0 : i32
      %dma_start3A_314 = arith.constant 8192 : i32
      %dma_start3A_315 = tpu.memref_slice %arg4[%dma_start3A, %dma_start3A_314] : memref<13x16384xf32, #tpu.memory_space<hbm>> -> memref<1x8192xf32, #tpu.memory_space<hbm>>
      %dma_start3A_316 = arith.constant 0 : i32
      %dma_start3A_317 = arith.constant 8192 : i32
      %dma_start3A_318 = tpu.memref_slice %arg4[%dma_start3A_316, %dma_start3A_317] : memref<13x16384xf32, #tpu.memory_space<hbm>> -> memref<1x8192xf32, #tpu.memory_space<hbm>>
      tpu.enqueue_dma source(%dma_start3A_318 : memref<1x8192xf32, #tpu.memory_space<hbm>>) target(%arg10 : memref<1x8192xf32, #tpu.memory_space<vmem>>) target_semaphore(%run_scoped3A : memref<!tpu.dma_semaphore, #tpu.memory_space<semaphore_mem>>)
      %dma_wait3A = arith.constant 0 : i32
      %dma_wait3A_319 = arith.constant 8192 : i32
      %dma_wait3A_320 = tpu.memref_slice %arg4[%dma_wait3A, %dma_wait3A_319] : memref<13x16384xf32, #tpu.memory_space<hbm>> -> memref<1x8192xf32, #tpu.memory_space<hbm>>
      %dma_wait3A_321 = arith.constant 0 : i32
      %dma_wait3A_322 = arith.constant 8192 : i32
      %dma_wait3A_323 = tpu.memref_slice %arg4[%dma_wait3A_321, %dma_wait3A_322] : memref<13x16384xf32, #tpu.memory_space<hbm>> -> memref<1x8192xf32, #tpu.memory_space<hbm>>
      tpu.wait_dma2 semaphore(%run_scoped3A : memref<!tpu.dma_semaphore, #tpu.memory_space<semaphore_mem>>) src(%dma_wait3A_323 : memref<1x8192xf32, #tpu.memory_space<hbm>>) dst(%arg10 : memref<1x8192xf32, #tpu.memory_space<vmem>>)
      tpu.yield
    }) : () -> ()
    %parallel_loop3A_16 = arith.constant 0 : i32
    %parallel_loop3A_17 = arith.constant 8192 : i32
    %parallel_loop3A_18 = arith.constant 16 : i32
    scf.for %parallel_loop3A_314 = %parallel_loop3A_16 to %parallel_loop3A_17 step %parallel_loop3A_18  : i32 {
      %parallel_loop3A_315 = arith.constant 0 : i32
      %parallel_loop3A_316 = arith.index_cast %parallel_loop3A_315 : i32 to index
      %parallel_loop3A_317 = arith.index_cast %parallel_loop3A_314 : i32 to index
      %parallel_loop3A_318 = tpu.vector_load %arg10[%parallel_loop3A_316, %parallel_loop3A_317] {strides = array<i32>} : memref<1x8192xf32, #tpu.memory_space<vmem>>, vector<16xf32>,
      %parallel_loop3A_319 = arith.mulf %parallel_loop3A_318, %gather3A_5 : vector<16xf32>
      %parallel_loop3A_320 = arith.addf %parallel_loop3A_319, %gather3A_11 : vector<16xf32>
      %parallel_loop3A_321 = arith.constant 0 : i32
      %parallel_loop3A_322 = arith.index_cast %parallel_loop3A_321 : i32 to index
      %parallel_loop3A_323 = arith.index_cast %parallel_loop3A_314 : i32 to index
      %parallel_loop3A_324 = tpu.vector_load %arg10[%parallel_loop3A_322, %parallel_loop3A_323] {strides = array<i32>} : memref<1x8192xf32, #tpu.memory_space<vmem>>, vector<16xf32>,
      tpu.vector_store %arg10[%parallel_loop3A_322, %parallel_loop3A_323], %parallel_loop3A_320 {strides = array<i32>} : memref<1x8192xf32, #tpu.memory_space<vmem>>, vector<16xf32>,
    } {sc.loop_unroll_factor = 8 : i64, sc.parallel_access}
    %add3A_19 = arith.constant 0 : i32
    %add3A_20 = arith.addi %add3A_19, %add3A : i32
    "tpu.region"() ({
      %run_scoped3A = tpu.sem_alloc : memref<!tpu.dma_semaphore, #tpu.memory_space<semaphore_mem>>
      %dma_start3A = arith.constant 8192 : i32
      %dma_start3A_314 = tpu.memref_slice %arg7[%add3A_20, %dma_start3A] : memref<1248x16384xf32, #tpu.memory_space<hbm>> -> memref<1x8192xf32, #tpu.memory_space<hbm>>
      %dma_start3A_315 = arith.constant 8192 : i32
      %dma_start3A_316 = tpu.memref_slice %arg7[%add3A_20, %dma_start3A_315] : memref<1248x16384xf32, #tpu.memory_space<hbm>> -> memref<1x8192xf32, #tpu.memory_space<hbm>>
      tpu.enqueue_dma source(%arg10 : memref<1x8192xf32, #tpu.memory_space<vmem>>) target(%dma_start3A_316 : memref<1x8192xf32, #tpu.memory_space<hbm>>) target_semaphore(%run_scoped3A : memref<!tpu.dma_semaphore, #tpu.memory_space<semaphore_mem>>)
      %dma_wait3A = arith.constant 8192 : i32
      %dma_wait3A_317 = tpu.memref_slice %arg7[%add3A_20, %dma_wait3A] : memref<1248x16384xf32, #tpu.memory_space<hbm>> -> memref<1x8192xf32, #tpu.memory_space<hbm>>
      %dma_wait3A_318 = arith.constant 8192 : i32
      %dma_wait3A_319 = tpu.memref_slice %arg7[%add3A_20, %dma_wait3A_318] : memref<1248x16384xf32, #tpu.memory_space<hbm>> -> memref<1x8192xf32, #tpu.memory_space<hbm>>
      tpu.wait_dma2 semaphore(%run_scoped3A : memref<!tpu.dma_semaphore, #tpu.memory_space<semaphore_mem>>) src(%arg10 : memref<1x8192xf32, #tpu.memory_space<vmem>>) dst(%dma_wait3A_319 : memref<1x8192xf32, #tpu.memory_space<hbm>>)
      tpu.yield
    }) : () -> ()
    %broadcast_in_dim3A_21 = arith.constant 1 : i32
    %broadcast_in_dim3A_22 = vector.broadcast %broadcast_in_dim3A_21 : i32 to vector<16x1xi32>
    %get3A_23 = arith.constant 0 : i32
    %get3A_24 = arith.index_cast %get3A_23 : i32 to index
    %get3A_25 = arith.constant 0 : index
    %get3A_26 = tpu.vector_load %arg11[%get3A_24, %get3A_25] {strides = array<i32>} : memref<1x16xf32, #tpu.memory_space<vmem>>, vector<16xf32>,
    %gather3A_27 = vector.shape_cast %broadcast_in_dim3A_22 : vector<16x1xi32> to vector<16xi32>
    %gather3A_28 = tpu.dynamic_gather %get3A_26[%gather3A_27] in [0] : vector<16xf32>, vector<16xi32> -> vector<16xf32>
    %get3A_29 = arith.constant 0 : i32
    %get3A_30 = arith.index_cast %get3A_29 : i32 to index
    %get3A_31 = arith.constant 0 : index
    %get3A_32 = tpu.vector_load %arg12[%get3A_30, %get3A_31] {strides = array<i32>} : memref<1x16xf32, #tpu.memory_space<vmem>>, vector<16xf32>,
    %gather3A_33 = vector.shape_cast %broadcast_in_dim3A_22 : vector<16x1xi32> to vector<16xi32>
    %gather3A_34 = tpu.dynamic_gather %get3A_32[%gather3A_33] in [0] : vector<16xf32>, vector<16xi32> -> vector<16xf32>
    "tpu.region"() ({
      %run_scoped3A = tpu.sem_alloc : memref<!tpu.dma_semaphore, #tpu.memory_space<semaphore_mem>>
      %dma_start3A = arith.constant 1 : i32
      %dma_start3A_314 = arith.constant 0 : i32
      %dma_start3A_315 = tpu.memref_slice %arg4[%dma_start3A, %dma_start3A_314] : memref<13x16384xf32, #tpu.memory_space<hbm>> -> memref<1x8192xf32, #tpu.memory_space<hbm>>
      %dma_start3A_316 = arith.constant 1 : i32
      %dma_start3A_317 = arith.constant 0 : i32
      %dma_start3A_318 = tpu.memref_slice %arg4[%dma_start3A_316, %dma_start3A_317] : memref<13x16384xf32, #tpu.memory_space<hbm>> -> memref<1x8192xf32, #tpu.memory_space<hbm>>
      tpu.enqueue_dma source(%dma_start3A_318 : memref<1x8192xf32, #tpu.memory_space<hbm>>) target(%arg10 : memref<1x8192xf32, #tpu.memory_space<vmem>>) target_semaphore(%run_scoped3A : memref<!tpu.dma_semaphore, #tpu.memory_space<semaphore_mem>>)
      %dma_wait3A = arith.constant 1 : i32
      %dma_wait3A_319 = arith.constant 0 : i32
      %dma_wait3A_320 = tpu.memref_slice %arg4[%dma_wait3A, %dma_wait3A_319] : memref<13x16384xf32, #tpu.memory_space<hbm>> -> memref<1x8192xf32, #tpu.memory_space<hbm>>
      %dma_wait3A_321 = arith.constant 1 : i32
      %dma_wait3A_322 = arith.constant 0 : i32
      %dma_wait3A_323 = tpu.memref_slice %arg4[%dma_wait3A_321, %dma_wait3A_322] : memref<13x16384xf32, #tpu.memory_space<hbm>> -> memref<1x8192xf32, #tpu.memory_space<hbm>>
      tpu.wait_dma2 semaphore(%run_scoped3A : memref<!tpu.dma_semaphore, #tpu.memory_space<semaphore_mem>>) src(%dma_wait3A_323 : memref<1x8192xf32, #tpu.memory_space<hbm>>) dst(%arg10 : memref<1x8192xf32, #tpu.memory_space<vmem>>)
      tpu.yield
    }) : () -> ()
    %parallel_loop3A_35 = arith.constant 0 : i32
    %parallel_loop3A_36 = arith.constant 8192 : i32
    %parallel_loop3A_37 = arith.constant 16 : i32
    scf.for %parallel_loop3A_314 = %parallel_loop3A_35 to %parallel_loop3A_36 step %parallel_loop3A_37  : i32 {
      %parallel_loop3A_315 = arith.constant 0 : i32
      %parallel_loop3A_316 = arith.index_cast %parallel_loop3A_315 : i32 to index
      %parallel_loop3A_317 = arith.index_cast %parallel_loop3A_314 : i32 to index
      %parallel_loop3A_318 = tpu.vector_load %arg10[%parallel_loop3A_316, %parallel_loop3A_317] {strides = array<i32>} : memref<1x8192xf32, #tpu.memory_space<vmem>>, vector<16xf32>,
      %parallel_loop3A_319 = arith.mulf %parallel_loop3A_318, %gather3A_28 : vector<16xf32>
      %parallel_loop3A_320 = arith.addf %parallel_loop3A_319, %gather3A_34 : vector<16xf32>
      %parallel_loop3A_321 = arith.constant 0 : i32
      %parallel_loop3A_322 = arith.index_cast %parallel_loop3A_321 : i32 to index
      %parallel_loop3A_323 = arith.index_cast %parallel_loop3A_314 : i32 to index
      %parallel_loop3A_324 = tpu.vector_load %arg10[%parallel_loop3A_322, %parallel_loop3A_323] {strides = array<i32>} : memref<1x8192xf32, #tpu.memory_space<vmem>>, vector<16xf32>,
      tpu.vector_store %arg10[%parallel_loop3A_322, %parallel_loop3A_323], %parallel_loop3A_320 {strides = array<i32>} : memref<1x8192xf32, #tpu.memory_space<vmem>>, vector<16xf32>,
    } {sc.loop_unroll_factor = 8 : i64, sc.parallel_access}
    %add3A_38 = arith.constant 32 : i32
    %add3A_39 = arith.addi %add3A_38, %add3A : i32
    "tpu.region"() ({
      %run_scoped3A = tpu.sem_alloc : memref<!tpu.dma_semaphore, #tpu.memory_space<semaphore_mem>>
      %dma_start3A = arith.constant 0 : i32
      %dma_start3A_314 = tpu.memref_slice %arg7[%add3A_39, %dma_start3A] : memref<1248x16384xf32, #tpu.memory_space<hbm>> -> memref<1x8192xf32, #tpu.memory_space<hbm>>
      %dma_start3A_315 = arith.constant 0 : i32
      %dma_start3A_316 = tpu.memref_slice %arg7[%add3A_39, %dma_start3A_315] : memref<1248x16384xf32, #tpu.memory_space<hbm>> -> memref<1x8192xf32, #tpu.memory_space<hbm>>
      tpu.enqueue_dma source(%arg10 : memref<1x8192xf32, #tpu.memory_space<vmem>>) target(%dma_start3A_316 : memref<1x8192xf32, #tpu.memory_space<hbm>>) target_semaphore(%run_scoped3A : memref<!tpu.dma_semaphore, #tpu.memory_space<semaphore_mem>>)
      %dma_wait3A = arith.constant 0 : i32
      %dma_wait3A_317 = tpu.memref_slice %arg7[%add3A_39, %dma_wait3A] : memref<1248x16384xf32, #tpu.memory_space<hbm>> -> memref<1x8192xf32, #tpu.memory_space<hbm>>
      %dma_wait3A_318 = arith.constant 0 : i32
      %dma_wait3A_319 = tpu.memref_slice %arg7[%add3A_39, %dma_wait3A_318] : memref<1248x16384xf32, #tpu.memory_space<hbm>> -> memref<1x8192xf32, #tpu.memory_space<hbm>>
      tpu.wait_dma2 semaphore(%run_scoped3A : memref<!tpu.dma_semaphore, #tpu.memory_space<semaphore_mem>>) src(%arg10 : memref<1x8192xf32, #tpu.memory_space<vmem>>) dst(%dma_wait3A_319 : memref<1x8192xf32, #tpu.memory_space<hbm>>)
      tpu.yield
    }) : () -> ()
    "tpu.region"() ({
      %run_scoped3A = tpu.sem_alloc : memref<!tpu.dma_semaphore, #tpu.memory_space<semaphore_mem>>
      %dma_start3A = arith.constant 1 : i32
      %dma_start3A_314 = arith.constant 8192 : i32
      %dma_start3A_315 = tpu.memref_slice %arg4[%dma_start3A, %dma_start3A_314] : memref<13x16384xf32, #tpu.memory_space<hbm>> -> memref<1x8192xf32, #tpu.memory_space<hbm>>
      %dma_start3A_316 = arith.constant 1 : i32
      %dma_start3A_317 = arith.constant 8192 : i32
      %dma_start3A_318 = tpu.memref_slice %arg4[%dma_start3A_316, %dma_start3A_317] : memref<13x16384xf32, #tpu.memory_space<hbm>> -> memref<1x8192xf32, #tpu.memory_space<hbm>>
      tpu.enqueue_dma source(%dma_start3A_318 : memref<1x8192xf32, #tpu.memory_space<hbm>>) target(%arg10 : memref<1x8192xf32, #tpu.memory_space<vmem>>) target_semaphore(%run_scoped3A : memref<!tpu.dma_semaphore, #tpu.memory_space<semaphore_mem>>)
      %dma_wait3A = arith.constant 1 : i32
      %dma_wait3A_319 = arith.constant 8192 : i32
      %dma_wait3A_320 = tpu.memref_slice %arg4[%dma_wait3A, %dma_wait3A_319] : memref<13x16384xf32, #tpu.memory_space<hbm>> -> memref<1x8192xf32, #tpu.memory_space<hbm>>
      %dma_wait3A_321 = arith.constant 1 : i32
      %dma_wait3A_322 = arith.constant 8192 : i32
      %dma_wait3A_323 = tpu.memref_slice %arg4[%dma_wait3A_321, %dma_wait3A_322] : memref<13x16384xf32, #tpu.memory_space<hbm>> -> memref<1x8192xf32, #tpu.memory_space<hbm>>
      tpu.wait_dma2 semaphore(%run_scoped3A : memref<!tpu.dma_semaphore, #tpu.memory_space<semaphore_mem>>) src(%dma_wait3A_323 : memref<1x8192xf32, #tpu.memory_space<hbm>>) dst(%arg10 : memref<1x8192xf32, #tpu.memory_space<vmem>>)
      tpu.yield
    }) : () -> ()
    %parallel_loop3A_40 = arith.constant 0 : i32
    %parallel_loop3A_41 = arith.constant 8192 : i32
    %parallel_loop3A_42 = arith.constant 16 : i32
    scf.for %parallel_loop3A_314 = %parallel_loop3A_40 to %parallel_loop3A_41 step %parallel_loop3A_42  : i32 {
      %parallel_loop3A_315 = arith.constant 0 : i32
      %parallel_loop3A_316 = arith.index_cast %parallel_loop3A_315 : i32 to index
      %parallel_loop3A_317 = arith.index_cast %parallel_loop3A_314 : i32 to index
      %parallel_loop3A_318 = tpu.vector_load %arg10[%parallel_loop3A_316, %parallel_loop3A_317] {strides = array<i32>} : memref<1x8192xf32, #tpu.memory_space<vmem>>, vector<16xf32>,
      %parallel_loop3A_319 = arith.mulf %parallel_loop3A_318, %gather3A_28 : vector<16xf32>
      %parallel_loop3A_320 = arith.addf %parallel_loop3A_319, %gather3A_34 : vector<16xf32>
      %parallel_loop3A_321 = arith.constant 0 : i32
      %parallel_loop3A_322 = arith.index_cast %parallel_loop3A_321 : i32 to index
      %parallel_loop3A_323 = arith.index_cast %parallel_loop3A_314 : i32 to index
      %parallel_loop3A_324 = tpu.vector_load %arg10[%parallel_loop3A_322, %parallel_loop3A_323] {strides = array<i32>} : memref<1x8192xf32, #tpu.memory_space<vmem>>, vector<16xf32>,
      tpu.vector_store %arg10[%parallel_loop3A_322, %parallel_loop3A_323], %parallel_loop3A_320 {strides = array<i32>} : memref<1x8192xf32, #tpu.memory_space<vmem>>, vector<16xf32>,
    } {sc.loop_unroll_factor = 8 : i64, sc.parallel_access}
    %add3A_43 = arith.constant 32 : i32
    %add3A_44 = arith.addi %add3A_43, %add3A : i32
    "tpu.region"() ({
      %run_scoped3A = tpu.sem_alloc : memref<!tpu.dma_semaphore, #tpu.memory_space<semaphore_mem>>
      %dma_start3A = arith.constant 8192 : i32
      %dma_start3A_314 = tpu.memref_slice %arg7[%add3A_44, %dma_start3A] : memref<1248x16384xf32, #tpu.memory_space<hbm>> -> memref<1x8192xf32, #tpu.memory_space<hbm>>
      %dma_start3A_315 = arith.constant 8192 : i32
      %dma_start3A_316 = tpu.memref_slice %arg7[%add3A_44, %dma_start3A_315] : memref<1248x16384xf32, #tpu.memory_space<hbm>> -> memref<1x8192xf32, #tpu.memory_space<hbm>>
      tpu.enqueue_dma source(%arg10 : memref<1x8192xf32, #tpu.memory_space<vmem>>) target(%dma_start3A_316 : memref<1x8192xf32, #tpu.memory_space<hbm>>) target_semaphore(%run_scoped3A : memref<!tpu.dma_semaphore, #tpu.memory_space<semaphore_mem>>)
      %dma_wait3A = arith.constant 8192 : i32
      %dma_wait3A_317 = tpu.memref_slice %arg7[%add3A_44, %dma_wait3A] : memref<1248x16384xf32, #tpu.memory_space<hbm>> -> memref<1x8192xf32, #tpu.memory_space<hbm>>
      %dma_wait3A_318 = arith.constant 8192 : i32
      %dma_wait3A_319 = tpu.memref_slice %arg7[%add3A_44, %dma_wait3A_318] : memref<1248x16384xf32, #tpu.memory_space<hbm>> -> memref<1x8192xf32, #tpu.memory_space<hbm>>
      tpu.wait_dma2 semaphore(%run_scoped3A : memref<!tpu.dma_semaphore, #tpu.memory_space<semaphore_mem>>) src(%arg10 : memref<1x8192xf32, #tpu.memory_space<vmem>>) dst(%dma_wait3A_319 : memref<1x8192xf32, #tpu.memory_space<hbm>>)
      tpu.yield
    }) : () -> ()
    %broadcast_in_dim3A_45 = arith.constant 2 : i32
    %broadcast_in_dim3A_46 = vector.broadcast %broadcast_in_dim3A_45 : i32 to vector<16x1xi32>
    %get3A_47 = arith.constant 0 : i32
    %get3A_48 = arith.index_cast %get3A_47 : i32 to index
    %get3A_49 = arith.constant 0 : index
    %get3A_50 = tpu.vector_load %arg11[%get3A_48, %get3A_49] {strides = array<i32>} : memref<1x16xf32, #tpu.memory_space<vmem>>, vector<16xf32>,
    %gather3A_51 = vector.shape_cast %broadcast_in_dim3A_46 : vector<16x1xi32> to vector<16xi32>
    %gather3A_52 = tpu.dynamic_gather %get3A_50[%gather3A_51] in [0] : vector<16xf32>, vector<16xi32> -> vector<16xf32>
    %get3A_53 = arith.constant 0 : i32
    %get3A_54 = arith.index_cast %get3A_53 : i32 to index
    %get3A_55 = arith.constant 0 : index
    %get3A_56 = tpu.vector_load %arg12[%get3A_54, %get3A_55] {strides = array<i32>} : memref<1x16xf32, #tpu.memory_space<vmem>>, vector<16xf32>,
    %gather3A_57 = vector.shape_cast %broadcast_in_dim3A_46 : vector<16x1xi32> to vector<16xi32>
    %gather3A_58 = tpu.dynamic_gather %get3A_56[%gather3A_57] in [0] : vector<16xf32>, vector<16xi32> -> vector<16xf32>
    "tpu.region"() ({
      %run_scoped3A = tpu.sem_alloc : memref<!tpu.dma_semaphore, #tpu.memory_space<semaphore_mem>>
      %dma_start3A = arith.constant 2 : i32
      %dma_start3A_314 = arith.constant 0 : i32
      %dma_start3A_315 = tpu.memref_slice %arg4[%dma_start3A, %dma_start3A_314] : memref<13x16384xf32, #tpu.memory_space<hbm>> -> memref<1x8192xf32, #tpu.memory_space<hbm>>
      %dma_start3A_316 = arith.constant 2 : i32
      %dma_start3A_317 = arith.constant 0 : i32
      %dma_start3A_318 = tpu.memref_slice %arg4[%dma_start3A_316, %dma_start3A_317] : memref<13x16384xf32, #tpu.memory_space<hbm>> -> memref<1x8192xf32, #tpu.memory_space<hbm>>
      tpu.enqueue_dma source(%dma_start3A_318 : memref<1x8192xf32, #tpu.memory_space<hbm>>) target(%arg10 : memref<1x8192xf32, #tpu.memory_space<vmem>>) target_semaphore(%run_scoped3A : memref<!tpu.dma_semaphore, #tpu.memory_space<semaphore_mem>>)
      %dma_wait3A = arith.constant 2 : i32
      %dma_wait3A_319 = arith.constant 0 : i32
      %dma_wait3A_320 = tpu.memref_slice %arg4[%dma_wait3A, %dma_wait3A_319] : memref<13x16384xf32, #tpu.memory_space<hbm>> -> memref<1x8192xf32, #tpu.memory_space<hbm>>
      %dma_wait3A_321 = arith.constant 2 : i32
      %dma_wait3A_322 = arith.constant 0 : i32
      %dma_wait3A_323 = tpu.memref_slice %arg4[%dma_wait3A_321, %dma_wait3A_322] : memref<13x16384xf32, #tpu.memory_space<hbm>> -> memref<1x8192xf32, #tpu.memory_space<hbm>>
      tpu.wait_dma2 semaphore(%run_scoped3A : memref<!tpu.dma_semaphore, #tpu.memory_space<semaphore_mem>>) src(%dma_wait3A_323 : memref<1x8192xf32, #tpu.memory_space<hbm>>) dst(%arg10 : memref<1x8192xf32, #tpu.memory_space<vmem>>)
      tpu.yield
    }) : () -> ()
    %parallel_loop3A_59 = arith.constant 0 : i32
    %parallel_loop3A_60 = arith.constant 8192 : i32
    %parallel_loop3A_61 = arith.constant 16 : i32
    scf.for %parallel_loop3A_314 = %parallel_loop3A_59 to %parallel_loop3A_60 step %parallel_loop3A_61  : i32 {
      %parallel_loop3A_315 = arith.constant 0 : i32
      %parallel_loop3A_316 = arith.index_cast %parallel_loop3A_315 : i32 to index
      %parallel_loop3A_317 = arith.index_cast %parallel_loop3A_314 : i32 to index
      %parallel_loop3A_318 = tpu.vector_load %arg10[%parallel_loop3A_316, %parallel_loop3A_317] {strides = array<i32>} : memref<1x8192xf32, #tpu.memory_space<vmem>>, vector<16xf32>,
      %parallel_loop3A_319 = arith.mulf %parallel_loop3A_318, %gather3A_52 : vector<16xf32>
      %parallel_loop3A_320 = arith.addf %parallel_loop3A_319, %gather3A_58 : vector<16xf32>
      %parallel_loop3A_321 = arith.constant 0 : i32
      %parallel_loop3A_322 = arith.index_cast %parallel_loop3A_321 : i32 to index
      %parallel_loop3A_323 = arith.index_cast %parallel_loop3A_314 : i32 to index
      %parallel_loop3A_324 = tpu.vector_load %arg10[%parallel_loop3A_322, %parallel_loop3A_323] {strides = array<i32>} : memref<1x8192xf32, #tpu.memory_space<vmem>>, vector<16xf32>,
      tpu.vector_store %arg10[%parallel_loop3A_322, %parallel_loop3A_323], %parallel_loop3A_320 {strides = array<i32>} : memref<1x8192xf32, #tpu.memory_space<vmem>>, vector<16xf32>,
    } {sc.loop_unroll_factor = 8 : i64, sc.parallel_access}
    %add3A_62 = arith.constant 64 : i32
    %add3A_63 = arith.addi %add3A_62, %add3A : i32
    "tpu.region"() ({
      %run_scoped3A = tpu.sem_alloc : memref<!tpu.dma_semaphore, #tpu.memory_space<semaphore_mem>>
      %dma_start3A = arith.constant 0 : i32
      %dma_start3A_314 = tpu.memref_slice %arg7[%add3A_63, %dma_start3A] : memref<1248x16384xf32, #tpu.memory_space<hbm>> -> memref<1x8192xf32, #tpu.memory_space<hbm>>
      %dma_start3A_315 = arith.constant 0 : i32
      %dma_start3A_316 = tpu.memref_slice %arg7[%add3A_63, %dma_start3A_315] : memref<1248x16384xf32, #tpu.memory_space<hbm>> -> memref<1x8192xf32, #tpu.memory_space<hbm>>
      tpu.enqueue_dma source(%arg10 : memref<1x8192xf32, #tpu.memory_space<vmem>>) target(%dma_start3A_316 : memref<1x8192xf32, #tpu.memory_space<hbm>>) target_semaphore(%run_scoped3A : memref<!tpu.dma_semaphore, #tpu.memory_space<semaphore_mem>>)
      %dma_wait3A = arith.constant 0 : i32
      %dma_wait3A_317 = tpu.memref_slice %arg7[%add3A_63, %dma_wait3A] : memref<1248x16384xf32, #tpu.memory_space<hbm>> -> memref<1x8192xf32, #tpu.memory_space<hbm>>
      %dma_wait3A_318 = arith.constant 0 : i32
      %dma_wait3A_319 = tpu.memref_slice %arg7[%add3A_63, %dma_wait3A_318] : memref<1248x16384xf32, #tpu.memory_space<hbm>> -> memref<1x8192xf32, #tpu.memory_space<hbm>>
      tpu.wait_dma2 semaphore(%run_scoped3A : memref<!tpu.dma_semaphore, #tpu.memory_space<semaphore_mem>>) src(%arg10 : memref<1x8192xf32, #tpu.memory_space<vmem>>) dst(%dma_wait3A_319 : memref<1x8192xf32, #tpu.memory_space<hbm>>)
      tpu.yield
    }) : () -> ()
    "tpu.region"() ({
      %run_scoped3A = tpu.sem_alloc : memref<!tpu.dma_semaphore, #tpu.memory_space<semaphore_mem>>
      %dma_start3A = arith.constant 2 : i32
      %dma_start3A_314 = arith.constant 8192 : i32
      %dma_start3A_315 = tpu.memref_slice %arg4[%dma_start3A, %dma_start3A_314] : memref<13x16384xf32, #tpu.memory_space<hbm>> -> memref<1x8192xf32, #tpu.memory_space<hbm>>
      %dma_start3A_316 = arith.constant 2 : i32
      %dma_start3A_317 = arith.constant 8192 : i32
      %dma_start3A_318 = tpu.memref_slice %arg4[%dma_start3A_316, %dma_start3A_317] : memref<13x16384xf32, #tpu.memory_space<hbm>> -> memref<1x8192xf32, #tpu.memory_space<hbm>>
      tpu.enqueue_dma source(%dma_start3A_318 : memref<1x8192xf32, #tpu.memory_space<hbm>>) target(%arg10 : memref<1x8192xf32, #tpu.memory_space<vmem>>) target_semaphore(%run_scoped3A : memref<!tpu.dma_semaphore, #tpu.memory_space<semaphore_mem>>)
      %dma_wait3A = arith.constant 2 : i32
      %dma_wait3A_319 = arith.constant 8192 : i32
      %dma_wait3A_320 = tpu.memref_slice %arg4[%dma_wait3A, %dma_wait3A_319] : memref<13x16384xf32, #tpu.memory_space<hbm>> -> memref<1x8192xf32, #tpu.memory_space<hbm>>
      %dma_wait3A_321 = arith.constant 2 : i32
      %dma_wait3A_322 = arith.constant 8192 : i32
      %dma_wait3A_323 = tpu.memref_slice %arg4[%dma_wait3A_321, %dma_wait3A_322] : memref<13x16384xf32, #tpu.memory_space<hbm>> -> memref<1x8192xf32, #tpu.memory_space<hbm>>
      tpu.wait_dma2 semaphore(%run_scoped3A : memref<!tpu.dma_semaphore, #tpu.memory_space<semaphore_mem>>) src(%dma_wait3A_323 : memref<1x8192xf32, #tpu.memory_space<hbm>>) dst(%arg10 : memref<1x8192xf32, #tpu.memory_space<vmem>>)
      tpu.yield
    }) : () -> ()
    %parallel_loop3A_64 = arith.constant 0 : i32
    %parallel_loop3A_65 = arith.constant 8192 : i32
    %parallel_loop3A_66 = arith.constant 16 : i32
    scf.for %parallel_loop3A_314 = %parallel_loop3A_64 to %parallel_loop3A_65 step %parallel_loop3A_66  : i32 {
      %parallel_loop3A_315 = arith.constant 0 : i32
      %parallel_loop3A_316 = arith.index_cast %parallel_loop3A_315 : i32 to index
      %parallel_loop3A_317 = arith.index_cast %parallel_loop3A_314 : i32 to index
      %parallel_loop3A_318 = tpu.vector_load %arg10[%parallel_loop3A_316, %parallel_loop3A_317] {strides = array<i32>} : memref<1x8192xf32, #tpu.memory_space<vmem>>, vector<16xf32>,
      %parallel_loop3A_319 = arith.mulf %parallel_loop3A_318, %gather3A_52 : vector<16xf32>
      %parallel_loop3A_320 = arith.addf %parallel_loop3A_319, %gather3A_58 : vector<16xf32>
      %parallel_loop3A_321 = arith.constant 0 : i32
      %parallel_loop3A_322 = arith.index_cast %parallel_loop3A_321 : i32 to index
      %parallel_loop3A_323 = arith.index_cast %parallel_loop3A_314 : i32 to index
      %parallel_loop3A_324 = tpu.vector_load %arg10[%parallel_loop3A_322, %parallel_loop3A_323] {strides = array<i32>} : memref<1x8192xf32, #tpu.memory_space<vmem>>, vector<16xf32>,
      tpu.vector_store %arg10[%parallel_loop3A_322, %parallel_loop3A_323], %parallel_loop3A_320 {strides = array<i32>} : memref<1x8192xf32, #tpu.memory_space<vmem>>, vector<16xf32>,
    } {sc.loop_unroll_factor = 8 : i64, sc.parallel_access}
    %add3A_67 = arith.constant 64 : i32
    %add3A_68 = arith.addi %add3A_67, %add3A : i32
    "tpu.region"() ({
      %run_scoped3A = tpu.sem_alloc : memref<!tpu.dma_semaphore, #tpu.memory_space<semaphore_mem>>
      %dma_start3A = arith.constant 8192 : i32
      %dma_start3A_314 = tpu.memref_slice %arg7[%add3A_68, %dma_start3A] : memref<1248x16384xf32, #tpu.memory_space<hbm>> -> memref<1x8192xf32, #tpu.memory_space<hbm>>
      %dma_start3A_315 = arith.constant 8192 : i32
      %dma_start3A_316 = tpu.memref_slice %arg7[%add3A_68, %dma_start3A_315] : memref<1248x16384xf32, #tpu.memory_space<hbm>> -> memref<1x8192xf32, #tpu.memory_space<hbm>>
      tpu.enqueue_dma source(%arg10 : memref<1x8192xf32, #tpu.memory_space<vmem>>) target(%dma_start3A_316 : memref<1x8192xf32, #tpu.memory_space<hbm>>) target_semaphore(%run_scoped3A : memref<!tpu.dma_semaphore, #tpu.memory_space<semaphore_mem>>)
      %dma_wait3A = arith.constant 8192 : i32
      %dma_wait3A_317 = tpu.memref_slice %arg7[%add3A_68, %dma_wait3A] : memref<1248x16384xf32, #tpu.memory_space<hbm>> -> memref<1x8192xf32, #tpu.memory_space<hbm>>
      %dma_wait3A_318 = arith.constant 8192 : i32
      %dma_wait3A_319 = tpu.memref_slice %arg7[%add3A_68, %dma_wait3A_318] : memref<1248x16384xf32, #tpu.memory_space<hbm>> -> memref<1x8192xf32, #tpu.memory_space<hbm>>
      tpu.wait_dma2 semaphore(%run_scoped3A : memref<!tpu.dma_semaphore, #tpu.memory_space<semaphore_mem>>) src(%arg10 : memref<1x8192xf32, #tpu.memory_space<vmem>>) dst(%dma_wait3A_319 : memref<1x8192xf32, #tpu.memory_space<hbm>>)
      tpu.yield
    }) : () -> ()
    %broadcast_in_dim3A_69 = arith.constant 3 : i32
    %broadcast_in_dim3A_70 = vector.broadcast %broadcast_in_dim3A_69 : i32 to vector<16x1xi32>
    %get3A_71 = arith.constant 0 : i32
    %get3A_72 = arith.index_cast %get3A_71 : i32 to index
    %get3A_73 = arith.constant 0 : index
    %get3A_74 = tpu.vector_load %arg11[%get3A_72, %get3A_73] {strides = array<i32>} : memref<1x16xf32, #tpu.memory_space<vmem>>, vector<16xf32>,
    %gather3A_75 = vector.shape_cast %broadcast_in_dim3A_70 : vector<16x1xi32> to vector<16xi32>
    %gather3A_76 = tpu.dynamic_gather %get3A_74[%gather3A_75] in [0] : vector<16xf32>, vector<16xi32> -> vector<16xf32>
    %get3A_77 = arith.constant 0 : i32
    %get3A_78 = arith.index_cast %get3A_77 : i32 to index
    %get3A_79 = arith.constant 0 : index
    %get3A_80 = tpu.vector_load %arg12[%get3A_78, %get3A_79] {strides = array<i32>} : memref<1x16xf32, #tpu.memory_space<vmem>>, vector<16xf32>,
    %gather3A_81 = vector.shape_cast %broadcast_in_dim3A_70 : vector<16x1xi32> to vector<16xi32>
    %gather3A_82 = tpu.dynamic_gather %get3A_80[%gather3A_81] in [0] : vector<16xf32>, vector<16xi32> -> vector<16xf32>
    "tpu.region"() ({
      %run_scoped3A = tpu.sem_alloc : memref<!tpu.dma_semaphore, #tpu.memory_space<semaphore_mem>>
      %dma_start3A = arith.constant 3 : i32
      %dma_start3A_314 = arith.constant 0 : i32
      %dma_start3A_315 = tpu.memref_slice %arg4[%dma_start3A, %dma_start3A_314] : memref<13x16384xf32, #tpu.memory_space<hbm>> -> memref<1x8192xf32, #tpu.memory_space<hbm>>
      %dma_start3A_316 = arith.constant 3 : i32
      %dma_start3A_317 = arith.constant 0 : i32
      %dma_start3A_318 = tpu.memref_slice %arg4[%dma_start3A_316, %dma_start3A_317] : memref<13x16384xf32, #tpu.memory_space<hbm>> -> memref<1x8192xf32, #tpu.memory_space<hbm>>
      tpu.enqueue_dma source(%dma_start3A_318 : memref<1x8192xf32, #tpu.memory_space<hbm>>) target(%arg10 : memref<1x8192xf32, #tpu.memory_space<vmem>>) target_semaphore(%run_scoped3A : memref<!tpu.dma_semaphore, #tpu.memory_space<semaphore_mem>>)
      %dma_wait3A = arith.constant 3 : i32
      %dma_wait3A_319 = arith.constant 0 : i32
      %dma_wait3A_320 = tpu.memref_slice %arg4[%dma_wait3A, %dma_wait3A_319] : memref<13x16384xf32, #tpu.memory_space<hbm>> -> memref<1x8192xf32, #tpu.memory_space<hbm>>
      %dma_wait3A_321 = arith.constant 3 : i32
      %dma_wait3A_322 = arith.constant 0 : i32
      %dma_wait3A_323 = tpu.memref_slice %arg4[%dma_wait3A_321, %dma_wait3A_322] : memref<13x16384xf32, #tpu.memory_space<hbm>> -> memref<1x8192xf32, #tpu.memory_space<hbm>>
      tpu.wait_dma2 semaphore(%run_scoped3A : memref<!tpu.dma_semaphore, #tpu.memory_space<semaphore_mem>>) src(%dma_wait3A_323 : memref<1x8192xf32, #tpu.memory_space<hbm>>) dst(%arg10 : memref<1x8192xf32, #tpu.memory_space<vmem>>)
      tpu.yield
    }) : () -> ()
    %parallel_loop3A_83 = arith.constant 0 : i32
    %parallel_loop3A_84 = arith.constant 8192 : i32
    %parallel_loop3A_85 = arith.constant 16 : i32
    scf.for %parallel_loop3A_314 = %parallel_loop3A_83 to %parallel_loop3A_84 step %parallel_loop3A_85  : i32 {
      %parallel_loop3A_315 = arith.constant 0 : i32
      %parallel_loop3A_316 = arith.index_cast %parallel_loop3A_315 : i32 to index
      %parallel_loop3A_317 = arith.index_cast %parallel_loop3A_314 : i32 to index
      %parallel_loop3A_318 = tpu.vector_load %arg10[%parallel_loop3A_316, %parallel_loop3A_317] {strides = array<i32>} : memref<1x8192xf32, #tpu.memory_space<vmem>>, vector<16xf32>,
      %parallel_loop3A_319 = arith.mulf %parallel_loop3A_318, %gather3A_76 : vector<16xf32>
      %parallel_loop3A_320 = arith.addf %parallel_loop3A_319, %gather3A_82 : vector<16xf32>
      %parallel_loop3A_321 = arith.constant 0 : i32
      %parallel_loop3A_322 = arith.index_cast %parallel_loop3A_321 : i32 to index
      %parallel_loop3A_323 = arith.index_cast %parallel_loop3A_314 : i32 to index
      %parallel_loop3A_324 = tpu.vector_load %arg10[%parallel_loop3A_322, %parallel_loop3A_323] {strides = array<i32>} : memref<1x8192xf32, #tpu.memory_space<vmem>>, vector<16xf32>,
      tpu.vector_store %arg10[%parallel_loop3A_322, %parallel_loop3A_323], %parallel_loop3A_320 {strides = array<i32>} : memref<1x8192xf32, #tpu.memory_space<vmem>>, vector<16xf32>,
    } {sc.loop_unroll_factor = 8 : i64, sc.parallel_access}
    %add3A_86 = arith.constant 96 : i32
    %add3A_87 = arith.addi %add3A_86, %add3A : i32
    "tpu.region"() ({
      %run_scoped3A = tpu.sem_alloc : memref<!tpu.dma_semaphore, #tpu.memory_space<semaphore_mem>>
      %dma_start3A = arith.constant 0 : i32
      %dma_start3A_314 = tpu.memref_slice %arg7[%add3A_87, %dma_start3A] : memref<1248x16384xf32, #tpu.memory_space<hbm>> -> memref<1x8192xf32, #tpu.memory_space<hbm>>
      %dma_start3A_315 = arith.constant 0 : i32
      %dma_start3A_316 = tpu.memref_slice %arg7[%add3A_87, %dma_start3A_315] : memref<1248x16384xf32, #tpu.memory_space<hbm>> -> memref<1x8192xf32, #tpu.memory_space<hbm>>
      tpu.enqueue_dma source(%arg10 : memref<1x8192xf32, #tpu.memory_space<vmem>>) target(%dma_start3A_316 : memref<1x8192xf32, #tpu.memory_space<hbm>>) target_semaphore(%run_scoped3A : memref<!tpu.dma_semaphore, #tpu.memory_space<semaphore_mem>>)
      %dma_wait3A = arith.constant 0 : i32
      %dma_wait3A_317 = tpu.memref_slice %arg7[%add3A_87, %dma_wait3A] : memref<1248x16384xf32, #tpu.memory_space<hbm>> -> memref<1x8192xf32, #tpu.memory_space<hbm>>
      %dma_wait3A_318 = arith.constant 0 : i32
      %dma_wait3A_319 = tpu.memref_slice %arg7[%add3A_87, %dma_wait3A_318] : memref<1248x16384xf32, #tpu.memory_space<hbm>> -> memref<1x8192xf32, #tpu.memory_space<hbm>>
      tpu.wait_dma2 semaphore(%run_scoped3A : memref<!tpu.dma_semaphore, #tpu.memory_space<semaphore_mem>>) src(%arg10 : memref<1x8192xf32, #tpu.memory_space<vmem>>) dst(%dma_wait3A_319 : memref<1x8192xf32, #tpu.memory_space<hbm>>)
      tpu.yield
    }) : () -> ()
    "tpu.region"() ({
      %run_scoped3A = tpu.sem_alloc : memref<!tpu.dma_semaphore, #tpu.memory_space<semaphore_mem>>
      %dma_start3A = arith.constant 3 : i32
      %dma_start3A_314 = arith.constant 8192 : i32
      %dma_start3A_315 = tpu.memref_slice %arg4[%dma_start3A, %dma_start3A_314] : memref<13x16384xf32, #tpu.memory_space<hbm>> -> memref<1x8192xf32, #tpu.memory_space<hbm>>
      %dma_start3A_316 = arith.constant 3 : i32
      %dma_start3A_317 = arith.constant 8192 : i32
      %dma_start3A_318 = tpu.memref_slice %arg4[%dma_start3A_316, %dma_start3A_317] : memref<13x16384xf32, #tpu.memory_space<hbm>> -> memref<1x8192xf32, #tpu.memory_space<hbm>>
      tpu.enqueue_dma source(%dma_start3A_318 : memref<1x8192xf32, #tpu.memory_space<hbm>>) target(%arg10 : memref<1x8192xf32, #tpu.memory_space<vmem>>) target_semaphore(%run_scoped3A : memref<!tpu.dma_semaphore, #tpu.memory_space<semaphore_mem>>)
      %dma_wait3A = arith.constant 3 : i32
      %dma_wait3A_319 = arith.constant 8192 : i32
      %dma_wait3A_320 = tpu.memref_slice %arg4[%dma_wait3A, %dma_wait3A_319] : memref<13x16384xf32, #tpu.memory_space<hbm>> -> memref<1x8192xf32, #tpu.memory_space<hbm>>
      %dma_wait3A_321 = arith.constant 3 : i32
      %dma_wait3A_322 = arith.constant 8192 : i32
      %dma_wait3A_323 = tpu.memref_slice %arg4[%dma_wait3A_321, %dma_wait3A_322] : memref<13x16384xf32, #tpu.memory_space<hbm>> -> memref<1x8192xf32, #tpu.memory_space<hbm>>
      tpu.wait_dma2 semaphore(%run_scoped3A : memref<!tpu.dma_semaphore, #tpu.memory_space<semaphore_mem>>) src(%dma_wait3A_323 : memref<1x8192xf32, #tpu.memory_space<hbm>>) dst(%arg10 : memref<1x8192xf32, #tpu.memory_space<vmem>>)
      tpu.yield
    }) : () -> ()
    %parallel_loop3A_88 = arith.constant 0 : i32
    %parallel_loop3A_89 = arith.constant 8192 : i32
    %parallel_loop3A_90 = arith.constant 16 : i32
    scf.for %parallel_loop3A_314 = %parallel_loop3A_88 to %parallel_loop3A_89 step %parallel_loop3A_90  : i32 {
      %parallel_loop3A_315 = arith.constant 0 : i32
      %parallel_loop3A_316 = arith.index_cast %parallel_loop3A_315 : i32 to index
      %parallel_loop3A_317 = arith.index_cast %parallel_loop3A_314 : i32 to index
      %parallel_loop3A_318 = tpu.vector_load %arg10[%parallel_loop3A_316, %parallel_loop3A_317] {strides = array<i32>} : memref<1x8192xf32, #tpu.memory_space<vmem>>, vector<16xf32>,
      %parallel_loop3A_319 = arith.mulf %parallel_loop3A_318, %gather3A_76 : vector<16xf32>
      %parallel_loop3A_320 = arith.addf %parallel_loop3A_319, %gather3A_82 : vector<16xf32>
      %parallel_loop3A_321 = arith.constant 0 : i32
      %parallel_loop3A_322 = arith.index_cast %parallel_loop3A_321 : i32 to index
      %parallel_loop3A_323 = arith.index_cast %parallel_loop3A_314 : i32 to index
      %parallel_loop3A_324 = tpu.vector_load %arg10[%parallel_loop3A_322, %parallel_loop3A_323] {strides = array<i32>} : memref<1x8192xf32, #tpu.memory_space<vmem>>, vector<16xf32>,
      tpu.vector_store %arg10[%parallel_loop3A_322, %parallel_loop3A_323], %parallel_loop3A_320 {strides = array<i32>} : memref<1x8192xf32, #tpu.memory_space<vmem>>, vector<16xf32>,
    } {sc.loop_unroll_factor = 8 : i64, sc.parallel_access}
    %add3A_91 = arith.constant 96 : i32
    %add3A_92 = arith.addi %add3A_91, %add3A : i32
    "tpu.region"() ({
      %run_scoped3A = tpu.sem_alloc : memref<!tpu.dma_semaphore, #tpu.memory_space<semaphore_mem>>
      %dma_start3A = arith.constant 8192 : i32
      %dma_start3A_314 = tpu.memref_slice %arg7[%add3A_92, %dma_start3A] : memref<1248x16384xf32, #tpu.memory_space<hbm>> -> memref<1x8192xf32, #tpu.memory_space<hbm>>
      %dma_start3A_315 = arith.constant 8192 : i32
      %dma_start3A_316 = tpu.memref_slice %arg7[%add3A_92, %dma_start3A_315] : memref<1248x16384xf32, #tpu.memory_space<hbm>> -> memref<1x8192xf32, #tpu.memory_space<hbm>>
      tpu.enqueue_dma source(%arg10 : memref<1x8192xf32, #tpu.memory_space<vmem>>) target(%dma_start3A_316 : memref<1x8192xf32, #tpu.memory_space<hbm>>) target_semaphore(%run_scoped3A : memref<!tpu.dma_semaphore, #tpu.memory_space<semaphore_mem>>)
      %dma_wait3A = arith.constant 8192 : i32
      %dma_wait3A_317 = tpu.memref_slice %arg7[%add3A_92, %dma_wait3A] : memref<1248x16384xf32, #tpu.memory_space<hbm>> -> memref<1x8192xf32, #tpu.memory_space<hbm>>
      %dma_wait3A_318 = arith.constant 8192 : i32
      %dma_wait3A_319 = tpu.memref_slice %arg7[%add3A_92, %dma_wait3A_318] : memref<1248x16384xf32, #tpu.memory_space<hbm>> -> memref<1x8192xf32, #tpu.memory_space<hbm>>
      tpu.wait_dma2 semaphore(%run_scoped3A : memref<!tpu.dma_semaphore, #tpu.memory_space<semaphore_mem>>) src(%arg10 : memref<1x8192xf32, #tpu.memory_space<vmem>>) dst(%dma_wait3A_319 : memref<1x8192xf32, #tpu.memory_space<hbm>>)
      tpu.yield
    }) : () -> ()
    %broadcast_in_dim3A_93 = arith.constant 4 : i32
    %broadcast_in_dim3A_94 = vector.broadcast %broadcast_in_dim3A_93 : i32 to vector<16x1xi32>
    %get3A_95 = arith.constant 0 : i32
    %get3A_96 = arith.index_cast %get3A_95 : i32 to index
    %get3A_97 = arith.constant 0 : index
    %get3A_98 = tpu.vector_load %arg11[%get3A_96, %get3A_97] {strides = array<i32>} : memref<1x16xf32, #tpu.memory_space<vmem>>, vector<16xf32>,
    %gather3A_99 = vector.shape_cast %broadcast_in_dim3A_94 : vector<16x1xi32> to vector<16xi32>
    %gather3A_100 = tpu.dynamic_gather %get3A_98[%gather3A_99] in [0] : vector<16xf32>, vector<16xi32> -> vector<16xf32>
    %get3A_101 = arith.constant 0 : i32
    %get3A_102 = arith.index_cast %get3A_101 : i32 to index
    %get3A_103 = arith.constant 0 : index
    %get3A_104 = tpu.vector_load %arg12[%get3A_102, %get3A_103] {strides = array<i32>} : memref<1x16xf32, #tpu.memory_space<vmem>>, vector<16xf32>,
    %gather3A_105 = vector.shape_cast %broadcast_in_dim3A_94 : vector<16x1xi32> to vector<16xi32>
    %gather3A_106 = tpu.dynamic_gather %get3A_104[%gather3A_105] in [0] : vector<16xf32>, vector<16xi32> -> vector<16xf32>
    "tpu.region"() ({
      %run_scoped3A = tpu.sem_alloc : memref<!tpu.dma_semaphore, #tpu.memory_space<semaphore_mem>>
      %dma_start3A = arith.constant 4 : i32
      %dma_start3A_314 = arith.constant 0 : i32
      %dma_start3A_315 = tpu.memref_slice %arg4[%dma_start3A, %dma_start3A_314] : memref<13x16384xf32, #tpu.memory_space<hbm>> -> memref<1x8192xf32, #tpu.memory_space<hbm>>
      %dma_start3A_316 = arith.constant 4 : i32
      %dma_start3A_317 = arith.constant 0 : i32
      %dma_start3A_318 = tpu.memref_slice %arg4[%dma_start3A_316, %dma_start3A_317] : memref<13x16384xf32, #tpu.memory_space<hbm>> -> memref<1x8192xf32, #tpu.memory_space<hbm>>
      tpu.enqueue_dma source(%dma_start3A_318 : memref<1x8192xf32, #tpu.memory_space<hbm>>) target(%arg10 : memref<1x8192xf32, #tpu.memory_space<vmem>>) target_semaphore(%run_scoped3A : memref<!tpu.dma_semaphore, #tpu.memory_space<semaphore_mem>>)
      %dma_wait3A = arith.constant 4 : i32
      %dma_wait3A_319 = arith.constant 0 : i32
      %dma_wait3A_320 = tpu.memref_slice %arg4[%dma_wait3A, %dma_wait3A_319] : memref<13x16384xf32, #tpu.memory_space<hbm>> -> memref<1x8192xf32, #tpu.memory_space<hbm>>
      %dma_wait3A_321 = arith.constant 4 : i32
      %dma_wait3A_322 = arith.constant 0 : i32
      %dma_wait3A_323 = tpu.memref_slice %arg4[%dma_wait3A_321, %dma_wait3A_322] : memref<13x16384xf32, #tpu.memory_space<hbm>> -> memref<1x8192xf32, #tpu.memory_space<hbm>>
      tpu.wait_dma2 semaphore(%run_scoped3A : memref<!tpu.dma_semaphore, #tpu.memory_space<semaphore_mem>>) src(%dma_wait3A_323 : memref<1x8192xf32, #tpu.memory_space<hbm>>) dst(%arg10 : memref<1x8192xf32, #tpu.memory_space<vmem>>)
      tpu.yield
    }) : () -> ()
    %parallel_loop3A_107 = arith.constant 0 : i32
    %parallel_loop3A_108 = arith.constant 8192 : i32
    %parallel_loop3A_109 = arith.constant 16 : i32
    scf.for %parallel_loop3A_314 = %parallel_loop3A_107 to %parallel_loop3A_108 step %parallel_loop3A_109  : i32 {
      %parallel_loop3A_315 = arith.constant 0 : i32
      %parallel_loop3A_316 = arith.index_cast %parallel_loop3A_315 : i32 to index
      %parallel_loop3A_317 = arith.index_cast %parallel_loop3A_314 : i32 to index
      %parallel_loop3A_318 = tpu.vector_load %arg10[%parallel_loop3A_316, %parallel_loop3A_317] {strides = array<i32>} : memref<1x8192xf32, #tpu.memory_space<vmem>>, vector<16xf32>,
      %parallel_loop3A_319 = arith.mulf %parallel_loop3A_318, %gather3A_100 : vector<16xf32>
      %parallel_loop3A_320 = arith.addf %parallel_loop3A_319, %gather3A_106 : vector<16xf32>
      %parallel_loop3A_321 = arith.constant 0 : i32
      %parallel_loop3A_322 = arith.index_cast %parallel_loop3A_321 : i32 to index
      %parallel_loop3A_323 = arith.index_cast %parallel_loop3A_314 : i32 to index
      %parallel_loop3A_324 = tpu.vector_load %arg10[%parallel_loop3A_322, %parallel_loop3A_323] {strides = array<i32>} : memref<1x8192xf32, #tpu.memory_space<vmem>>, vector<16xf32>,
      tpu.vector_store %arg10[%parallel_loop3A_322, %parallel_loop3A_323], %parallel_loop3A_320 {strides = array<i32>} : memref<1x8192xf32, #tpu.memory_space<vmem>>, vector<16xf32>,
    } {sc.loop_unroll_factor = 8 : i64, sc.parallel_access}
    %add3A_110 = arith.constant 128 : i32
    %add3A_111 = arith.addi %add3A_110, %add3A : i32
    "tpu.region"() ({
      %run_scoped3A = tpu.sem_alloc : memref<!tpu.dma_semaphore, #tpu.memory_space<semaphore_mem>>
      %dma_start3A = arith.constant 0 : i32
      %dma_start3A_314 = tpu.memref_slice %arg7[%add3A_111, %dma_start3A] : memref<1248x16384xf32, #tpu.memory_space<hbm>> -> memref<1x8192xf32, #tpu.memory_space<hbm>>
      %dma_start3A_315 = arith.constant 0 : i32
      %dma_start3A_316 = tpu.memref_slice %arg7[%add3A_111, %dma_start3A_315] : memref<1248x16384xf32, #tpu.memory_space<hbm>> -> memref<1x8192xf32, #tpu.memory_space<hbm>>
      tpu.enqueue_dma source(%arg10 : memref<1x8192xf32, #tpu.memory_space<vmem>>) target(%dma_start3A_316 : memref<1x8192xf32, #tpu.memory_space<hbm>>) target_semaphore(%run_scoped3A : memref<!tpu.dma_semaphore, #tpu.memory_space<semaphore_mem>>)
      %dma_wait3A = arith.constant 0 : i32
      %dma_wait3A_317 = tpu.memref_slice %arg7[%add3A_111, %dma_wait3A] : memref<1248x16384xf32, #tpu.memory_space<hbm>> -> memref<1x8192xf32, #tpu.memory_space<hbm>>
      %dma_wait3A_318 = arith.constant 0 : i32
      %dma_wait3A_319 = tpu.memref_slice %arg7[%add3A_111, %dma_wait3A_318] : memref<1248x16384xf32, #tpu.memory_space<hbm>> -> memref<1x8192xf32, #tpu.memory_space<hbm>>
      tpu.wait_dma2 semaphore(%run_scoped3A : memref<!tpu.dma_semaphore, #tpu.memory_space<semaphore_mem>>) src(%arg10 : memref<1x8192xf32, #tpu.memory_space<vmem>>) dst(%dma_wait3A_319 : memref<1x8192xf32, #tpu.memory_space<hbm>>)
      tpu.yield
    }) : () -> ()
    "tpu.region"() ({
      %run_scoped3A = tpu.sem_alloc : memref<!tpu.dma_semaphore, #tpu.memory_space<semaphore_mem>>
      %dma_start3A = arith.constant 4 : i32
      %dma_start3A_314 = arith.constant 8192 : i32
      %dma_start3A_315 = tpu.memref_slice %arg4[%dma_start3A, %dma_start3A_314] : memref<13x16384xf32, #tpu.memory_space<hbm>> -> memref<1x8192xf32, #tpu.memory_space<hbm>>
      %dma_start3A_316 = arith.constant 4 : i32
      %dma_start3A_317 = arith.constant 8192 : i32
      %dma_start3A_318 = tpu.memref_slice %arg4[%dma_start3A_316, %dma_start3A_317] : memref<13x16384xf32, #tpu.memory_space<hbm>> -> memref<1x8192xf32, #tpu.memory_space<hbm>>
      tpu.enqueue_dma source(%dma_start3A_318 : memref<1x8192xf32, #tpu.memory_space<hbm>>) target(%arg10 : memref<1x8192xf32, #tpu.memory_space<vmem>>) target_semaphore(%run_scoped3A : memref<!tpu.dma_semaphore, #tpu.memory_space<semaphore_mem>>)
      %dma_wait3A = arith.constant 4 : i32
      %dma_wait3A_319 = arith.constant 8192 : i32
      %dma_wait3A_320 = tpu.memref_slice %arg4[%dma_wait3A, %dma_wait3A_319] : memref<13x16384xf32, #tpu.memory_space<hbm>> -> memref<1x8192xf32, #tpu.memory_space<hbm>>
      %dma_wait3A_321 = arith.constant 4 : i32
      %dma_wait3A_322 = arith.constant 8192 : i32
      %dma_wait3A_323 = tpu.memref_slice %arg4[%dma_wait3A_321, %dma_wait3A_322] : memref<13x16384xf32, #tpu.memory_space<hbm>> -> memref<1x8192xf32, #tpu.memory_space<hbm>>
      tpu.wait_dma2 semaphore(%run_scoped3A : memref<!tpu.dma_semaphore, #tpu.memory_space<semaphore_mem>>) src(%dma_wait3A_323 : memref<1x8192xf32, #tpu.memory_space<hbm>>) dst(%arg10 : memref<1x8192xf32, #tpu.memory_space<vmem>>)
      tpu.yield
    }) : () -> ()
    %parallel_loop3A_112 = arith.constant 0 : i32
    %parallel_loop3A_113 = arith.constant 8192 : i32
    %parallel_loop3A_114 = arith.constant 16 : i32
    scf.for %parallel_loop3A_314 = %parallel_loop3A_112 to %parallel_loop3A_113 step %parallel_loop3A_114  : i32 {
      %parallel_loop3A_315 = arith.constant 0 : i32
      %parallel_loop3A_316 = arith.index_cast %parallel_loop3A_315 : i32 to index
      %parallel_loop3A_317 = arith.index_cast %parallel_loop3A_314 : i32 to index
      %parallel_loop3A_318 = tpu.vector_load %arg10[%parallel_loop3A_316, %parallel_loop3A_317] {strides = array<i32>} : memref<1x8192xf32, #tpu.memory_space<vmem>>, vector<16xf32>,
      %parallel_loop3A_319 = arith.mulf %parallel_loop3A_318, %gather3A_100 : vector<16xf32>
      %parallel_loop3A_320 = arith.addf %parallel_loop3A_319, %gather3A_106 : vector<16xf32>
      %parallel_loop3A_321 = arith.constant 0 : i32
      %parallel_loop3A_322 = arith.index_cast %parallel_loop3A_321 : i32 to index
      %parallel_loop3A_323 = arith.index_cast %parallel_loop3A_314 : i32 to index
      %parallel_loop3A_324 = tpu.vector_load %arg10[%parallel_loop3A_322, %parallel_loop3A_323] {strides = array<i32>} : memref<1x8192xf32, #tpu.memory_space<vmem>>, vector<16xf32>,
      tpu.vector_store %arg10[%parallel_loop3A_322, %parallel_loop3A_323], %parallel_loop3A_320 {strides = array<i32>} : memref<1x8192xf32, #tpu.memory_space<vmem>>, vector<16xf32>,
    } {sc.loop_unroll_factor = 8 : i64, sc.parallel_access}
    %add3A_115 = arith.constant 128 : i32
    %add3A_116 = arith.addi %add3A_115, %add3A : i32
    "tpu.region"() ({
      %run_scoped3A = tpu.sem_alloc : memref<!tpu.dma_semaphore, #tpu.memory_space<semaphore_mem>>
      %dma_start3A = arith.constant 8192 : i32
      %dma_start3A_314 = tpu.memref_slice %arg7[%add3A_116, %dma_start3A] : memref<1248x16384xf32, #tpu.memory_space<hbm>> -> memref<1x8192xf32, #tpu.memory_space<hbm>>
      %dma_start3A_315 = arith.constant 8192 : i32
      %dma_start3A_316 = tpu.memref_slice %arg7[%add3A_116, %dma_start3A_315] : memref<1248x16384xf32, #tpu.memory_space<hbm>> -> memref<1x8192xf32, #tpu.memory_space<hbm>>
      tpu.enqueue_dma source(%arg10 : memref<1x8192xf32, #tpu.memory_space<vmem>>) target(%dma_start3A_316 : memref<1x8192xf32, #tpu.memory_space<hbm>>) target_semaphore(%run_scoped3A : memref<!tpu.dma_semaphore, #tpu.memory_space<semaphore_mem>>)
      %dma_wait3A = arith.constant 8192 : i32
      %dma_wait3A_317 = tpu.memref_slice %arg7[%add3A_116, %dma_wait3A] : memref<1248x16384xf32, #tpu.memory_space<hbm>> -> memref<1x8192xf32, #tpu.memory_space<hbm>>
      %dma_wait3A_318 = arith.constant 8192 : i32
      %dma_wait3A_319 = tpu.memref_slice %arg7[%add3A_116, %dma_wait3A_318] : memref<1248x16384xf32, #tpu.memory_space<hbm>> -> memref<1x8192xf32, #tpu.memory_space<hbm>>
      tpu.wait_dma2 semaphore(%run_scoped3A : memref<!tpu.dma_semaphore, #tpu.memory_space<semaphore_mem>>) src(%arg10 : memref<1x8192xf32, #tpu.memory_space<vmem>>) dst(%dma_wait3A_319 : memref<1x8192xf32, #tpu.memory_space<hbm>>)
      tpu.yield
    }) : () -> ()
    %broadcast_in_dim3A_117 = arith.constant 5 : i32
    %broadcast_in_dim3A_118 = vector.broadcast %broadcast_in_dim3A_117 : i32 to vector<16x1xi32>
    %get3A_119 = arith.constant 0 : i32
    %get3A_120 = arith.index_cast %get3A_119 : i32 to index
    %get3A_121 = arith.constant 0 : index
    %get3A_122 = tpu.vector_load %arg11[%get3A_120, %get3A_121] {strides = array<i32>} : memref<1x16xf32, #tpu.memory_space<vmem>>, vector<16xf32>,
    %gather3A_123 = vector.shape_cast %broadcast_in_dim3A_118 : vector<16x1xi32> to vector<16xi32>
    %gather3A_124 = tpu.dynamic_gather %get3A_122[%gather3A_123] in [0] : vector<16xf32>, vector<16xi32> -> vector<16xf32>
    %get3A_125 = arith.constant 0 : i32
    %get3A_126 = arith.index_cast %get3A_125 : i32 to index
    %get3A_127 = arith.constant 0 : index
    %get3A_128 = tpu.vector_load %arg12[%get3A_126, %get3A_127] {strides = array<i32>} : memref<1x16xf32, #tpu.memory_space<vmem>>, vector<16xf32>,
    %gather3A_129 = vector.shape_cast %broadcast_in_dim3A_118 : vector<16x1xi32> to vector<16xi32>
    %gather3A_130 = tpu.dynamic_gather %get3A_128[%gather3A_129] in [0] : vector<16xf32>, vector<16xi32> -> vector<16xf32>
    "tpu.region"() ({
      %run_scoped3A = tpu.sem_alloc : memref<!tpu.dma_semaphore, #tpu.memory_space<semaphore_mem>>
      %dma_start3A = arith.constant 5 : i32
      %dma_start3A_314 = arith.constant 0 : i32
      %dma_start3A_315 = tpu.memref_slice %arg4[%dma_start3A, %dma_start3A_314] : memref<13x16384xf32, #tpu.memory_space<hbm>> -> memref<1x8192xf32, #tpu.memory_space<hbm>>
      %dma_start3A_316 = arith.constant 5 : i32
      %dma_start3A_317 = arith.constant 0 : i32
      %dma_start3A_318 = tpu.memref_slice %arg4[%dma_start3A_316, %dma_start3A_317] : memref<13x16384xf32, #tpu.memory_space<hbm>> -> memref<1x8192xf32, #tpu.memory_space<hbm>>
      tpu.enqueue_dma source(%dma_start3A_318 : memref<1x8192xf32, #tpu.memory_space<hbm>>) target(%arg10 : memref<1x8192xf32, #tpu.memory_space<vmem>>) target_semaphore(%run_scoped3A : memref<!tpu.dma_semaphore, #tpu.memory_space<semaphore_mem>>)
      %dma_wait3A = arith.constant 5 : i32
      %dma_wait3A_319 = arith.constant 0 : i32
      %dma_wait3A_320 = tpu.memref_slice %arg4[%dma_wait3A, %dma_wait3A_319] : memref<13x16384xf32, #tpu.memory_space<hbm>> -> memref<1x8192xf32, #tpu.memory_space<hbm>>
      %dma_wait3A_321 = arith.constant 5 : i32
      %dma_wait3A_322 = arith.constant 0 : i32
      %dma_wait3A_323 = tpu.memref_slice %arg4[%dma_wait3A_321, %dma_wait3A_322] : memref<13x16384xf32, #tpu.memory_space<hbm>> -> memref<1x8192xf32, #tpu.memory_space<hbm>>
      tpu.wait_dma2 semaphore(%run_scoped3A : memref<!tpu.dma_semaphore, #tpu.memory_space<semaphore_mem>>) src(%dma_wait3A_323 : memref<1x8192xf32, #tpu.memory_space<hbm>>) dst(%arg10 : memref<1x8192xf32, #tpu.memory_space<vmem>>)
      tpu.yield
    }) : () -> ()
    %parallel_loop3A_131 = arith.constant 0 : i32
    %parallel_loop3A_132 = arith.constant 8192 : i32
    %parallel_loop3A_133 = arith.constant 16 : i32
    scf.for %parallel_loop3A_314 = %parallel_loop3A_131 to %parallel_loop3A_132 step %parallel_loop3A_133  : i32 {
      %parallel_loop3A_315 = arith.constant 0 : i32
      %parallel_loop3A_316 = arith.index_cast %parallel_loop3A_315 : i32 to index
      %parallel_loop3A_317 = arith.index_cast %parallel_loop3A_314 : i32 to index
      %parallel_loop3A_318 = tpu.vector_load %arg10[%parallel_loop3A_316, %parallel_loop3A_317] {strides = array<i32>} : memref<1x8192xf32, #tpu.memory_space<vmem>>, vector<16xf32>,
      %parallel_loop3A_319 = arith.mulf %parallel_loop3A_318, %gather3A_124 : vector<16xf32>
      %parallel_loop3A_320 = arith.addf %parallel_loop3A_319, %gather3A_130 : vector<16xf32>
      %parallel_loop3A_321 = arith.constant 0 : i32
      %parallel_loop3A_322 = arith.index_cast %parallel_loop3A_321 : i32 to index
      %parallel_loop3A_323 = arith.index_cast %parallel_loop3A_314 : i32 to index
      %parallel_loop3A_324 = tpu.vector_load %arg10[%parallel_loop3A_322, %parallel_loop3A_323] {strides = array<i32>} : memref<1x8192xf32, #tpu.memory_space<vmem>>, vector<16xf32>,
      tpu.vector_store %arg10[%parallel_loop3A_322, %parallel_loop3A_323], %parallel_loop3A_320 {strides = array<i32>} : memref<1x8192xf32, #tpu.memory_space<vmem>>, vector<16xf32>,
    } {sc.loop_unroll_factor = 8 : i64, sc.parallel_access}
    %add3A_134 = arith.constant 160 : i32
    %add3A_135 = arith.addi %add3A_134, %add3A : i32
    "tpu.region"() ({
      %run_scoped3A = tpu.sem_alloc : memref<!tpu.dma_semaphore, #tpu.memory_space<semaphore_mem>>
      %dma_start3A = arith.constant 0 : i32
      %dma_start3A_314 = tpu.memref_slice %arg7[%add3A_135, %dma_start3A] : memref<1248x16384xf32, #tpu.memory_space<hbm>> -> memref<1x8192xf32, #tpu.memory_space<hbm>>
      %dma_start3A_315 = arith.constant 0 : i32
      %dma_start3A_316 = tpu.memref_slice %arg7[%add3A_135, %dma_start3A_315] : memref<1248x16384xf32, #tpu.memory_space<hbm>> -> memref<1x8192xf32, #tpu.memory_space<hbm>>
      tpu.enqueue_dma source(%arg10 : memref<1x8192xf32, #tpu.memory_space<vmem>>) target(%dma_start3A_316 : memref<1x8192xf32, #tpu.memory_space<hbm>>) target_semaphore(%run_scoped3A : memref<!tpu.dma_semaphore, #tpu.memory_space<semaphore_mem>>)
      %dma_wait3A = arith.constant 0 : i32
      %dma_wait3A_317 = tpu.memref_slice %arg7[%add3A_135, %dma_wait3A] : memref<1248x16384xf32, #tpu.memory_space<hbm>> -> memref<1x8192xf32, #tpu.memory_space<hbm>>
      %dma_wait3A_318 = arith.constant 0 : i32
      %dma_wait3A_319 = tpu.memref_slice %arg7[%add3A_135, %dma_wait3A_318] : memref<1248x16384xf32, #tpu.memory_space<hbm>> -> memref<1x8192xf32, #tpu.memory_space<hbm>>
      tpu.wait_dma2 semaphore(%run_scoped3A : memref<!tpu.dma_semaphore, #tpu.memory_space<semaphore_mem>>) src(%arg10 : memref<1x8192xf32, #tpu.memory_space<vmem>>) dst(%dma_wait3A_319 : memref<1x8192xf32, #tpu.memory_space<hbm>>)
      tpu.yield
    }) : () -> ()
    "tpu.region"() ({
      %run_scoped3A = tpu.sem_alloc : memref<!tpu.dma_semaphore, #tpu.memory_space<semaphore_mem>>
      %dma_start3A = arith.constant 5 : i32
      %dma_start3A_314 = arith.constant 8192 : i32
      %dma_start3A_315 = tpu.memref_slice %arg4[%dma_start3A, %dma_start3A_314] : memref<13x16384xf32, #tpu.memory_space<hbm>> -> memref<1x8192xf32, #tpu.memory_space<hbm>>
      %dma_start3A_316 = arith.constant 5 : i32
      %dma_start3A_317 = arith.constant 8192 : i32
      %dma_start3A_318 = tpu.memref_slice %arg4[%dma_start3A_316, %dma_start3A_317] : memref<13x16384xf32, #tpu.memory_space<hbm>> -> memref<1x8192xf32, #tpu.memory_space<hbm>>
      tpu.enqueue_dma source(%dma_start3A_318 : memref<1x8192xf32, #tpu.memory_space<hbm>>) target(%arg10 : memref<1x8192xf32, #tpu.memory_space<vmem>>) target_semaphore(%run_scoped3A : memref<!tpu.dma_semaphore, #tpu.memory_space<semaphore_mem>>)
      %dma_wait3A = arith.constant 5 : i32
      %dma_wait3A_319 = arith.constant 8192 : i32
      %dma_wait3A_320 = tpu.memref_slice %arg4[%dma_wait3A, %dma_wait3A_319] : memref<13x16384xf32, #tpu.memory_space<hbm>> -> memref<1x8192xf32, #tpu.memory_space<hbm>>
      %dma_wait3A_321 = arith.constant 5 : i32
      %dma_wait3A_322 = arith.constant 8192 : i32
      %dma_wait3A_323 = tpu.memref_slice %arg4[%dma_wait3A_321, %dma_wait3A_322] : memref<13x16384xf32, #tpu.memory_space<hbm>> -> memref<1x8192xf32, #tpu.memory_space<hbm>>
      tpu.wait_dma2 semaphore(%run_scoped3A : memref<!tpu.dma_semaphore, #tpu.memory_space<semaphore_mem>>) src(%dma_wait3A_323 : memref<1x8192xf32, #tpu.memory_space<hbm>>) dst(%arg10 : memref<1x8192xf32, #tpu.memory_space<vmem>>)
      tpu.yield
    }) : () -> ()
    %parallel_loop3A_136 = arith.constant 0 : i32
    %parallel_loop3A_137 = arith.constant 8192 : i32
    %parallel_loop3A_138 = arith.constant 16 : i32
    scf.for %parallel_loop3A_314 = %parallel_loop3A_136 to %parallel_loop3A_137 step %parallel_loop3A_138  : i32 {
      %parallel_loop3A_315 = arith.constant 0 : i32
      %parallel_loop3A_316 = arith.index_cast %parallel_loop3A_315 : i32 to index
      %parallel_loop3A_317 = arith.index_cast %parallel_loop3A_314 : i32 to index
      %parallel_loop3A_318 = tpu.vector_load %arg10[%parallel_loop3A_316, %parallel_loop3A_317] {strides = array<i32>} : memref<1x8192xf32, #tpu.memory_space<vmem>>, vector<16xf32>,
      %parallel_loop3A_319 = arith.mulf %parallel_loop3A_318, %gather3A_124 : vector<16xf32>
      %parallel_loop3A_320 = arith.addf %parallel_loop3A_319, %gather3A_130 : vector<16xf32>
      %parallel_loop3A_321 = arith.constant 0 : i32
      %parallel_loop3A_322 = arith.index_cast %parallel_loop3A_321 : i32 to index
      %parallel_loop3A_323 = arith.index_cast %parallel_loop3A_314 : i32 to index
      %parallel_loop3A_324 = tpu.vector_load %arg10[%parallel_loop3A_322, %parallel_loop3A_323] {strides = array<i32>} : memref<1x8192xf32, #tpu.memory_space<vmem>>, vector<16xf32>,
      tpu.vector_store %arg10[%parallel_loop3A_322, %parallel_loop3A_323], %parallel_loop3A_320 {strides = array<i32>} : memref<1x8192xf32, #tpu.memory_space<vmem>>, vector<16xf32>,
    } {sc.loop_unroll_factor = 8 : i64, sc.parallel_access}
    %add3A_139 = arith.constant 160 : i32
    %add3A_140 = arith.addi %add3A_139, %add3A : i32
    "tpu.region"() ({
      %run_scoped3A = tpu.sem_alloc : memref<!tpu.dma_semaphore, #tpu.memory_space<semaphore_mem>>
      %dma_start3A = arith.constant 8192 : i32
      %dma_start3A_314 = tpu.memref_slice %arg7[%add3A_140, %dma_start3A] : memref<1248x16384xf32, #tpu.memory_space<hbm>> -> memref<1x8192xf32, #tpu.memory_space<hbm>>
      %dma_start3A_315 = arith.constant 8192 : i32
      %dma_start3A_316 = tpu.memref_slice %arg7[%add3A_140, %dma_start3A_315] : memref<1248x16384xf32, #tpu.memory_space<hbm>> -> memref<1x8192xf32, #tpu.memory_space<hbm>>
      tpu.enqueue_dma source(%arg10 : memref<1x8192xf32, #tpu.memory_space<vmem>>) target(%dma_start3A_316 : memref<1x8192xf32, #tpu.memory_space<hbm>>) target_semaphore(%run_scoped3A : memref<!tpu.dma_semaphore, #tpu.memory_space<semaphore_mem>>)
      %dma_wait3A = arith.constant 8192 : i32
      %dma_wait3A_317 = tpu.memref_slice %arg7[%add3A_140, %dma_wait3A] : memref<1248x16384xf32, #tpu.memory_space<hbm>> -> memref<1x8192xf32, #tpu.memory_space<hbm>>
      %dma_wait3A_318 = arith.constant 8192 : i32
      %dma_wait3A_319 = tpu.memref_slice %arg7[%add3A_140, %dma_wait3A_318] : memref<1248x16384xf32, #tpu.memory_space<hbm>> -> memref<1x8192xf32, #tpu.memory_space<hbm>>
      tpu.wait_dma2 semaphore(%run_scoped3A : memref<!tpu.dma_semaphore, #tpu.memory_space<semaphore_mem>>) src(%arg10 : memref<1x8192xf32, #tpu.memory_space<vmem>>) dst(%dma_wait3A_319 : memref<1x8192xf32, #tpu.memory_space<hbm>>)
      tpu.yield
    }) : () -> ()
    %broadcast_in_dim3A_141 = arith.constant 6 : i32
    %broadcast_in_dim3A_142 = vector.broadcast %broadcast_in_dim3A_141 : i32 to vector<16x1xi32>
    %get3A_143 = arith.constant 0 : i32
    %get3A_144 = arith.index_cast %get3A_143 : i32 to index
    %get3A_145 = arith.constant 0 : index
    %get3A_146 = tpu.vector_load %arg11[%get3A_144, %get3A_145] {strides = array<i32>} : memref<1x16xf32, #tpu.memory_space<vmem>>, vector<16xf32>,
    %gather3A_147 = vector.shape_cast %broadcast_in_dim3A_142 : vector<16x1xi32> to vector<16xi32>
    %gather3A_148 = tpu.dynamic_gather %get3A_146[%gather3A_147] in [0] : vector<16xf32>, vector<16xi32> -> vector<16xf32>
    %get3A_149 = arith.constant 0 : i32
    %get3A_150 = arith.index_cast %get3A_149 : i32 to index
    %get3A_151 = arith.constant 0 : index
    %get3A_152 = tpu.vector_load %arg12[%get3A_150, %get3A_151] {strides = array<i32>} : memref<1x16xf32, #tpu.memory_space<vmem>>, vector<16xf32>,
    %gather3A_153 = vector.shape_cast %broadcast_in_dim3A_142 : vector<16x1xi32> to vector<16xi32>
    %gather3A_154 = tpu.dynamic_gather %get3A_152[%gather3A_153] in [0] : vector<16xf32>, vector<16xi32> -> vector<16xf32>
    "tpu.region"() ({
      %run_scoped3A = tpu.sem_alloc : memref<!tpu.dma_semaphore, #tpu.memory_space<semaphore_mem>>
      %dma_start3A = arith.constant 6 : i32
      %dma_start3A_314 = arith.constant 0 : i32
      %dma_start3A_315 = tpu.memref_slice %arg4[%dma_start3A, %dma_start3A_314] : memref<13x16384xf32, #tpu.memory_space<hbm>> -> memref<1x8192xf32, #tpu.memory_space<hbm>>
      %dma_start3A_316 = arith.constant 6 : i32
      %dma_start3A_317 = arith.constant 0 : i32
      %dma_start3A_318 = tpu.memref_slice %arg4[%dma_start3A_316, %dma_start3A_317] : memref<13x16384xf32, #tpu.memory_space<hbm>> -> memref<1x8192xf32, #tpu.memory_space<hbm>>
      tpu.enqueue_dma source(%dma_start3A_318 : memref<1x8192xf32, #tpu.memory_space<hbm>>) target(%arg10 : memref<1x8192xf32, #tpu.memory_space<vmem>>) target_semaphore(%run_scoped3A : memref<!tpu.dma_semaphore, #tpu.memory_space<semaphore_mem>>)
      %dma_wait3A = arith.constant 6 : i32
      %dma_wait3A_319 = arith.constant 0 : i32
      %dma_wait3A_320 = tpu.memref_slice %arg4[%dma_wait3A, %dma_wait3A_319] : memref<13x16384xf32, #tpu.memory_space<hbm>> -> memref<1x8192xf32, #tpu.memory_space<hbm>>
      %dma_wait3A_321 = arith.constant 6 : i32
      %dma_wait3A_322 = arith.constant 0 : i32
      %dma_wait3A_323 = tpu.memref_slice %arg4[%dma_wait3A_321, %dma_wait3A_322] : memref<13x16384xf32, #tpu.memory_space<hbm>> -> memref<1x8192xf32, #tpu.memory_space<hbm>>
      tpu.wait_dma2 semaphore(%run_scoped3A : memref<!tpu.dma_semaphore, #tpu.memory_space<semaphore_mem>>) src(%dma_wait3A_323 : memref<1x8192xf32, #tpu.memory_space<hbm>>) dst(%arg10 : memref<1x8192xf32, #tpu.memory_space<vmem>>)
      tpu.yield
    }) : () -> ()
    %parallel_loop3A_155 = arith.constant 0 : i32
    %parallel_loop3A_156 = arith.constant 8192 : i32
    %parallel_loop3A_157 = arith.constant 16 : i32
    scf.for %parallel_loop3A_314 = %parallel_loop3A_155 to %parallel_loop3A_156 step %parallel_loop3A_157  : i32 {
      %parallel_loop3A_315 = arith.constant 0 : i32
      %parallel_loop3A_316 = arith.index_cast %parallel_loop3A_315 : i32 to index
      %parallel_loop3A_317 = arith.index_cast %parallel_loop3A_314 : i32 to index
      %parallel_loop3A_318 = tpu.vector_load %arg10[%parallel_loop3A_316, %parallel_loop3A_317] {strides = array<i32>} : memref<1x8192xf32, #tpu.memory_space<vmem>>, vector<16xf32>,
      %parallel_loop3A_319 = arith.mulf %parallel_loop3A_318, %gather3A_148 : vector<16xf32>
      %parallel_loop3A_320 = arith.addf %parallel_loop3A_319, %gather3A_154 : vector<16xf32>
      %parallel_loop3A_321 = arith.constant 0 : i32
      %parallel_loop3A_322 = arith.index_cast %parallel_loop3A_321 : i32 to index
      %parallel_loop3A_323 = arith.index_cast %parallel_loop3A_314 : i32 to index
      %parallel_loop3A_324 = tpu.vector_load %arg10[%parallel_loop3A_322, %parallel_loop3A_323] {strides = array<i32>} : memref<1x8192xf32, #tpu.memory_space<vmem>>, vector<16xf32>,
      tpu.vector_store %arg10[%parallel_loop3A_322, %parallel_loop3A_323], %parallel_loop3A_320 {strides = array<i32>} : memref<1x8192xf32, #tpu.memory_space<vmem>>, vector<16xf32>,
    } {sc.loop_unroll_factor = 8 : i64, sc.parallel_access}
    %add3A_158 = arith.constant 192 : i32
    %add3A_159 = arith.addi %add3A_158, %add3A : i32
    "tpu.region"() ({
      %run_scoped3A = tpu.sem_alloc : memref<!tpu.dma_semaphore, #tpu.memory_space<semaphore_mem>>
      %dma_start3A = arith.constant 0 : i32
      %dma_start3A_314 = tpu.memref_slice %arg7[%add3A_159, %dma_start3A] : memref<1248x16384xf32, #tpu.memory_space<hbm>> -> memref<1x8192xf32, #tpu.memory_space<hbm>>
      %dma_start3A_315 = arith.constant 0 : i32
      %dma_start3A_316 = tpu.memref_slice %arg7[%add3A_159, %dma_start3A_315] : memref<1248x16384xf32, #tpu.memory_space<hbm>> -> memref<1x8192xf32, #tpu.memory_space<hbm>>
      tpu.enqueue_dma source(%arg10 : memref<1x8192xf32, #tpu.memory_space<vmem>>) target(%dma_start3A_316 : memref<1x8192xf32, #tpu.memory_space<hbm>>) target_semaphore(%run_scoped3A : memref<!tpu.dma_semaphore, #tpu.memory_space<semaphore_mem>>)
      %dma_wait3A = arith.constant 0 : i32
      %dma_wait3A_317 = tpu.memref_slice %arg7[%add3A_159, %dma_wait3A] : memref<1248x16384xf32, #tpu.memory_space<hbm>> -> memref<1x8192xf32, #tpu.memory_space<hbm>>
      %dma_wait3A_318 = arith.constant 0 : i32
      %dma_wait3A_319 = tpu.memref_slice %arg7[%add3A_159, %dma_wait3A_318] : memref<1248x16384xf32, #tpu.memory_space<hbm>> -> memref<1x8192xf32, #tpu.memory_space<hbm>>
      tpu.wait_dma2 semaphore(%run_scoped3A : memref<!tpu.dma_semaphore, #tpu.memory_space<semaphore_mem>>) src(%arg10 : memref<1x8192xf32, #tpu.memory_space<vmem>>) dst(%dma_wait3A_319 : memref<1x8192xf32, #tpu.memory_space<hbm>>)
      tpu.yield
    }) : () -> ()
    "tpu.region"() ({
      %run_scoped3A = tpu.sem_alloc : memref<!tpu.dma_semaphore, #tpu.memory_space<semaphore_mem>>
      %dma_start3A = arith.constant 6 : i32
      %dma_start3A_314 = arith.constant 8192 : i32
      %dma_start3A_315 = tpu.memref_slice %arg4[%dma_start3A, %dma_start3A_314] : memref<13x16384xf32, #tpu.memory_space<hbm>> -> memref<1x8192xf32, #tpu.memory_space<hbm>>
      %dma_start3A_316 = arith.constant 6 : i32
      %dma_start3A_317 = arith.constant 8192 : i32
      %dma_start3A_318 = tpu.memref_slice %arg4[%dma_start3A_316, %dma_start3A_317] : memref<13x16384xf32, #tpu.memory_space<hbm>> -> memref<1x8192xf32, #tpu.memory_space<hbm>>
      tpu.enqueue_dma source(%dma_start3A_318 : memref<1x8192xf32, #tpu.memory_space<hbm>>) target(%arg10 : memref<1x8192xf32, #tpu.memory_space<vmem>>) target_semaphore(%run_scoped3A : memref<!tpu.dma_semaphore, #tpu.memory_space<semaphore_mem>>)
      %dma_wait3A = arith.constant 6 : i32
      %dma_wait3A_319 = arith.constant 8192 : i32
      %dma_wait3A_320 = tpu.memref_slice %arg4[%dma_wait3A, %dma_wait3A_319] : memref<13x16384xf32, #tpu.memory_space<hbm>> -> memref<1x8192xf32, #tpu.memory_space<hbm>>
      %dma_wait3A_321 = arith.constant 6 : i32
      %dma_wait3A_322 = arith.constant 8192 : i32
      %dma_wait3A_323 = tpu.memref_slice %arg4[%dma_wait3A_321, %dma_wait3A_322] : memref<13x16384xf32, #tpu.memory_space<hbm>> -> memref<1x8192xf32, #tpu.memory_space<hbm>>
      tpu.wait_dma2 semaphore(%run_scoped3A : memref<!tpu.dma_semaphore, #tpu.memory_space<semaphore_mem>>) src(%dma_wait3A_323 : memref<1x8192xf32, #tpu.memory_space<hbm>>) dst(%arg10 : memref<1x8192xf32, #tpu.memory_space<vmem>>)
      tpu.yield
    }) : () -> ()
    %parallel_loop3A_160 = arith.constant 0 : i32
    %parallel_loop3A_161 = arith.constant 8192 : i32
    %parallel_loop3A_162 = arith.constant 16 : i32
    scf.for %parallel_loop3A_314 = %parallel_loop3A_160 to %parallel_loop3A_161 step %parallel_loop3A_162  : i32 {
      %parallel_loop3A_315 = arith.constant 0 : i32
      %parallel_loop3A_316 = arith.index_cast %parallel_loop3A_315 : i32 to index
      %parallel_loop3A_317 = arith.index_cast %parallel_loop3A_314 : i32 to index
      %parallel_loop3A_318 = tpu.vector_load %arg10[%parallel_loop3A_316, %parallel_loop3A_317] {strides = array<i32>} : memref<1x8192xf32, #tpu.memory_space<vmem>>, vector<16xf32>,
      %parallel_loop3A_319 = arith.mulf %parallel_loop3A_318, %gather3A_148 : vector<16xf32>
      %parallel_loop3A_320 = arith.addf %parallel_loop3A_319, %gather3A_154 : vector<16xf32>
      %parallel_loop3A_321 = arith.constant 0 : i32
      %parallel_loop3A_322 = arith.index_cast %parallel_loop3A_321 : i32 to index
      %parallel_loop3A_323 = arith.index_cast %parallel_loop3A_314 : i32 to index
      %parallel_loop3A_324 = tpu.vector_load %arg10[%parallel_loop3A_322, %parallel_loop3A_323] {strides = array<i32>} : memref<1x8192xf32, #tpu.memory_space<vmem>>, vector<16xf32>,
      tpu.vector_store %arg10[%parallel_loop3A_322, %parallel_loop3A_323], %parallel_loop3A_320 {strides = array<i32>} : memref<1x8192xf32, #tpu.memory_space<vmem>>, vector<16xf32>,
    } {sc.loop_unroll_factor = 8 : i64, sc.parallel_access}
    %add3A_163 = arith.constant 192 : i32
    %add3A_164 = arith.addi %add3A_163, %add3A : i32
    "tpu.region"() ({
      %run_scoped3A = tpu.sem_alloc : memref<!tpu.dma_semaphore, #tpu.memory_space<semaphore_mem>>
      %dma_start3A = arith.constant 8192 : i32
      %dma_start3A_314 = tpu.memref_slice %arg7[%add3A_164, %dma_start3A] : memref<1248x16384xf32, #tpu.memory_space<hbm>> -> memref<1x8192xf32, #tpu.memory_space<hbm>>
      %dma_start3A_315 = arith.constant 8192 : i32
      %dma_start3A_316 = tpu.memref_slice %arg7[%add3A_164, %dma_start3A_315] : memref<1248x16384xf32, #tpu.memory_space<hbm>> -> memref<1x8192xf32, #tpu.memory_space<hbm>>
      tpu.enqueue_dma source(%arg10 : memref<1x8192xf32, #tpu.memory_space<vmem>>) target(%dma_start3A_316 : memref<1x8192xf32, #tpu.memory_space<hbm>>) target_semaphore(%run_scoped3A : memref<!tpu.dma_semaphore, #tpu.memory_space<semaphore_mem>>)
      %dma_wait3A = arith.constant 8192 : i32
      %dma_wait3A_317 = tpu.memref_slice %arg7[%add3A_164, %dma_wait3A] : memref<1248x16384xf32, #tpu.memory_space<hbm>> -> memref<1x8192xf32, #tpu.memory_space<hbm>>
      %dma_wait3A_318 = arith.constant 8192 : i32
      %dma_wait3A_319 = tpu.memref_slice %arg7[%add3A_164, %dma_wait3A_318] : memref<1248x16384xf32, #tpu.memory_space<hbm>> -> memref<1x8192xf32, #tpu.memory_space<hbm>>
      tpu.wait_dma2 semaphore(%run_scoped3A : memref<!tpu.dma_semaphore, #tpu.memory_space<semaphore_mem>>) src(%arg10 : memref<1x8192xf32, #tpu.memory_space<vmem>>) dst(%dma_wait3A_319 : memref<1x8192xf32, #tpu.memory_space<hbm>>)
      tpu.yield
    }) : () -> ()
    %broadcast_in_dim3A_165 = arith.constant 7 : i32
    %broadcast_in_dim3A_166 = vector.broadcast %broadcast_in_dim3A_165 : i32 to vector<16x1xi32>
    %get3A_167 = arith.constant 0 : i32
    %get3A_168 = arith.index_cast %get3A_167 : i32 to index
    %get3A_169 = arith.constant 0 : index
    %get3A_170 = tpu.vector_load %arg11[%get3A_168, %get3A_169] {strides = array<i32>} : memref<1x16xf32, #tpu.memory_space<vmem>>, vector<16xf32>,
    %gather3A_171 = vector.shape_cast %broadcast_in_dim3A_166 : vector<16x1xi32> to vector<16xi32>
    %gather3A_172 = tpu.dynamic_gather %get3A_170[%gather3A_171] in [0] : vector<16xf32>, vector<16xi32> -> vector<16xf32>
    %get3A_173 = arith.constant 0 : i32
    %get3A_174 = arith.index_cast %get3A_173 : i32 to index
    %get3A_175 = arith.constant 0 : index
    %get3A_176 = tpu.vector_load %arg12[%get3A_174, %get3A_175] {strides = array<i32>} : memref<1x16xf32, #tpu.memory_space<vmem>>, vector<16xf32>,
    %gather3A_177 = vector.shape_cast %broadcast_in_dim3A_166 : vector<16x1xi32> to vector<16xi32>
    %gather3A_178 = tpu.dynamic_gather %get3A_176[%gather3A_177] in [0] : vector<16xf32>, vector<16xi32> -> vector<16xf32>
    "tpu.region"() ({
      %run_scoped3A = tpu.sem_alloc : memref<!tpu.dma_semaphore, #tpu.memory_space<semaphore_mem>>
      %dma_start3A = arith.constant 7 : i32
      %dma_start3A_314 = arith.constant 0 : i32
      %dma_start3A_315 = tpu.memref_slice %arg4[%dma_start3A, %dma_start3A_314] : memref<13x16384xf32, #tpu.memory_space<hbm>> -> memref<1x8192xf32, #tpu.memory_space<hbm>>
      %dma_start3A_316 = arith.constant 7 : i32
      %dma_start3A_317 = arith.constant 0 : i32
      %dma_start3A_318 = tpu.memref_slice %arg4[%dma_start3A_316, %dma_start3A_317] : memref<13x16384xf32, #tpu.memory_space<hbm>> -> memref<1x8192xf32, #tpu.memory_space<hbm>>
      tpu.enqueue_dma source(%dma_start3A_318 : memref<1x8192xf32, #tpu.memory_space<hbm>>) target(%arg10 : memref<1x8192xf32, #tpu.memory_space<vmem>>) target_semaphore(%run_scoped3A : memref<!tpu.dma_semaphore, #tpu.memory_space<semaphore_mem>>)
      %dma_wait3A = arith.constant 7 : i32
      %dma_wait3A_319 = arith.constant 0 : i32
      %dma_wait3A_320 = tpu.memref_slice %arg4[%dma_wait3A, %dma_wait3A_319] : memref<13x16384xf32, #tpu.memory_space<hbm>> -> memref<1x8192xf32, #tpu.memory_space<hbm>>
      %dma_wait3A_321 = arith.constant 7 : i32
      %dma_wait3A_322 = arith.constant 0 : i32
      %dma_wait3A_323 = tpu.memref_slice %arg4[%dma_wait3A_321, %dma_wait3A_322] : memref<13x16384xf32, #tpu.memory_space<hbm>> -> memref<1x8192xf32, #tpu.memory_space<hbm>>
      tpu.wait_dma2 semaphore(%run_scoped3A : memref<!tpu.dma_semaphore, #tpu.memory_space<semaphore_mem>>) src(%dma_wait3A_323 : memref<1x8192xf32, #tpu.memory_space<hbm>>) dst(%arg10 : memref<1x8192xf32, #tpu.memory_space<vmem>>)
      tpu.yield
    }) : () -> ()
    %parallel_loop3A_179 = arith.constant 0 : i32
    %parallel_loop3A_180 = arith.constant 8192 : i32
    %parallel_loop3A_181 = arith.constant 16 : i32
    scf.for %parallel_loop3A_314 = %parallel_loop3A_179 to %parallel_loop3A_180 step %parallel_loop3A_181  : i32 {
      %parallel_loop3A_315 = arith.constant 0 : i32
      %parallel_loop3A_316 = arith.index_cast %parallel_loop3A_315 : i32 to index
      %parallel_loop3A_317 = arith.index_cast %parallel_loop3A_314 : i32 to index
      %parallel_loop3A_318 = tpu.vector_load %arg10[%parallel_loop3A_316, %parallel_loop3A_317] {strides = array<i32>} : memref<1x8192xf32, #tpu.memory_space<vmem>>, vector<16xf32>,
      %parallel_loop3A_319 = arith.mulf %parallel_loop3A_318, %gather3A_172 : vector<16xf32>
      %parallel_loop3A_320 = arith.addf %parallel_loop3A_319, %gather3A_178 : vector<16xf32>
      %parallel_loop3A_321 = arith.constant 0 : i32
      %parallel_loop3A_322 = arith.index_cast %parallel_loop3A_321 : i32 to index
      %parallel_loop3A_323 = arith.index_cast %parallel_loop3A_314 : i32 to index
      %parallel_loop3A_324 = tpu.vector_load %arg10[%parallel_loop3A_322, %parallel_loop3A_323] {strides = array<i32>} : memref<1x8192xf32, #tpu.memory_space<vmem>>, vector<16xf32>,
      tpu.vector_store %arg10[%parallel_loop3A_322, %parallel_loop3A_323], %parallel_loop3A_320 {strides = array<i32>} : memref<1x8192xf32, #tpu.memory_space<vmem>>, vector<16xf32>,
    } {sc.loop_unroll_factor = 8 : i64, sc.parallel_access}
    %add3A_182 = arith.constant 224 : i32
    %add3A_183 = arith.addi %add3A_182, %add3A : i32
    "tpu.region"() ({
      %run_scoped3A = tpu.sem_alloc : memref<!tpu.dma_semaphore, #tpu.memory_space<semaphore_mem>>
      %dma_start3A = arith.constant 0 : i32
      %dma_start3A_314 = tpu.memref_slice %arg7[%add3A_183, %dma_start3A] : memref<1248x16384xf32, #tpu.memory_space<hbm>> -> memref<1x8192xf32, #tpu.memory_space<hbm>>
      %dma_start3A_315 = arith.constant 0 : i32
      %dma_start3A_316 = tpu.memref_slice %arg7[%add3A_183, %dma_start3A_315] : memref<1248x16384xf32, #tpu.memory_space<hbm>> -> memref<1x8192xf32, #tpu.memory_space<hbm>>
      tpu.enqueue_dma source(%arg10 : memref<1x8192xf32, #tpu.memory_space<vmem>>) target(%dma_start3A_316 : memref<1x8192xf32, #tpu.memory_space<hbm>>) target_semaphore(%run_scoped3A : memref<!tpu.dma_semaphore, #tpu.memory_space<semaphore_mem>>)
      %dma_wait3A = arith.constant 0 : i32
      %dma_wait3A_317 = tpu.memref_slice %arg7[%add3A_183, %dma_wait3A] : memref<1248x16384xf32, #tpu.memory_space<hbm>> -> memref<1x8192xf32, #tpu.memory_space<hbm>>
      %dma_wait3A_318 = arith.constant 0 : i32
      %dma_wait3A_319 = tpu.memref_slice %arg7[%add3A_183, %dma_wait3A_318] : memref<1248x16384xf32, #tpu.memory_space<hbm>> -> memref<1x8192xf32, #tpu.memory_space<hbm>>
      tpu.wait_dma2 semaphore(%run_scoped3A : memref<!tpu.dma_semaphore, #tpu.memory_space<semaphore_mem>>) src(%arg10 : memref<1x8192xf32, #tpu.memory_space<vmem>>) dst(%dma_wait3A_319 : memref<1x8192xf32, #tpu.memory_space<hbm>>)
      tpu.yield
    }) : () -> ()
    "tpu.region"() ({
      %run_scoped3A = tpu.sem_alloc : memref<!tpu.dma_semaphore, #tpu.memory_space<semaphore_mem>>
      %dma_start3A = arith.constant 7 : i32
      %dma_start3A_314 = arith.constant 8192 : i32
      %dma_start3A_315 = tpu.memref_slice %arg4[%dma_start3A, %dma_start3A_314] : memref<13x16384xf32, #tpu.memory_space<hbm>> -> memref<1x8192xf32, #tpu.memory_space<hbm>>
      %dma_start3A_316 = arith.constant 7 : i32
      %dma_start3A_317 = arith.constant 8192 : i32
      %dma_start3A_318 = tpu.memref_slice %arg4[%dma_start3A_316, %dma_start3A_317] : memref<13x16384xf32, #tpu.memory_space<hbm>> -> memref<1x8192xf32, #tpu.memory_space<hbm>>
      tpu.enqueue_dma source(%dma_start3A_318 : memref<1x8192xf32, #tpu.memory_space<hbm>>) target(%arg10 : memref<1x8192xf32, #tpu.memory_space<vmem>>) target_semaphore(%run_scoped3A : memref<!tpu.dma_semaphore, #tpu.memory_space<semaphore_mem>>)
      %dma_wait3A = arith.constant 7 : i32
      %dma_wait3A_319 = arith.constant 8192 : i32
      %dma_wait3A_320 = tpu.memref_slice %arg4[%dma_wait3A, %dma_wait3A_319] : memref<13x16384xf32, #tpu.memory_space<hbm>> -> memref<1x8192xf32, #tpu.memory_space<hbm>>
      %dma_wait3A_321 = arith.constant 7 : i32
      %dma_wait3A_322 = arith.constant 8192 : i32
      %dma_wait3A_323 = tpu.memref_slice %arg4[%dma_wait3A_321, %dma_wait3A_322] : memref<13x16384xf32, #tpu.memory_space<hbm>> -> memref<1x8192xf32, #tpu.memory_space<hbm>>
      tpu.wait_dma2 semaphore(%run_scoped3A : memref<!tpu.dma_semaphore, #tpu.memory_space<semaphore_mem>>) src(%dma_wait3A_323 : memref<1x8192xf32, #tpu.memory_space<hbm>>) dst(%arg10 : memref<1x8192xf32, #tpu.memory_space<vmem>>)
      tpu.yield
    }) : () -> ()
    %parallel_loop3A_184 = arith.constant 0 : i32
    %parallel_loop3A_185 = arith.constant 8192 : i32
    %parallel_loop3A_186 = arith.constant 16 : i32
    scf.for %parallel_loop3A_314 = %parallel_loop3A_184 to %parallel_loop3A_185 step %parallel_loop3A_186  : i32 {
      %parallel_loop3A_315 = arith.constant 0 : i32
      %parallel_loop3A_316 = arith.index_cast %parallel_loop3A_315 : i32 to index
      %parallel_loop3A_317 = arith.index_cast %parallel_loop3A_314 : i32 to index
      %parallel_loop3A_318 = tpu.vector_load %arg10[%parallel_loop3A_316, %parallel_loop3A_317] {strides = array<i32>} : memref<1x8192xf32, #tpu.memory_space<vmem>>, vector<16xf32>,
      %parallel_loop3A_319 = arith.mulf %parallel_loop3A_318, %gather3A_172 : vector<16xf32>
      %parallel_loop3A_320 = arith.addf %parallel_loop3A_319, %gather3A_178 : vector<16xf32>
      %parallel_loop3A_321 = arith.constant 0 : i32
      %parallel_loop3A_322 = arith.index_cast %parallel_loop3A_321 : i32 to index
      %parallel_loop3A_323 = arith.index_cast %parallel_loop3A_314 : i32 to index
      %parallel_loop3A_324 = tpu.vector_load %arg10[%parallel_loop3A_322, %parallel_loop3A_323] {strides = array<i32>} : memref<1x8192xf32, #tpu.memory_space<vmem>>, vector<16xf32>,
      tpu.vector_store %arg10[%parallel_loop3A_322, %parallel_loop3A_323], %parallel_loop3A_320 {strides = array<i32>} : memref<1x8192xf32, #tpu.memory_space<vmem>>, vector<16xf32>,
    } {sc.loop_unroll_factor = 8 : i64, sc.parallel_access}
    %add3A_187 = arith.constant 224 : i32
    %add3A_188 = arith.addi %add3A_187, %add3A : i32
    "tpu.region"() ({
      %run_scoped3A = tpu.sem_alloc : memref<!tpu.dma_semaphore, #tpu.memory_space<semaphore_mem>>
      %dma_start3A = arith.constant 8192 : i32
      %dma_start3A_314 = tpu.memref_slice %arg7[%add3A_188, %dma_start3A] : memref<1248x16384xf32, #tpu.memory_space<hbm>> -> memref<1x8192xf32, #tpu.memory_space<hbm>>
      %dma_start3A_315 = arith.constant 8192 : i32
      %dma_start3A_316 = tpu.memref_slice %arg7[%add3A_188, %dma_start3A_315] : memref<1248x16384xf32, #tpu.memory_space<hbm>> -> memref<1x8192xf32, #tpu.memory_space<hbm>>
      tpu.enqueue_dma source(%arg10 : memref<1x8192xf32, #tpu.memory_space<vmem>>) target(%dma_start3A_316 : memref<1x8192xf32, #tpu.memory_space<hbm>>) target_semaphore(%run_scoped3A : memref<!tpu.dma_semaphore, #tpu.memory_space<semaphore_mem>>)
      %dma_wait3A = arith.constant 8192 : i32
      %dma_wait3A_317 = tpu.memref_slice %arg7[%add3A_188, %dma_wait3A] : memref<1248x16384xf32, #tpu.memory_space<hbm>> -> memref<1x8192xf32, #tpu.memory_space<hbm>>
      %dma_wait3A_318 = arith.constant 8192 : i32
      %dma_wait3A_319 = tpu.memref_slice %arg7[%add3A_188, %dma_wait3A_318] : memref<1248x16384xf32, #tpu.memory_space<hbm>> -> memref<1x8192xf32, #tpu.memory_space<hbm>>
      tpu.wait_dma2 semaphore(%run_scoped3A : memref<!tpu.dma_semaphore, #tpu.memory_space<semaphore_mem>>) src(%arg10 : memref<1x8192xf32, #tpu.memory_space<vmem>>) dst(%dma_wait3A_319 : memref<1x8192xf32, #tpu.memory_space<hbm>>)
      tpu.yield
    }) : () -> ()
    %broadcast_in_dim3A_189 = arith.constant 8 : i32
    %broadcast_in_dim3A_190 = vector.broadcast %broadcast_in_dim3A_189 : i32 to vector<16x1xi32>
    %get3A_191 = arith.constant 0 : i32
    %get3A_192 = arith.index_cast %get3A_191 : i32 to index
    %get3A_193 = arith.constant 0 : index
    %get3A_194 = tpu.vector_load %arg11[%get3A_192, %get3A_193] {strides = array<i32>} : memref<1x16xf32, #tpu.memory_space<vmem>>, vector<16xf32>,
    %gather3A_195 = vector.shape_cast %broadcast_in_dim3A_190 : vector<16x1xi32> to vector<16xi32>
    %gather3A_196 = tpu.dynamic_gather %get3A_194[%gather3A_195] in [0] : vector<16xf32>, vector<16xi32> -> vector<16xf32>
    %get3A_197 = arith.constant 0 : i32
    %get3A_198 = arith.index_cast %get3A_197 : i32 to index
    %get3A_199 = arith.constant 0 : index
    %get3A_200 = tpu.vector_load %arg12[%get3A_198, %get3A_199] {strides = array<i32>} : memref<1x16xf32, #tpu.memory_space<vmem>>, vector<16xf32>,
    %gather3A_201 = vector.shape_cast %broadcast_in_dim3A_190 : vector<16x1xi32> to vector<16xi32>
    %gather3A_202 = tpu.dynamic_gather %get3A_200[%gather3A_201] in [0] : vector<16xf32>, vector<16xi32> -> vector<16xf32>
    "tpu.region"() ({
      %run_scoped3A = tpu.sem_alloc : memref<!tpu.dma_semaphore, #tpu.memory_space<semaphore_mem>>
      %dma_start3A = arith.constant 8 : i32
      %dma_start3A_314 = arith.constant 0 : i32
      %dma_start3A_315 = tpu.memref_slice %arg4[%dma_start3A, %dma_start3A_314] : memref<13x16384xf32, #tpu.memory_space<hbm>> -> memref<1x8192xf32, #tpu.memory_space<hbm>>
      %dma_start3A_316 = arith.constant 8 : i32
      %dma_start3A_317 = arith.constant 0 : i32
      %dma_start3A_318 = tpu.memref_slice %arg4[%dma_start3A_316, %dma_start3A_317] : memref<13x16384xf32, #tpu.memory_space<hbm>> -> memref<1x8192xf32, #tpu.memory_space<hbm>>
      tpu.enqueue_dma source(%dma_start3A_318 : memref<1x8192xf32, #tpu.memory_space<hbm>>) target(%arg10 : memref<1x8192xf32, #tpu.memory_space<vmem>>) target_semaphore(%run_scoped3A : memref<!tpu.dma_semaphore, #tpu.memory_space<semaphore_mem>>)
      %dma_wait3A = arith.constant 8 : i32
      %dma_wait3A_319 = arith.constant 0 : i32
      %dma_wait3A_320 = tpu.memref_slice %arg4[%dma_wait3A, %dma_wait3A_319] : memref<13x16384xf32, #tpu.memory_space<hbm>> -> memref<1x8192xf32, #tpu.memory_space<hbm>>
      %dma_wait3A_321 = arith.constant 8 : i32
      %dma_wait3A_322 = arith.constant 0 : i32
      %dma_wait3A_323 = tpu.memref_slice %arg4[%dma_wait3A_321, %dma_wait3A_322] : memref<13x16384xf32, #tpu.memory_space<hbm>> -> memref<1x8192xf32, #tpu.memory_space<hbm>>
      tpu.wait_dma2 semaphore(%run_scoped3A : memref<!tpu.dma_semaphore, #tpu.memory_space<semaphore_mem>>) src(%dma_wait3A_323 : memref<1x8192xf32, #tpu.memory_space<hbm>>) dst(%arg10 : memref<1x8192xf32, #tpu.memory_space<vmem>>)
      tpu.yield
    }) : () -> ()
    %parallel_loop3A_203 = arith.constant 0 : i32
    %parallel_loop3A_204 = arith.constant 8192 : i32
    %parallel_loop3A_205 = arith.constant 16 : i32
    scf.for %parallel_loop3A_314 = %parallel_loop3A_203 to %parallel_loop3A_204 step %parallel_loop3A_205  : i32 {
      %parallel_loop3A_315 = arith.constant 0 : i32
      %parallel_loop3A_316 = arith.index_cast %parallel_loop3A_315 : i32 to index
      %parallel_loop3A_317 = arith.index_cast %parallel_loop3A_314 : i32 to index
      %parallel_loop3A_318 = tpu.vector_load %arg10[%parallel_loop3A_316, %parallel_loop3A_317] {strides = array<i32>} : memref<1x8192xf32, #tpu.memory_space<vmem>>, vector<16xf32>,
      %parallel_loop3A_319 = arith.mulf %parallel_loop3A_318, %gather3A_196 : vector<16xf32>
      %parallel_loop3A_320 = arith.addf %parallel_loop3A_319, %gather3A_202 : vector<16xf32>
      %parallel_loop3A_321 = arith.constant 0 : i32
      %parallel_loop3A_322 = arith.index_cast %parallel_loop3A_321 : i32 to index
      %parallel_loop3A_323 = arith.index_cast %parallel_loop3A_314 : i32 to index
      %parallel_loop3A_324 = tpu.vector_load %arg10[%parallel_loop3A_322, %parallel_loop3A_323] {strides = array<i32>} : memref<1x8192xf32, #tpu.memory_space<vmem>>, vector<16xf32>,
      tpu.vector_store %arg10[%parallel_loop3A_322, %parallel_loop3A_323], %parallel_loop3A_320 {strides = array<i32>} : memref<1x8192xf32, #tpu.memory_space<vmem>>, vector<16xf32>,
    } {sc.loop_unroll_factor = 8 : i64, sc.parallel_access}
    %add3A_206 = arith.constant 256 : i32
    %add3A_207 = arith.addi %add3A_206, %add3A : i32
    "tpu.region"() ({
      %run_scoped3A = tpu.sem_alloc : memref<!tpu.dma_semaphore, #tpu.memory_space<semaphore_mem>>
      %dma_start3A = arith.constant 0 : i32
      %dma_start3A_314 = tpu.memref_slice %arg7[%add3A_207, %dma_start3A] : memref<1248x16384xf32, #tpu.memory_space<hbm>> -> memref<1x8192xf32, #tpu.memory_space<hbm>>
      %dma_start3A_315 = arith.constant 0 : i32
      %dma_start3A_316 = tpu.memref_slice %arg7[%add3A_207, %dma_start3A_315] : memref<1248x16384xf32, #tpu.memory_space<hbm>> -> memref<1x8192xf32, #tpu.memory_space<hbm>>
      tpu.enqueue_dma source(%arg10 : memref<1x8192xf32, #tpu.memory_space<vmem>>) target(%dma_start3A_316 : memref<1x8192xf32, #tpu.memory_space<hbm>>) target_semaphore(%run_scoped3A : memref<!tpu.dma_semaphore, #tpu.memory_space<semaphore_mem>>)
      %dma_wait3A = arith.constant 0 : i32
      %dma_wait3A_317 = tpu.memref_slice %arg7[%add3A_207, %dma_wait3A] : memref<1248x16384xf32, #tpu.memory_space<hbm>> -> memref<1x8192xf32, #tpu.memory_space<hbm>>
      %dma_wait3A_318 = arith.constant 0 : i32
      %dma_wait3A_319 = tpu.memref_slice %arg7[%add3A_207, %dma_wait3A_318] : memref<1248x16384xf32, #tpu.memory_space<hbm>> -> memref<1x8192xf32, #tpu.memory_space<hbm>>
      tpu.wait_dma2 semaphore(%run_scoped3A : memref<!tpu.dma_semaphore, #tpu.memory_space<semaphore_mem>>) src(%arg10 : memref<1x8192xf32, #tpu.memory_space<vmem>>) dst(%dma_wait3A_319 : memref<1x8192xf32, #tpu.memory_space<hbm>>)
      tpu.yield
    }) : () -> ()
    "tpu.region"() ({
      %run_scoped3A = tpu.sem_alloc : memref<!tpu.dma_semaphore, #tpu.memory_space<semaphore_mem>>
      %dma_start3A = arith.constant 8 : i32
      %dma_start3A_314 = arith.constant 8192 : i32
      %dma_start3A_315 = tpu.memref_slice %arg4[%dma_start3A, %dma_start3A_314] : memref<13x16384xf32, #tpu.memory_space<hbm>> -> memref<1x8192xf32, #tpu.memory_space<hbm>>
      %dma_start3A_316 = arith.constant 8 : i32
      %dma_start3A_317 = arith.constant 8192 : i32
      %dma_start3A_318 = tpu.memref_slice %arg4[%dma_start3A_316, %dma_start3A_317] : memref<13x16384xf32, #tpu.memory_space<hbm>> -> memref<1x8192xf32, #tpu.memory_space<hbm>>
      tpu.enqueue_dma source(%dma_start3A_318 : memref<1x8192xf32, #tpu.memory_space<hbm>>) target(%arg10 : memref<1x8192xf32, #tpu.memory_space<vmem>>) target_semaphore(%run_scoped3A : memref<!tpu.dma_semaphore, #tpu.memory_space<semaphore_mem>>)
      %dma_wait3A = arith.constant 8 : i32
      %dma_wait3A_319 = arith.constant 8192 : i32
      %dma_wait3A_320 = tpu.memref_slice %arg4[%dma_wait3A, %dma_wait3A_319] : memref<13x16384xf32, #tpu.memory_space<hbm>> -> memref<1x8192xf32, #tpu.memory_space<hbm>>
      %dma_wait3A_321 = arith.constant 8 : i32
      %dma_wait3A_322 = arith.constant 8192 : i32
      %dma_wait3A_323 = tpu.memref_slice %arg4[%dma_wait3A_321, %dma_wait3A_322] : memref<13x16384xf32, #tpu.memory_space<hbm>> -> memref<1x8192xf32, #tpu.memory_space<hbm>>
      tpu.wait_dma2 semaphore(%run_scoped3A : memref<!tpu.dma_semaphore, #tpu.memory_space<semaphore_mem>>) src(%dma_wait3A_323 : memref<1x8192xf32, #tpu.memory_space<hbm>>) dst(%arg10 : memref<1x8192xf32, #tpu.memory_space<vmem>>)
      tpu.yield
    }) : () -> ()
    %parallel_loop3A_208 = arith.constant 0 : i32
    %parallel_loop3A_209 = arith.constant 8192 : i32
    %parallel_loop3A_210 = arith.constant 16 : i32
    scf.for %parallel_loop3A_314 = %parallel_loop3A_208 to %parallel_loop3A_209 step %parallel_loop3A_210  : i32 {
      %parallel_loop3A_315 = arith.constant 0 : i32
      %parallel_loop3A_316 = arith.index_cast %parallel_loop3A_315 : i32 to index
      %parallel_loop3A_317 = arith.index_cast %parallel_loop3A_314 : i32 to index
      %parallel_loop3A_318 = tpu.vector_load %arg10[%parallel_loop3A_316, %parallel_loop3A_317] {strides = array<i32>} : memref<1x8192xf32, #tpu.memory_space<vmem>>, vector<16xf32>,
      %parallel_loop3A_319 = arith.mulf %parallel_loop3A_318, %gather3A_196 : vector<16xf32>
      %parallel_loop3A_320 = arith.addf %parallel_loop3A_319, %gather3A_202 : vector<16xf32>
      %parallel_loop3A_321 = arith.constant 0 : i32
      %parallel_loop3A_322 = arith.index_cast %parallel_loop3A_321 : i32 to index
      %parallel_loop3A_323 = arith.index_cast %parallel_loop3A_314 : i32 to index
      %parallel_loop3A_324 = tpu.vector_load %arg10[%parallel_loop3A_322, %parallel_loop3A_323] {strides = array<i32>} : memref<1x8192xf32, #tpu.memory_space<vmem>>, vector<16xf32>,
      tpu.vector_store %arg10[%parallel_loop3A_322, %parallel_loop3A_323], %parallel_loop3A_320 {strides = array<i32>} : memref<1x8192xf32, #tpu.memory_space<vmem>>, vector<16xf32>,
    } {sc.loop_unroll_factor = 8 : i64, sc.parallel_access}
    %add3A_211 = arith.constant 256 : i32
    %add3A_212 = arith.addi %add3A_211, %add3A : i32
    "tpu.region"() ({
      %run_scoped3A = tpu.sem_alloc : memref<!tpu.dma_semaphore, #tpu.memory_space<semaphore_mem>>
      %dma_start3A = arith.constant 8192 : i32
      %dma_start3A_314 = tpu.memref_slice %arg7[%add3A_212, %dma_start3A] : memref<1248x16384xf32, #tpu.memory_space<hbm>> -> memref<1x8192xf32, #tpu.memory_space<hbm>>
      %dma_start3A_315 = arith.constant 8192 : i32
      %dma_start3A_316 = tpu.memref_slice %arg7[%add3A_212, %dma_start3A_315] : memref<1248x16384xf32, #tpu.memory_space<hbm>> -> memref<1x8192xf32, #tpu.memory_space<hbm>>
      tpu.enqueue_dma source(%arg10 : memref<1x8192xf32, #tpu.memory_space<vmem>>) target(%dma_start3A_316 : memref<1x8192xf32, #tpu.memory_space<hbm>>) target_semaphore(%run_scoped3A : memref<!tpu.dma_semaphore, #tpu.memory_space<semaphore_mem>>)
      %dma_wait3A = arith.constant 8192 : i32
      %dma_wait3A_317 = tpu.memref_slice %arg7[%add3A_212, %dma_wait3A] : memref<1248x16384xf32, #tpu.memory_space<hbm>> -> memref<1x8192xf32, #tpu.memory_space<hbm>>
      %dma_wait3A_318 = arith.constant 8192 : i32
      %dma_wait3A_319 = tpu.memref_slice %arg7[%add3A_212, %dma_wait3A_318] : memref<1248x16384xf32, #tpu.memory_space<hbm>> -> memref<1x8192xf32, #tpu.memory_space<hbm>>
      tpu.wait_dma2 semaphore(%run_scoped3A : memref<!tpu.dma_semaphore, #tpu.memory_space<semaphore_mem>>) src(%arg10 : memref<1x8192xf32, #tpu.memory_space<vmem>>) dst(%dma_wait3A_319 : memref<1x8192xf32, #tpu.memory_space<hbm>>)
      tpu.yield
    }) : () -> ()
    %broadcast_in_dim3A_213 = arith.constant 9 : i32
    %broadcast_in_dim3A_214 = vector.broadcast %broadcast_in_dim3A_213 : i32 to vector<16x1xi32>
    %get3A_215 = arith.constant 0 : i32
    %get3A_216 = arith.index_cast %get3A_215 : i32 to index
    %get3A_217 = arith.constant 0 : index
    %get3A_218 = tpu.vector_load %arg11[%get3A_216, %get3A_217] {strides = array<i32>} : memref<1x16xf32, #tpu.memory_space<vmem>>, vector<16xf32>,
    %gather3A_219 = vector.shape_cast %broadcast_in_dim3A_214 : vector<16x1xi32> to vector<16xi32>
    %gather3A_220 = tpu.dynamic_gather %get3A_218[%gather3A_219] in [0] : vector<16xf32>, vector<16xi32> -> vector<16xf32>
    %get3A_221 = arith.constant 0 : i32
    %get3A_222 = arith.index_cast %get3A_221 : i32 to index
    %get3A_223 = arith.constant 0 : index
    %get3A_224 = tpu.vector_load %arg12[%get3A_222, %get3A_223] {strides = array<i32>} : memref<1x16xf32, #tpu.memory_space<vmem>>, vector<16xf32>,
    %gather3A_225 = vector.shape_cast %broadcast_in_dim3A_214 : vector<16x1xi32> to vector<16xi32>
    %gather3A_226 = tpu.dynamic_gather %get3A_224[%gather3A_225] in [0] : vector<16xf32>, vector<16xi32> -> vector<16xf32>
    "tpu.region"() ({
      %run_scoped3A = tpu.sem_alloc : memref<!tpu.dma_semaphore, #tpu.memory_space<semaphore_mem>>
      %dma_start3A = arith.constant 9 : i32
      %dma_start3A_314 = arith.constant 0 : i32
      %dma_start3A_315 = tpu.memref_slice %arg4[%dma_start3A, %dma_start3A_314] : memref<13x16384xf32, #tpu.memory_space<hbm>> -> memref<1x8192xf32, #tpu.memory_space<hbm>>
      %dma_start3A_316 = arith.constant 9 : i32
      %dma_start3A_317 = arith.constant 0 : i32
      %dma_start3A_318 = tpu.memref_slice %arg4[%dma_start3A_316, %dma_start3A_317] : memref<13x16384xf32, #tpu.memory_space<hbm>> -> memref<1x8192xf32, #tpu.memory_space<hbm>>
      tpu.enqueue_dma source(%dma_start3A_318 : memref<1x8192xf32, #tpu.memory_space<hbm>>) target(%arg10 : memref<1x8192xf32, #tpu.memory_space<vmem>>) target_semaphore(%run_scoped3A : memref<!tpu.dma_semaphore, #tpu.memory_space<semaphore_mem>>)
      %dma_wait3A = arith.constant 9 : i32
      %dma_wait3A_319 = arith.constant 0 : i32
      %dma_wait3A_320 = tpu.memref_slice %arg4[%dma_wait3A, %dma_wait3A_319] : memref<13x16384xf32, #tpu.memory_space<hbm>> -> memref<1x8192xf32, #tpu.memory_space<hbm>>
      %dma_wait3A_321 = arith.constant 9 : i32
      %dma_wait3A_322 = arith.constant 0 : i32
      %dma_wait3A_323 = tpu.memref_slice %arg4[%dma_wait3A_321, %dma_wait3A_322] : memref<13x16384xf32, #tpu.memory_space<hbm>> -> memref<1x8192xf32, #tpu.memory_space<hbm>>
      tpu.wait_dma2 semaphore(%run_scoped3A : memref<!tpu.dma_semaphore, #tpu.memory_space<semaphore_mem>>) src(%dma_wait3A_323 : memref<1x8192xf32, #tpu.memory_space<hbm>>) dst(%arg10 : memref<1x8192xf32, #tpu.memory_space<vmem>>)
      tpu.yield
    }) : () -> ()
    %parallel_loop3A_227 = arith.constant 0 : i32
    %parallel_loop3A_228 = arith.constant 8192 : i32
    %parallel_loop3A_229 = arith.constant 16 : i32
    scf.for %parallel_loop3A_314 = %parallel_loop3A_227 to %parallel_loop3A_228 step %parallel_loop3A_229  : i32 {
      %parallel_loop3A_315 = arith.constant 0 : i32
      %parallel_loop3A_316 = arith.index_cast %parallel_loop3A_315 : i32 to index
      %parallel_loop3A_317 = arith.index_cast %parallel_loop3A_314 : i32 to index
      %parallel_loop3A_318 = tpu.vector_load %arg10[%parallel_loop3A_316, %parallel_loop3A_317] {strides = array<i32>} : memref<1x8192xf32, #tpu.memory_space<vmem>>, vector<16xf32>,
      %parallel_loop3A_319 = arith.mulf %parallel_loop3A_318, %gather3A_220 : vector<16xf32>
      %parallel_loop3A_320 = arith.addf %parallel_loop3A_319, %gather3A_226 : vector<16xf32>
      %parallel_loop3A_321 = arith.constant 0 : i32
      %parallel_loop3A_322 = arith.index_cast %parallel_loop3A_321 : i32 to index
      %parallel_loop3A_323 = arith.index_cast %parallel_loop3A_314 : i32 to index
      %parallel_loop3A_324 = tpu.vector_load %arg10[%parallel_loop3A_322, %parallel_loop3A_323] {strides = array<i32>} : memref<1x8192xf32, #tpu.memory_space<vmem>>, vector<16xf32>,
      tpu.vector_store %arg10[%parallel_loop3A_322, %parallel_loop3A_323], %parallel_loop3A_320 {strides = array<i32>} : memref<1x8192xf32, #tpu.memory_space<vmem>>, vector<16xf32>,
    } {sc.loop_unroll_factor = 8 : i64, sc.parallel_access}
    %add3A_230 = arith.constant 288 : i32
    %add3A_231 = arith.addi %add3A_230, %add3A : i32
    "tpu.region"() ({
      %run_scoped3A = tpu.sem_alloc : memref<!tpu.dma_semaphore, #tpu.memory_space<semaphore_mem>>
      %dma_start3A = arith.constant 0 : i32
      %dma_start3A_314 = tpu.memref_slice %arg7[%add3A_231, %dma_start3A] : memref<1248x16384xf32, #tpu.memory_space<hbm>> -> memref<1x8192xf32, #tpu.memory_space<hbm>>
      %dma_start3A_315 = arith.constant 0 : i32
      %dma_start3A_316 = tpu.memref_slice %arg7[%add3A_231, %dma_start3A_315] : memref<1248x16384xf32, #tpu.memory_space<hbm>> -> memref<1x8192xf32, #tpu.memory_space<hbm>>
      tpu.enqueue_dma source(%arg10 : memref<1x8192xf32, #tpu.memory_space<vmem>>) target(%dma_start3A_316 : memref<1x8192xf32, #tpu.memory_space<hbm>>) target_semaphore(%run_scoped3A : memref<!tpu.dma_semaphore, #tpu.memory_space<semaphore_mem>>)
      %dma_wait3A = arith.constant 0 : i32
      %dma_wait3A_317 = tpu.memref_slice %arg7[%add3A_231, %dma_wait3A] : memref<1248x16384xf32, #tpu.memory_space<hbm>> -> memref<1x8192xf32, #tpu.memory_space<hbm>>
      %dma_wait3A_318 = arith.constant 0 : i32
      %dma_wait3A_319 = tpu.memref_slice %arg7[%add3A_231, %dma_wait3A_318] : memref<1248x16384xf32, #tpu.memory_space<hbm>> -> memref<1x8192xf32, #tpu.memory_space<hbm>>
      tpu.wait_dma2 semaphore(%run_scoped3A : memref<!tpu.dma_semaphore, #tpu.memory_space<semaphore_mem>>) src(%arg10 : memref<1x8192xf32, #tpu.memory_space<vmem>>) dst(%dma_wait3A_319 : memref<1x8192xf32, #tpu.memory_space<hbm>>)
      tpu.yield
    }) : () -> ()
    "tpu.region"() ({
      %run_scoped3A = tpu.sem_alloc : memref<!tpu.dma_semaphore, #tpu.memory_space<semaphore_mem>>
      %dma_start3A = arith.constant 9 : i32
      %dma_start3A_314 = arith.constant 8192 : i32
      %dma_start3A_315 = tpu.memref_slice %arg4[%dma_start3A, %dma_start3A_314] : memref<13x16384xf32, #tpu.memory_space<hbm>> -> memref<1x8192xf32, #tpu.memory_space<hbm>>
      %dma_start3A_316 = arith.constant 9 : i32
      %dma_start3A_317 = arith.constant 8192 : i32
      %dma_start3A_318 = tpu.memref_slice %arg4[%dma_start3A_316, %dma_start3A_317] : memref<13x16384xf32, #tpu.memory_space<hbm>> -> memref<1x8192xf32, #tpu.memory_space<hbm>>
      tpu.enqueue_dma source(%dma_start3A_318 : memref<1x8192xf32, #tpu.memory_space<hbm>>) target(%arg10 : memref<1x8192xf32, #tpu.memory_space<vmem>>) target_semaphore(%run_scoped3A : memref<!tpu.dma_semaphore, #tpu.memory_space<semaphore_mem>>)
      %dma_wait3A = arith.constant 9 : i32
      %dma_wait3A_319 = arith.constant 8192 : i32
      %dma_wait3A_320 = tpu.memref_slice %arg4[%dma_wait3A, %dma_wait3A_319] : memref<13x16384xf32, #tpu.memory_space<hbm>> -> memref<1x8192xf32, #tpu.memory_space<hbm>>
      %dma_wait3A_321 = arith.constant 9 : i32
      %dma_wait3A_322 = arith.constant 8192 : i32
      %dma_wait3A_323 = tpu.memref_slice %arg4[%dma_wait3A_321, %dma_wait3A_322] : memref<13x16384xf32, #tpu.memory_space<hbm>> -> memref<1x8192xf32, #tpu.memory_space<hbm>>
      tpu.wait_dma2 semaphore(%run_scoped3A : memref<!tpu.dma_semaphore, #tpu.memory_space<semaphore_mem>>) src(%dma_wait3A_323 : memref<1x8192xf32, #tpu.memory_space<hbm>>) dst(%arg10 : memref<1x8192xf32, #tpu.memory_space<vmem>>)
      tpu.yield
    }) : () -> ()
    %parallel_loop3A_232 = arith.constant 0 : i32
    %parallel_loop3A_233 = arith.constant 8192 : i32
    %parallel_loop3A_234 = arith.constant 16 : i32
    scf.for %parallel_loop3A_314 = %parallel_loop3A_232 to %parallel_loop3A_233 step %parallel_loop3A_234  : i32 {
      %parallel_loop3A_315 = arith.constant 0 : i32
      %parallel_loop3A_316 = arith.index_cast %parallel_loop3A_315 : i32 to index
      %parallel_loop3A_317 = arith.index_cast %parallel_loop3A_314 : i32 to index
      %parallel_loop3A_318 = tpu.vector_load %arg10[%parallel_loop3A_316, %parallel_loop3A_317] {strides = array<i32>} : memref<1x8192xf32, #tpu.memory_space<vmem>>, vector<16xf32>,
      %parallel_loop3A_319 = arith.mulf %parallel_loop3A_318, %gather3A_220 : vector<16xf32>
      %parallel_loop3A_320 = arith.addf %parallel_loop3A_319, %gather3A_226 : vector<16xf32>
      %parallel_loop3A_321 = arith.constant 0 : i32
      %parallel_loop3A_322 = arith.index_cast %parallel_loop3A_321 : i32 to index
      %parallel_loop3A_323 = arith.index_cast %parallel_loop3A_314 : i32 to index
      %parallel_loop3A_324 = tpu.vector_load %arg10[%parallel_loop3A_322, %parallel_loop3A_323] {strides = array<i32>} : memref<1x8192xf32, #tpu.memory_space<vmem>>, vector<16xf32>,
      tpu.vector_store %arg10[%parallel_loop3A_322, %parallel_loop3A_323], %parallel_loop3A_320 {strides = array<i32>} : memref<1x8192xf32, #tpu.memory_space<vmem>>, vector<16xf32>,
    } {sc.loop_unroll_factor = 8 : i64, sc.parallel_access}
    %add3A_235 = arith.constant 288 : i32
    %add3A_236 = arith.addi %add3A_235, %add3A : i32
    "tpu.region"() ({
      %run_scoped3A = tpu.sem_alloc : memref<!tpu.dma_semaphore, #tpu.memory_space<semaphore_mem>>
      %dma_start3A = arith.constant 8192 : i32
      %dma_start3A_314 = tpu.memref_slice %arg7[%add3A_236, %dma_start3A] : memref<1248x16384xf32, #tpu.memory_space<hbm>> -> memref<1x8192xf32, #tpu.memory_space<hbm>>
      %dma_start3A_315 = arith.constant 8192 : i32
      %dma_start3A_316 = tpu.memref_slice %arg7[%add3A_236, %dma_start3A_315] : memref<1248x16384xf32, #tpu.memory_space<hbm>> -> memref<1x8192xf32, #tpu.memory_space<hbm>>
      tpu.enqueue_dma source(%arg10 : memref<1x8192xf32, #tpu.memory_space<vmem>>) target(%dma_start3A_316 : memref<1x8192xf32, #tpu.memory_space<hbm>>) target_semaphore(%run_scoped3A : memref<!tpu.dma_semaphore, #tpu.memory_space<semaphore_mem>>)
      %dma_wait3A = arith.constant 8192 : i32
      %dma_wait3A_317 = tpu.memref_slice %arg7[%add3A_236, %dma_wait3A] : memref<1248x16384xf32, #tpu.memory_space<hbm>> -> memref<1x8192xf32, #tpu.memory_space<hbm>>
      %dma_wait3A_318 = arith.constant 8192 : i32
      %dma_wait3A_319 = tpu.memref_slice %arg7[%add3A_236, %dma_wait3A_318] : memref<1248x16384xf32, #tpu.memory_space<hbm>> -> memref<1x8192xf32, #tpu.memory_space<hbm>>
      tpu.wait_dma2 semaphore(%run_scoped3A : memref<!tpu.dma_semaphore, #tpu.memory_space<semaphore_mem>>) src(%arg10 : memref<1x8192xf32, #tpu.memory_space<vmem>>) dst(%dma_wait3A_319 : memref<1x8192xf32, #tpu.memory_space<hbm>>)
      tpu.yield
    }) : () -> ()
    %broadcast_in_dim3A_237 = arith.constant 10 : i32
    %broadcast_in_dim3A_238 = vector.broadcast %broadcast_in_dim3A_237 : i32 to vector<16x1xi32>
    %get3A_239 = arith.constant 0 : i32
    %get3A_240 = arith.index_cast %get3A_239 : i32 to index
    %get3A_241 = arith.constant 0 : index
    %get3A_242 = tpu.vector_load %arg11[%get3A_240, %get3A_241] {strides = array<i32>} : memref<1x16xf32, #tpu.memory_space<vmem>>, vector<16xf32>,
    %gather3A_243 = vector.shape_cast %broadcast_in_dim3A_238 : vector<16x1xi32> to vector<16xi32>
    %gather3A_244 = tpu.dynamic_gather %get3A_242[%gather3A_243] in [0] : vector<16xf32>, vector<16xi32> -> vector<16xf32>
    %get3A_245 = arith.constant 0 : i32
    %get3A_246 = arith.index_cast %get3A_245 : i32 to index
    %get3A_247 = arith.constant 0 : index
    %get3A_248 = tpu.vector_load %arg12[%get3A_246, %get3A_247] {strides = array<i32>} : memref<1x16xf32, #tpu.memory_space<vmem>>, vector<16xf32>,
    %gather3A_249 = vector.shape_cast %broadcast_in_dim3A_238 : vector<16x1xi32> to vector<16xi32>
    %gather3A_250 = tpu.dynamic_gather %get3A_248[%gather3A_249] in [0] : vector<16xf32>, vector<16xi32> -> vector<16xf32>
    "tpu.region"() ({
      %run_scoped3A = tpu.sem_alloc : memref<!tpu.dma_semaphore, #tpu.memory_space<semaphore_mem>>
      %dma_start3A = arith.constant 10 : i32
      %dma_start3A_314 = arith.constant 0 : i32
      %dma_start3A_315 = tpu.memref_slice %arg4[%dma_start3A, %dma_start3A_314] : memref<13x16384xf32, #tpu.memory_space<hbm>> -> memref<1x8192xf32, #tpu.memory_space<hbm>>
      %dma_start3A_316 = arith.constant 10 : i32
      %dma_start3A_317 = arith.constant 0 : i32
      %dma_start3A_318 = tpu.memref_slice %arg4[%dma_start3A_316, %dma_start3A_317] : memref<13x16384xf32, #tpu.memory_space<hbm>> -> memref<1x8192xf32, #tpu.memory_space<hbm>>
      tpu.enqueue_dma source(%dma_start3A_318 : memref<1x8192xf32, #tpu.memory_space<hbm>>) target(%arg10 : memref<1x8192xf32, #tpu.memory_space<vmem>>) target_semaphore(%run_scoped3A : memref<!tpu.dma_semaphore, #tpu.memory_space<semaphore_mem>>)
      %dma_wait3A = arith.constant 10 : i32
      %dma_wait3A_319 = arith.constant 0 : i32
      %dma_wait3A_320 = tpu.memref_slice %arg4[%dma_wait3A, %dma_wait3A_319] : memref<13x16384xf32, #tpu.memory_space<hbm>> -> memref<1x8192xf32, #tpu.memory_space<hbm>>
      %dma_wait3A_321 = arith.constant 10 : i32
      %dma_wait3A_322 = arith.constant 0 : i32
      %dma_wait3A_323 = tpu.memref_slice %arg4[%dma_wait3A_321, %dma_wait3A_322] : memref<13x16384xf32, #tpu.memory_space<hbm>> -> memref<1x8192xf32, #tpu.memory_space<hbm>>
      tpu.wait_dma2 semaphore(%run_scoped3A : memref<!tpu.dma_semaphore, #tpu.memory_space<semaphore_mem>>) src(%dma_wait3A_323 : memref<1x8192xf32, #tpu.memory_space<hbm>>) dst(%arg10 : memref<1x8192xf32, #tpu.memory_space<vmem>>)
      tpu.yield
    }) : () -> ()
    %parallel_loop3A_251 = arith.constant 0 : i32
    %parallel_loop3A_252 = arith.constant 8192 : i32
    %parallel_loop3A_253 = arith.constant 16 : i32
    scf.for %parallel_loop3A_314 = %parallel_loop3A_251 to %parallel_loop3A_252 step %parallel_loop3A_253  : i32 {
      %parallel_loop3A_315 = arith.constant 0 : i32
      %parallel_loop3A_316 = arith.index_cast %parallel_loop3A_315 : i32 to index
      %parallel_loop3A_317 = arith.index_cast %parallel_loop3A_314 : i32 to index
      %parallel_loop3A_318 = tpu.vector_load %arg10[%parallel_loop3A_316, %parallel_loop3A_317] {strides = array<i32>} : memref<1x8192xf32, #tpu.memory_space<vmem>>, vector<16xf32>,
      %parallel_loop3A_319 = arith.mulf %parallel_loop3A_318, %gather3A_244 : vector<16xf32>
      %parallel_loop3A_320 = arith.addf %parallel_loop3A_319, %gather3A_250 : vector<16xf32>
      %parallel_loop3A_321 = arith.constant 0 : i32
      %parallel_loop3A_322 = arith.index_cast %parallel_loop3A_321 : i32 to index
      %parallel_loop3A_323 = arith.index_cast %parallel_loop3A_314 : i32 to index
      %parallel_loop3A_324 = tpu.vector_load %arg10[%parallel_loop3A_322, %parallel_loop3A_323] {strides = array<i32>} : memref<1x8192xf32, #tpu.memory_space<vmem>>, vector<16xf32>,
      tpu.vector_store %arg10[%parallel_loop3A_322, %parallel_loop3A_323], %parallel_loop3A_320 {strides = array<i32>} : memref<1x8192xf32, #tpu.memory_space<vmem>>, vector<16xf32>,
    } {sc.loop_unroll_factor = 8 : i64, sc.parallel_access}
    %add3A_254 = arith.constant 320 : i32
    %add3A_255 = arith.addi %add3A_254, %add3A : i32
    "tpu.region"() ({
      %run_scoped3A = tpu.sem_alloc : memref<!tpu.dma_semaphore, #tpu.memory_space<semaphore_mem>>
      %dma_start3A = arith.constant 0 : i32
      %dma_start3A_314 = tpu.memref_slice %arg7[%add3A_255, %dma_start3A] : memref<1248x16384xf32, #tpu.memory_space<hbm>> -> memref<1x8192xf32, #tpu.memory_space<hbm>>
      %dma_start3A_315 = arith.constant 0 : i32
      %dma_start3A_316 = tpu.memref_slice %arg7[%add3A_255, %dma_start3A_315] : memref<1248x16384xf32, #tpu.memory_space<hbm>> -> memref<1x8192xf32, #tpu.memory_space<hbm>>
      tpu.enqueue_dma source(%arg10 : memref<1x8192xf32, #tpu.memory_space<vmem>>) target(%dma_start3A_316 : memref<1x8192xf32, #tpu.memory_space<hbm>>) target_semaphore(%run_scoped3A : memref<!tpu.dma_semaphore, #tpu.memory_space<semaphore_mem>>)
      %dma_wait3A = arith.constant 0 : i32
      %dma_wait3A_317 = tpu.memref_slice %arg7[%add3A_255, %dma_wait3A] : memref<1248x16384xf32, #tpu.memory_space<hbm>> -> memref<1x8192xf32, #tpu.memory_space<hbm>>
      %dma_wait3A_318 = arith.constant 0 : i32
      %dma_wait3A_319 = tpu.memref_slice %arg7[%add3A_255, %dma_wait3A_318] : memref<1248x16384xf32, #tpu.memory_space<hbm>> -> memref<1x8192xf32, #tpu.memory_space<hbm>>
      tpu.wait_dma2 semaphore(%run_scoped3A : memref<!tpu.dma_semaphore, #tpu.memory_space<semaphore_mem>>) src(%arg10 : memref<1x8192xf32, #tpu.memory_space<vmem>>) dst(%dma_wait3A_319 : memref<1x8192xf32, #tpu.memory_space<hbm>>)
      tpu.yield
    }) : () -> ()
    "tpu.region"() ({
      %run_scoped3A = tpu.sem_alloc : memref<!tpu.dma_semaphore, #tpu.memory_space<semaphore_mem>>
      %dma_start3A = arith.constant 10 : i32
      %dma_start3A_314 = arith.constant 8192 : i32
      %dma_start3A_315 = tpu.memref_slice %arg4[%dma_start3A, %dma_start3A_314] : memref<13x16384xf32, #tpu.memory_space<hbm>> -> memref<1x8192xf32, #tpu.memory_space<hbm>>
      %dma_start3A_316 = arith.constant 10 : i32
      %dma_start3A_317 = arith.constant 8192 : i32
      %dma_start3A_318 = tpu.memref_slice %arg4[%dma_start3A_316, %dma_start3A_317] : memref<13x16384xf32, #tpu.memory_space<hbm>> -> memref<1x8192xf32, #tpu.memory_space<hbm>>
      tpu.enqueue_dma source(%dma_start3A_318 : memref<1x8192xf32, #tpu.memory_space<hbm>>) target(%arg10 : memref<1x8192xf32, #tpu.memory_space<vmem>>) target_semaphore(%run_scoped3A : memref<!tpu.dma_semaphore, #tpu.memory_space<semaphore_mem>>)
      %dma_wait3A = arith.constant 10 : i32
      %dma_wait3A_319 = arith.constant 8192 : i32
      %dma_wait3A_320 = tpu.memref_slice %arg4[%dma_wait3A, %dma_wait3A_319] : memref<13x16384xf32, #tpu.memory_space<hbm>> -> memref<1x8192xf32, #tpu.memory_space<hbm>>
      %dma_wait3A_321 = arith.constant 10 : i32
      %dma_wait3A_322 = arith.constant 8192 : i32
      %dma_wait3A_323 = tpu.memref_slice %arg4[%dma_wait3A_321, %dma_wait3A_322] : memref<13x16384xf32, #tpu.memory_space<hbm>> -> memref<1x8192xf32, #tpu.memory_space<hbm>>
      tpu.wait_dma2 semaphore(%run_scoped3A : memref<!tpu.dma_semaphore, #tpu.memory_space<semaphore_mem>>) src(%dma_wait3A_323 : memref<1x8192xf32, #tpu.memory_space<hbm>>) dst(%arg10 : memref<1x8192xf32, #tpu.memory_space<vmem>>)
      tpu.yield
    }) : () -> ()
    %parallel_loop3A_256 = arith.constant 0 : i32
    %parallel_loop3A_257 = arith.constant 8192 : i32
    %parallel_loop3A_258 = arith.constant 16 : i32
    scf.for %parallel_loop3A_314 = %parallel_loop3A_256 to %parallel_loop3A_257 step %parallel_loop3A_258  : i32 {
      %parallel_loop3A_315 = arith.constant 0 : i32
      %parallel_loop3A_316 = arith.index_cast %parallel_loop3A_315 : i32 to index
      %parallel_loop3A_317 = arith.index_cast %parallel_loop3A_314 : i32 to index
      %parallel_loop3A_318 = tpu.vector_load %arg10[%parallel_loop3A_316, %parallel_loop3A_317] {strides = array<i32>} : memref<1x8192xf32, #tpu.memory_space<vmem>>, vector<16xf32>,
      %parallel_loop3A_319 = arith.mulf %parallel_loop3A_318, %gather3A_244 : vector<16xf32>
      %parallel_loop3A_320 = arith.addf %parallel_loop3A_319, %gather3A_250 : vector<16xf32>
      %parallel_loop3A_321 = arith.constant 0 : i32
      %parallel_loop3A_322 = arith.index_cast %parallel_loop3A_321 : i32 to index
      %parallel_loop3A_323 = arith.index_cast %parallel_loop3A_314 : i32 to index
      %parallel_loop3A_324 = tpu.vector_load %arg10[%parallel_loop3A_322, %parallel_loop3A_323] {strides = array<i32>} : memref<1x8192xf32, #tpu.memory_space<vmem>>, vector<16xf32>,
      tpu.vector_store %arg10[%parallel_loop3A_322, %parallel_loop3A_323], %parallel_loop3A_320 {strides = array<i32>} : memref<1x8192xf32, #tpu.memory_space<vmem>>, vector<16xf32>,
    } {sc.loop_unroll_factor = 8 : i64, sc.parallel_access}
    %add3A_259 = arith.constant 320 : i32
    %add3A_260 = arith.addi %add3A_259, %add3A : i32
    "tpu.region"() ({
      %run_scoped3A = tpu.sem_alloc : memref<!tpu.dma_semaphore, #tpu.memory_space<semaphore_mem>>
      %dma_start3A = arith.constant 8192 : i32
      %dma_start3A_314 = tpu.memref_slice %arg7[%add3A_260, %dma_start3A] : memref<1248x16384xf32, #tpu.memory_space<hbm>> -> memref<1x8192xf32, #tpu.memory_space<hbm>>
      %dma_start3A_315 = arith.constant 8192 : i32
      %dma_start3A_316 = tpu.memref_slice %arg7[%add3A_260, %dma_start3A_315] : memref<1248x16384xf32, #tpu.memory_space<hbm>> -> memref<1x8192xf32, #tpu.memory_space<hbm>>
      tpu.enqueue_dma source(%arg10 : memref<1x8192xf32, #tpu.memory_space<vmem>>) target(%dma_start3A_316 : memref<1x8192xf32, #tpu.memory_space<hbm>>) target_semaphore(%run_scoped3A : memref<!tpu.dma_semaphore, #tpu.memory_space<semaphore_mem>>)
      %dma_wait3A = arith.constant 8192 : i32
      %dma_wait3A_317 = tpu.memref_slice %arg7[%add3A_260, %dma_wait3A] : memref<1248x16384xf32, #tpu.memory_space<hbm>> -> memref<1x8192xf32, #tpu.memory_space<hbm>>
      %dma_wait3A_318 = arith.constant 8192 : i32
      %dma_wait3A_319 = tpu.memref_slice %arg7[%add3A_260, %dma_wait3A_318] : memref<1248x16384xf32, #tpu.memory_space<hbm>> -> memref<1x8192xf32, #tpu.memory_space<hbm>>
      tpu.wait_dma2 semaphore(%run_scoped3A : memref<!tpu.dma_semaphore, #tpu.memory_space<semaphore_mem>>) src(%arg10 : memref<1x8192xf32, #tpu.memory_space<vmem>>) dst(%dma_wait3A_319 : memref<1x8192xf32, #tpu.memory_space<hbm>>)
      tpu.yield
    }) : () -> ()
    %broadcast_in_dim3A_261 = arith.constant 11 : i32
    %broadcast_in_dim3A_262 = vector.broadcast %broadcast_in_dim3A_261 : i32 to vector<16x1xi32>
    %get3A_263 = arith.constant 0 : i32
    %get3A_264 = arith.index_cast %get3A_263 : i32 to index
    %get3A_265 = arith.constant 0 : index
    %get3A_266 = tpu.vector_load %arg11[%get3A_264, %get3A_265] {strides = array<i32>} : memref<1x16xf32, #tpu.memory_space<vmem>>, vector<16xf32>,
    %gather3A_267 = vector.shape_cast %broadcast_in_dim3A_262 : vector<16x1xi32> to vector<16xi32>
    %gather3A_268 = tpu.dynamic_gather %get3A_266[%gather3A_267] in [0] : vector<16xf32>, vector<16xi32> -> vector<16xf32>
    %get3A_269 = arith.constant 0 : i32
    %get3A_270 = arith.index_cast %get3A_269 : i32 to index
    %get3A_271 = arith.constant 0 : index
    %get3A_272 = tpu.vector_load %arg12[%get3A_270, %get3A_271] {strides = array<i32>} : memref<1x16xf32, #tpu.memory_space<vmem>>, vector<16xf32>,
    %gather3A_273 = vector.shape_cast %broadcast_in_dim3A_262 : vector<16x1xi32> to vector<16xi32>
    %gather3A_274 = tpu.dynamic_gather %get3A_272[%gather3A_273] in [0] : vector<16xf32>, vector<16xi32> -> vector<16xf32>
    "tpu.region"() ({
      %run_scoped3A = tpu.sem_alloc : memref<!tpu.dma_semaphore, #tpu.memory_space<semaphore_mem>>
      %dma_start3A = arith.constant 11 : i32
      %dma_start3A_314 = arith.constant 0 : i32
      %dma_start3A_315 = tpu.memref_slice %arg4[%dma_start3A, %dma_start3A_314] : memref<13x16384xf32, #tpu.memory_space<hbm>> -> memref<1x8192xf32, #tpu.memory_space<hbm>>
      %dma_start3A_316 = arith.constant 11 : i32
      %dma_start3A_317 = arith.constant 0 : i32
      %dma_start3A_318 = tpu.memref_slice %arg4[%dma_start3A_316, %dma_start3A_317] : memref<13x16384xf32, #tpu.memory_space<hbm>> -> memref<1x8192xf32, #tpu.memory_space<hbm>>
      tpu.enqueue_dma source(%dma_start3A_318 : memref<1x8192xf32, #tpu.memory_space<hbm>>) target(%arg10 : memref<1x8192xf32, #tpu.memory_space<vmem>>) target_semaphore(%run_scoped3A : memref<!tpu.dma_semaphore, #tpu.memory_space<semaphore_mem>>)
      %dma_wait3A = arith.constant 11 : i32
      %dma_wait3A_319 = arith.constant 0 : i32
      %dma_wait3A_320 = tpu.memref_slice %arg4[%dma_wait3A, %dma_wait3A_319] : memref<13x16384xf32, #tpu.memory_space<hbm>> -> memref<1x8192xf32, #tpu.memory_space<hbm>>
      %dma_wait3A_321 = arith.constant 11 : i32
      %dma_wait3A_322 = arith.constant 0 : i32
      %dma_wait3A_323 = tpu.memref_slice %arg4[%dma_wait3A_321, %dma_wait3A_322] : memref<13x16384xf32, #tpu.memory_space<hbm>> -> memref<1x8192xf32, #tpu.memory_space<hbm>>
      tpu.wait_dma2 semaphore(%run_scoped3A : memref<!tpu.dma_semaphore, #tpu.memory_space<semaphore_mem>>) src(%dma_wait3A_323 : memref<1x8192xf32, #tpu.memory_space<hbm>>) dst(%arg10 : memref<1x8192xf32, #tpu.memory_space<vmem>>)
      tpu.yield
    }) : () -> ()
    %parallel_loop3A_275 = arith.constant 0 : i32
    %parallel_loop3A_276 = arith.constant 8192 : i32
    %parallel_loop3A_277 = arith.constant 16 : i32
    scf.for %parallel_loop3A_314 = %parallel_loop3A_275 to %parallel_loop3A_276 step %parallel_loop3A_277  : i32 {
      %parallel_loop3A_315 = arith.constant 0 : i32
      %parallel_loop3A_316 = arith.index_cast %parallel_loop3A_315 : i32 to index
      %parallel_loop3A_317 = arith.index_cast %parallel_loop3A_314 : i32 to index
      %parallel_loop3A_318 = tpu.vector_load %arg10[%parallel_loop3A_316, %parallel_loop3A_317] {strides = array<i32>} : memref<1x8192xf32, #tpu.memory_space<vmem>>, vector<16xf32>,
      %parallel_loop3A_319 = arith.mulf %parallel_loop3A_318, %gather3A_268 : vector<16xf32>
      %parallel_loop3A_320 = arith.addf %parallel_loop3A_319, %gather3A_274 : vector<16xf32>
      %parallel_loop3A_321 = arith.constant 0 : i32
      %parallel_loop3A_322 = arith.index_cast %parallel_loop3A_321 : i32 to index
      %parallel_loop3A_323 = arith.index_cast %parallel_loop3A_314 : i32 to index
      %parallel_loop3A_324 = tpu.vector_load %arg10[%parallel_loop3A_322, %parallel_loop3A_323] {strides = array<i32>} : memref<1x8192xf32, #tpu.memory_space<vmem>>, vector<16xf32>,
      tpu.vector_store %arg10[%parallel_loop3A_322, %parallel_loop3A_323], %parallel_loop3A_320 {strides = array<i32>} : memref<1x8192xf32, #tpu.memory_space<vmem>>, vector<16xf32>,
    } {sc.loop_unroll_factor = 8 : i64, sc.parallel_access}
    %add3A_278 = arith.constant 352 : i32
    %add3A_279 = arith.addi %add3A_278, %add3A : i32
    "tpu.region"() ({
      %run_scoped3A = tpu.sem_alloc : memref<!tpu.dma_semaphore, #tpu.memory_space<semaphore_mem>>
      %dma_start3A = arith.constant 0 : i32
      %dma_start3A_314 = tpu.memref_slice %arg7[%add3A_279, %dma_start3A] : memref<1248x16384xf32, #tpu.memory_space<hbm>> -> memref<1x8192xf32, #tpu.memory_space<hbm>>
      %dma_start3A_315 = arith.constant 0 : i32
      %dma_start3A_316 = tpu.memref_slice %arg7[%add3A_279, %dma_start3A_315] : memref<1248x16384xf32, #tpu.memory_space<hbm>> -> memref<1x8192xf32, #tpu.memory_space<hbm>>
      tpu.enqueue_dma source(%arg10 : memref<1x8192xf32, #tpu.memory_space<vmem>>) target(%dma_start3A_316 : memref<1x8192xf32, #tpu.memory_space<hbm>>) target_semaphore(%run_scoped3A : memref<!tpu.dma_semaphore, #tpu.memory_space<semaphore_mem>>)
      %dma_wait3A = arith.constant 0 : i32
      %dma_wait3A_317 = tpu.memref_slice %arg7[%add3A_279, %dma_wait3A] : memref<1248x16384xf32, #tpu.memory_space<hbm>> -> memref<1x8192xf32, #tpu.memory_space<hbm>>
      %dma_wait3A_318 = arith.constant 0 : i32
      %dma_wait3A_319 = tpu.memref_slice %arg7[%add3A_279, %dma_wait3A_318] : memref<1248x16384xf32, #tpu.memory_space<hbm>> -> memref<1x8192xf32, #tpu.memory_space<hbm>>
      tpu.wait_dma2 semaphore(%run_scoped3A : memref<!tpu.dma_semaphore, #tpu.memory_space<semaphore_mem>>) src(%arg10 : memref<1x8192xf32, #tpu.memory_space<vmem>>) dst(%dma_wait3A_319 : memref<1x8192xf32, #tpu.memory_space<hbm>>)
      tpu.yield
    }) : () -> ()
    "tpu.region"() ({
      %run_scoped3A = tpu.sem_alloc : memref<!tpu.dma_semaphore, #tpu.memory_space<semaphore_mem>>
      %dma_start3A = arith.constant 11 : i32
      %dma_start3A_314 = arith.constant 8192 : i32
      %dma_start3A_315 = tpu.memref_slice %arg4[%dma_start3A, %dma_start3A_314] : memref<13x16384xf32, #tpu.memory_space<hbm>> -> memref<1x8192xf32, #tpu.memory_space<hbm>>
      %dma_start3A_316 = arith.constant 11 : i32
      %dma_start3A_317 = arith.constant 8192 : i32
      %dma_start3A_318 = tpu.memref_slice %arg4[%dma_start3A_316, %dma_start3A_317] : memref<13x16384xf32, #tpu.memory_space<hbm>> -> memref<1x8192xf32, #tpu.memory_space<hbm>>
      tpu.enqueue_dma source(%dma_start3A_318 : memref<1x8192xf32, #tpu.memory_space<hbm>>) target(%arg10 : memref<1x8192xf32, #tpu.memory_space<vmem>>) target_semaphore(%run_scoped3A : memref<!tpu.dma_semaphore, #tpu.memory_space<semaphore_mem>>)
      %dma_wait3A = arith.constant 11 : i32
      %dma_wait3A_319 = arith.constant 8192 : i32
      %dma_wait3A_320 = tpu.memref_slice %arg4[%dma_wait3A, %dma_wait3A_319] : memref<13x16384xf32, #tpu.memory_space<hbm>> -> memref<1x8192xf32, #tpu.memory_space<hbm>>
      %dma_wait3A_321 = arith.constant 11 : i32
      %dma_wait3A_322 = arith.constant 8192 : i32
      %dma_wait3A_323 = tpu.memref_slice %arg4[%dma_wait3A_321, %dma_wait3A_322] : memref<13x16384xf32, #tpu.memory_space<hbm>> -> memref<1x8192xf32, #tpu.memory_space<hbm>>
      tpu.wait_dma2 semaphore(%run_scoped3A : memref<!tpu.dma_semaphore, #tpu.memory_space<semaphore_mem>>) src(%dma_wait3A_323 : memref<1x8192xf32, #tpu.memory_space<hbm>>) dst(%arg10 : memref<1x8192xf32, #tpu.memory_space<vmem>>)
      tpu.yield
    }) : () -> ()
    %parallel_loop3A_280 = arith.constant 0 : i32
    %parallel_loop3A_281 = arith.constant 8192 : i32
    %parallel_loop3A_282 = arith.constant 16 : i32
    scf.for %parallel_loop3A_314 = %parallel_loop3A_280 to %parallel_loop3A_281 step %parallel_loop3A_282  : i32 {
      %parallel_loop3A_315 = arith.constant 0 : i32
      %parallel_loop3A_316 = arith.index_cast %parallel_loop3A_315 : i32 to index
      %parallel_loop3A_317 = arith.index_cast %parallel_loop3A_314 : i32 to index
      %parallel_loop3A_318 = tpu.vector_load %arg10[%parallel_loop3A_316, %parallel_loop3A_317] {strides = array<i32>} : memref<1x8192xf32, #tpu.memory_space<vmem>>, vector<16xf32>,
      %parallel_loop3A_319 = arith.mulf %parallel_loop3A_318, %gather3A_268 : vector<16xf32>
      %parallel_loop3A_320 = arith.addf %parallel_loop3A_319, %gather3A_274 : vector<16xf32>
      %parallel_loop3A_321 = arith.constant 0 : i32
      %parallel_loop3A_322 = arith.index_cast %parallel_loop3A_321 : i32 to index
      %parallel_loop3A_323 = arith.index_cast %parallel_loop3A_314 : i32 to index
      %parallel_loop3A_324 = tpu.vector_load %arg10[%parallel_loop3A_322, %parallel_loop3A_323] {strides = array<i32>} : memref<1x8192xf32, #tpu.memory_space<vmem>>, vector<16xf32>,
      tpu.vector_store %arg10[%parallel_loop3A_322, %parallel_loop3A_323], %parallel_loop3A_320 {strides = array<i32>} : memref<1x8192xf32, #tpu.memory_space<vmem>>, vector<16xf32>,
    } {sc.loop_unroll_factor = 8 : i64, sc.parallel_access}
    %add3A_283 = arith.constant 352 : i32
    %add3A_284 = arith.addi %add3A_283, %add3A : i32
    "tpu.region"() ({
      %run_scoped3A = tpu.sem_alloc : memref<!tpu.dma_semaphore, #tpu.memory_space<semaphore_mem>>
      %dma_start3A = arith.constant 8192 : i32
      %dma_start3A_314 = tpu.memref_slice %arg7[%add3A_284, %dma_start3A] : memref<1248x16384xf32, #tpu.memory_space<hbm>> -> memref<1x8192xf32, #tpu.memory_space<hbm>>
      %dma_start3A_315 = arith.constant 8192 : i32
      %dma_start3A_316 = tpu.memref_slice %arg7[%add3A_284, %dma_start3A_315] : memref<1248x16384xf32, #tpu.memory_space<hbm>> -> memref<1x8192xf32, #tpu.memory_space<hbm>>
      tpu.enqueue_dma source(%arg10 : memref<1x8192xf32, #tpu.memory_space<vmem>>) target(%dma_start3A_316 : memref<1x8192xf32, #tpu.memory_space<hbm>>) target_semaphore(%run_scoped3A : memref<!tpu.dma_semaphore, #tpu.memory_space<semaphore_mem>>)
      %dma_wait3A = arith.constant 8192 : i32
      %dma_wait3A_317 = tpu.memref_slice %arg7[%add3A_284, %dma_wait3A] : memref<1248x16384xf32, #tpu.memory_space<hbm>> -> memref<1x8192xf32, #tpu.memory_space<hbm>>
      %dma_wait3A_318 = arith.constant 8192 : i32
      %dma_wait3A_319 = tpu.memref_slice %arg7[%add3A_284, %dma_wait3A_318] : memref<1248x16384xf32, #tpu.memory_space<hbm>> -> memref<1x8192xf32, #tpu.memory_space<hbm>>
      tpu.wait_dma2 semaphore(%run_scoped3A : memref<!tpu.dma_semaphore, #tpu.memory_space<semaphore_mem>>) src(%arg10 : memref<1x8192xf32, #tpu.memory_space<vmem>>) dst(%dma_wait3A_319 : memref<1x8192xf32, #tpu.memory_space<hbm>>)
      tpu.yield
    }) : () -> ()
    %broadcast_in_dim3A_285 = arith.constant 12 : i32
    %broadcast_in_dim3A_286 = vector.broadcast %broadcast_in_dim3A_285 : i32 to vector<16x1xi32>
    %get3A_287 = arith.constant 0 : i32
    %get3A_288 = arith.index_cast %get3A_287 : i32 to index
    %get3A_289 = arith.constant 0 : index
    %get3A_290 = tpu.vector_load %arg11[%get3A_288, %get3A_289] {strides = array<i32>} : memref<1x16xf32, #tpu.memory_space<vmem>>, vector<16xf32>,
    %gather3A_291 = vector.shape_cast %broadcast_in_dim3A_286 : vector<16x1xi32> to vector<16xi32>
    %gather3A_292 = tpu.dynamic_gather %get3A_290[%gather3A_291] in [0] : vector<16xf32>, vector<16xi32> -> vector<16xf32>
    %get3A_293 = arith.constant 0 : i32
    %get3A_294 = arith.index_cast %get3A_293 : i32 to index
    %get3A_295 = arith.constant 0 : index
    %get3A_296 = tpu.vector_load %arg12[%get3A_294, %get3A_295] {strides = array<i32>} : memref<1x16xf32, #tpu.memory_space<vmem>>, vector<16xf32>,
    %gather3A_297 = vector.shape_cast %broadcast_in_dim3A_286 : vector<16x1xi32> to vector<16xi32>
    %gather3A_298 = tpu.dynamic_gather %get3A_296[%gather3A_297] in [0] : vector<16xf32>, vector<16xi32> -> vector<16xf32>
    "tpu.region"() ({
      %run_scoped3A = tpu.sem_alloc : memref<!tpu.dma_semaphore, #tpu.memory_space<semaphore_mem>>
      %dma_start3A = arith.constant 12 : i32
      %dma_start3A_314 = arith.constant 0 : i32
      %dma_start3A_315 = tpu.memref_slice %arg4[%dma_start3A, %dma_start3A_314] : memref<13x16384xf32, #tpu.memory_space<hbm>> -> memref<1x8192xf32, #tpu.memory_space<hbm>>
      %dma_start3A_316 = arith.constant 12 : i32
      %dma_start3A_317 = arith.constant 0 : i32
      %dma_start3A_318 = tpu.memref_slice %arg4[%dma_start3A_316, %dma_start3A_317] : memref<13x16384xf32, #tpu.memory_space<hbm>> -> memref<1x8192xf32, #tpu.memory_space<hbm>>
      tpu.enqueue_dma source(%dma_start3A_318 : memref<1x8192xf32, #tpu.memory_space<hbm>>) target(%arg10 : memref<1x8192xf32, #tpu.memory_space<vmem>>) target_semaphore(%run_scoped3A : memref<!tpu.dma_semaphore, #tpu.memory_space<semaphore_mem>>)
      %dma_wait3A = arith.constant 12 : i32
      %dma_wait3A_319 = arith.constant 0 : i32
      %dma_wait3A_320 = tpu.memref_slice %arg4[%dma_wait3A, %dma_wait3A_319] : memref<13x16384xf32, #tpu.memory_space<hbm>> -> memref<1x8192xf32, #tpu.memory_space<hbm>>
      %dma_wait3A_321 = arith.constant 12 : i32
      %dma_wait3A_322 = arith.constant 0 : i32
      %dma_wait3A_323 = tpu.memref_slice %arg4[%dma_wait3A_321, %dma_wait3A_322] : memref<13x16384xf32, #tpu.memory_space<hbm>> -> memref<1x8192xf32, #tpu.memory_space<hbm>>
      tpu.wait_dma2 semaphore(%run_scoped3A : memref<!tpu.dma_semaphore, #tpu.memory_space<semaphore_mem>>) src(%dma_wait3A_323 : memref<1x8192xf32, #tpu.memory_space<hbm>>) dst(%arg10 : memref<1x8192xf32, #tpu.memory_space<vmem>>)
      tpu.yield
    }) : () -> ()
    %parallel_loop3A_299 = arith.constant 0 : i32
    %parallel_loop3A_300 = arith.constant 8192 : i32
    %parallel_loop3A_301 = arith.constant 16 : i32
    scf.for %parallel_loop3A_314 = %parallel_loop3A_299 to %parallel_loop3A_300 step %parallel_loop3A_301  : i32 {
      %parallel_loop3A_315 = arith.constant 0 : i32
      %parallel_loop3A_316 = arith.index_cast %parallel_loop3A_315 : i32 to index
      %parallel_loop3A_317 = arith.index_cast %parallel_loop3A_314 : i32 to index
      %parallel_loop3A_318 = tpu.vector_load %arg10[%parallel_loop3A_316, %parallel_loop3A_317] {strides = array<i32>} : memref<1x8192xf32, #tpu.memory_space<vmem>>, vector<16xf32>,
      %parallel_loop3A_319 = arith.mulf %parallel_loop3A_318, %gather3A_292 : vector<16xf32>
      %parallel_loop3A_320 = arith.addf %parallel_loop3A_319, %gather3A_298 : vector<16xf32>
      %parallel_loop3A_321 = arith.constant 0 : i32
      %parallel_loop3A_322 = arith.index_cast %parallel_loop3A_321 : i32 to index
      %parallel_loop3A_323 = arith.index_cast %parallel_loop3A_314 : i32 to index
      %parallel_loop3A_324 = tpu.vector_load %arg10[%parallel_loop3A_322, %parallel_loop3A_323] {strides = array<i32>} : memref<1x8192xf32, #tpu.memory_space<vmem>>, vector<16xf32>,
      tpu.vector_store %arg10[%parallel_loop3A_322, %parallel_loop3A_323], %parallel_loop3A_320 {strides = array<i32>} : memref<1x8192xf32, #tpu.memory_space<vmem>>, vector<16xf32>,
    } {sc.loop_unroll_factor = 8 : i64, sc.parallel_access}
    %add3A_302 = arith.constant 384 : i32
    %add3A_303 = arith.addi %add3A_302, %add3A : i32
    "tpu.region"() ({
      %run_scoped3A = tpu.sem_alloc : memref<!tpu.dma_semaphore, #tpu.memory_space<semaphore_mem>>
      %dma_start3A = arith.constant 0 : i32
      %dma_start3A_314 = tpu.memref_slice %arg7[%add3A_303, %dma_start3A] : memref<1248x16384xf32, #tpu.memory_space<hbm>> -> memref<1x8192xf32, #tpu.memory_space<hbm>>
      %dma_start3A_315 = arith.constant 0 : i32
      %dma_start3A_316 = tpu.memref_slice %arg7[%add3A_303, %dma_start3A_315] : memref<1248x16384xf32, #tpu.memory_space<hbm>> -> memref<1x8192xf32, #tpu.memory_space<hbm>>
      tpu.enqueue_dma source(%arg10 : memref<1x8192xf32, #tpu.memory_space<vmem>>) target(%dma_start3A_316 : memref<1x8192xf32, #tpu.memory_space<hbm>>) target_semaphore(%run_scoped3A : memref<!tpu.dma_semaphore, #tpu.memory_space<semaphore_mem>>)
      %dma_wait3A = arith.constant 0 : i32
      %dma_wait3A_317 = tpu.memref_slice %arg7[%add3A_303, %dma_wait3A] : memref<1248x16384xf32, #tpu.memory_space<hbm>> -> memref<1x8192xf32, #tpu.memory_space<hbm>>
      %dma_wait3A_318 = arith.constant 0 : i32
      %dma_wait3A_319 = tpu.memref_slice %arg7[%add3A_303, %dma_wait3A_318] : memref<1248x16384xf32, #tpu.memory_space<hbm>> -> memref<1x8192xf32, #tpu.memory_space<hbm>>
      tpu.wait_dma2 semaphore(%run_scoped3A : memref<!tpu.dma_semaphore, #tpu.memory_space<semaphore_mem>>) src(%arg10 : memref<1x8192xf32, #tpu.memory_space<vmem>>) dst(%dma_wait3A_319 : memref<1x8192xf32, #tpu.memory_space<hbm>>)
      tpu.yield
    }) : () -> ()
    "tpu.region"() ({
      %run_scoped3A = tpu.sem_alloc : memref<!tpu.dma_semaphore, #tpu.memory_space<semaphore_mem>>
      %dma_start3A = arith.constant 12 : i32
      %dma_start3A_314 = arith.constant 8192 : i32
      %dma_start3A_315 = tpu.memref_slice %arg4[%dma_start3A, %dma_start3A_314] : memref<13x16384xf32, #tpu.memory_space<hbm>> -> memref<1x8192xf32, #tpu.memory_space<hbm>>
      %dma_start3A_316 = arith.constant 12 : i32
      %dma_start3A_317 = arith.constant 8192 : i32
      %dma_start3A_318 = tpu.memref_slice %arg4[%dma_start3A_316, %dma_start3A_317] : memref<13x16384xf32, #tpu.memory_space<hbm>> -> memref<1x8192xf32, #tpu.memory_space<hbm>>
      tpu.enqueue_dma source(%dma_start3A_318 : memref<1x8192xf32, #tpu.memory_space<hbm>>) target(%arg10 : memref<1x8192xf32, #tpu.memory_space<vmem>>) target_semaphore(%run_scoped3A : memref<!tpu.dma_semaphore, #tpu.memory_space<semaphore_mem>>)
      %dma_wait3A = arith.constant 12 : i32
      %dma_wait3A_319 = arith.constant 8192 : i32
      %dma_wait3A_320 = tpu.memref_slice %arg4[%dma_wait3A, %dma_wait3A_319] : memref<13x16384xf32, #tpu.memory_space<hbm>> -> memref<1x8192xf32, #tpu.memory_space<hbm>>
      %dma_wait3A_321 = arith.constant 12 : i32
      %dma_wait3A_322 = arith.constant 8192 : i32
      %dma_wait3A_323 = tpu.memref_slice %arg4[%dma_wait3A_321, %dma_wait3A_322] : memref<13x16384xf32, #tpu.memory_space<hbm>> -> memref<1x8192xf32, #tpu.memory_space<hbm>>
      tpu.wait_dma2 semaphore(%run_scoped3A : memref<!tpu.dma_semaphore, #tpu.memory_space<semaphore_mem>>) src(%dma_wait3A_323 : memref<1x8192xf32, #tpu.memory_space<hbm>>) dst(%arg10 : memref<1x8192xf32, #tpu.memory_space<vmem>>)
      tpu.yield
    }) : () -> ()
    %parallel_loop3A_304 = arith.constant 0 : i32
    %parallel_loop3A_305 = arith.constant 8192 : i32
    %parallel_loop3A_306 = arith.constant 16 : i32
    scf.for %parallel_loop3A_314 = %parallel_loop3A_304 to %parallel_loop3A_305 step %parallel_loop3A_306  : i32 {
      %parallel_loop3A_315 = arith.constant 0 : i32
      %parallel_loop3A_316 = arith.index_cast %parallel_loop3A_315 : i32 to index
      %parallel_loop3A_317 = arith.index_cast %parallel_loop3A_314 : i32 to index
      %parallel_loop3A_318 = tpu.vector_load %arg10[%parallel_loop3A_316, %parallel_loop3A_317] {strides = array<i32>} : memref<1x8192xf32, #tpu.memory_space<vmem>>, vector<16xf32>,
      %parallel_loop3A_319 = arith.mulf %parallel_loop3A_318, %gather3A_292 : vector<16xf32>
      %parallel_loop3A_320 = arith.addf %parallel_loop3A_319, %gather3A_298 : vector<16xf32>
      %parallel_loop3A_321 = arith.constant 0 : i32
      %parallel_loop3A_322 = arith.index_cast %parallel_loop3A_321 : i32 to index
      %parallel_loop3A_323 = arith.index_cast %parallel_loop3A_314 : i32 to index
      %parallel_loop3A_324 = tpu.vector_load %arg10[%parallel_loop3A_322, %parallel_loop3A_323] {strides = array<i32>} : memref<1x8192xf32, #tpu.memory_space<vmem>>, vector<16xf32>,
      tpu.vector_store %arg10[%parallel_loop3A_322, %parallel_loop3A_323], %parallel_loop3A_320 {strides = array<i32>} : memref<1x8192xf32, #tpu.memory_space<vmem>>, vector<16xf32>,
    } {sc.loop_unroll_factor = 8 : i64, sc.parallel_access}
    %add3A_307 = arith.constant 384 : i32
    %add3A_308 = arith.addi %add3A_307, %add3A : i32
    "tpu.region"() ({
      %run_scoped3A = tpu.sem_alloc : memref<!tpu.dma_semaphore, #tpu.memory_space<semaphore_mem>>
      %dma_start3A = arith.constant 8192 : i32
      %dma_start3A_314 = tpu.memref_slice %arg7[%add3A_308, %dma_start3A] : memref<1248x16384xf32, #tpu.memory_space<hbm>> -> memref<1x8192xf32, #tpu.memory_space<hbm>>
      %dma_start3A_315 = arith.constant 8192 : i32
      %dma_start3A_316 = tpu.memref_slice %arg7[%add3A_308, %dma_start3A_315] : memref<1248x16384xf32, #tpu.memory_space<hbm>> -> memref<1x8192xf32, #tpu.memory_space<hbm>>
      tpu.enqueue_dma source(%arg10 : memref<1x8192xf32, #tpu.memory_space<vmem>>) target(%dma_start3A_316 : memref<1x8192xf32, #tpu.memory_space<hbm>>) target_semaphore(%run_scoped3A : memref<!tpu.dma_semaphore, #tpu.memory_space<semaphore_mem>>)
      %dma_wait3A = arith.constant 8192 : i32
      %dma_wait3A_317 = tpu.memref_slice %arg7[%add3A_308, %dma_wait3A] : memref<1248x16384xf32, #tpu.memory_space<hbm>> -> memref<1x8192xf32, #tpu.memory_space<hbm>>
      %dma_wait3A_318 = arith.constant 8192 : i32
      %dma_wait3A_319 = tpu.memref_slice %arg7[%add3A_308, %dma_wait3A_318] : memref<1248x16384xf32, #tpu.memory_space<hbm>> -> memref<1x8192xf32, #tpu.memory_space<hbm>>
      tpu.wait_dma2 semaphore(%run_scoped3A : memref<!tpu.dma_semaphore, #tpu.memory_space<semaphore_mem>>) src(%arg10 : memref<1x8192xf32, #tpu.memory_space<vmem>>) dst(%dma_wait3A_319 : memref<1x8192xf32, #tpu.memory_space<hbm>>)
      tpu.yield
    }) : () -> ()
    %scan3A = arith.constant 0 : i32
    %scan3A_309 = arith.constant 0 : i32
    %scan3A_310 = arith.constant 26 : i32
    %scan3A_311 = arith.addi %scan3A_309, %scan3A_310 : i32
    %scan3A_312 = arith.constant 1 : i32
    scf.for %scan3A_314 = %scan3A_309 to %scan3A_311 step %scan3A_312  : i32 {
      "tpu.region"() ({
        %run_scoped3A = tpu.sem_alloc : memref<!tpu.dma_semaphore, #tpu.memory_space<semaphore_mem>>
        %dma_start3A = arith.constant 0 : i32
        %dma_start3A_331 = tpu.memref_slice %arg2[%scan3A_314, %add3A, %dma_start3A] : memref<26x32x100000xf32, #tpu.memory_space<hbm>> -> memref<1x1x100000xf32, #tpu.memory_space<hbm>>
        %dma_start3A_332 = tpu.memref_squeeze %dma_start3A_331 : memref<1x1x100000xf32, #tpu.memory_space<hbm>> -> memref<1x100000xf32, #tpu.memory_space<hbm>>
        %dma_start3A_333 = arith.constant 0 : i32
        %dma_start3A_334 = tpu.memref_slice %arg2[%scan3A_314, %add3A, %dma_start3A_333] : memref<26x32x100000xf32, #tpu.memory_space<hbm>> -> memref<1x1x100000xf32, #tpu.memory_space<hbm>>
        %dma_start3A_335 = tpu.memref_squeeze %dma_start3A_334 : memref<1x1x100000xf32, #tpu.memory_space<hbm>> -> memref<1x100000xf32, #tpu.memory_space<hbm>>
        tpu.enqueue_dma source(%dma_start3A_335 : memref<1x100000xf32, #tpu.memory_space<hbm>>) target(%arg8 : memref<1x100000xf32, #tpu.memory_space<vmem>>) target_semaphore(%run_scoped3A : memref<!tpu.dma_semaphore, #tpu.memory_space<semaphore_mem>>)
        %dma_wait3A = arith.constant 0 : i32
        %dma_wait3A_336 = tpu.memref_slice %arg2[%scan3A_314, %add3A, %dma_wait3A] : memref<26x32x100000xf32, #tpu.memory_space<hbm>> -> memref<1x1x100000xf32, #tpu.memory_space<hbm>>
        %dma_wait3A_337 = tpu.memref_squeeze %dma_wait3A_336 : memref<1x1x100000xf32, #tpu.memory_space<hbm>> -> memref<1x100000xf32, #tpu.memory_space<hbm>>
        %dma_wait3A_338 = arith.constant 0 : i32
        %dma_wait3A_339 = tpu.memref_slice %arg2[%scan3A_314, %add3A, %dma_wait3A_338] : memref<26x32x100000xf32, #tpu.memory_space<hbm>> -> memref<1x1x100000xf32, #tpu.memory_space<hbm>>
        %dma_wait3A_340 = tpu.memref_squeeze %dma_wait3A_339 : memref<1x1x100000xf32, #tpu.memory_space<hbm>> -> memref<1x100000xf32, #tpu.memory_space<hbm>>
        tpu.wait_dma2 semaphore(%run_scoped3A : memref<!tpu.dma_semaphore, #tpu.memory_space<semaphore_mem>>) src(%dma_wait3A_340 : memref<1x100000xf32, #tpu.memory_space<hbm>>) dst(%arg8 : memref<1x100000xf32, #tpu.memory_space<vmem>>)
        tpu.yield
      }) : () -> ()
      "tpu.region"() ({
        %run_scoped3A = tpu.sem_alloc : memref<!tpu.dma_semaphore, #tpu.memory_space<semaphore_mem>>
        %dma_start3A = arith.constant 0 : i32
        %dma_start3A_331 = tpu.memref_slice %arg3[%scan3A_314, %dma_start3A] : memref<26x16384xi32, #tpu.memory_space<hbm>> -> memref<1x8192xi32, #tpu.memory_space<hbm>>
        %dma_start3A_332 = arith.constant 0 : i32
        %dma_start3A_333 = tpu.memref_slice %arg3[%scan3A_314, %dma_start3A_332] : memref<26x16384xi32, #tpu.memory_space<hbm>> -> memref<1x8192xi32, #tpu.memory_space<hbm>>
        tpu.enqueue_dma source(%dma_start3A_333 : memref<1x8192xi32, #tpu.memory_space<hbm>>) target(%arg9 : memref<1x8192xi32, #tpu.memory_space<vmem>>) target_semaphore(%run_scoped3A : memref<!tpu.dma_semaphore, #tpu.memory_space<semaphore_mem>>)
        %dma_wait3A = arith.constant 0 : i32
        %dma_wait3A_334 = tpu.memref_slice %arg3[%scan3A_314, %dma_wait3A] : memref<26x16384xi32, #tpu.memory_space<hbm>> -> memref<1x8192xi32, #tpu.memory_space<hbm>>
        %dma_wait3A_335 = arith.constant 0 : i32
        %dma_wait3A_336 = tpu.memref_slice %arg3[%scan3A_314, %dma_wait3A_335] : memref<26x16384xi32, #tpu.memory_space<hbm>> -> memref<1x8192xi32, #tpu.memory_space<hbm>>
        tpu.wait_dma2 semaphore(%run_scoped3A : memref<!tpu.dma_semaphore, #tpu.memory_space<semaphore_mem>>) src(%dma_wait3A_336 : memref<1x8192xi32, #tpu.memory_space<hbm>>) dst(%arg9 : memref<1x8192xi32, #tpu.memory_space<vmem>>)
        tpu.yield
      }) : () -> ()
      %parallel_loop3A_315 = arith.constant 0 : i32
      %parallel_loop3A_316 = arith.constant 8192 : i32
      %parallel_loop3A_317 = arith.constant 16 : i32
      scf.for %parallel_loop3A_331 = %parallel_loop3A_315 to %parallel_loop3A_316 step %parallel_loop3A_317  : i32 {
        %parallel_loop3A_332 = arith.constant 0 : i32
        %parallel_loop3A_333 = arith.index_cast %parallel_loop3A_332 : i32 to index
        %parallel_loop3A_334 = arith.index_cast %parallel_loop3A_331 : i32 to index
        %parallel_loop3A_335 = tpu.vector_load %arg9[%parallel_loop3A_333, %parallel_loop3A_334] {strides = array<i32>} : memref<1x8192xi32, #tpu.memory_space<vmem>>, vector<16xi32>,
        %parallel_loop3A_336 = arith.constant 0 : i32
        %parallel_loop3A_337 = vector.broadcast %parallel_loop3A_336 : i32 to vector<16xi32>
        %parallel_loop3A_338 = tpu.vector_load_idx %arg8[%parallel_loop3A_337, %parallel_loop3A_335] : memref<1x100000xf32, #tpu.memory_space<vmem>>[vector<16xi32>, vector<16xi32>], vector<16xf32>,
        %parallel_loop3A_339 = arith.constant 0 : i32
        %parallel_loop3A_340 = arith.index_cast %parallel_loop3A_339 : i32 to index
        %parallel_loop3A_341 = arith.index_cast %parallel_loop3A_331 : i32 to index
        %parallel_loop3A_342 = tpu.vector_load %arg10[%parallel_loop3A_340, %parallel_loop3A_341] {strides = array<i32>} : memref<1x8192xf32, #tpu.memory_space<vmem>>, vector<16xf32>,
        tpu.vector_store %arg10[%parallel_loop3A_340, %parallel_loop3A_341], %parallel_loop3A_338 {strides = array<i32>} : memref<1x8192xf32, #tpu.memory_space<vmem>>, vector<16xf32>,
      } {sc.loop_unroll_factor = 8 : i64, sc.parallel_access}
      %add3A_318 = arith.constant 13 : i32
      %add3A_319 = arith.addi %add3A_318, %scan3A_314 : i32
      %mul3A_320 = arith.constant 32 : i32
      %mul3A_321 = arith.muli %mul3A_320, %add3A_319 : i32
      %add3A_322 = arith.addi %mul3A_321, %add3A : i32
      "tpu.region"() ({
        %run_scoped3A = tpu.sem_alloc : memref<!tpu.dma_semaphore, #tpu.memory_space<semaphore_mem>>
        %dma_start3A = arith.constant 0 : i32
        %dma_start3A_331 = tpu.memref_slice %arg7[%add3A_322, %dma_start3A] : memref<1248x16384xf32, #tpu.memory_space<hbm>> -> memref<1x8192xf32, #tpu.memory_space<hbm>>
        %dma_start3A_332 = arith.constant 0 : i32
        %dma_start3A_333 = tpu.memref_slice %arg7[%add3A_322, %dma_start3A_332] : memref<1248x16384xf32, #tpu.memory_space<hbm>> -> memref<1x8192xf32, #tpu.memory_space<hbm>>
        tpu.enqueue_dma source(%arg10 : memref<1x8192xf32, #tpu.memory_space<vmem>>) target(%dma_start3A_333 : memref<1x8192xf32, #tpu.memory_space<hbm>>) target_semaphore(%run_scoped3A : memref<!tpu.dma_semaphore, #tpu.memory_space<semaphore_mem>>)
        %dma_wait3A = arith.constant 0 : i32
        %dma_wait3A_334 = tpu.memref_slice %arg7[%add3A_322, %dma_wait3A] : memref<1248x16384xf32, #tpu.memory_space<hbm>> -> memref<1x8192xf32, #tpu.memory_space<hbm>>
        %dma_wait3A_335 = arith.constant 0 : i32
        %dma_wait3A_336 = tpu.memref_slice %arg7[%add3A_322, %dma_wait3A_335] : memref<1248x16384xf32, #tpu.memory_space<hbm>> -> memref<1x8192xf32, #tpu.memory_space<hbm>>
        tpu.wait_dma2 semaphore(%run_scoped3A : memref<!tpu.dma_semaphore, #tpu.memory_space<semaphore_mem>>) src(%arg10 : memref<1x8192xf32, #tpu.memory_space<vmem>>) dst(%dma_wait3A_336 : memref<1x8192xf32, #tpu.memory_space<hbm>>)
        tpu.yield
      }) : () -> ()
      "tpu.region"() ({
        %run_scoped3A = tpu.sem_alloc : memref<!tpu.dma_semaphore, #tpu.memory_space<semaphore_mem>>
        %dma_start3A = arith.constant 8192 : i32
        %dma_start3A_331 = tpu.memref_slice %arg3[%scan3A_314, %dma_start3A] : memref<26x16384xi32, #tpu.memory_space<hbm>> -> memref<1x8192xi32, #tpu.memory_space<hbm>>
        %dma_start3A_332 = arith.constant 8192 : i32
        %dma_start3A_333 = tpu.memref_slice %arg3[%scan3A_314, %dma_start3A_332] : memref<26x16384xi32, #tpu.memory_space<hbm>> -> memref<1x8192xi32, #tpu.memory_space<hbm>>
        tpu.enqueue_dma source(%dma_start3A_333 : memref<1x8192xi32, #tpu.memory_space<hbm>>) target(%arg9 : memref<1x8192xi32, #tpu.memory_space<vmem>>) target_semaphore(%run_scoped3A : memref<!tpu.dma_semaphore, #tpu.memory_space<semaphore_mem>>)
        %dma_wait3A = arith.constant 8192 : i32
        %dma_wait3A_334 = tpu.memref_slice %arg3[%scan3A_314, %dma_wait3A] : memref<26x16384xi32, #tpu.memory_space<hbm>> -> memref<1x8192xi32, #tpu.memory_space<hbm>>
        %dma_wait3A_335 = arith.constant 8192 : i32
        %dma_wait3A_336 = tpu.memref_slice %arg3[%scan3A_314, %dma_wait3A_335] : memref<26x16384xi32, #tpu.memory_space<hbm>> -> memref<1x8192xi32, #tpu.memory_space<hbm>>
        tpu.wait_dma2 semaphore(%run_scoped3A : memref<!tpu.dma_semaphore, #tpu.memory_space<semaphore_mem>>) src(%dma_wait3A_336 : memref<1x8192xi32, #tpu.memory_space<hbm>>) dst(%arg9 : memref<1x8192xi32, #tpu.memory_space<vmem>>)
        tpu.yield
      }) : () -> ()
      %parallel_loop3A_323 = arith.constant 0 : i32
      %parallel_loop3A_324 = arith.constant 8192 : i32
      %parallel_loop3A_325 = arith.constant 16 : i32
      scf.for %parallel_loop3A_331 = %parallel_loop3A_323 to %parallel_loop3A_324 step %parallel_loop3A_325  : i32 {
        %parallel_loop3A_332 = arith.constant 0 : i32
        %parallel_loop3A_333 = arith.index_cast %parallel_loop3A_332 : i32 to index
        %parallel_loop3A_334 = arith.index_cast %parallel_loop3A_331 : i32 to index
        %parallel_loop3A_335 = tpu.vector_load %arg9[%parallel_loop3A_333, %parallel_loop3A_334] {strides = array<i32>} : memref<1x8192xi32, #tpu.memory_space<vmem>>, vector<16xi32>,
        %parallel_loop3A_336 = arith.constant 0 : i32
        %parallel_loop3A_337 = vector.broadcast %parallel_loop3A_336 : i32 to vector<16xi32>
        %parallel_loop3A_338 = tpu.vector_load_idx %arg8[%parallel_loop3A_337, %parallel_loop3A_335] : memref<1x100000xf32, #tpu.memory_space<vmem>>[vector<16xi32>, vector<16xi32>], vector<16xf32>,
        %parallel_loop3A_339 = arith.constant 0 : i32
        %parallel_loop3A_340 = arith.index_cast %parallel_loop3A_339 : i32 to index
        %parallel_loop3A_341 = arith.index_cast %parallel_loop3A_331 : i32 to index
        %parallel_loop3A_342 = tpu.vector_load %arg10[%parallel_loop3A_340, %parallel_loop3A_341] {strides = array<i32>} : memref<1x8192xf32, #tpu.memory_space<vmem>>, vector<16xf32>,
        tpu.vector_store %arg10[%parallel_loop3A_340, %parallel_loop3A_341], %parallel_loop3A_338 {strides = array<i32>} : memref<1x8192xf32, #tpu.memory_space<vmem>>, vector<16xf32>,
      } {sc.loop_unroll_factor = 8 : i64, sc.parallel_access}
      %add3A_326 = arith.constant 13 : i32
      %add3A_327 = arith.addi %add3A_326, %scan3A_314 : i32
      %mul3A_328 = arith.constant 32 : i32
      %mul3A_329 = arith.muli %mul3A_328, %add3A_327 : i32
      %add3A_330 = arith.addi %mul3A_329, %add3A : i32
      "tpu.region"() ({
        %run_scoped3A = tpu.sem_alloc : memref<!tpu.dma_semaphore, #tpu.memory_space<semaphore_mem>>
        %dma_start3A = arith.constant 8192 : i32
        %dma_start3A_331 = tpu.memref_slice %arg7[%add3A_330, %dma_start3A] : memref<1248x16384xf32, #tpu.memory_space<hbm>> -> memref<1x8192xf32, #tpu.memory_space<hbm>>
        %dma_start3A_332 = arith.constant 8192 : i32
        %dma_start3A_333 = tpu.memref_slice %arg7[%add3A_330, %dma_start3A_332] : memref<1248x16384xf32, #tpu.memory_space<hbm>> -> memref<1x8192xf32, #tpu.memory_space<hbm>>
        tpu.enqueue_dma source(%arg10 : memref<1x8192xf32, #tpu.memory_space<vmem>>) target(%dma_start3A_333 : memref<1x8192xf32, #tpu.memory_space<hbm>>) target_semaphore(%run_scoped3A : memref<!tpu.dma_semaphore, #tpu.memory_space<semaphore_mem>>)
        %dma_wait3A = arith.constant 8192 : i32
        %dma_wait3A_334 = tpu.memref_slice %arg7[%add3A_330, %dma_wait3A] : memref<1248x16384xf32, #tpu.memory_space<hbm>> -> memref<1x8192xf32, #tpu.memory_space<hbm>>
        %dma_wait3A_335 = arith.constant 8192 : i32
        %dma_wait3A_336 = tpu.memref_slice %arg7[%add3A_330, %dma_wait3A_335] : memref<1248x16384xf32, #tpu.memory_space<hbm>> -> memref<1x8192xf32, #tpu.memory_space<hbm>>
        tpu.wait_dma2 semaphore(%run_scoped3A : memref<!tpu.dma_semaphore, #tpu.memory_space<semaphore_mem>>) src(%arg10 : memref<1x8192xf32, #tpu.memory_space<vmem>>) dst(%dma_wait3A_336 : memref<1x8192xf32, #tpu.memory_space<hbm>>)
        tpu.yield
      }) : () -> ()
    }
    %scan3A_313 = arith.constant 26 : i32
    return
  }
}

</mosaic_0001>

<sc_bundles>
// kernel: kernel.3.cloned.1.call-start
scs
__scs_entry_jumppad:
0x0: {  	(pc) =	sbr.rel $0x88, $3  }
0x1: {  	(tag) =	ssettag $0x0;
	lr =	simm.s32 $0x1  }
0x2: {  	[smem:$0x3F9C] =	sst lr;
	_ =	strace $0xD0000000  }
0x3: {  	_ = 	snop  }
0x4: {  	_ = 	snop  }
0x5: {  	_ = 	snop  }
0x6: {  	_ = 	snop  }
0x7: {  	_ = 	snop  }
__scs_overlays_trampoline_lowered:
0x8: {  	[smem:$0x3FAB] =	sst s0  }
0x9: {  	[smem:$0x3FAC] =	sst s1  }
0xa: {  	[smem:$0x3FAD] =	sst s2  }
0xb: {  	[smem:$0x3FAE] =	sst s3  }
0xc: {  	[smem:$0x3FAF] =	sst s4  }
0xd: {  	[smem:$0x3FB0] =	sst s5  }
0xe: {  	[smem:$0x3FB1] =	sst s6  }
0xf: {  	[smem:$0x3FB2] =	sst s7  }
0x10: {  	[smem:$0x3FB3] =	sst s8  }
0x11: {  	[smem:$0x3FB4] =	sst s9;
	s0 =	simm.s32 @!p0 $0x0  }
0x12: {  	s1 =	sld [smem:$0x3F9A];
	s0 =	simm.s32 @p0 $0x1  }
0x13: {  	[smem:$0x3FB5] =	sst s0;
	s0 =	simm.s32 @!p1 $0x0  }
0x14: {  	s2 =	sld [smem:$0x3F99];
	s0 =	simm.s32 @p1 $0x1  }
0x15: {  	[smem:$0x3FB6] =	sst s0;
	s0 =	simm.s32 @!p2 $0x0  }
0x16: {  	s3 =	sld [smem:$0x3FDB];
	s0 =	simm.s32 @p2 $0x1  }
0x17: {  	s4 =	simm.s32 $0x1BF5;
	[smem:$0x3FB8] =	sst s0  }
0x18: {  	s0 =	sld [smem:$0x3F9B];
	_ =	swait.ge [sflag:s4], $0x0  }
0x19: {  	s7 =	sld [smem:$0x3F9C]  }
0x1a: {  	s8 =	sadd.s32 $0xFFFFE003, lr  }
0x1b: {  	s9 =	sadd.s32 $0xFFFFFEF7, lr;
	s5 =	simm.s32 $0xFFFFFFFF;
	p2 =	slt.u32 s8, $0xFFFFF086  }
0x1c: {  	p1 =	slt.u32 s9, $0xF7A;
	s5 =	simm.s32 @!p2 $0x0  }
0x1d: {  	s5 =	simm.s32 @p1 $0x1;
	p0 =	seq.s32 s7, s2  }
0x1e: {  	s7 =	smul.u32 @!p0 $0xF7A, s2;
	p2 =	seq.s32 @!p0 s5, $0x0  }
0x1f: {  	s9 =	smul.u32 $0xF7A, s1;
	s8 =	simm.s32 @!p0 $0x1BF5;
	p2 =	por !p2, p0  }
0x20: {  	[sflag:s8] =	ssyncset.s32 @!p0 $0xFFFFF086;
	s6 =	sadd.s32 @!p0 s3, s7;
	s7 =	simm.s32 @!p0 $0x108  }
0x21: {  	s3 =	sadd.s32 s3, s9;
	s6 =	sadd.s32 @!p0 $0x88, s6;
	s7 =	simm.s32 @p2 $0x1082  }
0x22: {  	[simem:s7], [sflag:s8] =	dma.local @!p0 [hbm:s6], $0xF7A  }
0x23: {  	s9 =	sor.u32 $0xD0000000, s2;
	s6 =	simm.s32 $0x108;
	_ =	swait.ge @!p0 [sflag:s8], $0x0  }
0x24: {  	s3 =	sadd.s32 $0x88, s3;
	s6 =	simm.s32 @!p1 $0x1082;
	[sflag:s4] =	ssyncset.s32 $0xFFFFF086  }
0x25: {  	[simem:s6], [sflag:s4] =	dma.local [hbm:s3], $0xF7A  }
0x26: {  	[smem:$0x3F9C] =	sst s1;
	(tag) =	ssettag s2;
	_ =	strace s9  }
0x27: {  	s1 =	sld [smem:$0x3FAC]  }
0x28: {  	s2 =	sld [smem:$0x3FAD]  }
0x29: {  	s4 =	sld [smem:$0x3FAF]  }
0x2a: {  	p0 =	seq.s32 s5, $0x0;
	s5 =	sld [smem:$0x3FB0]  }
0x2b: {  	s6 =	sld [smem:$0x3FB1]  }
0x2c: {  	s7 =	sld [smem:$0x3FB2]  }
0x2d: {  	s3 =	simm.s32 $0x108;
	s8 =	sld [smem:$0x3FB3]  }
0x2e: {  	s3 =	simm.s32 @!p0 $0x1082;
	s9 =	sld [smem:$0x3FB4]  }
0x2f: {  	lr =	sadd.s32 s0, s3;
	s0 =	sld [smem:$0x3FAB]  }
0x30: {  	s3 =	sld [smem:$0x3FAE]  }
0x31: {  	[smem:$0x3FB7] =	sst s10  }
0x32: {  	s10 =	sld [smem:$0x3FB5];
	_ =	sdelay $0x3  }
0x33: {  	p0 =	seq.s32 s10, $0x1;
	s10 =	sld [smem:$0x3FB7];
	_ =	sdelay $0x3  }
0x34: {  	[smem:$0x3FB7] =	sst s10  }
0x35: {  	s10 =	sld [smem:$0x3FB6];
	_ =	sdelay $0x3  }
0x36: {  	p1 =	seq.s32 s10, $0x1;
	s10 =	sld [smem:$0x3FB7];
	_ =	sdelay $0x3  }
0x37: {  	[smem:$0x3FB7] =	sst s10  }
0x38: {  	s10 =	sld [smem:$0x3FB8]  }
0x39: {  	_ = 	snop;
	(pc) =	sbr.ind lr, $3  }
0x3a: {  	_ = 	snop  }
0x3b: {  	_ = 	snop  }
0x3c: {  	p2 =	seq.s32 s10, $0x1;
	s10 =	sld [smem:$0x3FB7]  }
0x3d: {  	_ =	shalt  }
0x3e: {  	_ =	shalt  }
0x3f: {  	_ =	shalt  }
0x40: {  	_ =	shalt  }
0x41: {  	_ =	shalt  }
0x42: {  	_ =	shalt  }
0x43: {  	_ =	shalt  }
0x44: {  	_ =	shalt  }
0x45: {  	_ =	shalt  }
0x46: {  	_ =	shalt  }
0x47: {  	_ =	shalt  }
0x48: {  	_ =	shalt  }
0x49: {  	_ =	shalt  }
0x4a: {  	_ =	shalt  }
0x4b: {  	_ =	shalt  }
0x4c: {  	_ =	shalt  }
0x4d: {  	_ =	shalt  }
0x4e: {  	_ =	shalt  }
0x4f: {  	_ =	shalt  }
0x50: {  	_ =	shalt  }
0x51: {  	_ =	shalt  }
0x52: {  	_ =	shalt  }
0x53: {  	_ =	shalt  }
0x54: {  	_ =	shalt  }
0x55: {  	_ =	shalt  }
0x56: {  	_ =	shalt  }
0x57: {  	_ =	shalt  }
0x58: {  	_ =	shalt  }
0x59: {  	_ =	shalt  }
0x5a: {  	_ =	shalt  }
0x5b: {  	_ =	shalt  }
0x5c: {  	_ =	shalt  }
0x5d: {  	_ =	shalt  }
0x5e: {  	_ =	shalt  }
0x5f: {  	_ =	shalt  }
0x60: {  	_ =	shalt  }
0x61: {  	_ =	shalt  }
0x62: {  	_ =	shalt  }
0x63: {  	_ =	shalt  }
0x64: {  	_ =	shalt  }
0x65: {  	_ =	shalt  }
0x66: {  	_ =	shalt  }
0x67: {  	_ =	shalt  }
0x68: {  	_ =	shalt  }
0x69: {  	_ =	shalt  }
0x6a: {  	_ =	shalt  }
0x6b: {  	_ =	shalt  }
0x6c: {  	_ =	shalt  }
0x6d: {  	_ =	shalt  }
0x6e: {  	_ =	shalt  }
0x6f: {  	_ =	shalt  }
0x70: {  	_ =	shalt  }
0x71: {  	_ =	shalt  }
0x72: {  	_ =	shalt  }
0x73: {  	_ =	shalt  }
0x74: {  	_ =	shalt  }
0x75: {  	_ =	shalt  }
0x76: {  	_ =	shalt  }
0x77: {  	_ =	shalt  }
0x78: {  	_ =	shalt  }
0x79: {  	_ =	shalt  }
0x7a: {  	_ =	shalt  }
0x7b: {  	_ =	shalt  }
0x7c: {  	_ =	shalt  }
0x7d: {  	_ =	shalt  }
0x7e: {  	_ =	shalt  }
0x7f: {  	_ =	shalt  }
0x80: {  	_ =	shalt  }
0x81: {  	_ =	shalt  }
0x82: {  	_ =	shalt  }
0x83: {  	_ =	shalt  }
0x84: {  	_ =	shalt  }
0x85: {  	_ =	shalt  }
0x86: {  	_ =	shalt  }
0x87: {  	_ =	shalt  }
.Lfunc_end0:
.L_simem_size_0:
called_computation_lowered:
.L_overlay_start_0:
0x88: {  	s2 =	sld [smem:$0x3FD9]  }
0x89: {  	s3 =	sld [smem:$0x3FFE];
	_ =	sdelay $0x1  }
0x8a: {  	s1 =	srdreg.scid  }
0x8b: {  	s0 =	sand.u32 $0x1, s1  }
0x8c: {  	s17 =	sshll.u32 s0, $0xA;
	s2 =	sadd.s32 s3, s2  }
0x8d: {  	s2 =	sadd.s32 s2, s17  }
0x8e: {  	[smem:$0x3FC3] =	sst s2  }
0x8f: {  	_ = 	snop  }
0x90: {  	s2 =	sld [smem:$0x3FC9]  }
0x91: {  	s18 =	sld [smem:$0x3FC8]  }
0x92: {  	s4 =	sld [smem:$0x3FC5]  }
0x93: {  	s5 =	sld [smem:$0x3FD0];
	(tm) =	ssettm $0x1  }
0x94: {  	s6 =	sld [smem:$0x3FFB];
	_ =	sdelay $0x3  }
0x95: {  	_ =	strace s6  }
0x96: {  	s6 =	sld [smem:$0x3FFC];
	_ =	sdelay $0x3  }
0x97: {  	_ =	strace s6  }
0x98: {  	s6 =	sld [smem:$0x3FFD];
	_ =	sdelay $0x3  }
0x99: {  	_ =	strace s6  }
0x9a: {  	_ =	strace $0x8FFFFFFF  }
0x9b: {  	s19 =	sld [smem:$0x3FDB];
	_ =	sdelay $0x1  }
0x9c: {  	s7 =	simm.s32 $_scs_section_size  }
0x9d: {  	s8 =	simm.s32 $_size__tile_overlayer_lowered;
	s9 =	simm.s32 $_tile_overlayer_lowered  }
0x9e: {  	s22 =	simm.s32 $0x1BFF;
	s21 =	sshll.u32 s9, $0x1;
	s6 =	sadd.s32 s7, s19  }
0x9f: {  	s10 =	simm.s32 $0x0;
	s20 =	sshll.u32 s8, $0x1;
	s8 =	sadd.s32 s21, s6  }
0xa0: {  	[timem:s10], [sflag:s22] =	dma.local [hbm:s8], s20  }
0xa1: {  	_ =	swait.ge [sflag:s22], s20  }
0xa2: {  	s7 =	ssub.s32 $0x0, s20;
	[sflag:s22] =	ssyncset.done $0x0  }
0xa3: {  	[sflag:s22] =	ssyncadd.s32 s7;
	_ =	sdelay $0x1  }
0xa4: {  	s23 =	simm.s32 $0x1B8B  }
0xa5: {  	_ =	swait.ge [sflag:s23], $0x1  }
0xa6: {  	[sflag:s23] =	ssyncset.done $0x0  }
0xa7: {  	s25 =	simm.s32 $0x1B8E;
	s24 =	sld [smem:$0x3FFE];
	[sflag:s23] =	ssyncadd.s32 $0xFFFFFFFF  }
0xa8: {  	s26 =	simm.s32 $execute0_lowered;
	[smem:$0x3FD2] =	sst s25  }
0xa9: {  	s8 =	sshll.u32 s26, $0x1;
	_ =	strace $0x80000046;
	[dreg:$0x1] =	wrdreg $0xFFFFFFFF  }
0xaa: {  	s28 =	simm.s32 $_size_execute0_lowered;
	s6 =	sadd.s32 s6, s8;
	[dreg:$0x0] =	wrdreg $0x0  }
0xab: {  	s8 =	sshll.u32 s28, $0x1;
	[dreg:$0x2] =	wrdreg s6  }
0xac: {  	[dreg:$0x3] =	wrdreg s8  }
0xad: {  	[dreg:$0x4] =	wrdreg $0xC0  }
0xae: {  	_ =	task [dreg:s10], $0x5FFFF  }
0xaf: {  	[dreg:$0x1] =	wrdreg $0xFFFFFFFF  }
0xb0: {  	[dreg:$0x0] =	wrdreg $0x60  }
0xb1: {  	[dreg:$0x2] =	wrdreg s4  }
0xb2: {  	[dreg:$0x3] =	wrdreg s18  }
0xb3: {  	[dreg:$0x4] =	wrdreg s2  }
0xb4: {  	[dreg:$0x5] =	wrdreg s24  }
0xb5: {  	[dreg:$0x6] =	wrdreg s5  }
0xb6: {  	[dreg:$0x7] =	wrdreg $0x9  }
0xb7: {  	_ =	task.clear_ibuf [dreg:s10], $0x8FFFF;
	_ =	strace $0x90000046  }
0xb8: {  	s29 =	simm.s32 $0x9;
	_ =	strace $0x80000048  }
0xb9: {  	_ =	swait.ge [sflag:s29], $0x1  }
0xba: {  	[sflag:s29] =	ssyncadd.s32 $0xFFFFFFFF  }
0xbb: {  	_ =	strace $0x90000048  }
0xbc: {  	_ =	sfence  }
0xbd: {  	s30 =	sld [smem:$0x0];
	_ =	sdelay $0x2  }
0xbe: {  	s31 =	sshll.u32 s1, $0xD;
	s1 =	sshrl.u32 s1, $0x2  }
0xbf: {  	s3 =	sand.u32 $0x4000, s31;
	s1 =	sadd.s32 s1, s30  }
0xc0: {  	s0 =	sor.u32 s3, s0;
	s1 =	sshll.u32 s1, $0x11  }
0xc1: {  	s0 =	sor.u32 s1, s0  }
0xc2: {  	s0 =	sadd.s32 $0x8F2B, s0  }
0xc3: {  	[sflag:s0] =	ssyncadd.remote.s32 $0x1  }
0xc4: {  	_ =	sfence.sel $0xFFFF  }
0xc5: {  	[dreg:$0x0] =	wrdreg $0xFFFFFFFF;
	(pc) =	sbr.abs _section_cstart, $3  }
0xc6: {  	[dreg:$0x1] =	wrdreg $0xFFFFFFFF  }
0xc7: {  	_ =	task.clear_ibuf [dreg:s10], $0x2FFFF;
	_ =	strace $0x9FFFFFFF  }
0xc8: {  	(tm) =	ssettm $0x7FFFFFFF  }
0xc9: {  	_ =	shalt  }
tec
execute0_lowered:
.L_overlay_start_1:
0x0: {  	(tag) =	ssettag $0x1  }
0x1: {  	s0 =	rddreg [dreg:$0x0]  }
0x2: {  	s2 =	rddreg [dreg:$0x1]  }
0x3: {  	s16 =	rddreg [dreg:$0x2]  }
0x4: {  	s1 =	rddreg [dreg:$0x3]  }
0x5: {  	s3 =	srdreg.scid;
	s9 =	stileid.u32  }
0x6: {  	s5 =	rddreg [dreg:$0x4];
	s3 =	sand.u32 $0x1, s3;
	s4 =	sshll.u32 s9, $0x8  }
0x7: {  	s8 =	sshrl.u32 s9, $0x2;
	s7 =	sshll.u32 s3, $0x7;
	s4 =	sand.u32 $0x300, s4  }
0x8: {  	s6 =	simm.s32 $0x0;
	s15 =	sshll.u32 s8, $0xA;
	s7 =	sor.u32 s7, s4  }
0x9: {  	[smem:$0x7FF] =	sst s6;
	s9 =	sshll.u32 s9, $0xF;
	s4 =	sor.u32 s15, s7  }
0xa: {  	_ =	strace $0x80000047;
	s10 =	sand.u32 $0x60000, s9;
	s4 =	sshrl.u32 s4, $0x3  }
0xb: {  	s18 =	sshll.u32 s8, $0x11;
	s10 =	sor.u32 s10, s7;
	s1 =	sadd.s32 s4, s1  }
0xc: {  	s20 =	sshrl.u32 s10, $0x3;
	s4 =	sor.u32 s18, s7;
	s11 =	sadd.s32 $0x400, s1  }
0xd: {  	s1 =	sadd.s32 $0x600, s1;
	s19 =	sshrl.u32 s4, $0x3;
	[dreg:$0x6] =	wrdreg s11  }
0xe: {  	s4 =	sadd.s32 s20, s5;
	[dreg:$0x7] =	wrdreg s1;
	s21 =	sadd.s32 s5, s19  }
0xf: {  	s22 =	sadd.s32 $0x10000, s4;
	[dreg:$0x8] =	wrdreg s21  }
0x10: {  	s23 =	sadd.s32 $0x12000, s4;
	[dreg:$0xa] =	wrdreg s22  }
0x11: {  	s24 =	sadd.s32 $0x20000, s4;
	[dreg:$0xb] =	wrdreg s23  }
0x12: {  	s25 =	sadd.s32 $0x22000, s4;
	[dreg:$0xc] =	wrdreg s24  }
0x13: {  	s26 =	sadd.s32 $0x30000, s4;
	[dreg:$0xd] =	wrdreg s25  }
0x14: {  	s28 =	sadd.s32 $0x32000, s4;
	[dreg:$0xe] =	wrdreg s26  }
0x15: {  	s29 =	sadd.s32 $0x40000, s4;
	[dreg:$0xf] =	wrdreg s28  }
0x16: {  	s10 =	sadd.s32 $0x42000, s4;
	[dreg:$0x10] =	wrdreg s29  }
0x17: {  	s12 =	sadd.s32 $0x50000, s4;
	[dreg:$0x11] =	wrdreg s10  }
0x18: {  	s3 =	ssub.s32 $0x2, s3;
	s14 =	sadd.s32 $0x52000, s4;
	[dreg:$0x12] =	wrdreg s12  }
0x19: {  	s17 =	sshrl.u32 s3, $0x1;
	s15 =	sadd.s32 $0x60000, s4;
	[dreg:$0x13] =	wrdreg s14  }
0x1a: {  	s3 =	ssub.s32 s3, s17;
	s17 =	sadd.s32 $0x62000, s4;
	[dreg:$0x14] =	wrdreg s15  }
0x1b: {  	s18 =	sadd.s32 $0x70000, s4;
	[dreg:$0x15] =	wrdreg s17  }
0x1c: {  	s11 =	sadd.s32 $0x2000, s5;
	s20 =	sadd.s32 $0x80000, s4;
	[dreg:$0x16] =	wrdreg s18  }
0x1d: {  	s1 =	sadd.s32 s19, s11;
	[dreg:$0x18] =	wrdreg s20  }
0x1e: {  	s19 =	sadd.s32 $0x72000, s4;
	[dreg:$0x9] =	wrdreg s1  }
0x1f: {  	s21 =	sadd.s32 $0x82000, s4;
	[dreg:$0x17] =	wrdreg s19  }
0x20: {  	s22 =	sadd.s32 $0x90000, s4;
	[dreg:$0x19] =	wrdreg s21  }
0x21: {  	s23 =	sadd.s32 $0x92000, s4;
	[dreg:$0x1a] =	wrdreg s22  }
0x22: {  	s24 =	sadd.s32 $0xA0000, s4;
	[dreg:$0x1b] =	wrdreg s23  }
0x23: {  	s25 =	sadd.s32 $0xA2000, s4;
	[dreg:$0x1c] =	wrdreg s24  }
0x24: {  	s26 =	sadd.s32 $0xB0000, s4;
	[dreg:$0x1d] =	wrdreg s25  }
0x25: {  	s28 =	sadd.s32 $0xB2000, s4;
	[dreg:$0x1e] =	wrdreg s26  }
0x26: {  	s29 =	sadd.s32 $0xC0000, s4;
	[dreg:$0x1f] =	wrdreg s28  }
0x27: {  	s13 =	smul.u32 $0xC3800, s8;
	s4 =	sadd.s32 $0xC2000, s4;
	[smem:$0x7ED] =	sst s29  }
0x28: {  	s30 =	sadd.s32 $0x2070, s16;
	s10 =	smax.u32 s3, $0x1;
	[smem:$0x7EE] =	sst s4  }
0x29: {  	s12 =	sor.u32 s7, s13;
	s13 =	sadd.s32 $0x2000, s16;
	[smem:$0x7EF] =	sst s10  }
0x2a: {  	s31 =	sadd.s32 $0x4000, s16;
	s15 =	sadd.s32 $0x10, s16;
	[smem:$0x7F0] =	sst s13  }
0x2b: {  	s8 =	sadd.s32 $0x4020, s16;
	s17 =	sadd.s32 $0x2010, s16;
	[smem:$0x7F1] =	sst s15  }
0x2c: {  	s14 =	sor.u32 $0x680000, s9;
	s18 =	sadd.s32 $0x20, s16;
	[smem:$0x7F2] =	sst s17  }
0x2d: {  	s20 =	sadd.s32 $0x30, s16;
	s3 =	sadd.s32 $0x4010, s16;
	[smem:$0x7F3] =	sst s18  }
0x2e: {  	s9 =	sadd.s32 $0x6020, s16;
	s19 =	sadd.s32 $0x2020, s16;
	[smem:$0x7F5] =	sst s20  }
0x2f: {  	s21 =	sadd.s32 $0x2030, s16;
	s22 =	sadd.s32 $0x40, s16;
	[smem:$0x7F4] =	sst s19  }
0x30: {  	s23 =	sadd.s32 $0x2040, s16;
	s24 =	sadd.s32 $0x50, s16;
	[smem:$0x7F6] =	sst s21  }
0x31: {  	s25 =	sadd.s32 $0x2050, s16;
	s26 =	sadd.s32 $0x60, s16;
	[smem:$0x7F7] =	sst s22  }
0x32: {  	s28 =	sadd.s32 $0x2060, s16;
	s29 =	sadd.s32 $0x70, s16;
	[smem:$0x7F8] =	sst s23  }
0x33: {  	s1 =	sadd.s32 $0x6000, s16;
	s4 =	sadd.s32 $0x6010, s16;
	[smem:$0x7F9] =	sst s24  }
0x34: {  	v0 =	vimm.s32 $0x0;
	s10 =	sadd.s32 $0x4030, s16;
	s13 =	sadd.s32 $0x6030, s16;
	[smem:$0x7FA] =	sst s25  }
0x35: {  	v1 =	vimm.s32 $0x1;
	v2 =	vimm.s32 $0x2;
	v3 =	vimm.s32 $0x3;
	s15 =	sadd.s32 $0x4040, s16;
	s16 =	sadd.s32 $0x6040, s16;
	[smem:$0x7FB] =	sst s26  }
0x36: {  	v4 =	vimm.s32 $0x4;
	v5 =	vimm.s32 $0x5;
	v6 =	vimm.s32 $0x6;
	s17 =	sadd.s32 $0x2000, s2;
	s18 =	simm.s32 $0x1;
	[smem:$0x7FC] =	sst s28  }
0x37: {  	v7 =	vimm.s32 $0x7;
	v8 =	vimm.s32 $0x8;
	v9 =	vimm.s32 $0x9;
	s20 =	simm.s32 $0x400;
	[smem:$0x7FD] =	sst s29;
	s19 =	simm.s32 $0x80  }
0x38: {  	v10 =	vimm.s32 $0xA;
	v11 =	vimm.s32 $0xB;
	v12 =	vimm.s32 $0xC;
	s21 =	simm.s32 $0x1A700;
	s22 =	simm.s32 $0x18700;
	s23 =	simm.s32 $0x0  }
.LBB2_1:
0x39: {  	s24 =	rddreg [dreg:$0x6];
	s25 =	simm.s32 $0x1C700  }
0x3a: {  	[tilespmem:s25], [sflag:$0x1] =	stream.linear.gather [hbm4b:s24+s6], $0x80, $0x38;
	[tilespmem:$0x1C800] =	vst v63  }
0x3b: {  	_ =	swait.ge [sflag:s18], $0x80  }
0x3c: {  	[sflag:s18] =	ssyncset.done $0x0  }
0x3d: {  	s26 =	simm.s32 $0x1C780;
	s25 =	rddreg [dreg:$0x7];
	[sflag:s18] =	ssyncadd.s32 $0xFFFFFF80  }
0x3e: {  	[tilespmem:s26], [sflag:$0x1] =	stream.linear.gather [hbm4b:s25+s6], $0x80, $0x38;
	[tilespmem:$0x1C800] =	vst v63  }
0x3f: {  	_ =	swait.ge [sflag:s18], $0x80  }
0x40: {  	[sflag:s18] =	ssyncset.done $0x0  }
0x41: {  	[sflag:s18] =	ssyncadd.s32 $0xFFFFFF80  }
0x42: {  	v13 =	vld [tilespmem:$0x1C700];
	s29 =	rddreg [dreg:$0x2]  }
0x43: {  	v15 =	vld [tilespmem:$0x1C780];
	[tilespmem:s21], [sflag:$0x1] =	stream.strided.gather [hbm4b:s29+s19], $0x2000, s20, s19, $0x38  }
0x44: {  	_ =	swait.ge [sflag:s18], $0x2000  }
0x45: {  	[sflag:s18] =	ssyncset.done $0x0  }
0x46: {  	s25 =	simm.s32 $0x1A740;
	[sflag:s18] =	ssyncadd.s32 $0xFFFFE000  }
0x47: {  	v16 =	vld [tilespmem:s25+$0x30]  }
0x48: {  	v17 =	vld [tilespmem:s25+$0xFFFFFFD0]  }
0x49: {  	v18 =	vld [tilespmem:s25+$0xFFFFFFE0]  }
0x4a: {  	v14 =	vperm.xlane v13, v0;
	v19 =	vld [tilespmem:s25+$0xFFFFFFF0]  }
0x4b: {  	v20 =	vld [tilespmem:s25+$0x0]  }
0x4c: {  	v13 =	vperm.xlane v15, v0;
	v15 =	vld [tilespmem:s25+$0x10];
	v16 =	vmul.f32 v16, v14  }
0x4d: {  	v21 =	vld [tilespmem:s25+$0x20];
	v17 =	vmul.f32 v17, v14  }
0x4e: {  	s24 =	simm.s32 $0x1A7C0;
	v22 =	vld [tilespmem:s25+$0xFFFFFFC0];
	v18 =	vmul.f32 v18, v14;
	v16 =	vadd.f32 v16, v13  }
0x4f: {  	v23 =	vld [tilespmem:s24+$0x30];
	v19 =	vmul.f32 v19, v14;
	v17 =	vadd.f32 v17, v13  }
0x50: {  	v24 =	vld [tilespmem:s24+$0xFFFFFFD0];
	v20 =	vmul.f32 v20, v14;
	v18 =	vadd.f32 v18, v13;
	[tilespmem:s25+$0x30] =	vst v16  }
0x51: {  	v25 =	vld [tilespmem:s24+$0xFFFFFFE0];
	v15 =	vmul.f32 v15, v14;
	v19 =	vadd.f32 v19, v13;
	[tilespmem:s25+$0xFFFFFFD0] =	vst v17  }
0x52: {  	v17 =	vld [tilespmem:s24+$0xFFFFFFF0];
	[tilespmem:s25+$0xFFFFFFE0] =	vst v18;
	v18 =	vadd.f32 v20, v13;
	v20 =	vmul.f32 v21, v14  }
0x53: {  	v22 =	vmul.f32 v22, v14;
	v16 =	vld [tilespmem:s24+$0x0];
	[tilespmem:s25+$0xFFFFFFF0] =	vst v19;
	v19 =	vadd.f32 v15, v13  }
0x54: {  	v26 =	vmul.f32 v23, v14;
	v15 =	vld [tilespmem:s24+$0x10];
	[tilespmem:s25+$0x0] =	vst v18;
	v27 =	vadd.f32 v20, v13  }
0x55: {  	v23 =	vadd.f32 v22, v13;
	v21 =	vmul.f32 v24, v14;
	v18 =	vld [tilespmem:s24+$0x20];
	[tilespmem:s25+$0x10] =	vst v19  }
0x56: {  	s28 =	simm.s32 $0x1A840;
	s26 =	simm.s32 $0x80;
	v22 =	vmul.f32 v25, v14;
	v19 =	vld [tilespmem:s24+$0xFFFFFFC0];
	v20 =	vadd.f32 v26, v13;
	[tilespmem:s25+$0x20] =	vst v27  }
.LBB2_2:
0x57: {  	v24 =	vld [tilespmem:s28+$0x30];
	s26 =	sadd.s32 $0x80, s26;
	v21 =	vadd.f32 v21, v13;
	v17 =	vmul.f32 v17, v14;
	[tilespmem:s25+$0xFFFFFFC0] =	vst v23;
	s25 =	smov.u32 s24;
	s24 =	smov.u32 s28  }
0x58: {  	v23 =	vld [tilespmem:s28+$0xFFFFFFD0];
	p0 =	slt.u32 s26, $0x1F80;
	v22 =	vadd.f32 v22, v13;
	v16 =	vmul.f32 v16, v14;
	[tilespmem:s25+$0x30] =	vst v20  }
0x59: {  	v20 =	vld [tilespmem:s28+$0xFFFFFFE0];
	[tilespmem:s25+$0xFFFFFFD0] =	vst v21;
	v21 =	vadd.f32 v17, v13;
	v15 =	vmul.f32 v15, v14  }
.Ltmp0:
0x5a: {  	v17 =	vld [tilespmem:s28+$0xFFFFFFF0];
	[tilespmem:s25+$0xFFFFFFE0] =	vst v22;
	v22 =	vadd.f32 v16, v13;
	v18 =	vmul.f32 v18, v14;
	(pc) =	sbr.rel @p0 .LBB2_2-.Ltmp0, $4  }
0x5b: {  	v16 =	vld [tilespmem:s28+$0x0];
	v19 =	vmul.f32 v19, v14;
	[tilespmem:s25+$0xFFFFFFF0] =	vst v21;
	v25 =	vadd.f32 v15, v13  }
0x5c: {  	v15 =	vld [tilespmem:s28+$0x10];
	v24 =	vmul.f32 v24, v14;
	[tilespmem:s25+$0x0] =	vst v22;
	v26 =	vadd.f32 v18, v13  }
0x5d: {  	v21 =	vmul.f32 v23, v14;
	v18 =	vld [tilespmem:s28+$0x20];
	v23 =	vadd.f32 v19, v13;
	[tilespmem:s25+$0x10] =	vst v25  }
0x5e: {  	s28 =	sadd.s32 $0x80, s28;
	v19 =	vld [tilespmem:s24+$0xFFFFFFC0];
	v22 =	vmul.f32 v20, v14;
	v20 =	vadd.f32 v24, v13;
	[tilespmem:s25+$0x20] =	vst v26  }
0x5f: {  	v21 =	vadd.f32 v21, v13;
	v17 =	vmul.f32 v17, v14;
	[tilespmem:s25+$0xFFFFFFC0] =	vst v23  }
0x60: {  	v22 =	vadd.f32 v22, v13;
	v16 =	vmul.f32 v16, v14;
	[tilespmem:s24+$0x30] =	vst v20  }
0x61: {  	[tilespmem:s24+$0xFFFFFFD0] =	vst v21;
	v17 =	vadd.f32 v17, v13;
	v15 =	vmul.f32 v15, v14  }
0x62: {  	[tilespmem:s24+$0xFFFFFFE0] =	vst v22;
	v16 =	vadd.f32 v16, v13;
	v18 =	vmul.f32 v18, v14  }
0x63: {  	v19 =	vmul.f32 v19, v14;
	[tilespmem:s24+$0xFFFFFFF0] =	vst v17;
	v15 =	vadd.f32 v15, v13  }
0x64: {  	[tilespmem:s24+$0x0] =	vst v16;
	v16 =	vadd.f32 v18, v13  }
0x65: {  	v17 =	vadd.f32 v19, v13;
	[tilespmem:s24+$0x10] =	vst v15  }
0x66: {  	[tilespmem:s24+$0x20] =	vst v16  }
0x67: {  	[tilespmem:s24+$0xFFFFFFC0] =	vst v17  }
0x68: {  	s24 =	rddreg [dreg:$0x8]  }
0x69: {  	[hbm4b:s24+s19] =	stream.strided.scatter [tilespmem:s21], [sflag:$0x1], $0x2000, s20, s19, $0x38;
	[tilespmem:$0x1C800] =	vst v63  }
0x6a: {  	_ =	swait.ge [sflag:s18], $0x2000  }
0x6b: {  	s29 =	sld [smem:$0x7F0]  }
0x6c: {  	[sflag:s18] =	ssyncset.done $0x0  }
0x6d: {  	[sflag:s18] =	ssyncadd.s32 $0xFFFFE000  }
0x6e: {  	[tilespmem:s21], [sflag:$0x1] =	stream.strided.gather [hbm4b:s29+s19], $0x2000, s20, s19, $0x38;
	[tilespmem:$0x1C800] =	vst v63  }
0x6f: {  	_ =	swait.ge [sflag:s18], $0x2000  }
0x70: {  	[sflag:s18] =	ssyncset.done $0x0  }
0x71: {  	s25 =	simm.s32 $0x1A740;
	[sflag:s18] =	ssyncadd.s32 $0xFFFFE000  }
0x72: {  	v15 =	vld [tilespmem:s25+$0x30]  }
0x73: {  	v16 =	vld [tilespmem:s25+$0xFFFFFFD0]  }
0x74: {  	v17 =	vld [tilespmem:s25+$0xFFFFFFE0]  }
0x75: {  	v18 =	vld [tilespmem:s25+$0xFFFFFFF0]  }
0x76: {  	v19 =	vld [tilespmem:s25+$0x0];
	_ =	sdelay $0x1  }
0x77: {  	v20 =	vld [tilespmem:s25+$0x10];
	v15 =	vmul.f32 v15, v14  }
0x78: {  	v21 =	vld [tilespmem:s25+$0x20];
	v16 =	vmul.f32 v16, v14  }
0x79: {  	s24 =	simm.s32 $0x1A7C0;
	v22 =	vld [tilespmem:s25+$0xFFFFFFC0];
	v17 =	vmul.f32 v17, v14;
	v15 =	vadd.f32 v15, v13  }
0x7a: {  	v23 =	vld [tilespmem:s24+$0x30];
	v18 =	vmul.f32 v18, v14;
	v19 =	vmul.f32 v19, v14;
	v16 =	vadd.f32 v16, v13  }
0x7b: {  	v24 =	vld [tilespmem:s24+$0xFFFFFFD0];
	v25 =	vadd.f32 v17, v13;
	[tilespmem:s25+$0x30] =	vst v15  }
0x7c: {  	v26 =	vld [tilespmem:s24+$0xFFFFFFE0];
	v19 =	vadd.f32 v19, v13;
	[tilespmem:s25+$0xFFFFFFD0] =	vst v16;
	v15 =	vadd.f32 v18, v13;
	v18 =	vmul.f32 v20, v14  }
0x7d: {  	v17 =	vld [tilespmem:s24+$0xFFFFFFF0];
	[tilespmem:s25+$0xFFFFFFE0] =	vst v25;
	v20 =	vmul.f32 v21, v14  }
0x7e: {  	v22 =	vmul.f32 v22, v14;
	v16 =	vld [tilespmem:s24+$0x0];
	[tilespmem:s25+$0x0] =	vst v19;
	v63 =	vadd.f32 v18, v13  }
0x7f: {  	v27 =	vmul.f32 v23, v14;
	[tilespmem:s25+$0xFFFFFFF0] =	vst v15;
	v15 =	vld [tilespmem:s24+$0x10];
	v28 =	vadd.f32 v20, v13  }
0x80: {  	v23 =	vadd.f32 v22, v13;
	v21 =	vmul.f32 v24, v14;
	v18 =	vld [tilespmem:s24+$0x20];
	[tilespmem:s25+$0x10] =	vst v63  }
0x81: {  	s26 =	simm.s32 $0x80;
	s28 =	simm.s32 $0x1A840;
	v22 =	vmul.f32 v26, v14;
	v19 =	vld [tilespmem:s24+$0xFFFFFFC0];
	v20 =	vadd.f32 v27, v13;
	[tilespmem:s25+$0x20] =	vst v28  }
.LBB2_4:
0x82: {  	v24 =	vld [tilespmem:s28+$0x30];
	s26 =	sadd.s32 $0x80, s26;
	v21 =	vadd.f32 v21, v13;
	v17 =	vmul.f32 v17, v14;
	[tilespmem:s25+$0xFFFFFFC0] =	vst v23;
	s25 =	smov.u32 s24;
	s24 =	smov.u32 s28  }
0x83: {  	v23 =	vld [tilespmem:s28+$0xFFFFFFD0];
	p0 =	slt.u32 s26, $0x1F80;
	v22 =	vadd.f32 v22, v13;
	v16 =	vmul.f32 v16, v14;
	[tilespmem:s25+$0x30] =	vst v20  }
0x84: {  	v20 =	vld [tilespmem:s28+$0xFFFFFFE0];
	[tilespmem:s25+$0xFFFFFFD0] =	vst v21;
	v21 =	vadd.f32 v17, v13;
	v15 =	vmul.f32 v15, v14  }
.Ltmp1:
0x85: {  	v17 =	vld [tilespmem:s28+$0xFFFFFFF0];
	[tilespmem:s25+$0xFFFFFFE0] =	vst v22;
	v22 =	vadd.f32 v16, v13;
	v18 =	vmul.f32 v18, v14;
	(pc) =	sbr.rel @p0 .LBB2_4-.Ltmp1, $4  }
0x86: {  	v16 =	vld [tilespmem:s28+$0x0];
	v19 =	vmul.f32 v19, v14;
	[tilespmem:s25+$0xFFFFFFF0] =	vst v21;
	v25 =	vadd.f32 v15, v13  }
0x87: {  	v15 =	vld [tilespmem:s28+$0x10];
	v24 =	vmul.f32 v24, v14;
	[tilespmem:s25+$0x0] =	vst v22;
	v26 =	vadd.f32 v18, v13  }
0x88: {  	v21 =	vmul.f32 v23, v14;
	v18 =	vld [tilespmem:s28+$0x20];
	v23 =	vadd.f32 v19, v13;
	[tilespmem:s25+$0x10] =	vst v25  }
0x89: {  	s28 =	sadd.s32 $0x80, s28;
	v19 =	vld [tilespmem:s24+$0xFFFFFFC0];
	v22 =	vmul.f32 v20, v14;
	v20 =	vadd.f32 v24, v13;
	[tilespmem:s25+$0x20] =	vst v26  }
0x8a: {  	v21 =	vadd.f32 v21, v13;
	v17 =	vmul.f32 v17, v14;
	[tilespmem:s25+$0xFFFFFFC0] =	vst v23  }
0x8b: {  	v22 =	vadd.f32 v22, v13;
	v16 =	vmul.f32 v16, v14;
	[tilespmem:s24+$0x30] =	vst v20  }
0x8c: {  	[tilespmem:s24+$0xFFFFFFD0] =	vst v21;
	v17 =	vadd.f32 v17, v13;
	v15 =	vmul.f32 v15, v14  }
0x8d: {  	[tilespmem:s24+$0xFFFFFFE0] =	vst v22;
	v16 =	vadd.f32 v16, v13;
	v18 =	vmul.f32 v18, v14  }
0x8e: {  	v14 =	vmul.f32 v19, v14;
	[tilespmem:s24+$0xFFFFFFF0] =	vst v17;
	v15 =	vadd.f32 v15, v13  }
0x8f: {  	[tilespmem:s24+$0x0] =	vst v16;
	v16 =	vadd.f32 v18, v13  }
0x90: {  	v13 =	vadd.f32 v14, v13;
	[tilespmem:s24+$0x10] =	vst v15  }
0x91: {  	[tilespmem:s24+$0x20] =	vst v16  }
0x92: {  	[tilespmem:s24+$0xFFFFFFC0] =	vst v13  }
0x93: {  	s24 =	rddreg [dreg:$0x9]  }
0x94: {  	[hbm4b:s24+s19] =	stream.strided.scatter [tilespmem:s21], [sflag:$0x1], $0x2000, s20, s19, $0x38;
	[tilespmem:$0x1C800] =	vst v63  }
0x95: {  	_ =	swait.ge [sflag:s18], $0x2000  }
0x96: {  	[sflag:s18] =	ssyncset.done $0x0;
	s29 =	sld [smem:$0x7F1]  }
0x97: {  	[sflag:s18] =	ssyncadd.s32 $0xFFFFE000  }
0x98: {  	v13 =	vld [tilespmem:$0x1C700]  }
0x99: {  	v15 =	vld [tilespmem:$0x1C780];
	[tilespmem:s21], [sflag:$0x1] =	stream.strided.gather [hbm4b:s29+s19], $0x2000, s20, s19, $0x38  }
0x9a: {  	_ =	swait.ge [sflag:s18], $0x2000  }
0x9b: {  	[sflag:s18] =	ssyncset.done $0x0  }
0x9c: {  	s25 =	simm.s32 $0x1A740;
	[sflag:s18] =	ssyncadd.s32 $0xFFFFE000  }
0x9d: {  	v16 =	vld [tilespmem:s25+$0x30]  }
0x9e: {  	v17 =	vld [tilespmem:s25+$0xFFFFFFD0]  }
0x9f: {  	v18 =	vld [tilespmem:s25+$0xFFFFFFE0]  }
0xa0: {  	v14 =	vperm.xlane v13, v1;
	v19 =	vld [tilespmem:s25+$0xFFFFFFF0]  }
0xa1: {  	v20 =	vld [tilespmem:s25+$0x0]  }
0xa2: {  	v13 =	vperm.xlane v15, v1;
	v15 =	vld [tilespmem:s25+$0x10];
	v16 =	vmul.f32 v16, v14  }
0xa3: {  	v21 =	vld [tilespmem:s25+$0x20];
	v17 =	vmul.f32 v17, v14  }
0xa4: {  	s24 =	simm.s32 $0x1A7C0;
	v22 =	vld [tilespmem:s25+$0xFFFFFFC0];
	v18 =	vmul.f32 v18, v14;
	v16 =	vadd.f32 v16, v13  }
0xa5: {  	v23 =	vld [tilespmem:s24+$0x30];
	v19 =	vmul.f32 v19, v14;
	v17 =	vadd.f32 v17, v13  }
0xa6: {  	v24 =	vld [tilespmem:s24+$0xFFFFFFD0];
	v20 =	vmul.f32 v20, v14;
	v18 =	vadd.f32 v18, v13;
	[tilespmem:s25+$0x30] =	vst v16  }
0xa7: {  	v25 =	vld [tilespmem:s24+$0xFFFFFFE0];
	v15 =	vmul.f32 v15, v14;
	v19 =	vadd.f32 v19, v13;
	[tilespmem:s25+$0xFFFFFFD0] =	vst v17  }
0xa8: {  	v17 =	vld [tilespmem:s24+$0xFFFFFFF0];
	[tilespmem:s25+$0xFFFFFFE0] =	vst v18;
	v18 =	vadd.f32 v20, v13;
	v20 =	vmul.f32 v21, v14  }
0xa9: {  	v22 =	vmul.f32 v22, v14;
	v16 =	vld [tilespmem:s24+$0x0];
	[tilespmem:s25+$0xFFFFFFF0] =	vst v19;
	v19 =	vadd.f32 v15, v13  }
0xaa: {  	v26 =	vmul.f32 v23, v14;
	v15 =	vld [tilespmem:s24+$0x10];
	[tilespmem:s25+$0x0] =	vst v18;
	v27 =	vadd.f32 v20, v13  }
0xab: {  	v23 =	vadd.f32 v22, v13;
	v21 =	vmul.f32 v24, v14;
	v18 =	vld [tilespmem:s24+$0x20];
	[tilespmem:s25+$0x10] =	vst v19  }
0xac: {  	s26 =	simm.s32 $0x80;
	s28 =	simm.s32 $0x1A840;
	v22 =	vmul.f32 v25, v14;
	v19 =	vld [tilespmem:s24+$0xFFFFFFC0];
	v20 =	vadd.f32 v26, v13;
	[tilespmem:s25+$0x20] =	vst v27  }
.LBB2_6:
0xad: {  	v24 =	vld [tilespmem:s28+$0x30];
	s26 =	sadd.s32 $0x80, s26;
	v21 =	vadd.f32 v21, v13;
	v17 =	vmul.f32 v17, v14;
	[tilespmem:s25+$0xFFFFFFC0] =	vst v23;
	s25 =	smov.u32 s24;
	s24 =	smov.u32 s28  }
0xae: {  	v23 =	vld [tilespmem:s28+$0xFFFFFFD0];
	p0 =	slt.u32 s26, $0x1F80;
	v22 =	vadd.f32 v22, v13;
	v16 =	vmul.f32 v16, v14;
	[tilespmem:s25+$0x30] =	vst v20  }
0xaf: {  	v20 =	vld [tilespmem:s28+$0xFFFFFFE0];
	[tilespmem:s25+$0xFFFFFFD0] =	vst v21;
	v21 =	vadd.f32 v17, v13;
	v15 =	vmul.f32 v15, v14  }
.Ltmp2:
0xb0: {  	v17 =	vld [tilespmem:s28+$0xFFFFFFF0];
	[tilespmem:s25+$0xFFFFFFE0] =	vst v22;
	v22 =	vadd.f32 v16, v13;
	v18 =	vmul.f32 v18, v14;
	(pc) =	sbr.rel @p0 .LBB2_6-.Ltmp2, $4  }
0xb1: {  	v16 =	vld [tilespmem:s28+$0x0];
	v19 =	vmul.f32 v19, v14;
	[tilespmem:s25+$0xFFFFFFF0] =	vst v21;
	v25 =	vadd.f32 v15, v13  }
0xb2: {  	v15 =	vld [tilespmem:s28+$0x10];
	v24 =	vmul.f32 v24, v14;
	[tilespmem:s25+$0x0] =	vst v22;
	v26 =	vadd.f32 v18, v13  }
0xb3: {  	v21 =	vmul.f32 v23, v14;
	v18 =	vld [tilespmem:s28+$0x20];
	v23 =	vadd.f32 v19, v13;
	[tilespmem:s25+$0x10] =	vst v25  }
0xb4: {  	s28 =	sadd.s32 $0x80, s28;
	v19 =	vld [tilespmem:s24+$0xFFFFFFC0];
	v22 =	vmul.f32 v20, v14;
	v20 =	vadd.f32 v24, v13;
	[tilespmem:s25+$0x20] =	vst v26  }
0xb5: {  	v21 =	vadd.f32 v21, v13;
	v17 =	vmul.f32 v17, v14;
	[tilespmem:s25+$0xFFFFFFC0] =	vst v23  }
0xb6: {  	v22 =	vadd.f32 v22, v13;
	v16 =	vmul.f32 v16, v14;
	[tilespmem:s24+$0x30] =	vst v20  }
0xb7: {  	[tilespmem:s24+$0xFFFFFFD0] =	vst v21;
	v17 =	vadd.f32 v17, v13;
	v15 =	vmul.f32 v15, v14  }
0xb8: {  	[tilespmem:s24+$0xFFFFFFE0] =	vst v22;
	v16 =	vadd.f32 v16, v13;
	v18 =	vmul.f32 v18, v14  }
0xb9: {  	v19 =	vmul.f32 v19, v14;
	[tilespmem:s24+$0xFFFFFFF0] =	vst v17;
	v15 =	vadd.f32 v15, v13  }
0xba: {  	[tilespmem:s24+$0x0] =	vst v16;
	v16 =	vadd.f32 v18, v13  }
0xbb: {  	v17 =	vadd.f32 v19, v13;
	[tilespmem:s24+$0x10] =	vst v15  }
0xbc: {  	[tilespmem:s24+$0x20] =	vst v16  }
0xbd: {  	[tilespmem:s24+$0xFFFFFFC0] =	vst v17  }
0xbe: {  	s24 =	rddreg [dreg:$0xa]  }
0xbf: {  	[hbm4b:s24+s19] =	stream.strided.scatter [tilespmem:s21], [sflag:$0x1], $0x2000, s20, s19, $0x38;
	[tilespmem:$0x1C800] =	vst v63  }
0xc0: {  	_ =	swait.ge [sflag:s18], $0x2000  }
0xc1: {  	s29 =	sld [smem:$0x7F2]  }
0xc2: {  	[sflag:s18] =	ssyncset.done $0x0  }
0xc3: {  	[sflag:s18] =	ssyncadd.s32 $0xFFFFE000  }
0xc4: {  	[tilespmem:s21], [sflag:$0x1] =	stream.strided.gather [hbm4b:s29+s19], $0x2000, s20, s19, $0x38;
	[tilespmem:$0x1C800] =	vst v63  }
0xc5: {  	_ =	swait.ge [sflag:s18], $0x2000  }
0xc6: {  	[sflag:s18] =	ssyncset.done $0x0  }
0xc7: {  	s25 =	simm.s32 $0x1A740;
	[sflag:s18] =	ssyncadd.s32 $0xFFFFE000  }
0xc8: {  	v15 =	vld [tilespmem:s25+$0x30]  }
0xc9: {  	v16 =	vld [tilespmem:s25+$0xFFFFFFD0]  }
0xca: {  	v17 =	vld [tilespmem:s25+$0xFFFFFFE0]  }
0xcb: {  	v18 =	vld [tilespmem:s25+$0xFFFFFFF0]  }
0xcc: {  	v19 =	vld [tilespmem:s25+$0x0];
	_ =	sdelay $0x1  }
0xcd: {  	v20 =	vld [tilespmem:s25+$0x10];
	v15 =	vmul.f32 v15, v14  }
0xce: {  	v21 =	vld [tilespmem:s25+$0x20];
	v16 =	vmul.f32 v16, v14  }
0xcf: {  	s24 =	simm.s32 $0x1A7C0;
	v22 =	vld [tilespmem:s25+$0xFFFFFFC0];
	v17 =	vmul.f32 v17, v14;
	v15 =	vadd.f32 v15, v13  }
0xd0: {  	v23 =	vld [tilespmem:s24+$0x30];
	v18 =	vmul.f32 v18, v14;
	v19 =	vmul.f32 v19, v14;
	v16 =	vadd.f32 v16, v13  }
0xd1: {  	v24 =	vld [tilespmem:s24+$0xFFFFFFD0];
	v25 =	vadd.f32 v17, v13;
	[tilespmem:s25+$0x30] =	vst v15  }
0xd2: {  	v26 =	vld [tilespmem:s24+$0xFFFFFFE0];
	v19 =	vadd.f32 v19, v13;
	[tilespmem:s25+$0xFFFFFFD0] =	vst v16;
	v15 =	vadd.f32 v18, v13;
	v18 =	vmul.f32 v20, v14  }
0xd3: {  	v17 =	vld [tilespmem:s24+$0xFFFFFFF0];
	[tilespmem:s25+$0xFFFFFFE0] =	vst v25;
	v20 =	vmul.f32 v21, v14  }
0xd4: {  	v22 =	vmul.f32 v22, v14;
	v16 =	vld [tilespmem:s24+$0x0];
	[tilespmem:s25+$0x0] =	vst v19;
	v63 =	vadd.f32 v18, v13  }
0xd5: {  	v27 =	vmul.f32 v23, v14;
	[tilespmem:s25+$0xFFFFFFF0] =	vst v15;
	v15 =	vld [tilespmem:s24+$0x10];
	v28 =	vadd.f32 v20, v13  }
0xd6: {  	v23 =	vadd.f32 v22, v13;
	v21 =	vmul.f32 v24, v14;
	v18 =	vld [tilespmem:s24+$0x20];
	[tilespmem:s25+$0x10] =	vst v63  }
0xd7: {  	s26 =	simm.s32 $0x80;
	s28 =	simm.s32 $0x1A840;
	v22 =	vmul.f32 v26, v14;
	v19 =	vld [tilespmem:s24+$0xFFFFFFC0];
	v20 =	vadd.f32 v27, v13;
	[tilespmem:s25+$0x20] =	vst v28  }
.LBB2_8:
0xd8: {  	v24 =	vld [tilespmem:s28+$0x30];
	s26 =	sadd.s32 $0x80, s26;
	v21 =	vadd.f32 v21, v13;
	v17 =	vmul.f32 v17, v14;
	[tilespmem:s25+$0xFFFFFFC0] =	vst v23;
	s25 =	smov.u32 s24;
	s24 =	smov.u32 s28  }
0xd9: {  	v23 =	vld [tilespmem:s28+$0xFFFFFFD0];
	p0 =	slt.u32 s26, $0x1F80;
	v22 =	vadd.f32 v22, v13;
	v16 =	vmul.f32 v16, v14;
	[tilespmem:s25+$0x30] =	vst v20  }
0xda: {  	v20 =	vld [tilespmem:s28+$0xFFFFFFE0];
	[tilespmem:s25+$0xFFFFFFD0] =	vst v21;
	v21 =	vadd.f32 v17, v13;
	v15 =	vmul.f32 v15, v14  }
.Ltmp3:
0xdb: {  	v17 =	vld [tilespmem:s28+$0xFFFFFFF0];
	[tilespmem:s25+$0xFFFFFFE0] =	vst v22;
	v22 =	vadd.f32 v16, v13;
	v18 =	vmul.f32 v18, v14;
	(pc) =	sbr.rel @p0 .LBB2_8-.Ltmp3, $4  }
0xdc: {  	v16 =	vld [tilespmem:s28+$0x0];
	v19 =	vmul.f32 v19, v14;
	[tilespmem:s25+$0xFFFFFFF0] =	vst v21;
	v25 =	vadd.f32 v15, v13  }
0xdd: {  	v15 =	vld [tilespmem:s28+$0x10];
	v24 =	vmul.f32 v24, v14;
	[tilespmem:s25+$0x0] =	vst v22;
	v26 =	vadd.f32 v18, v13  }
0xde: {  	v21 =	vmul.f32 v23, v14;
	v18 =	vld [tilespmem:s28+$0x20];
	v23 =	vadd.f32 v19, v13;
	[tilespmem:s25+$0x10] =	vst v25  }
0xdf: {  	s28 =	sadd.s32 $0x80, s28;
	v19 =	vld [tilespmem:s24+$0xFFFFFFC0];
	v22 =	vmul.f32 v20, v14;
	v20 =	vadd.f32 v24, v13;
	[tilespmem:s25+$0x20] =	vst v26  }
0xe0: {  	v21 =	vadd.f32 v21, v13;
	v17 =	vmul.f32 v17, v14;
	[tilespmem:s25+$0xFFFFFFC0] =	vst v23  }
0xe1: {  	v22 =	vadd.f32 v22, v13;
	v16 =	vmul.f32 v16, v14;
	[tilespmem:s24+$0x30] =	vst v20  }
0xe2: {  	[tilespmem:s24+$0xFFFFFFD0] =	vst v21;
	v17 =	vadd.f32 v17, v13;
	v15 =	vmul.f32 v15, v14  }
0xe3: {  	[tilespmem:s24+$0xFFFFFFE0] =	vst v22;
	v16 =	vadd.f32 v16, v13;
	v18 =	vmul.f32 v18, v14  }
0xe4: {  	v14 =	vmul.f32 v19, v14;
	[tilespmem:s24+$0xFFFFFFF0] =	vst v17;
	v15 =	vadd.f32 v15, v13  }
0xe5: {  	[tilespmem:s24+$0x0] =	vst v16;
	v16 =	vadd.f32 v18, v13  }
0xe6: {  	v13 =	vadd.f32 v14, v13;
	[tilespmem:s24+$0x10] =	vst v15  }
0xe7: {  	[tilespmem:s24+$0x20] =	vst v16  }
0xe8: {  	[tilespmem:s24+$0xFFFFFFC0] =	vst v13  }
0xe9: {  	s24 =	rddreg [dreg:$0xb]  }
0xea: {  	[hbm4b:s24+s19] =	stream.strided.scatter [tilespmem:s21], [sflag:$0x1], $0x2000, s20, s19, $0x38;
	[tilespmem:$0x1C800] =	vst v63  }
0xeb: {  	_ =	swait.ge [sflag:s18], $0x2000  }
0xec: {  	[sflag:s18] =	ssyncset.done $0x0;
	s29 =	sld [smem:$0x7F3]  }
0xed: {  	[sflag:s18] =	ssyncadd.s32 $0xFFFFE000  }
0xee: {  	v13 =	vld [tilespmem:$0x1C700]  }
0xef: {  	v15 =	vld [tilespmem:$0x1C780];
	[tilespmem:s21], [sflag:$0x1] =	stream.strided.gather [hbm4b:s29+s19], $0x2000, s20, s19, $0x38  }
0xf0: {  	_ =	swait.ge [sflag:s18], $0x2000  }
0xf1: {  	[sflag:s18] =	ssyncset.done $0x0  }
0xf2: {  	s25 =	simm.s32 $0x1A740;
	[sflag:s18] =	ssyncadd.s32 $0xFFFFE000  }
0xf3: {  	v16 =	vld [tilespmem:s25+$0x30]  }
0xf4: {  	v17 =	vld [tilespmem:s25+$0xFFFFFFD0]  }
0xf5: {  	v18 =	vld [tilespmem:s25+$0xFFFFFFE0]  }
0xf6: {  	v14 =	vperm.xlane v13, v2;
	v19 =	vld [tilespmem:s25+$0xFFFFFFF0]  }
0xf7: {  	v20 =	vld [tilespmem:s25+$0x0]  }
0xf8: {  	v13 =	vperm.xlane v15, v2;
	v15 =	vld [tilespmem:s25+$0x10];
	v16 =	vmul.f32 v16, v14  }
0xf9: {  	v21 =	vld [tilespmem:s25+$0x20];
	v17 =	vmul.f32 v17, v14  }
0xfa: {  	s24 =	simm.s32 $0x1A7C0;
	v22 =	vld [tilespmem:s25+$0xFFFFFFC0];
	v18 =	vmul.f32 v18, v14;
	v16 =	vadd.f32 v16, v13  }
0xfb: {  	v23 =	vld [tilespmem:s24+$0x30];
	v19 =	vmul.f32 v19, v14;
	v17 =	vadd.f32 v17, v13  }
0xfc: {  	v24 =	vld [tilespmem:s24+$0xFFFFFFD0];
	v20 =	vmul.f32 v20, v14;
	v18 =	vadd.f32 v18, v13;
	[tilespmem:s25+$0x30] =	vst v16  }
0xfd: {  	v25 =	vld [tilespmem:s24+$0xFFFFFFE0];
	v15 =	vmul.f32 v15, v14;
	v19 =	vadd.f32 v19, v13;
	[tilespmem:s25+$0xFFFFFFD0] =	vst v17  }
0xfe: {  	v17 =	vld [tilespmem:s24+$0xFFFFFFF0];
	[tilespmem:s25+$0xFFFFFFE0] =	vst v18;
	v18 =	vadd.f32 v20, v13;
	v20 =	vmul.f32 v21, v14  }
0xff: {  	v22 =	vmul.f32 v22, v14;
	v16 =	vld [tilespmem:s24+$0x0];
	[tilespmem:s25+$0xFFFFFFF0] =	vst v19;
	v19 =	vadd.f32 v15, v13  }
0x100: {  	v26 =	vmul.f32 v23, v14;
	v15 =	vld [tilespmem:s24+$0x10];
	[tilespmem:s25+$0x0] =	vst v18;
	v27 =	vadd.f32 v20, v13  }
0x101: {  	v23 =	vadd.f32 v22, v13;
	v21 =	vmul.f32 v24, v14;
	v18 =	vld [tilespmem:s24+$0x20];
	[tilespmem:s25+$0x10] =	vst v19  }
0x102: {  	s26 =	simm.s32 $0x80;
	s28 =	simm.s32 $0x1A840;
	v22 =	vmul.f32 v25, v14;
	v19 =	vld [tilespmem:s24+$0xFFFFFFC0];
	v20 =	vadd.f32 v26, v13;
	[tilespmem:s25+$0x20] =	vst v27  }
.LBB2_10:
0x103: {  	v24 =	vld [tilespmem:s28+$0x30];
	s26 =	sadd.s32 $0x80, s26;
	v21 =	vadd.f32 v21, v13;
	v17 =	vmul.f32 v17, v14;
	[tilespmem:s25+$0xFFFFFFC0] =	vst v23;
	s25 =	smov.u32 s24;
	s24 =	smov.u32 s28  }
0x104: {  	v23 =	vld [tilespmem:s28+$0xFFFFFFD0];
	p0 =	slt.u32 s26, $0x1F80;
	v22 =	vadd.f32 v22, v13;
	v16 =	vmul.f32 v16, v14;
	[tilespmem:s25+$0x30] =	vst v20  }
0x105: {  	v20 =	vld [tilespmem:s28+$0xFFFFFFE0];
	[tilespmem:s25+$0xFFFFFFD0] =	vst v21;
	v21 =	vadd.f32 v17, v13;
	v15 =	vmul.f32 v15, v14  }
.Ltmp4:
0x106: {  	v17 =	vld [tilespmem:s28+$0xFFFFFFF0];
	[tilespmem:s25+$0xFFFFFFE0] =	vst v22;
	v22 =	vadd.f32 v16, v13;
	v18 =	vmul.f32 v18, v14;
	(pc) =	sbr.rel @p0 .LBB2_10-.Ltmp4, $4  }
0x107: {  	v16 =	vld [tilespmem:s28+$0x0];
	v19 =	vmul.f32 v19, v14;
	[tilespmem:s25+$0xFFFFFFF0] =	vst v21;
	v25 =	vadd.f32 v15, v13  }
0x108: {  	v15 =	vld [tilespmem:s28+$0x10];
	v24 =	vmul.f32 v24, v14;
	[tilespmem:s25+$0x0] =	vst v22;
	v26 =	vadd.f32 v18, v13  }
0x109: {  	v21 =	vmul.f32 v23, v14;
	v18 =	vld [tilespmem:s28+$0x20];
	v23 =	vadd.f32 v19, v13;
	[tilespmem:s25+$0x10] =	vst v25  }
0x10a: {  	s28 =	sadd.s32 $0x80, s28;
	v19 =	vld [tilespmem:s24+$0xFFFFFFC0];
	v22 =	vmul.f32 v20, v14;
	v20 =	vadd.f32 v24, v13;
	[tilespmem:s25+$0x20] =	vst v26  }
0x10b: {  	v21 =	vadd.f32 v21, v13;
	v17 =	vmul.f32 v17, v14;
	[tilespmem:s25+$0xFFFFFFC0] =	vst v23  }
0x10c: {  	v22 =	vadd.f32 v22, v13;
	v16 =	vmul.f32 v16, v14;
	[tilespmem:s24+$0x30] =	vst v20  }
0x10d: {  	[tilespmem:s24+$0xFFFFFFD0] =	vst v21;
	v17 =	vadd.f32 v17, v13;
	v15 =	vmul.f32 v15, v14  }
0x10e: {  	[tilespmem:s24+$0xFFFFFFE0] =	vst v22;
	v16 =	vadd.f32 v16, v13;
	v18 =	vmul.f32 v18, v14  }
0x10f: {  	v19 =	vmul.f32 v19, v14;
	[tilespmem:s24+$0xFFFFFFF0] =	vst v17;
	v15 =	vadd.f32 v15, v13  }
0x110: {  	[tilespmem:s24+$0x0] =	vst v16;
	v16 =	vadd.f32 v18, v13  }
0x111: {  	v17 =	vadd.f32 v19, v13;
	[tilespmem:s24+$0x10] =	vst v15  }
0x112: {  	[tilespmem:s24+$0x20] =	vst v16  }
0x113: {  	[tilespmem:s24+$0xFFFFFFC0] =	vst v17  }
0x114: {  	s24 =	rddreg [dreg:$0xc]  }
0x115: {  	[hbm4b:s24+s19] =	stream.strided.scatter [tilespmem:s21], [sflag:$0x1], $0x2000, s20, s19, $0x38;
	[tilespmem:$0x1C800] =	vst v63  }
0x116: {  	_ =	swait.ge [sflag:s18], $0x2000  }
0x117: {  	s29 =	sld [smem:$0x7F4]  }
0x118: {  	[sflag:s18] =	ssyncset.done $0x0  }
0x119: {  	[sflag:s18] =	ssyncadd.s32 $0xFFFFE000  }
0x11a: {  	[tilespmem:s21], [sflag:$0x1] =	stream.strided.gather [hbm4b:s29+s19], $0x2000, s20, s19, $0x38;
	[tilespmem:$0x1C800] =	vst v63  }
0x11b: {  	_ =	swait.ge [sflag:s18], $0x2000  }
0x11c: {  	[sflag:s18] =	ssyncset.done $0x0  }
0x11d: {  	s25 =	simm.s32 $0x1A740;
	[sflag:s18] =	ssyncadd.s32 $0xFFFFE000  }
0x11e: {  	v15 =	vld [tilespmem:s25+$0x30]  }
0x11f: {  	v16 =	vld [tilespmem:s25+$0xFFFFFFD0]  }
0x120: {  	v17 =	vld [tilespmem:s25+$0xFFFFFFE0]  }
0x121: {  	v18 =	vld [tilespmem:s25+$0xFFFFFFF0]  }
0x122: {  	v19 =	vld [tilespmem:s25+$0x0];
	_ =	sdelay $0x1  }
0x123: {  	v20 =	vld [tilespmem:s25+$0x10];
	v15 =	vmul.f32 v15, v14  }
0x124: {  	v21 =	vld [tilespmem:s25+$0x20];
	v16 =	vmul.f32 v16, v14  }
0x125: {  	s24 =	simm.s32 $0x1A7C0;
	v22 =	vld [tilespmem:s25+$0xFFFFFFC0];
	v17 =	vmul.f32 v17, v14;
	v15 =	vadd.f32 v15, v13  }
0x126: {  	v23 =	vld [tilespmem:s24+$0x30];
	v18 =	vmul.f32 v18, v14;
	v19 =	vmul.f32 v19, v14;
	v16 =	vadd.f32 v16, v13  }
0x127: {  	v24 =	vld [tilespmem:s24+$0xFFFFFFD0];
	v25 =	vadd.f32 v17, v13;
	[tilespmem:s25+$0x30] =	vst v15  }
0x128: {  	v26 =	vld [tilespmem:s24+$0xFFFFFFE0];
	v19 =	vadd.f32 v19, v13;
	[tilespmem:s25+$0xFFFFFFD0] =	vst v16;
	v15 =	vadd.f32 v18, v13;
	v18 =	vmul.f32 v20, v14  }
0x129: {  	v17 =	vld [tilespmem:s24+$0xFFFFFFF0];
	[tilespmem:s25+$0xFFFFFFE0] =	vst v25;
	v20 =	vmul.f32 v21, v14  }
0x12a: {  	v22 =	vmul.f32 v22, v14;
	v16 =	vld [tilespmem:s24+$0x0];
	[tilespmem:s25+$0x0] =	vst v19;
	v63 =	vadd.f32 v18, v13  }
0x12b: {  	v27 =	vmul.f32 v23, v14;
	[tilespmem:s25+$0xFFFFFFF0] =	vst v15;
	v15 =	vld [tilespmem:s24+$0x10];
	v28 =	vadd.f32 v20, v13  }
0x12c: {  	v23 =	vadd.f32 v22, v13;
	v21 =	vmul.f32 v24, v14;
	v18 =	vld [tilespmem:s24+$0x20];
	[tilespmem:s25+$0x10] =	vst v63  }
0x12d: {  	s26 =	simm.s32 $0x80;
	s28 =	simm.s32 $0x1A840;
	v22 =	vmul.f32 v26, v14;
	v19 =	vld [tilespmem:s24+$0xFFFFFFC0];
	v20 =	vadd.f32 v27, v13;
	[tilespmem:s25+$0x20] =	vst v28  }
.LBB2_12:
0x12e: {  	v24 =	vld [tilespmem:s28+$0x30];
	s26 =	sadd.s32 $0x80, s26;
	v21 =	vadd.f32 v21, v13;
	v17 =	vmul.f32 v17, v14;
	[tilespmem:s25+$0xFFFFFFC0] =	vst v23;
	s25 =	smov.u32 s24;
	s24 =	smov.u32 s28  }
0x12f: {  	v23 =	vld [tilespmem:s28+$0xFFFFFFD0];
	p0 =	slt.u32 s26, $0x1F80;
	v22 =	vadd.f32 v22, v13;
	v16 =	vmul.f32 v16, v14;
	[tilespmem:s25+$0x30] =	vst v20  }
0x130: {  	v20 =	vld [tilespmem:s28+$0xFFFFFFE0];
	[tilespmem:s25+$0xFFFFFFD0] =	vst v21;
	v21 =	vadd.f32 v17, v13;
	v15 =	vmul.f32 v15, v14  }
.Ltmp5:
0x131: {  	v17 =	vld [tilespmem:s28+$0xFFFFFFF0];
	[tilespmem:s25+$0xFFFFFFE0] =	vst v22;
	v22 =	vadd.f32 v16, v13;
	v18 =	vmul.f32 v18, v14;
	(pc) =	sbr.rel @p0 .LBB2_12-.Ltmp5, $4  }
0x132: {  	v16 =	vld [tilespmem:s28+$0x0];
	v19 =	vmul.f32 v19, v14;
	[tilespmem:s25+$0xFFFFFFF0] =	vst v21;
	v25 =	vadd.f32 v15, v13  }
0x133: {  	v15 =	vld [tilespmem:s28+$0x10];
	v24 =	vmul.f32 v24, v14;
	[tilespmem:s25+$0x0] =	vst v22;
	v26 =	vadd.f32 v18, v13  }
0x134: {  	v21 =	vmul.f32 v23, v14;
	v18 =	vld [tilespmem:s28+$0x20];
	v23 =	vadd.f32 v19, v13;
	[tilespmem:s25+$0x10] =	vst v25  }
0x135: {  	s28 =	sadd.s32 $0x80, s28;
	v19 =	vld [tilespmem:s24+$0xFFFFFFC0];
	v22 =	vmul.f32 v20, v14;
	v20 =	vadd.f32 v24, v13;
	[tilespmem:s25+$0x20] =	vst v26  }
0x136: {  	v21 =	vadd.f32 v21, v13;
	v17 =	vmul.f32 v17, v14;
	[tilespmem:s25+$0xFFFFFFC0] =	vst v23  }
0x137: {  	v22 =	vadd.f32 v22, v13;
	v16 =	vmul.f32 v16, v14;
	[tilespmem:s24+$0x30] =	vst v20  }
0x138: {  	[tilespmem:s24+$0xFFFFFFD0] =	vst v21;
	v17 =	vadd.f32 v17, v13;
	v15 =	vmul.f32 v15, v14  }
0x139: {  	[tilespmem:s24+$0xFFFFFFE0] =	vst v22;
	v16 =	vadd.f32 v16, v13;
	v18 =	vmul.f32 v18, v14  }
0x13a: {  	v14 =	vmul.f32 v19, v14;
	[tilespmem:s24+$0xFFFFFFF0] =	vst v17;
	v15 =	vadd.f32 v15, v13  }
0x13b: {  	[tilespmem:s24+$0x0] =	vst v16;
	v16 =	vadd.f32 v18, v13  }
0x13c: {  	v13 =	vadd.f32 v14, v13;
	[tilespmem:s24+$0x10] =	vst v15  }
0x13d: {  	[tilespmem:s24+$0x20] =	vst v16  }
0x13e: {  	[tilespmem:s24+$0xFFFFFFC0] =	vst v13  }
0x13f: {  	s24 =	rddreg [dreg:$0xd]  }
0x140: {  	[hbm4b:s24+s19] =	stream.strided.scatter [tilespmem:s21], [sflag:$0x1], $0x2000, s20, s19, $0x38;
	[tilespmem:$0x1C800] =	vst v63  }
0x141: {  	_ =	swait.ge [sflag:s18], $0x2000  }
0x142: {  	[sflag:s18] =	ssyncset.done $0x0;
	s29 =	sld [smem:$0x7F5]  }
0x143: {  	[sflag:s18] =	ssyncadd.s32 $0xFFFFE000  }
0x144: {  	v13 =	vld [tilespmem:$0x1C700]  }
0x145: {  	v15 =	vld [tilespmem:$0x1C780];
	[tilespmem:s21], [sflag:$0x1] =	stream.strided.gather [hbm4b:s29+s19], $0x2000, s20, s19, $0x38  }
0x146: {  	_ =	swait.ge [sflag:s18], $0x2000  }
0x147: {  	[sflag:s18] =	ssyncset.done $0x0  }
0x148: {  	s25 =	simm.s32 $0x1A740;
	[sflag:s18] =	ssyncadd.s32 $0xFFFFE000  }
0x149: {  	v16 =	vld [tilespmem:s25+$0x30]  }
0x14a: {  	v17 =	vld [tilespmem:s25+$0xFFFFFFD0]  }
0x14b: {  	v18 =	vld [tilespmem:s25+$0xFFFFFFE0]  }
0x14c: {  	v14 =	vperm.xlane v13, v3;
	v19 =	vld [tilespmem:s25+$0xFFFFFFF0]  }
0x14d: {  	v20 =	vld [tilespmem:s25+$0x0]  }
0x14e: {  	v13 =	vperm.xlane v15, v3;
	v15 =	vld [tilespmem:s25+$0x10];
	v16 =	vmul.f32 v16, v14  }
0x14f: {  	v21 =	vld [tilespmem:s25+$0x20];
	v17 =	vmul.f32 v17, v14  }
0x150: {  	s24 =	simm.s32 $0x1A7C0;
	v22 =	vld [tilespmem:s25+$0xFFFFFFC0];
	v18 =	vmul.f32 v18, v14;
	v16 =	vadd.f32 v16, v13  }
0x151: {  	v23 =	vld [tilespmem:s24+$0x30];
	v19 =	vmul.f32 v19, v14;
	v17 =	vadd.f32 v17, v13  }
0x152: {  	v24 =	vld [tilespmem:s24+$0xFFFFFFD0];
	v20 =	vmul.f32 v20, v14;
	v18 =	vadd.f32 v18, v13;
	[tilespmem:s25+$0x30] =	vst v16  }
0x153: {  	v25 =	vld [tilespmem:s24+$0xFFFFFFE0];
	v15 =	vmul.f32 v15, v14;
	v19 =	vadd.f32 v19, v13;
	[tilespmem:s25+$0xFFFFFFD0] =	vst v17  }
0x154: {  	v17 =	vld [tilespmem:s24+$0xFFFFFFF0];
	[tilespmem:s25+$0xFFFFFFE0] =	vst v18;
	v18 =	vadd.f32 v20, v13;
	v20 =	vmul.f32 v21, v14  }
0x155: {  	v22 =	vmul.f32 v22, v14;
	v16 =	vld [tilespmem:s24+$0x0];
	[tilespmem:s25+$0xFFFFFFF0] =	vst v19;
	v19 =	vadd.f32 v15, v13  }
0x156: {  	v26 =	vmul.f32 v23, v14;
	v15 =	vld [tilespmem:s24+$0x10];
	[tilespmem:s25+$0x0] =	vst v18;
	v27 =	vadd.f32 v20, v13  }
0x157: {  	v23 =	vadd.f32 v22, v13;
	v21 =	vmul.f32 v24, v14;
	v18 =	vld [tilespmem:s24+$0x20];
	[tilespmem:s25+$0x10] =	vst v19  }
0x158: {  	s26 =	simm.s32 $0x80;
	s28 =	simm.s32 $0x1A840;
	v22 =	vmul.f32 v25, v14;
	v19 =	vld [tilespmem:s24+$0xFFFFFFC0];
	v20 =	vadd.f32 v26, v13;
	[tilespmem:s25+$0x20] =	vst v27  }
.LBB2_14:
0x159: {  	v24 =	vld [tilespmem:s28+$0x30];
	s26 =	sadd.s32 $0x80, s26;
	v21 =	vadd.f32 v21, v13;
	v17 =	vmul.f32 v17, v14;
	[tilespmem:s25+$0xFFFFFFC0] =	vst v23;
	s25 =	smov.u32 s24;
	s24 =	smov.u32 s28  }
0x15a: {  	v23 =	vld [tilespmem:s28+$0xFFFFFFD0];
	p0 =	slt.u32 s26, $0x1F80;
	v22 =	vadd.f32 v22, v13;
	v16 =	vmul.f32 v16, v14;
	[tilespmem:s25+$0x30] =	vst v20  }
0x15b: {  	v20 =	vld [tilespmem:s28+$0xFFFFFFE0];
	[tilespmem:s25+$0xFFFFFFD0] =	vst v21;
	v21 =	vadd.f32 v17, v13;
	v15 =	vmul.f32 v15, v14  }
.Ltmp6:
0x15c: {  	v17 =	vld [tilespmem:s28+$0xFFFFFFF0];
	[tilespmem:s25+$0xFFFFFFE0] =	vst v22;
	v22 =	vadd.f32 v16, v13;
	v18 =	vmul.f32 v18, v14;
	(pc) =	sbr.rel @p0 .LBB2_14-.Ltmp6, $4  }
0x15d: {  	v16 =	vld [tilespmem:s28+$0x0];
	v19 =	vmul.f32 v19, v14;
	[tilespmem:s25+$0xFFFFFFF0] =	vst v21;
	v25 =	vadd.f32 v15, v13  }
0x15e: {  	v15 =	vld [tilespmem:s28+$0x10];
	v24 =	vmul.f32 v24, v14;
	[tilespmem:s25+$0x0] =	vst v22;
	v26 =	vadd.f32 v18, v13  }
0x15f: {  	v21 =	vmul.f32 v23, v14;
	v18 =	vld [tilespmem:s28+$0x20];
	v23 =	vadd.f32 v19, v13;
	[tilespmem:s25+$0x10] =	vst v25  }
0x160: {  	s28 =	sadd.s32 $0x80, s28;
	v19 =	vld [tilespmem:s24+$0xFFFFFFC0];
	v22 =	vmul.f32 v20, v14;
	v20 =	vadd.f32 v24, v13;
	[tilespmem:s25+$0x20] =	vst v26  }
0x161: {  	v21 =	vadd.f32 v21, v13;
	v17 =	vmul.f32 v17, v14;
	[tilespmem:s25+$0xFFFFFFC0] =	vst v23  }
0x162: {  	v22 =	vadd.f32 v22, v13;
	v16 =	vmul.f32 v16, v14;
	[tilespmem:s24+$0x30] =	vst v20  }
0x163: {  	[tilespmem:s24+$0xFFFFFFD0] =	vst v21;
	v17 =	vadd.f32 v17, v13;
	v15 =	vmul.f32 v15, v14  }
0x164: {  	[tilespmem:s24+$0xFFFFFFE0] =	vst v22;
	v16 =	vadd.f32 v16, v13;
	v18 =	vmul.f32 v18, v14  }
0x165: {  	v19 =	vmul.f32 v19, v14;
	[tilespmem:s24+$0xFFFFFFF0] =	vst v17;
	v15 =	vadd.f32 v15, v13  }
0x166: {  	[tilespmem:s24+$0x0] =	vst v16;
	v16 =	vadd.f32 v18, v13  }
0x167: {  	v17 =	vadd.f32 v19, v13;
	[tilespmem:s24+$0x10] =	vst v15  }
0x168: {  	[tilespmem:s24+$0x20] =	vst v16  }
0x169: {  	[tilespmem:s24+$0xFFFFFFC0] =	vst v17  }
0x16a: {  	s24 =	rddreg [dreg:$0xe]  }
0x16b: {  	[hbm4b:s24+s19] =	stream.strided.scatter [tilespmem:s21], [sflag:$0x1], $0x2000, s20, s19, $0x38;
	[tilespmem:$0x1C800] =	vst v63  }
0x16c: {  	_ =	swait.ge [sflag:s18], $0x2000  }
0x16d: {  	s29 =	sld [smem:$0x7F6]  }
0x16e: {  	[sflag:s18] =	ssyncset.done $0x0  }
0x16f: {  	[sflag:s18] =	ssyncadd.s32 $0xFFFFE000  }
0x170: {  	[tilespmem:s21], [sflag:$0x1] =	stream.strided.gather [hbm4b:s29+s19], $0x2000, s20, s19, $0x38;
	[tilespmem:$0x1C800] =	vst v63  }
0x171: {  	_ =	swait.ge [sflag:s18], $0x2000  }
0x172: {  	[sflag:s18] =	ssyncset.done $0x0  }
0x173: {  	s25 =	simm.s32 $0x1A740;
	[sflag:s18] =	ssyncadd.s32 $0xFFFFE000  }
0x174: {  	v15 =	vld [tilespmem:s25+$0x30]  }
0x175: {  	v16 =	vld [tilespmem:s25+$0xFFFFFFD0]  }
0x176: {  	v17 =	vld [tilespmem:s25+$0xFFFFFFE0]  }
0x177: {  	v18 =	vld [tilespmem:s25+$0xFFFFFFF0]  }
0x178: {  	v19 =	vld [tilespmem:s25+$0x0];
	_ =	sdelay $0x1  }
0x179: {  	v20 =	vld [tilespmem:s25+$0x10];
	v15 =	vmul.f32 v15, v14  }
0x17a: {  	v21 =	vld [tilespmem:s25+$0x20];
	v16 =	vmul.f32 v16, v14  }
0x17b: {  	s24 =	simm.s32 $0x1A7C0;
	v22 =	vld [tilespmem:s25+$0xFFFFFFC0];
	v17 =	vmul.f32 v17, v14;
	v15 =	vadd.f32 v15, v13  }
0x17c: {  	v23 =	vld [tilespmem:s24+$0x30];
	v18 =	vmul.f32 v18, v14;
	v19 =	vmul.f32 v19, v14;
	v16 =	vadd.f32 v16, v13  }
0x17d: {  	v24 =	vld [tilespmem:s24+$0xFFFFFFD0];
	v25 =	vadd.f32 v17, v13;
	[tilespmem:s25+$0x30] =	vst v15  }
0x17e: {  	v26 =	vld [tilespmem:s24+$0xFFFFFFE0];
	v19 =	vadd.f32 v19, v13;
	[tilespmem:s25+$0xFFFFFFD0] =	vst v16;
	v15 =	vadd.f32 v18, v13;
	v18 =	vmul.f32 v20, v14  }
0x17f: {  	v17 =	vld [tilespmem:s24+$0xFFFFFFF0];
	[tilespmem:s25+$0xFFFFFFE0] =	vst v25;
	v20 =	vmul.f32 v21, v14  }
0x180: {  	v22 =	vmul.f32 v22, v14;
	v16 =	vld [tilespmem:s24+$0x0];
	[tilespmem:s25+$0x0] =	vst v19;
	v63 =	vadd.f32 v18, v13  }
0x181: {  	v27 =	vmul.f32 v23, v14;
	[tilespmem:s25+$0xFFFFFFF0] =	vst v15;
	v15 =	vld [tilespmem:s24+$0x10];
	v28 =	vadd.f32 v20, v13  }
0x182: {  	v23 =	vadd.f32 v22, v13;
	v21 =	vmul.f32 v24, v14;
	v18 =	vld [tilespmem:s24+$0x20];
	[tilespmem:s25+$0x10] =	vst v63  }
0x183: {  	s26 =	simm.s32 $0x80;
	s28 =	simm.s32 $0x1A840;
	v22 =	vmul.f32 v26, v14;
	v19 =	vld [tilespmem:s24+$0xFFFFFFC0];
	v20 =	vadd.f32 v27, v13;
	[tilespmem:s25+$0x20] =	vst v28  }
.LBB2_16:
0x184: {  	v24 =	vld [tilespmem:s28+$0x30];
	s26 =	sadd.s32 $0x80, s26;
	v21 =	vadd.f32 v21, v13;
	v17 =	vmul.f32 v17, v14;
	[tilespmem:s25+$0xFFFFFFC0] =	vst v23;
	s25 =	smov.u32 s24;
	s24 =	smov.u32 s28  }
0x185: {  	v23 =	vld [tilespmem:s28+$0xFFFFFFD0];
	p0 =	slt.u32 s26, $0x1F80;
	v22 =	vadd.f32 v22, v13;
	v16 =	vmul.f32 v16, v14;
	[tilespmem:s25+$0x30] =	vst v20  }
0x186: {  	v20 =	vld [tilespmem:s28+$0xFFFFFFE0];
	[tilespmem:s25+$0xFFFFFFD0] =	vst v21;
	v21 =	vadd.f32 v17, v13;
	v15 =	vmul.f32 v15, v14  }
.Ltmp7:
0x187: {  	v17 =	vld [tilespmem:s28+$0xFFFFFFF0];
	[tilespmem:s25+$0xFFFFFFE0] =	vst v22;
	v22 =	vadd.f32 v16, v13;
	v18 =	vmul.f32 v18, v14;
	(pc) =	sbr.rel @p0 .LBB2_16-.Ltmp7, $4  }
0x188: {  	v16 =	vld [tilespmem:s28+$0x0];
	v19 =	vmul.f32 v19, v14;
	[tilespmem:s25+$0xFFFFFFF0] =	vst v21;
	v25 =	vadd.f32 v15, v13  }
0x189: {  	v15 =	vld [tilespmem:s28+$0x10];
	v24 =	vmul.f32 v24, v14;
	[tilespmem:s25+$0x0] =	vst v22;
	v26 =	vadd.f32 v18, v13  }
0x18a: {  	v21 =	vmul.f32 v23, v14;
	v18 =	vld [tilespmem:s28+$0x20];
	v23 =	vadd.f32 v19, v13;
	[tilespmem:s25+$0x10] =	vst v25  }
0x18b: {  	s28 =	sadd.s32 $0x80, s28;
	v19 =	vld [tilespmem:s24+$0xFFFFFFC0];
	v22 =	vmul.f32 v20, v14;
	v20 =	vadd.f32 v24, v13;
	[tilespmem:s25+$0x20] =	vst v26  }
0x18c: {  	v21 =	vadd.f32 v21, v13;
	v17 =	vmul.f32 v17, v14;
	[tilespmem:s25+$0xFFFFFFC0] =	vst v23  }
0x18d: {  	v22 =	vadd.f32 v22, v13;
	v16 =	vmul.f32 v16, v14;
	[tilespmem:s24+$0x30] =	vst v20  }
0x18e: {  	[tilespmem:s24+$0xFFFFFFD0] =	vst v21;
	v17 =	vadd.f32 v17, v13;
	v15 =	vmul.f32 v15, v14  }
0x18f: {  	[tilespmem:s24+$0xFFFFFFE0] =	vst v22;
	v16 =	vadd.f32 v16, v13;
	v18 =	vmul.f32 v18, v14  }
0x190: {  	v14 =	vmul.f32 v19, v14;
	[tilespmem:s24+$0xFFFFFFF0] =	vst v17;
	v15 =	vadd.f32 v15, v13  }
0x191: {  	[tilespmem:s24+$0x0] =	vst v16;
	v16 =	vadd.f32 v18, v13  }
0x192: {  	v13 =	vadd.f32 v14, v13;
	[tilespmem:s24+$0x10] =	vst v15  }
0x193: {  	[tilespmem:s24+$0x20] =	vst v16  }
0x194: {  	[tilespmem:s24+$0xFFFFFFC0] =	vst v13  }
0x195: {  	s24 =	rddreg [dreg:$0xf]  }
0x196: {  	[hbm4b:s24+s19] =	stream.strided.scatter [tilespmem:s21], [sflag:$0x1], $0x2000, s20, s19, $0x38;
	[tilespmem:$0x1C800] =	vst v63  }
0x197: {  	_ =	swait.ge [sflag:s18], $0x2000  }
0x198: {  	[sflag:s18] =	ssyncset.done $0x0;
	s29 =	sld [smem:$0x7F7]  }
0x199: {  	[sflag:s18] =	ssyncadd.s32 $0xFFFFE000  }
0x19a: {  	v13 =	vld [tilespmem:$0x1C700]  }
0x19b: {  	v15 =	vld [tilespmem:$0x1C780];
	[tilespmem:s21], [sflag:$0x1] =	stream.strided.gather [hbm4b:s29+s19], $0x2000, s20, s19, $0x38  }
0x19c: {  	_ =	swait.ge [sflag:s18], $0x2000  }
0x19d: {  	[sflag:s18] =	ssyncset.done $0x0  }
0x19e: {  	s25 =	simm.s32 $0x1A740;
	[sflag:s18] =	ssyncadd.s32 $0xFFFFE000  }
0x19f: {  	v16 =	vld [tilespmem:s25+$0x30]  }
0x1a0: {  	v17 =	vld [tilespmem:s25+$0xFFFFFFD0]  }
0x1a1: {  	v18 =	vld [tilespmem:s25+$0xFFFFFFE0]  }
0x1a2: {  	v14 =	vperm.xlane v13, v4;
	v19 =	vld [tilespmem:s25+$0xFFFFFFF0]  }
0x1a3: {  	v20 =	vld [tilespmem:s25+$0x0]  }
0x1a4: {  	v13 =	vperm.xlane v15, v4;
	v15 =	vld [tilespmem:s25+$0x10];
	v16 =	vmul.f32 v16, v14  }
0x1a5: {  	v21 =	vld [tilespmem:s25+$0x20];
	v17 =	vmul.f32 v17, v14  }
0x1a6: {  	s24 =	simm.s32 $0x1A7C0;
	v22 =	vld [tilespmem:s25+$0xFFFFFFC0];
	v18 =	vmul.f32 v18, v14;
	v16 =	vadd.f32 v16, v13  }
0x1a7: {  	v23 =	vld [tilespmem:s24+$0x30];
	v19 =	vmul.f32 v19, v14;
	v17 =	vadd.f32 v17, v13  }
0x1a8: {  	v24 =	vld [tilespmem:s24+$0xFFFFFFD0];
	v20 =	vmul.f32 v20, v14;
	v18 =	vadd.f32 v18, v13;
	[tilespmem:s25+$0x30] =	vst v16  }
0x1a9: {  	v25 =	vld [tilespmem:s24+$0xFFFFFFE0];
	v15 =	vmul.f32 v15, v14;
	v19 =	vadd.f32 v19, v13;
	[tilespmem:s25+$0xFFFFFFD0] =	vst v17  }
0x1aa: {  	v17 =	vld [tilespmem:s24+$0xFFFFFFF0];
	[tilespmem:s25+$0xFFFFFFE0] =	vst v18;
	v18 =	vadd.f32 v20, v13;
	v20 =	vmul.f32 v21, v14  }
0x1ab: {  	v22 =	vmul.f32 v22, v14;
	v16 =	vld [tilespmem:s24+$0x0];
	[tilespmem:s25+$0xFFFFFFF0] =	vst v19;
	v19 =	vadd.f32 v15, v13  }
0x1ac: {  	v26 =	vmul.f32 v23, v14;
	v15 =	vld [tilespmem:s24+$0x10];
	[tilespmem:s25+$0x0] =	vst v18;
	v27 =	vadd.f32 v20, v13  }
0x1ad: {  	v23 =	vadd.f32 v22, v13;
	v21 =	vmul.f32 v24, v14;
	v18 =	vld [tilespmem:s24+$0x20];
	[tilespmem:s25+$0x10] =	vst v19  }
0x1ae: {  	s26 =	simm.s32 $0x80;
	s28 =	simm.s32 $0x1A840;
	v22 =	vmul.f32 v25, v14;
	v19 =	vld [tilespmem:s24+$0xFFFFFFC0];
	v20 =	vadd.f32 v26, v13;
	[tilespmem:s25+$0x20] =	vst v27  }
.LBB2_18:
0x1af: {  	v24 =	vld [tilespmem:s28+$0x30];
	s26 =	sadd.s32 $0x80, s26;
	v21 =	vadd.f32 v21, v13;
	v17 =	vmul.f32 v17, v14;
	[tilespmem:s25+$0xFFFFFFC0] =	vst v23;
	s25 =	smov.u32 s24;
	s24 =	smov.u32 s28  }
0x1b0: {  	v23 =	vld [tilespmem:s28+$0xFFFFFFD0];
	p0 =	slt.u32 s26, $0x1F80;
	v22 =	vadd.f32 v22, v13;
	v16 =	vmul.f32 v16, v14;
	[tilespmem:s25+$0x30] =	vst v20  }
0x1b1: {  	v20 =	vld [tilespmem:s28+$0xFFFFFFE0];
	[tilespmem:s25+$0xFFFFFFD0] =	vst v21;
	v21 =	vadd.f32 v17, v13;
	v15 =	vmul.f32 v15, v14  }
.Ltmp8:
0x1b2: {  	v17 =	vld [tilespmem:s28+$0xFFFFFFF0];
	[tilespmem:s25+$0xFFFFFFE0] =	vst v22;
	v22 =	vadd.f32 v16, v13;
	v18 =	vmul.f32 v18, v14;
	(pc) =	sbr.rel @p0 .LBB2_18-.Ltmp8, $4  }
0x1b3: {  	v16 =	vld [tilespmem:s28+$0x0];
	v19 =	vmul.f32 v19, v14;
	[tilespmem:s25+$0xFFFFFFF0] =	vst v21;
	v25 =	vadd.f32 v15, v13  }
0x1b4: {  	v15 =	vld [tilespmem:s28+$0x10];
	v24 =	vmul.f32 v24, v14;
	[tilespmem:s25+$0x0] =	vst v22;
	v26 =	vadd.f32 v18, v13  }
0x1b5: {  	v21 =	vmul.f32 v23, v14;
	v18 =	vld [tilespmem:s28+$0x20];
	v23 =	vadd.f32 v19, v13;
	[tilespmem:s25+$0x10] =	vst v25  }
0x1b6: {  	s28 =	sadd.s32 $0x80, s28;
	v19 =	vld [tilespmem:s24+$0xFFFFFFC0];
	v22 =	vmul.f32 v20, v14;
	v20 =	vadd.f32 v24, v13;
	[tilespmem:s25+$0x20] =	vst v26  }
0x1b7: {  	v21 =	vadd.f32 v21, v13;
	v17 =	vmul.f32 v17, v14;
	[tilespmem:s25+$0xFFFFFFC0] =	vst v23  }
0x1b8: {  	v22 =	vadd.f32 v22, v13;
	v16 =	vmul.f32 v16, v14;
	[tilespmem:s24+$0x30] =	vst v20  }
0x1b9: {  	[tilespmem:s24+$0xFFFFFFD0] =	vst v21;
	v17 =	vadd.f32 v17, v13;
	v15 =	vmul.f32 v15, v14  }
0x1ba: {  	[tilespmem:s24+$0xFFFFFFE0] =	vst v22;
	v16 =	vadd.f32 v16, v13;
	v18 =	vmul.f32 v18, v14  }
0x1bb: {  	v19 =	vmul.f32 v19, v14;
	[tilespmem:s24+$0xFFFFFFF0] =	vst v17;
	v15 =	vadd.f32 v15, v13  }
0x1bc: {  	[tilespmem:s24+$0x0] =	vst v16;
	v16 =	vadd.f32 v18, v13  }
0x1bd: {  	v17 =	vadd.f32 v19, v13;
	[tilespmem:s24+$0x10] =	vst v15  }
0x1be: {  	[tilespmem:s24+$0x20] =	vst v16  }
0x1bf: {  	[tilespmem:s24+$0xFFFFFFC0] =	vst v17  }
0x1c0: {  	s24 =	rddreg [dreg:$0x10]  }
0x1c1: {  	[hbm4b:s24+s19] =	stream.strided.scatter [tilespmem:s21], [sflag:$0x1], $0x2000, s20, s19, $0x38;
	[tilespmem:$0x1C800] =	vst v63  }
0x1c2: {  	_ =	swait.ge [sflag:s18], $0x2000  }
0x1c3: {  	s29 =	sld [smem:$0x7F8]  }
0x1c4: {  	[sflag:s18] =	ssyncset.done $0x0  }
0x1c5: {  	[sflag:s18] =	ssyncadd.s32 $0xFFFFE000  }
0x1c6: {  	[tilespmem:s21], [sflag:$0x1] =	stream.strided.gather [hbm4b:s29+s19], $0x2000, s20, s19, $0x38;
	[tilespmem:$0x1C800] =	vst v63  }
0x1c7: {  	_ =	swait.ge [sflag:s18], $0x2000  }
0x1c8: {  	[sflag:s18] =	ssyncset.done $0x0  }
0x1c9: {  	s25 =	simm.s32 $0x1A740;
	[sflag:s18] =	ssyncadd.s32 $0xFFFFE000  }
0x1ca: {  	v15 =	vld [tilespmem:s25+$0x30]  }
0x1cb: {  	v16 =	vld [tilespmem:s25+$0xFFFFFFD0]  }
0x1cc: {  	v17 =	vld [tilespmem:s25+$0xFFFFFFE0]  }
0x1cd: {  	v18 =	vld [tilespmem:s25+$0xFFFFFFF0]  }
0x1ce: {  	v19 =	vld [tilespmem:s25+$0x0];
	_ =	sdelay $0x1  }
0x1cf: {  	v20 =	vld [tilespmem:s25+$0x10];
	v15 =	vmul.f32 v15, v14  }
0x1d0: {  	v21 =	vld [tilespmem:s25+$0x20];
	v16 =	vmul.f32 v16, v14  }
0x1d1: {  	s24 =	simm.s32 $0x1A7C0;
	v22 =	vld [tilespmem:s25+$0xFFFFFFC0];
	v17 =	vmul.f32 v17, v14;
	v15 =	vadd.f32 v15, v13  }
0x1d2: {  	v23 =	vld [tilespmem:s24+$0x30];
	v18 =	vmul.f32 v18, v14;
	v19 =	vmul.f32 v19, v14;
	v16 =	vadd.f32 v16, v13  }
0x1d3: {  	v24 =	vld [tilespmem:s24+$0xFFFFFFD0];
	v25 =	vadd.f32 v17, v13;
	[tilespmem:s25+$0x30] =	vst v15  }
0x1d4: {  	v26 =	vld [tilespmem:s24+$0xFFFFFFE0];
	v19 =	vadd.f32 v19, v13;
	[tilespmem:s25+$0xFFFFFFD0] =	vst v16;
	v15 =	vadd.f32 v18, v13;
	v18 =	vmul.f32 v20, v14  }
0x1d5: {  	v17 =	vld [tilespmem:s24+$0xFFFFFFF0];
	[tilespmem:s25+$0xFFFFFFE0] =	vst v25;
	v20 =	vmul.f32 v21, v14  }
0x1d6: {  	v22 =	vmul.f32 v22, v14;
	v16 =	vld [tilespmem:s24+$0x0];
	[tilespmem:s25+$0x0] =	vst v19;
	v63 =	vadd.f32 v18, v13  }
0x1d7: {  	v27 =	vmul.f32 v23, v14;
	[tilespmem:s25+$0xFFFFFFF0] =	vst v15;
	v15 =	vld [tilespmem:s24+$0x10];
	v28 =	vadd.f32 v20, v13  }
0x1d8: {  	v23 =	vadd.f32 v22, v13;
	v21 =	vmul.f32 v24, v14;
	v18 =	vld [tilespmem:s24+$0x20];
	[tilespmem:s25+$0x10] =	vst v63  }
0x1d9: {  	s26 =	simm.s32 $0x80;
	s28 =	simm.s32 $0x1A840;
	v22 =	vmul.f32 v26, v14;
	v19 =	vld [tilespmem:s24+$0xFFFFFFC0];
	v20 =	vadd.f32 v27, v13;
	[tilespmem:s25+$0x20] =	vst v28  }
.LBB2_20:
0x1da: {  	v24 =	vld [tilespmem:s28+$0x30];
	s26 =	sadd.s32 $0x80, s26;
	v21 =	vadd.f32 v21, v13;
	v17 =	vmul.f32 v17, v14;
	[tilespmem:s25+$0xFFFFFFC0] =	vst v23;
	s25 =	smov.u32 s24;
	s24 =	smov.u32 s28  }
0x1db: {  	v23 =	vld [tilespmem:s28+$0xFFFFFFD0];
	p0 =	slt.u32 s26, $0x1F80;
	v22 =	vadd.f32 v22, v13;
	v16 =	vmul.f32 v16, v14;
	[tilespmem:s25+$0x30] =	vst v20  }
0x1dc: {  	v20 =	vld [tilespmem:s28+$0xFFFFFFE0];
	[tilespmem:s25+$0xFFFFFFD0] =	vst v21;
	v21 =	vadd.f32 v17, v13;
	v15 =	vmul.f32 v15, v14  }
.Ltmp9:
0x1dd: {  	v17 =	vld [tilespmem:s28+$0xFFFFFFF0];
	[tilespmem:s25+$0xFFFFFFE0] =	vst v22;
	v22 =	vadd.f32 v16, v13;
	v18 =	vmul.f32 v18, v14;
	(pc) =	sbr.rel @p0 .LBB2_20-.Ltmp9, $4  }
0x1de: {  	v16 =	vld [tilespmem:s28+$0x0];
	v19 =	vmul.f32 v19, v14;
	[tilespmem:s25+$0xFFFFFFF0] =	vst v21;
	v25 =	vadd.f32 v15, v13  }
0x1df: {  	v15 =	vld [tilespmem:s28+$0x10];
	v24 =	vmul.f32 v24, v14;
	[tilespmem:s25+$0x0] =	vst v22;
	v26 =	vadd.f32 v18, v13  }
0x1e0: {  	v21 =	vmul.f32 v23, v14;
	v18 =	vld [tilespmem:s28+$0x20];
	v23 =	vadd.f32 v19, v13;
	[tilespmem:s25+$0x10] =	vst v25  }
0x1e1: {  	s28 =	sadd.s32 $0x80, s28;
	v19 =	vld [tilespmem:s24+$0xFFFFFFC0];
	v22 =	vmul.f32 v20, v14;
	v20 =	vadd.f32 v24, v13;
	[tilespmem:s25+$0x20] =	vst v26  }
0x1e2: {  	v21 =	vadd.f32 v21, v13;
	v17 =	vmul.f32 v17, v14;
	[tilespmem:s25+$0xFFFFFFC0] =	vst v23  }
0x1e3: {  	v22 =	vadd.f32 v22, v13;
	v16 =	vmul.f32 v16, v14;
	[tilespmem:s24+$0x30] =	vst v20  }
0x1e4: {  	[tilespmem:s24+$0xFFFFFFD0] =	vst v21;
	v17 =	vadd.f32 v17, v13;
	v15 =	vmul.f32 v15, v14  }
0x1e5: {  	[tilespmem:s24+$0xFFFFFFE0] =	vst v22;
	v16 =	vadd.f32 v16, v13;
	v18 =	vmul.f32 v18, v14  }
0x1e6: {  	v14 =	vmul.f32 v19, v14;
	[tilespmem:s24+$0xFFFFFFF0] =	vst v17;
	v15 =	vadd.f32 v15, v13  }
0x1e7: {  	[tilespmem:s24+$0x0] =	vst v16;
	v16 =	vadd.f32 v18, v13  }
0x1e8: {  	v13 =	vadd.f32 v14, v13;
	[tilespmem:s24+$0x10] =	vst v15  }
0x1e9: {  	[tilespmem:s24+$0x20] =	vst v16  }
0x1ea: {  	[tilespmem:s24+$0xFFFFFFC0] =	vst v13  }
0x1eb: {  	s24 =	rddreg [dreg:$0x11]  }
0x1ec: {  	[hbm4b:s24+s19] =	stream.strided.scatter [tilespmem:s21], [sflag:$0x1], $0x2000, s20, s19, $0x38;
	[tilespmem:$0x1C800] =	vst v63  }
0x1ed: {  	_ =	swait.ge [sflag:s18], $0x2000  }
0x1ee: {  	[sflag:s18] =	ssyncset.done $0x0;
	s29 =	sld [smem:$0x7F9]  }
0x1ef: {  	[sflag:s18] =	ssyncadd.s32 $0xFFFFE000  }
0x1f0: {  	v13 =	vld [tilespmem:$0x1C700]  }
0x1f1: {  	v15 =	vld [tilespmem:$0x1C780];
	[tilespmem:s21], [sflag:$0x1] =	stream.strided.gather [hbm4b:s29+s19], $0x2000, s20, s19, $0x38  }
0x1f2: {  	_ =	swait.ge [sflag:s18], $0x2000  }
0x1f3: {  	[sflag:s18] =	ssyncset.done $0x0  }
0x1f4: {  	s25 =	simm.s32 $0x1A740;
	[sflag:s18] =	ssyncadd.s32 $0xFFFFE000  }
0x1f5: {  	v16 =	vld [tilespmem:s25+$0x30]  }
0x1f6: {  	v17 =	vld [tilespmem:s25+$0xFFFFFFD0]  }
0x1f7: {  	v18 =	vld [tilespmem:s25+$0xFFFFFFE0]  }
0x1f8: {  	v14 =	vperm.xlane v13, v5;
	v19 =	vld [tilespmem:s25+$0xFFFFFFF0]  }
0x1f9: {  	v20 =	vld [tilespmem:s25+$0x0]  }
0x1fa: {  	v13 =	vperm.xlane v15, v5;
	v15 =	vld [tilespmem:s25+$0x10];
	v16 =	vmul.f32 v16, v14  }
0x1fb: {  	v21 =	vld [tilespmem:s25+$0x20];
	v17 =	vmul.f32 v17, v14  }
0x1fc: {  	s24 =	simm.s32 $0x1A7C0;
	v22 =	vld [tilespmem:s25+$0xFFFFFFC0];
	v18 =	vmul.f32 v18, v14;
	v16 =	vadd.f32 v16, v13  }
0x1fd: {  	v23 =	vld [tilespmem:s24+$0x30];
	v19 =	vmul.f32 v19, v14;
	v17 =	vadd.f32 v17, v13  }
0x1fe: {  	v24 =	vld [tilespmem:s24+$0xFFFFFFD0];
	v20 =	vmul.f32 v20, v14;
	v18 =	vadd.f32 v18, v13;
	[tilespmem:s25+$0x30] =	vst v16  }
0x1ff: {  	v25 =	vld [tilespmem:s24+$0xFFFFFFE0];
	v15 =	vmul.f32 v15, v14;
	v19 =	vadd.f32 v19, v13;
	[tilespmem:s25+$0xFFFFFFD0] =	vst v17  }
0x200: {  	v17 =	vld [tilespmem:s24+$0xFFFFFFF0];
	[tilespmem:s25+$0xFFFFFFE0] =	vst v18;
	v18 =	vadd.f32 v20, v13;
	v20 =	vmul.f32 v21, v14  }
0x201: {  	v22 =	vmul.f32 v22, v14;
	v16 =	vld [tilespmem:s24+$0x0];
	[tilespmem:s25+$0xFFFFFFF0] =	vst v19;
	v19 =	vadd.f32 v15, v13  }
0x202: {  	v26 =	vmul.f32 v23, v14;
	v15 =	vld [tilespmem:s24+$0x10];
	[tilespmem:s25+$0x0] =	vst v18;
	v27 =	vadd.f32 v20, v13  }
0x203: {  	v23 =	vadd.f32 v22, v13;
	v21 =	vmul.f32 v24, v14;
	v18 =	vld [tilespmem:s24+$0x20];
	[tilespmem:s25+$0x10] =	vst v19  }
0x204: {  	s26 =	simm.s32 $0x80;
	s28 =	simm.s32 $0x1A840;
	v22 =	vmul.f32 v25, v14;
	v19 =	vld [tilespmem:s24+$0xFFFFFFC0];
	v20 =	vadd.f32 v26, v13;
	[tilespmem:s25+$0x20] =	vst v27  }
.LBB2_22:
0x205: {  	v24 =	vld [tilespmem:s28+$0x30];
	s26 =	sadd.s32 $0x80, s26;
	v21 =	vadd.f32 v21, v13;
	v17 =	vmul.f32 v17, v14;
	[tilespmem:s25+$0xFFFFFFC0] =	vst v23;
	s25 =	smov.u32 s24;
	s24 =	smov.u32 s28  }
0x206: {  	v23 =	vld [tilespmem:s28+$0xFFFFFFD0];
	p0 =	slt.u32 s26, $0x1F80;
	v22 =	vadd.f32 v22, v13;
	v16 =	vmul.f32 v16, v14;
	[tilespmem:s25+$0x30] =	vst v20  }
0x207: {  	v20 =	vld [tilespmem:s28+$0xFFFFFFE0];
	[tilespmem:s25+$0xFFFFFFD0] =	vst v21;
	v21 =	vadd.f32 v17, v13;
	v15 =	vmul.f32 v15, v14  }
.Ltmp10:
0x208: {  	v17 =	vld [tilespmem:s28+$0xFFFFFFF0];
	[tilespmem:s25+$0xFFFFFFE0] =	vst v22;
	v22 =	vadd.f32 v16, v13;
	v18 =	vmul.f32 v18, v14;
	(pc) =	sbr.rel @p0 .LBB2_22-.Ltmp10, $4  }
0x209: {  	v16 =	vld [tilespmem:s28+$0x0];
	v19 =	vmul.f32 v19, v14;
	[tilespmem:s25+$0xFFFFFFF0] =	vst v21;
	v25 =	vadd.f32 v15, v13  }
0x20a: {  	v15 =	vld [tilespmem:s28+$0x10];
	v24 =	vmul.f32 v24, v14;
	[tilespmem:s25+$0x0] =	vst v22;
	v26 =	vadd.f32 v18, v13  }
0x20b: {  	v21 =	vmul.f32 v23, v14;
	v18 =	vld [tilespmem:s28+$0x20];
	v23 =	vadd.f32 v19, v13;
	[tilespmem:s25+$0x10] =	vst v25  }
0x20c: {  	s28 =	sadd.s32 $0x80, s28;
	v19 =	vld [tilespmem:s24+$0xFFFFFFC0];
	v22 =	vmul.f32 v20, v14;
	v20 =	vadd.f32 v24, v13;
	[tilespmem:s25+$0x20] =	vst v26  }
0x20d: {  	v21 =	vadd.f32 v21, v13;
	v17 =	vmul.f32 v17, v14;
	[tilespmem:s25+$0xFFFFFFC0] =	vst v23  }
0x20e: {  	v22 =	vadd.f32 v22, v13;
	v16 =	vmul.f32 v16, v14;
	[tilespmem:s24+$0x30] =	vst v20  }
0x20f: {  	[tilespmem:s24+$0xFFFFFFD0] =	vst v21;
	v17 =	vadd.f32 v17, v13;
	v15 =	vmul.f32 v15, v14  }
0x210: {  	[tilespmem:s24+$0xFFFFFFE0] =	vst v22;
	v16 =	vadd.f32 v16, v13;
	v18 =	vmul.f32 v18, v14  }
0x211: {  	v19 =	vmul.f32 v19, v14;
	[tilespmem:s24+$0xFFFFFFF0] =	vst v17;
	v15 =	vadd.f32 v15, v13  }
0x212: {  	[tilespmem:s24+$0x0] =	vst v16;
	v16 =	vadd.f32 v18, v13  }
0x213: {  	v17 =	vadd.f32 v19, v13;
	[tilespmem:s24+$0x10] =	vst v15  }
0x214: {  	[tilespmem:s24+$0x20] =	vst v16  }
0x215: {  	[tilespmem:s24+$0xFFFFFFC0] =	vst v17  }
0x216: {  	s24 =	rddreg [dreg:$0x12]  }
0x217: {  	[hbm4b:s24+s19] =	stream.strided.scatter [tilespmem:s21], [sflag:$0x1], $0x2000, s20, s19, $0x38;
	[tilespmem:$0x1C800] =	vst v63  }
0x218: {  	_ =	swait.ge [sflag:s18], $0x2000  }
0x219: {  	s29 =	sld [smem:$0x7FA]  }
0x21a: {  	[sflag:s18] =	ssyncset.done $0x0  }
0x21b: {  	[sflag:s18] =	ssyncadd.s32 $0xFFFFE000  }
0x21c: {  	[tilespmem:s21], [sflag:$0x1] =	stream.strided.gather [hbm4b:s29+s19], $0x2000, s20, s19, $0x38;
	[tilespmem:$0x1C800] =	vst v63  }
0x21d: {  	_ =	swait.ge [sflag:s18], $0x2000  }
0x21e: {  	[sflag:s18] =	ssyncset.done $0x0  }
0x21f: {  	s25 =	simm.s32 $0x1A740;
	[sflag:s18] =	ssyncadd.s32 $0xFFFFE000  }
0x220: {  	v15 =	vld [tilespmem:s25+$0x30]  }
0x221: {  	v16 =	vld [tilespmem:s25+$0xFFFFFFD0]  }
0x222: {  	v17 =	vld [tilespmem:s25+$0xFFFFFFE0]  }
0x223: {  	v18 =	vld [tilespmem:s25+$0xFFFFFFF0]  }
0x224: {  	v19 =	vld [tilespmem:s25+$0x0];
	_ =	sdelay $0x1  }
0x225: {  	v20 =	vld [tilespmem:s25+$0x10];
	v15 =	vmul.f32 v15, v14  }
0x226: {  	v21 =	vld [tilespmem:s25+$0x20];
	v16 =	vmul.f32 v16, v14  }
0x227: {  	s24 =	simm.s32 $0x1A7C0;
	v22 =	vld [tilespmem:s25+$0xFFFFFFC0];
	v17 =	vmul.f32 v17, v14;
	v15 =	vadd.f32 v15, v13  }
0x228: {  	v23 =	vld [tilespmem:s24+$0x30];
	v18 =	vmul.f32 v18, v14;
	v19 =	vmul.f32 v19, v14;
	v16 =	vadd.f32 v16, v13  }
0x229: {  	v24 =	vld [tilespmem:s24+$0xFFFFFFD0];
	v25 =	vadd.f32 v17, v13;
	[tilespmem:s25+$0x30] =	vst v15  }
0x22a: {  	v26 =	vld [tilespmem:s24+$0xFFFFFFE0];
	v19 =	vadd.f32 v19, v13;
	[tilespmem:s25+$0xFFFFFFD0] =	vst v16;
	v15 =	vadd.f32 v18, v13;
	v18 =	vmul.f32 v20, v14  }
0x22b: {  	v17 =	vld [tilespmem:s24+$0xFFFFFFF0];
	[tilespmem:s25+$0xFFFFFFE0] =	vst v25;
	v20 =	vmul.f32 v21, v14  }
0x22c: {  	v22 =	vmul.f32 v22, v14;
	v16 =	vld [tilespmem:s24+$0x0];
	[tilespmem:s25+$0x0] =	vst v19;
	v63 =	vadd.f32 v18, v13  }
0x22d: {  	v27 =	vmul.f32 v23, v14;
	[tilespmem:s25+$0xFFFFFFF0] =	vst v15;
	v15 =	vld [tilespmem:s24+$0x10];
	v28 =	vadd.f32 v20, v13  }
0x22e: {  	v23 =	vadd.f32 v22, v13;
	v21 =	vmul.f32 v24, v14;
	v18 =	vld [tilespmem:s24+$0x20];
	[tilespmem:s25+$0x10] =	vst v63  }
0x22f: {  	s26 =	simm.s32 $0x80;
	s28 =	simm.s32 $0x1A840;
	v22 =	vmul.f32 v26, v14;
	v19 =	vld [tilespmem:s24+$0xFFFFFFC0];
	v20 =	vadd.f32 v27, v13;
	[tilespmem:s25+$0x20] =	vst v28  }
.LBB2_24:
0x230: {  	v24 =	vld [tilespmem:s28+$0x30];
	s26 =	sadd.s32 $0x80, s26;
	v21 =	vadd.f32 v21, v13;
	v17 =	vmul.f32 v17, v14;
	[tilespmem:s25+$0xFFFFFFC0] =	vst v23;
	s25 =	smov.u32 s24;
	s24 =	smov.u32 s28  }
0x231: {  	v23 =	vld [tilespmem:s28+$0xFFFFFFD0];
	p0 =	slt.u32 s26, $0x1F80;
	v22 =	vadd.f32 v22, v13;
	v16 =	vmul.f32 v16, v14;
	[tilespmem:s25+$0x30] =	vst v20  }
0x232: {  	v20 =	vld [tilespmem:s28+$0xFFFFFFE0];
	[tilespmem:s25+$0xFFFFFFD0] =	vst v21;
	v21 =	vadd.f32 v17, v13;
	v15 =	vmul.f32 v15, v14  }
.Ltmp11:
0x233: {  	v17 =	vld [tilespmem:s28+$0xFFFFFFF0];
	[tilespmem:s25+$0xFFFFFFE0] =	vst v22;
	v22 =	vadd.f32 v16, v13;
	v18 =	vmul.f32 v18, v14;
	(pc) =	sbr.rel @p0 .LBB2_24-.Ltmp11, $4  }
0x234: {  	v16 =	vld [tilespmem:s28+$0x0];
	v19 =	vmul.f32 v19, v14;
	[tilespmem:s25+$0xFFFFFFF0] =	vst v21;
	v25 =	vadd.f32 v15, v13  }
0x235: {  	v15 =	vld [tilespmem:s28+$0x10];
	v24 =	vmul.f32 v24, v14;
	[tilespmem:s25+$0x0] =	vst v22;
	v26 =	vadd.f32 v18, v13  }
0x236: {  	v21 =	vmul.f32 v23, v14;
	v18 =	vld [tilespmem:s28+$0x20];
	v23 =	vadd.f32 v19, v13;
	[tilespmem:s25+$0x10] =	vst v25  }
0x237: {  	s28 =	sadd.s32 $0x80, s28;
	v19 =	vld [tilespmem:s24+$0xFFFFFFC0];
	v22 =	vmul.f32 v20, v14;
	v20 =	vadd.f32 v24, v13;
	[tilespmem:s25+$0x20] =	vst v26  }
0x238: {  	v21 =	vadd.f32 v21, v13;
	v17 =	vmul.f32 v17, v14;
	[tilespmem:s25+$0xFFFFFFC0] =	vst v23  }
0x239: {  	v22 =	vadd.f32 v22, v13;
	v16 =	vmul.f32 v16, v14;
	[tilespmem:s24+$0x30] =	vst v20  }
0x23a: {  	[tilespmem:s24+$0xFFFFFFD0] =	vst v21;
	v17 =	vadd.f32 v17, v13;
	v15 =	vmul.f32 v15, v14  }
0x23b: {  	[tilespmem:s24+$0xFFFFFFE0] =	vst v22;
	v16 =	vadd.f32 v16, v13;
	v18 =	vmul.f32 v18, v14  }
0x23c: {  	v14 =	vmul.f32 v19, v14;
	[tilespmem:s24+$0xFFFFFFF0] =	vst v17;
	v15 =	vadd.f32 v15, v13  }
0x23d: {  	[tilespmem:s24+$0x0] =	vst v16;
	v16 =	vadd.f32 v18, v13  }
0x23e: {  	v13 =	vadd.f32 v14, v13;
	[tilespmem:s24+$0x10] =	vst v15  }
0x23f: {  	[tilespmem:s24+$0x20] =	vst v16  }
0x240: {  	[tilespmem:s24+$0xFFFFFFC0] =	vst v13  }
0x241: {  	s24 =	rddreg [dreg:$0x13]  }
0x242: {  	[hbm4b:s24+s19] =	stream.strided.scatter [tilespmem:s21], [sflag:$0x1], $0x2000, s20, s19, $0x38;
	[tilespmem:$0x1C800] =	vst v63  }
0x243: {  	_ =	swait.ge [sflag:s18], $0x2000  }
0x244: {  	[sflag:s18] =	ssyncset.done $0x0;
	s29 =	sld [smem:$0x7FB]  }
0x245: {  	[sflag:s18] =	ssyncadd.s32 $0xFFFFE000  }
0x246: {  	v13 =	vld [tilespmem:$0x1C700]  }
0x247: {  	v15 =	vld [tilespmem:$0x1C780];
	[tilespmem:s21], [sflag:$0x1] =	stream.strided.gather [hbm4b:s29+s19], $0x2000, s20, s19, $0x38  }
0x248: {  	_ =	swait.ge [sflag:s18], $0x2000  }
0x249: {  	[sflag:s18] =	ssyncset.done $0x0  }
0x24a: {  	s25 =	simm.s32 $0x1A740;
	[sflag:s18] =	ssyncadd.s32 $0xFFFFE000  }
0x24b: {  	v16 =	vld [tilespmem:s25+$0x30]  }
0x24c: {  	v17 =	vld [tilespmem:s25+$0xFFFFFFD0]  }
0x24d: {  	v18 =	vld [tilespmem:s25+$0xFFFFFFE0]  }
0x24e: {  	v14 =	vperm.xlane v13, v6;
	v19 =	vld [tilespmem:s25+$0xFFFFFFF0]  }
0x24f: {  	v20 =	vld [tilespmem:s25+$0x0]  }
0x250: {  	v13 =	vperm.xlane v15, v6;
	v15 =	vld [tilespmem:s25+$0x10];
	v16 =	vmul.f32 v16, v14  }
0x251: {  	v21 =	vld [tilespmem:s25+$0x20];
	v17 =	vmul.f32 v17, v14  }
0x252: {  	s24 =	simm.s32 $0x1A7C0;
	v22 =	vld [tilespmem:s25+$0xFFFFFFC0];
	v18 =	vmul.f32 v18, v14;
	v16 =	vadd.f32 v16, v13  }
0x253: {  	v23 =	vld [tilespmem:s24+$0x30];
	v19 =	vmul.f32 v19, v14;
	v17 =	vadd.f32 v17, v13  }
0x254: {  	v24 =	vld [tilespmem:s24+$0xFFFFFFD0];
	v20 =	vmul.f32 v20, v14;
	v18 =	vadd.f32 v18, v13;
	[tilespmem:s25+$0x30] =	vst v16  }
0x255: {  	v25 =	vld [tilespmem:s24+$0xFFFFFFE0];
	v15 =	vmul.f32 v15, v14;
	v19 =	vadd.f32 v19, v13;
	[tilespmem:s25+$0xFFFFFFD0] =	vst v17  }
0x256: {  	v17 =	vld [tilespmem:s24+$0xFFFFFFF0];
	[tilespmem:s25+$0xFFFFFFE0] =	vst v18;
	v18 =	vadd.f32 v20, v13;
	v20 =	vmul.f32 v21, v14  }
0x257: {  	v22 =	vmul.f32 v22, v14;
	v16 =	vld [tilespmem:s24+$0x0];
	[tilespmem:s25+$0xFFFFFFF0] =	vst v19;
	v19 =	vadd.f32 v15, v13  }
0x258: {  	v26 =	vmul.f32 v23, v14;
	v15 =	vld [tilespmem:s24+$0x10];
	[tilespmem:s25+$0x0] =	vst v18;
	v27 =	vadd.f32 v20, v13  }
0x259: {  	v23 =	vadd.f32 v22, v13;
	v21 =	vmul.f32 v24, v14;
	v18 =	vld [tilespmem:s24+$0x20];
	[tilespmem:s25+$0x10] =	vst v19  }
0x25a: {  	s26 =	simm.s32 $0x80;
	s28 =	simm.s32 $0x1A840;
	v22 =	vmul.f32 v25, v14;
	v19 =	vld [tilespmem:s24+$0xFFFFFFC0];
	v20 =	vadd.f32 v26, v13;
	[tilespmem:s25+$0x20] =	vst v27  }
.LBB2_26:
0x25b: {  	v24 =	vld [tilespmem:s28+$0x30];
	s26 =	sadd.s32 $0x80, s26;
	v21 =	vadd.f32 v21, v13;
	v17 =	vmul.f32 v17, v14;
	[tilespmem:s25+$0xFFFFFFC0] =	vst v23;
	s25 =	smov.u32 s24;
	s24 =	smov.u32 s28  }
0x25c: {  	v23 =	vld [tilespmem:s28+$0xFFFFFFD0];
	p0 =	slt.u32 s26, $0x1F80;
	v22 =	vadd.f32 v22, v13;
	v16 =	vmul.f32 v16, v14;
	[tilespmem:s25+$0x30] =	vst v20  }
0x25d: {  	v20 =	vld [tilespmem:s28+$0xFFFFFFE0];
	[tilespmem:s25+$0xFFFFFFD0] =	vst v21;
	v21 =	vadd.f32 v17, v13;
	v15 =	vmul.f32 v15, v14  }
.Ltmp12:
0x25e: {  	v17 =	vld [tilespmem:s28+$0xFFFFFFF0];
	[tilespmem:s25+$0xFFFFFFE0] =	vst v22;
	v22 =	vadd.f32 v16, v13;
	v18 =	vmul.f32 v18, v14;
	(pc) =	sbr.rel @p0 .LBB2_26-.Ltmp12, $4  }
0x25f: {  	v16 =	vld [tilespmem:s28+$0x0];
	v19 =	vmul.f32 v19, v14;
	[tilespmem:s25+$0xFFFFFFF0] =	vst v21;
	v25 =	vadd.f32 v15, v13  }
0x260: {  	v15 =	vld [tilespmem:s28+$0x10];
	v24 =	vmul.f32 v24, v14;
	[tilespmem:s25+$0x0] =	vst v22;
	v26 =	vadd.f32 v18, v13  }
0x261: {  	v21 =	vmul.f32 v23, v14;
	v18 =	vld [tilespmem:s28+$0x20];
	v23 =	vadd.f32 v19, v13;
	[tilespmem:s25+$0x10] =	vst v25  }
0x262: {  	s28 =	sadd.s32 $0x80, s28;
	v19 =	vld [tilespmem:s24+$0xFFFFFFC0];
	v22 =	vmul.f32 v20, v14;
	v20 =	vadd.f32 v24, v13;
	[tilespmem:s25+$0x20] =	vst v26  }
0x263: {  	v21 =	vadd.f32 v21, v13;
	v17 =	vmul.f32 v17, v14;
	[tilespmem:s25+$0xFFFFFFC0] =	vst v23  }
0x264: {  	v22 =	vadd.f32 v22, v13;
	v16 =	vmul.f32 v16, v14;
	[tilespmem:s24+$0x30] =	vst v20  }
0x265: {  	[tilespmem:s24+$0xFFFFFFD0] =	vst v21;
	v17 =	vadd.f32 v17, v13;
	v15 =	vmul.f32 v15, v14  }
0x266: {  	[tilespmem:s24+$0xFFFFFFE0] =	vst v22;
	v16 =	vadd.f32 v16, v13;
	v18 =	vmul.f32 v18, v14  }
0x267: {  	v19 =	vmul.f32 v19, v14;
	[tilespmem:s24+$0xFFFFFFF0] =	vst v17;
	v15 =	vadd.f32 v15, v13  }
0x268: {  	[tilespmem:s24+$0x0] =	vst v16;
	v16 =	vadd.f32 v18, v13  }
0x269: {  	v17 =	vadd.f32 v19, v13;
	[tilespmem:s24+$0x10] =	vst v15  }
0x26a: {  	[tilespmem:s24+$0x20] =	vst v16  }
0x26b: {  	[tilespmem:s24+$0xFFFFFFC0] =	vst v17  }
0x26c: {  	s24 =	rddreg [dreg:$0x14]  }
0x26d: {  	[hbm4b:s24+s19] =	stream.strided.scatter [tilespmem:s21], [sflag:$0x1], $0x2000, s20, s19, $0x38;
	[tilespmem:$0x1C800] =	vst v63  }
0x26e: {  	_ =	swait.ge [sflag:s18], $0x2000  }
0x26f: {  	s29 =	sld [smem:$0x7FC]  }
0x270: {  	[sflag:s18] =	ssyncset.done $0x0  }
0x271: {  	[sflag:s18] =	ssyncadd.s32 $0xFFFFE000  }
0x272: {  	[tilespmem:s21], [sflag:$0x1] =	stream.strided.gather [hbm4b:s29+s19], $0x2000, s20, s19, $0x38;
	[tilespmem:$0x1C800] =	vst v63  }
0x273: {  	_ =	swait.ge [sflag:s18], $0x2000  }
0x274: {  	[sflag:s18] =	ssyncset.done $0x0  }
0x275: {  	s25 =	simm.s32 $0x1A740;
	[sflag:s18] =	ssyncadd.s32 $0xFFFFE000  }
0x276: {  	v15 =	vld [tilespmem:s25+$0x30]  }
0x277: {  	v16 =	vld [tilespmem:s25+$0xFFFFFFD0]  }
0x278: {  	v17 =	vld [tilespmem:s25+$0xFFFFFFE0]  }
0x279: {  	v18 =	vld [tilespmem:s25+$0xFFFFFFF0]  }
0x27a: {  	v19 =	vld [tilespmem:s25+$0x0];
	_ =	sdelay $0x1  }
0x27b: {  	v20 =	vld [tilespmem:s25+$0x10];
	v15 =	vmul.f32 v15, v14  }
0x27c: {  	v21 =	vld [tilespmem:s25+$0x20];
	v16 =	vmul.f32 v16, v14  }
0x27d: {  	s24 =	simm.s32 $0x1A7C0;
	v22 =	vld [tilespmem:s25+$0xFFFFFFC0];
	v17 =	vmul.f32 v17, v14;
	v15 =	vadd.f32 v15, v13  }
0x27e: {  	v23 =	vld [tilespmem:s24+$0x30];
	v18 =	vmul.f32 v18, v14;
	v19 =	vmul.f32 v19, v14;
	v16 =	vadd.f32 v16, v13  }
0x27f: {  	v24 =	vld [tilespmem:s24+$0xFFFFFFD0];
	v25 =	vadd.f32 v17, v13;
	[tilespmem:s25+$0x30] =	vst v15  }
0x280: {  	v26 =	vld [tilespmem:s24+$0xFFFFFFE0];
	v19 =	vadd.f32 v19, v13;
	[tilespmem:s25+$0xFFFFFFD0] =	vst v16;
	v15 =	vadd.f32 v18, v13;
	v18 =	vmul.f32 v20, v14  }
0x281: {  	v17 =	vld [tilespmem:s24+$0xFFFFFFF0];
	[tilespmem:s25+$0xFFFFFFE0] =	vst v25;
	v20 =	vmul.f32 v21, v14  }
0x282: {  	v22 =	vmul.f32 v22, v14;
	v16 =	vld [tilespmem:s24+$0x0];
	[tilespmem:s25+$0x0] =	vst v19;
	v63 =	vadd.f32 v18, v13  }
0x283: {  	v27 =	vmul.f32 v23, v14;
	[tilespmem:s25+$0xFFFFFFF0] =	vst v15;
	v15 =	vld [tilespmem:s24+$0x10];
	v28 =	vadd.f32 v20, v13  }
0x284: {  	v23 =	vadd.f32 v22, v13;
	v21 =	vmul.f32 v24, v14;
	v18 =	vld [tilespmem:s24+$0x20];
	[tilespmem:s25+$0x10] =	vst v63  }
0x285: {  	s26 =	simm.s32 $0x80;
	s28 =	simm.s32 $0x1A840;
	v22 =	vmul.f32 v26, v14;
	v19 =	vld [tilespmem:s24+$0xFFFFFFC0];
	v20 =	vadd.f32 v27, v13;
	[tilespmem:s25+$0x20] =	vst v28  }
.LBB2_28:
0x286: {  	v24 =	vld [tilespmem:s28+$0x30];
	s26 =	sadd.s32 $0x80, s26;
	v21 =	vadd.f32 v21, v13;
	v17 =	vmul.f32 v17, v14;
	[tilespmem:s25+$0xFFFFFFC0] =	vst v23;
	s25 =	smov.u32 s24;
	s24 =	smov.u32 s28  }
0x287: {  	v23 =	vld [tilespmem:s28+$0xFFFFFFD0];
	p0 =	slt.u32 s26, $0x1F80;
	v22 =	vadd.f32 v22, v13;
	v16 =	vmul.f32 v16, v14;
	[tilespmem:s25+$0x30] =	vst v20  }
0x288: {  	v20 =	vld [tilespmem:s28+$0xFFFFFFE0];
	[tilespmem:s25+$0xFFFFFFD0] =	vst v21;
	v21 =	vadd.f32 v17, v13;
	v15 =	vmul.f32 v15, v14  }
.Ltmp13:
0x289: {  	v17 =	vld [tilespmem:s28+$0xFFFFFFF0];
	[tilespmem:s25+$0xFFFFFFE0] =	vst v22;
	v22 =	vadd.f32 v16, v13;
	v18 =	vmul.f32 v18, v14;
	(pc) =	sbr.rel @p0 .LBB2_28-.Ltmp13, $4  }
0x28a: {  	v16 =	vld [tilespmem:s28+$0x0];
	v19 =	vmul.f32 v19, v14;
	[tilespmem:s25+$0xFFFFFFF0] =	vst v21;
	v25 =	vadd.f32 v15, v13  }
0x28b: {  	v15 =	vld [tilespmem:s28+$0x10];
	v24 =	vmul.f32 v24, v14;
	[tilespmem:s25+$0x0] =	vst v22;
	v26 =	vadd.f32 v18, v13  }
0x28c: {  	v21 =	vmul.f32 v23, v14;
	v18 =	vld [tilespmem:s28+$0x20];
	v23 =	vadd.f32 v19, v13;
	[tilespmem:s25+$0x10] =	vst v25  }
0x28d: {  	s28 =	sadd.s32 $0x80, s28;
	v19 =	vld [tilespmem:s24+$0xFFFFFFC0];
	v22 =	vmul.f32 v20, v14;
	v20 =	vadd.f32 v24, v13;
	[tilespmem:s25+$0x20] =	vst v26  }
0x28e: {  	v21 =	vadd.f32 v21, v13;
	v17 =	vmul.f32 v17, v14;
	[tilespmem:s25+$0xFFFFFFC0] =	vst v23  }
0x28f: {  	v22 =	vadd.f32 v22, v13;
	v16 =	vmul.f32 v16, v14;
	[tilespmem:s24+$0x30] =	vst v20  }
0x290: {  	[tilespmem:s24+$0xFFFFFFD0] =	vst v21;
	v17 =	vadd.f32 v17, v13;
	v15 =	vmul.f32 v15, v14  }
0x291: {  	[tilespmem:s24+$0xFFFFFFE0] =	vst v22;
	v16 =	vadd.f32 v16, v13;
	v18 =	vmul.f32 v18, v14  }
0x292: {  	v14 =	vmul.f32 v19, v14;
	[tilespmem:s24+$0xFFFFFFF0] =	vst v17;
	v15 =	vadd.f32 v15, v13  }
0x293: {  	[tilespmem:s24+$0x0] =	vst v16;
	v16 =	vadd.f32 v18, v13  }
0x294: {  	v13 =	vadd.f32 v14, v13;
	[tilespmem:s24+$0x10] =	vst v15  }
0x295: {  	[tilespmem:s24+$0x20] =	vst v16  }
0x296: {  	[tilespmem:s24+$0xFFFFFFC0] =	vst v13  }
0x297: {  	s24 =	rddreg [dreg:$0x15]  }
0x298: {  	[hbm4b:s24+s19] =	stream.strided.scatter [tilespmem:s21], [sflag:$0x1], $0x2000, s20, s19, $0x38;
	[tilespmem:$0x1C800] =	vst v63  }
0x299: {  	_ =	swait.ge [sflag:s18], $0x2000  }
0x29a: {  	[sflag:s18] =	ssyncset.done $0x0;
	s29 =	sld [smem:$0x7FD]  }
0x29b: {  	[sflag:s18] =	ssyncadd.s32 $0xFFFFE000  }
0x29c: {  	v13 =	vld [tilespmem:$0x1C700]  }
0x29d: {  	v15 =	vld [tilespmem:$0x1C780];
	[tilespmem:s21], [sflag:$0x1] =	stream.strided.gather [hbm4b:s29+s19], $0x2000, s20, s19, $0x38  }
0x29e: {  	_ =	swait.ge [sflag:s18], $0x2000  }
0x29f: {  	[sflag:s18] =	ssyncset.done $0x0  }
0x2a0: {  	s25 =	simm.s32 $0x1A740;
	[sflag:s18] =	ssyncadd.s32 $0xFFFFE000  }
0x2a1: {  	v16 =	vld [tilespmem:s25+$0x30]  }
0x2a2: {  	v17 =	vld [tilespmem:s25+$0xFFFFFFD0]  }
0x2a3: {  	v18 =	vld [tilespmem:s25+$0xFFFFFFE0]  }
0x2a4: {  	v14 =	vperm.xlane v13, v7;
	v19 =	vld [tilespmem:s25+$0xFFFFFFF0]  }
0x2a5: {  	v20 =	vld [tilespmem:s25+$0x0]  }
0x2a6: {  	v13 =	vperm.xlane v15, v7;
	v15 =	vld [tilespmem:s25+$0x10];
	v16 =	vmul.f32 v16, v14  }
0x2a7: {  	v21 =	vld [tilespmem:s25+$0x20];
	v17 =	vmul.f32 v17, v14  }
0x2a8: {  	s24 =	simm.s32 $0x1A7C0;
	v22 =	vld [tilespmem:s25+$0xFFFFFFC0];
	v18 =	vmul.f32 v18, v14;
	v16 =	vadd.f32 v16, v13  }
0x2a9: {  	v23 =	vld [tilespmem:s24+$0x30];
	v19 =	vmul.f32 v19, v14;
	v17 =	vadd.f32 v17, v13  }
0x2aa: {  	v24 =	vld [tilespmem:s24+$0xFFFFFFD0];
	v20 =	vmul.f32 v20, v14;
	v18 =	vadd.f32 v18, v13;
	[tilespmem:s25+$0x30] =	vst v16  }
0x2ab: {  	v25 =	vld [tilespmem:s24+$0xFFFFFFE0];
	v15 =	vmul.f32 v15, v14;
	v19 =	vadd.f32 v19, v13;
	[tilespmem:s25+$0xFFFFFFD0] =	vst v17  }
0x2ac: {  	v17 =	vld [tilespmem:s24+$0xFFFFFFF0];
	[tilespmem:s25+$0xFFFFFFE0] =	vst v18;
	v18 =	vadd.f32 v20, v13;
	v20 =	vmul.f32 v21, v14  }
0x2ad: {  	v22 =	vmul.f32 v22, v14;
	v16 =	vld [tilespmem:s24+$0x0];
	[tilespmem:s25+$0xFFFFFFF0] =	vst v19;
	v19 =	vadd.f32 v15, v13  }
0x2ae: {  	v26 =	vmul.f32 v23, v14;
	v15 =	vld [tilespmem:s24+$0x10];
	[tilespmem:s25+$0x0] =	vst v18;
	v27 =	vadd.f32 v20, v13  }
0x2af: {  	v23 =	vadd.f32 v22, v13;
	v21 =	vmul.f32 v24, v14;
	v18 =	vld [tilespmem:s24+$0x20];
	[tilespmem:s25+$0x10] =	vst v19  }
0x2b0: {  	s26 =	simm.s32 $0x80;
	s28 =	simm.s32 $0x1A840;
	v22 =	vmul.f32 v25, v14;
	v19 =	vld [tilespmem:s24+$0xFFFFFFC0];
	v20 =	vadd.f32 v26, v13;
	[tilespmem:s25+$0x20] =	vst v27  }
.LBB2_30:
0x2b1: {  	v24 =	vld [tilespmem:s28+$0x30];
	s26 =	sadd.s32 $0x80, s26;
	v21 =	vadd.f32 v21, v13;
	v17 =	vmul.f32 v17, v14;
	[tilespmem:s25+$0xFFFFFFC0] =	vst v23;
	s25 =	smov.u32 s24;
	s24 =	smov.u32 s28  }
0x2b2: {  	v23 =	vld [tilespmem:s28+$0xFFFFFFD0];
	p0 =	slt.u32 s26, $0x1F80;
	v22 =	vadd.f32 v22, v13;
	v16 =	vmul.f32 v16, v14;
	[tilespmem:s25+$0x30] =	vst v20  }
0x2b3: {  	v20 =	vld [tilespmem:s28+$0xFFFFFFE0];
	[tilespmem:s25+$0xFFFFFFD0] =	vst v21;
	v21 =	vadd.f32 v17, v13;
	v15 =	vmul.f32 v15, v14  }
.Ltmp14:
0x2b4: {  	v17 =	vld [tilespmem:s28+$0xFFFFFFF0];
	[tilespmem:s25+$0xFFFFFFE0] =	vst v22;
	v22 =	vadd.f32 v16, v13;
	v18 =	vmul.f32 v18, v14;
	(pc) =	sbr.rel @p0 .LBB2_30-.Ltmp14, $4  }
0x2b5: {  	v16 =	vld [tilespmem:s28+$0x0];
	v19 =	vmul.f32 v19, v14;
	[tilespmem:s25+$0xFFFFFFF0] =	vst v21;
	v25 =	vadd.f32 v15, v13  }
0x2b6: {  	v15 =	vld [tilespmem:s28+$0x10];
	v24 =	vmul.f32 v24, v14;
	[tilespmem:s25+$0x0] =	vst v22;
	v26 =	vadd.f32 v18, v13  }
0x2b7: {  	v21 =	vmul.f32 v23, v14;
	v18 =	vld [tilespmem:s28+$0x20];
	v23 =	vadd.f32 v19, v13;
	[tilespmem:s25+$0x10] =	vst v25  }
0x2b8: {  	s28 =	sadd.s32 $0x80, s28;
	v19 =	vld [tilespmem:s24+$0xFFFFFFC0];
	v22 =	vmul.f32 v20, v14;
	v20 =	vadd.f32 v24, v13;
	[tilespmem:s25+$0x20] =	vst v26  }
0x2b9: {  	v21 =	vadd.f32 v21, v13;
	v17 =	vmul.f32 v17, v14;
	[tilespmem:s25+$0xFFFFFFC0] =	vst v23  }
0x2ba: {  	v22 =	vadd.f32 v22, v13;
	v16 =	vmul.f32 v16, v14;
	[tilespmem:s24+$0x30] =	vst v20  }
0x2bb: {  	[tilespmem:s24+$0xFFFFFFD0] =	vst v21;
	v17 =	vadd.f32 v17, v13;
	v15 =	vmul.f32 v15, v14  }
0x2bc: {  	[tilespmem:s24+$0xFFFFFFE0] =	vst v22;
	v16 =	vadd.f32 v16, v13;
	v18 =	vmul.f32 v18, v14  }
0x2bd: {  	v19 =	vmul.f32 v19, v14;
	[tilespmem:s24+$0xFFFFFFF0] =	vst v17;
	v15 =	vadd.f32 v15, v13  }
0x2be: {  	[tilespmem:s24+$0x0] =	vst v16;
	v16 =	vadd.f32 v18, v13  }
0x2bf: {  	v17 =	vadd.f32 v19, v13;
	[tilespmem:s24+$0x10] =	vst v15  }
0x2c0: {  	[tilespmem:s24+$0x20] =	vst v16  }
0x2c1: {  	[tilespmem:s24+$0xFFFFFFC0] =	vst v17  }
0x2c2: {  	s24 =	rddreg [dreg:$0x16]  }
0x2c3: {  	[hbm4b:s24+s19] =	stream.strided.scatter [tilespmem:s21], [sflag:$0x1], $0x2000, s20, s19, $0x38;
	[tilespmem:$0x1C800] =	vst v63  }
0x2c4: {  	_ =	swait.ge [sflag:s18], $0x2000  }
0x2c5: {  	[sflag:s18] =	ssyncset.done $0x0  }
0x2c6: {  	[sflag:s18] =	ssyncadd.s32 $0xFFFFE000  }
0x2c7: {  	[tilespmem:s21], [sflag:$0x1] =	stream.strided.gather [hbm4b:s30+s19], $0x2000, s20, s19, $0x38;
	[tilespmem:$0x1C800] =	vst v63  }
0x2c8: {  	_ =	swait.ge [sflag:s18], $0x2000  }
0x2c9: {  	[sflag:s18] =	ssyncset.done $0x0  }
0x2ca: {  	s25 =	simm.s32 $0x1A740;
	[sflag:s18] =	ssyncadd.s32 $0xFFFFE000  }
0x2cb: {  	v15 =	vld [tilespmem:s25+$0x30]  }
0x2cc: {  	v16 =	vld [tilespmem:s25+$0xFFFFFFD0]  }
0x2cd: {  	v17 =	vld [tilespmem:s25+$0xFFFFFFE0]  }
0x2ce: {  	v18 =	vld [tilespmem:s25+$0xFFFFFFF0]  }
0x2cf: {  	v19 =	vld [tilespmem:s25+$0x0];
	_ =	sdelay $0x1  }
0x2d0: {  	v20 =	vld [tilespmem:s25+$0x10];
	v15 =	vmul.f32 v15, v14  }
0x2d1: {  	v21 =	vld [tilespmem:s25+$0x20];
	v16 =	vmul.f32 v16, v14  }
0x2d2: {  	s24 =	simm.s32 $0x1A7C0;
	v22 =	vld [tilespmem:s25+$0xFFFFFFC0];
	v17 =	vmul.f32 v17, v14;
	v15 =	vadd.f32 v15, v13  }
0x2d3: {  	v23 =	vld [tilespmem:s24+$0x30];
	v18 =	vmul.f32 v18, v14;
	v19 =	vmul.f32 v19, v14;
	v16 =	vadd.f32 v16, v13  }
0x2d4: {  	v24 =	vld [tilespmem:s24+$0xFFFFFFD0];
	v25 =	vadd.f32 v17, v13;
	[tilespmem:s25+$0x30] =	vst v15  }
0x2d5: {  	v26 =	vld [tilespmem:s24+$0xFFFFFFE0];
	v19 =	vadd.f32 v19, v13;
	[tilespmem:s25+$0xFFFFFFD0] =	vst v16;
	v15 =	vadd.f32 v18, v13;
	v18 =	vmul.f32 v20, v14  }
0x2d6: {  	v17 =	vld [tilespmem:s24+$0xFFFFFFF0];
	[tilespmem:s25+$0xFFFFFFE0] =	vst v25;
	v20 =	vmul.f32 v21, v14  }
0x2d7: {  	v22 =	vmul.f32 v22, v14;
	v16 =	vld [tilespmem:s24+$0x0];
	[tilespmem:s25+$0x0] =	vst v19;
	v63 =	vadd.f32 v18, v13  }
0x2d8: {  	v27 =	vmul.f32 v23, v14;
	[tilespmem:s25+$0xFFFFFFF0] =	vst v15;
	v15 =	vld [tilespmem:s24+$0x10];
	v28 =	vadd.f32 v20, v13  }
0x2d9: {  	v23 =	vadd.f32 v22, v13;
	v21 =	vmul.f32 v24, v14;
	v18 =	vld [tilespmem:s24+$0x20];
	[tilespmem:s25+$0x10] =	vst v63  }
0x2da: {  	s26 =	simm.s32 $0x80;
	s28 =	simm.s32 $0x1A840;
	v22 =	vmul.f32 v26, v14;
	v19 =	vld [tilespmem:s24+$0xFFFFFFC0];
	v20 =	vadd.f32 v27, v13;
	[tilespmem:s25+$0x20] =	vst v28  }
.LBB2_32:
0x2db: {  	v24 =	vld [tilespmem:s28+$0x30];
	s26 =	sadd.s32 $0x80, s26;
	v21 =	vadd.f32 v21, v13;
	v17 =	vmul.f32 v17, v14;
	[tilespmem:s25+$0xFFFFFFC0] =	vst v23;
	s25 =	smov.u32 s24;
	s24 =	smov.u32 s28  }
0x2dc: {  	v23 =	vld [tilespmem:s28+$0xFFFFFFD0];
	p0 =	slt.u32 s26, $0x1F80;
	v22 =	vadd.f32 v22, v13;
	v16 =	vmul.f32 v16, v14;
	[tilespmem:s25+$0x30] =	vst v20  }
0x2dd: {  	v20 =	vld [tilespmem:s28+$0xFFFFFFE0];
	[tilespmem:s25+$0xFFFFFFD0] =	vst v21;
	v21 =	vadd.f32 v17, v13;
	v15 =	vmul.f32 v15, v14  }
.Ltmp15:
0x2de: {  	v17 =	vld [tilespmem:s28+$0xFFFFFFF0];
	[tilespmem:s25+$0xFFFFFFE0] =	vst v22;
	v22 =	vadd.f32 v16, v13;
	v18 =	vmul.f32 v18, v14;
	(pc) =	sbr.rel @p0 .LBB2_32-.Ltmp15, $4  }
0x2df: {  	v16 =	vld [tilespmem:s28+$0x0];
	v19 =	vmul.f32 v19, v14;
	[tilespmem:s25+$0xFFFFFFF0] =	vst v21;
	v25 =	vadd.f32 v15, v13  }
0x2e0: {  	v15 =	vld [tilespmem:s28+$0x10];
	v24 =	vmul.f32 v24, v14;
	[tilespmem:s25+$0x0] =	vst v22;
	v26 =	vadd.f32 v18, v13  }
0x2e1: {  	v21 =	vmul.f32 v23, v14;
	v18 =	vld [tilespmem:s28+$0x20];
	v23 =	vadd.f32 v19, v13;
	[tilespmem:s25+$0x10] =	vst v25  }
0x2e2: {  	s28 =	sadd.s32 $0x80, s28;
	v19 =	vld [tilespmem:s24+$0xFFFFFFC0];
	v22 =	vmul.f32 v20, v14;
	v20 =	vadd.f32 v24, v13;
	[tilespmem:s25+$0x20] =	vst v26  }
0x2e3: {  	v21 =	vadd.f32 v21, v13;
	v17 =	vmul.f32 v17, v14;
	[tilespmem:s25+$0xFFFFFFC0] =	vst v23  }
0x2e4: {  	v22 =	vadd.f32 v22, v13;
	v16 =	vmul.f32 v16, v14;
	[tilespmem:s24+$0x30] =	vst v20  }
0x2e5: {  	[tilespmem:s24+$0xFFFFFFD0] =	vst v21;
	v17 =	vadd.f32 v17, v13;
	v15 =	vmul.f32 v15, v14  }
0x2e6: {  	[tilespmem:s24+$0xFFFFFFE0] =	vst v22;
	v16 =	vadd.f32 v16, v13;
	v18 =	vmul.f32 v18, v14  }
0x2e7: {  	v14 =	vmul.f32 v19, v14;
	[tilespmem:s24+$0xFFFFFFF0] =	vst v17;
	v15 =	vadd.f32 v15, v13  }
0x2e8: {  	[tilespmem:s24+$0x0] =	vst v16;
	v16 =	vadd.f32 v18, v13  }
0x2e9: {  	v13 =	vadd.f32 v14, v13;
	[tilespmem:s24+$0x10] =	vst v15  }
0x2ea: {  	[tilespmem:s24+$0x20] =	vst v16  }
0x2eb: {  	[tilespmem:s24+$0xFFFFFFC0] =	vst v13  }
0x2ec: {  	s24 =	rddreg [dreg:$0x17]  }
0x2ed: {  	[hbm4b:s24+s19] =	stream.strided.scatter [tilespmem:s21], [sflag:$0x1], $0x2000, s20, s19, $0x38;
	[tilespmem:$0x1C800] =	vst v63  }
0x2ee: {  	_ =	swait.ge [sflag:s18], $0x2000  }
0x2ef: {  	[sflag:s18] =	ssyncset.done $0x0  }
0x2f0: {  	[sflag:s18] =	ssyncadd.s32 $0xFFFFE000  }
0x2f1: {  	v13 =	vld [tilespmem:$0x1C700]  }
0x2f2: {  	v15 =	vld [tilespmem:$0x1C780];
	[tilespmem:s21], [sflag:$0x1] =	stream.strided.gather [hbm4b:s31+s19], $0x2000, s20, s19, $0x38  }
0x2f3: {  	_ =	swait.ge [sflag:s18], $0x2000  }
0x2f4: {  	[sflag:s18] =	ssyncset.done $0x0  }
0x2f5: {  	s25 =	simm.s32 $0x1A740;
	[sflag:s18] =	ssyncadd.s32 $0xFFFFE000  }
0x2f6: {  	v16 =	vld [tilespmem:s25+$0x30]  }
0x2f7: {  	v17 =	vld [tilespmem:s25+$0xFFFFFFD0]  }
0x2f8: {  	v18 =	vld [tilespmem:s25+$0xFFFFFFE0]  }
0x2f9: {  	v19 =	vld [tilespmem:s25+$0xFFFFFFF0];
	v14 =	vperm.xlane v13, v8  }
0x2fa: {  	v20 =	vld [tilespmem:s25+$0x0]  }
0x2fb: {  	v13 =	vperm.xlane v15, v8;
	v15 =	vld [tilespmem:s25+$0x10];
	v16 =	vmul.f32 v16, v14  }
0x2fc: {  	v21 =	vld [tilespmem:s25+$0x20];
	v17 =	vmul.f32 v17, v14  }
0x2fd: {  	s24 =	simm.s32 $0x1A7C0;
	v22 =	vld [tilespmem:s25+$0xFFFFFFC0];
	v18 =	vmul.f32 v18, v14;
	v16 =	vadd.f32 v16, v13  }
0x2fe: {  	v23 =	vld [tilespmem:s24+$0x30];
	v19 =	vmul.f32 v19, v14;
	v17 =	vadd.f32 v17, v13  }
0x2ff: {  	v24 =	vld [tilespmem:s24+$0xFFFFFFD0];
	v20 =	vmul.f32 v20, v14;
	v18 =	vadd.f32 v18, v13;
	[tilespmem:s25+$0x30] =	vst v16  }
0x300: {  	v25 =	vld [tilespmem:s24+$0xFFFFFFE0];
	v15 =	vmul.f32 v15, v14;
	v19 =	vadd.f32 v19, v13;
	[tilespmem:s25+$0xFFFFFFD0] =	vst v17  }
0x301: {  	v17 =	vld [tilespmem:s24+$0xFFFFFFF0];
	[tilespmem:s25+$0xFFFFFFE0] =	vst v18;
	v18 =	vadd.f32 v20, v13;
	v20 =	vmul.f32 v21, v14  }
0x302: {  	v22 =	vmul.f32 v22, v14;
	v16 =	vld [tilespmem:s24+$0x0];
	[tilespmem:s25+$0xFFFFFFF0] =	vst v19;
	v19 =	vadd.f32 v15, v13  }
0x303: {  	v26 =	vmul.f32 v23, v14;
	v15 =	vld [tilespmem:s24+$0x10];
	[tilespmem:s25+$0x0] =	vst v18;
	v27 =	vadd.f32 v20, v13  }
0x304: {  	v23 =	vadd.f32 v22, v13;
	v21 =	vmul.f32 v24, v14;
	v18 =	vld [tilespmem:s24+$0x20];
	[tilespmem:s25+$0x10] =	vst v19  }
0x305: {  	s26 =	simm.s32 $0x80;
	s28 =	simm.s32 $0x1A840;
	v22 =	vmul.f32 v25, v14;
	v19 =	vld [tilespmem:s24+$0xFFFFFFC0];
	v20 =	vadd.f32 v26, v13;
	[tilespmem:s25+$0x20] =	vst v27  }
.LBB2_34:
0x306: {  	v24 =	vld [tilespmem:s28+$0x30];
	s26 =	sadd.s32 $0x80, s26;
	v21 =	vadd.f32 v21, v13;
	v17 =	vmul.f32 v17, v14;
	[tilespmem:s25+$0xFFFFFFC0] =	vst v23;
	s25 =	smov.u32 s24;
	s24 =	smov.u32 s28  }
0x307: {  	v23 =	vld [tilespmem:s28+$0xFFFFFFD0];
	p0 =	slt.u32 s26, $0x1F80;
	v22 =	vadd.f32 v22, v13;
	v16 =	vmul.f32 v16, v14;
	[tilespmem:s25+$0x30] =	vst v20  }
0x308: {  	v20 =	vld [tilespmem:s28+$0xFFFFFFE0];
	[tilespmem:s25+$0xFFFFFFD0] =	vst v21;
	v21 =	vadd.f32 v17, v13;
	v15 =	vmul.f32 v15, v14  }
.Ltmp16:
0x309: {  	v17 =	vld [tilespmem:s28+$0xFFFFFFF0];
	[tilespmem:s25+$0xFFFFFFE0] =	vst v22;
	v22 =	vadd.f32 v16, v13;
	v18 =	vmul.f32 v18, v14;
	(pc) =	sbr.rel @p0 .LBB2_34-.Ltmp16, $4  }
0x30a: {  	v16 =	vld [tilespmem:s28+$0x0];
	v19 =	vmul.f32 v19, v14;
	[tilespmem:s25+$0xFFFFFFF0] =	vst v21;
	v25 =	vadd.f32 v15, v13  }
0x30b: {  	v15 =	vld [tilespmem:s28+$0x10];
	v24 =	vmul.f32 v24, v14;
	[tilespmem:s25+$0x0] =	vst v22;
	v26 =	vadd.f32 v18, v13  }
0x30c: {  	v21 =	vmul.f32 v23, v14;
	v18 =	vld [tilespmem:s28+$0x20];
	v23 =	vadd.f32 v19, v13;
	[tilespmem:s25+$0x10] =	vst v25  }
0x30d: {  	s28 =	sadd.s32 $0x80, s28;
	v19 =	vld [tilespmem:s24+$0xFFFFFFC0];
	v22 =	vmul.f32 v20, v14;
	v20 =	vadd.f32 v24, v13;
	[tilespmem:s25+$0x20] =	vst v26  }
0x30e: {  	v21 =	vadd.f32 v21, v13;
	v17 =	vmul.f32 v17, v14;
	[tilespmem:s25+$0xFFFFFFC0] =	vst v23  }
0x30f: {  	v22 =	vadd.f32 v22, v13;
	v16 =	vmul.f32 v16, v14;
	[tilespmem:s24+$0x30] =	vst v20  }
0x310: {  	[tilespmem:s24+$0xFFFFFFD0] =	vst v21;
	v17 =	vadd.f32 v17, v13;
	v15 =	vmul.f32 v15, v14  }
0x311: {  	[tilespmem:s24+$0xFFFFFFE0] =	vst v22;
	v16 =	vadd.f32 v16, v13;
	v18 =	vmul.f32 v18, v14  }
0x312: {  	v19 =	vmul.f32 v19, v14;
	[tilespmem:s24+$0xFFFFFFF0] =	vst v17;
	v15 =	vadd.f32 v15, v13  }
0x313: {  	[tilespmem:s24+$0x0] =	vst v16;
	v16 =	vadd.f32 v18, v13  }
0x314: {  	v17 =	vadd.f32 v19, v13;
	[tilespmem:s24+$0x10] =	vst v15  }
0x315: {  	[tilespmem:s24+$0x20] =	vst v16  }
0x316: {  	[tilespmem:s24+$0xFFFFFFC0] =	vst v17  }
0x317: {  	s24 =	rddreg [dreg:$0x18]  }
0x318: {  	[hbm4b:s24+s19] =	stream.strided.scatter [tilespmem:s21], [sflag:$0x1], $0x2000, s20, s19, $0x38;
	[tilespmem:$0x1C800] =	vst v63  }
0x319: {  	_ =	swait.ge [sflag:s18], $0x2000  }
0x31a: {  	[sflag:s18] =	ssyncset.done $0x0  }
0x31b: {  	[sflag:s18] =	ssyncadd.s32 $0xFFFFE000  }
0x31c: {  	[tilespmem:s21], [sflag:$0x1] =	stream.strided.gather [hbm4b:s1+s19], $0x2000, s20, s19, $0x38;
	[tilespmem:$0x1C800] =	vst v63  }
0x31d: {  	_ =	swait.ge [sflag:s18], $0x2000  }
0x31e: {  	[sflag:s18] =	ssyncset.done $0x0  }
0x31f: {  	s25 =	simm.s32 $0x1A740;
	[sflag:s18] =	ssyncadd.s32 $0xFFFFE000  }
0x320: {  	v15 =	vld [tilespmem:s25+$0x30]  }
0x321: {  	v16 =	vld [tilespmem:s25+$0xFFFFFFD0]  }
0x322: {  	v17 =	vld [tilespmem:s25+$0xFFFFFFE0]  }
0x323: {  	v18 =	vld [tilespmem:s25+$0xFFFFFFF0]  }
0x324: {  	v19 =	vld [tilespmem:s25+$0x0];
	_ =	sdelay $0x1  }
0x325: {  	v20 =	vld [tilespmem:s25+$0x10];
	v15 =	vmul.f32 v15, v14  }
0x326: {  	v21 =	vld [tilespmem:s25+$0x20];
	v16 =	vmul.f32 v16, v14  }
0x327: {  	s24 =	simm.s32 $0x1A7C0;
	v22 =	vld [tilespmem:s25+$0xFFFFFFC0];
	v17 =	vmul.f32 v17, v14;
	v15 =	vadd.f32 v15, v13  }
0x328: {  	v23 =	vld [tilespmem:s24+$0x30];
	v18 =	vmul.f32 v18, v14;
	v19 =	vmul.f32 v19, v14;
	v16 =	vadd.f32 v16, v13  }
0x329: {  	v24 =	vld [tilespmem:s24+$0xFFFFFFD0];
	v25 =	vadd.f32 v17, v13;
	[tilespmem:s25+$0x30] =	vst v15  }
0x32a: {  	v26 =	vld [tilespmem:s24+$0xFFFFFFE0];
	v19 =	vadd.f32 v19, v13;
	[tilespmem:s25+$0xFFFFFFD0] =	vst v16;
	v15 =	vadd.f32 v18, v13;
	v18 =	vmul.f32 v20, v14  }
0x32b: {  	v17 =	vld [tilespmem:s24+$0xFFFFFFF0];
	[tilespmem:s25+$0xFFFFFFE0] =	vst v25;
	v20 =	vmul.f32 v21, v14  }
0x32c: {  	v22 =	vmul.f32 v22, v14;
	v16 =	vld [tilespmem:s24+$0x0];
	[tilespmem:s25+$0x0] =	vst v19;
	v63 =	vadd.f32 v18, v13  }
0x32d: {  	v27 =	vmul.f32 v23, v14;
	[tilespmem:s25+$0xFFFFFFF0] =	vst v15;
	v15 =	vld [tilespmem:s24+$0x10];
	v28 =	vadd.f32 v20, v13  }
0x32e: {  	v23 =	vadd.f32 v22, v13;
	v21 =	vmul.f32 v24, v14;
	v18 =	vld [tilespmem:s24+$0x20];
	[tilespmem:s25+$0x10] =	vst v63  }
0x32f: {  	s26 =	simm.s32 $0x80;
	s28 =	simm.s32 $0x1A840;
	v22 =	vmul.f32 v26, v14;
	v19 =	vld [tilespmem:s24+$0xFFFFFFC0];
	v20 =	vadd.f32 v27, v13;
	[tilespmem:s25+$0x20] =	vst v28  }
.LBB2_36:
0x330: {  	v24 =	vld [tilespmem:s28+$0x30];
	s26 =	sadd.s32 $0x80, s26;
	v21 =	vadd.f32 v21, v13;
	v17 =	vmul.f32 v17, v14;
	[tilespmem:s25+$0xFFFFFFC0] =	vst v23;
	s25 =	smov.u32 s24;
	s24 =	smov.u32 s28  }
0x331: {  	v23 =	vld [tilespmem:s28+$0xFFFFFFD0];
	p0 =	slt.u32 s26, $0x1F80;
	v22 =	vadd.f32 v22, v13;
	v16 =	vmul.f32 v16, v14;
	[tilespmem:s25+$0x30] =	vst v20  }
0x332: {  	v20 =	vld [tilespmem:s28+$0xFFFFFFE0];
	[tilespmem:s25+$0xFFFFFFD0] =	vst v21;
	v21 =	vadd.f32 v17, v13;
	v15 =	vmul.f32 v15, v14  }
.Ltmp17:
0x333: {  	v17 =	vld [tilespmem:s28+$0xFFFFFFF0];
	[tilespmem:s25+$0xFFFFFFE0] =	vst v22;
	v22 =	vadd.f32 v16, v13;
	v18 =	vmul.f32 v18, v14;
	(pc) =	sbr.rel @p0 .LBB2_36-.Ltmp17, $4  }
0x334: {  	v16 =	vld [tilespmem:s28+$0x0];
	v19 =	vmul.f32 v19, v14;
	[tilespmem:s25+$0xFFFFFFF0] =	vst v21;
	v25 =	vadd.f32 v15, v13  }
0x335: {  	v15 =	vld [tilespmem:s28+$0x10];
	v24 =	vmul.f32 v24, v14;
	[tilespmem:s25+$0x0] =	vst v22;
	v26 =	vadd.f32 v18, v13  }
0x336: {  	v21 =	vmul.f32 v23, v14;
	v18 =	vld [tilespmem:s28+$0x20];
	v23 =	vadd.f32 v19, v13;
	[tilespmem:s25+$0x10] =	vst v25  }
0x337: {  	s28 =	sadd.s32 $0x80, s28;
	v19 =	vld [tilespmem:s24+$0xFFFFFFC0];
	v22 =	vmul.f32 v20, v14;
	v20 =	vadd.f32 v24, v13;
	[tilespmem:s25+$0x20] =	vst v26  }
0x338: {  	v21 =	vadd.f32 v21, v13;
	v17 =	vmul.f32 v17, v14;
	[tilespmem:s25+$0xFFFFFFC0] =	vst v23  }
0x339: {  	v22 =	vadd.f32 v22, v13;
	v16 =	vmul.f32 v16, v14;
	[tilespmem:s24+$0x30] =	vst v20  }
0x33a: {  	[tilespmem:s24+$0xFFFFFFD0] =	vst v21;
	v17 =	vadd.f32 v17, v13;
	v15 =	vmul.f32 v15, v14  }
0x33b: {  	[tilespmem:s24+$0xFFFFFFE0] =	vst v22;
	v16 =	vadd.f32 v16, v13;
	v18 =	vmul.f32 v18, v14  }
0x33c: {  	v14 =	vmul.f32 v19, v14;
	[tilespmem:s24+$0xFFFFFFF0] =	vst v17;
	v15 =	vadd.f32 v15, v13  }
0x33d: {  	[tilespmem:s24+$0x0] =	vst v16;
	v16 =	vadd.f32 v18, v13  }
0x33e: {  	v13 =	vadd.f32 v14, v13;
	[tilespmem:s24+$0x10] =	vst v15  }
0x33f: {  	[tilespmem:s24+$0x20] =	vst v16  }
0x340: {  	[tilespmem:s24+$0xFFFFFFC0] =	vst v13  }
0x341: {  	s24 =	rddreg [dreg:$0x19]  }
0x342: {  	[hbm4b:s24+s19] =	stream.strided.scatter [tilespmem:s21], [sflag:$0x1], $0x2000, s20, s19, $0x38;
	[tilespmem:$0x1C800] =	vst v63  }
0x343: {  	_ =	swait.ge [sflag:s18], $0x2000  }
0x344: {  	[sflag:s18] =	ssyncset.done $0x0  }
0x345: {  	[sflag:s18] =	ssyncadd.s32 $0xFFFFE000  }
0x346: {  	v13 =	vld [tilespmem:$0x1C700]  }
0x347: {  	v15 =	vld [tilespmem:$0x1C780];
	[tilespmem:s21], [sflag:$0x1] =	stream.strided.gather [hbm4b:s3+s19], $0x2000, s20, s19, $0x38  }
0x348: {  	_ =	swait.ge [sflag:s18], $0x2000  }
0x349: {  	[sflag:s18] =	ssyncset.done $0x0  }
0x34a: {  	s25 =	simm.s32 $0x1A740;
	[sflag:s18] =	ssyncadd.s32 $0xFFFFE000  }
0x34b: {  	v16 =	vld [tilespmem:s25+$0x30]  }
0x34c: {  	v17 =	vld [tilespmem:s25+$0xFFFFFFD0]  }
0x34d: {  	v18 =	vld [tilespmem:s25+$0xFFFFFFE0]  }
0x34e: {  	v19 =	vld [tilespmem:s25+$0xFFFFFFF0];
	v14 =	vperm.xlane v13, v9  }
0x34f: {  	v20 =	vld [tilespmem:s25+$0x0]  }
0x350: {  	v13 =	vperm.xlane v15, v9;
	v15 =	vld [tilespmem:s25+$0x10];
	v16 =	vmul.f32 v16, v14  }
0x351: {  	v21 =	vld [tilespmem:s25+$0x20];
	v17 =	vmul.f32 v17, v14  }
0x352: {  	s24 =	simm.s32 $0x1A7C0;
	v22 =	vld [tilespmem:s25+$0xFFFFFFC0];
	v18 =	vmul.f32 v18, v14;
	v16 =	vadd.f32 v16, v13  }
0x353: {  	v23 =	vld [tilespmem:s24+$0x30];
	v19 =	vmul.f32 v19, v14;
	v17 =	vadd.f32 v17, v13  }
0x354: {  	v24 =	vld [tilespmem:s24+$0xFFFFFFD0];
	v20 =	vmul.f32 v20, v14;
	v18 =	vadd.f32 v18, v13;
	[tilespmem:s25+$0x30] =	vst v16  }
0x355: {  	v25 =	vld [tilespmem:s24+$0xFFFFFFE0];
	v15 =	vmul.f32 v15, v14;
	v19 =	vadd.f32 v19, v13;
	[tilespmem:s25+$0xFFFFFFD0] =	vst v17  }
0x356: {  	v17 =	vld [tilespmem:s24+$0xFFFFFFF0];
	[tilespmem:s25+$0xFFFFFFE0] =	vst v18;
	v18 =	vadd.f32 v20, v13;
	v20 =	vmul.f32 v21, v14  }
0x357: {  	v22 =	vmul.f32 v22, v14;
	v16 =	vld [tilespmem:s24+$0x0];
	[tilespmem:s25+$0xFFFFFFF0] =	vst v19;
	v19 =	vadd.f32 v15, v13  }
0x358: {  	v26 =	vmul.f32 v23, v14;
	v15 =	vld [tilespmem:s24+$0x10];
	[tilespmem:s25+$0x0] =	vst v18;
	v27 =	vadd.f32 v20, v13  }
0x359: {  	v23 =	vadd.f32 v22, v13;
	v21 =	vmul.f32 v24, v14;
	v18 =	vld [tilespmem:s24+$0x20];
	[tilespmem:s25+$0x10] =	vst v19  }
0x35a: {  	s26 =	simm.s32 $0x80;
	s28 =	simm.s32 $0x1A840;
	v22 =	vmul.f32 v25, v14;
	v19 =	vld [tilespmem:s24+$0xFFFFFFC0];
	v20 =	vadd.f32 v26, v13;
	[tilespmem:s25+$0x20] =	vst v27  }
.LBB2_38:
0x35b: {  	v24 =	vld [tilespmem:s28+$0x30];
	s26 =	sadd.s32 $0x80, s26;
	v21 =	vadd.f32 v21, v13;
	v17 =	vmul.f32 v17, v14;
	[tilespmem:s25+$0xFFFFFFC0] =	vst v23;
	s25 =	smov.u32 s24;
	s24 =	smov.u32 s28  }
0x35c: {  	v23 =	vld [tilespmem:s28+$0xFFFFFFD0];
	p0 =	slt.u32 s26, $0x1F80;
	v22 =	vadd.f32 v22, v13;
	v16 =	vmul.f32 v16, v14;
	[tilespmem:s25+$0x30] =	vst v20  }
0x35d: {  	v20 =	vld [tilespmem:s28+$0xFFFFFFE0];
	[tilespmem:s25+$0xFFFFFFD0] =	vst v21;
	v21 =	vadd.f32 v17, v13;
	v15 =	vmul.f32 v15, v14  }
.Ltmp18:
0x35e: {  	v17 =	vld [tilespmem:s28+$0xFFFFFFF0];
	[tilespmem:s25+$0xFFFFFFE0] =	vst v22;
	v22 =	vadd.f32 v16, v13;
	v18 =	vmul.f32 v18, v14;
	(pc) =	sbr.rel @p0 .LBB2_38-.Ltmp18, $4  }
0x35f: {  	v16 =	vld [tilespmem:s28+$0x0];
	v19 =	vmul.f32 v19, v14;
	[tilespmem:s25+$0xFFFFFFF0] =	vst v21;
	v25 =	vadd.f32 v15, v13  }
0x360: {  	v15 =	vld [tilespmem:s28+$0x10];
	v24 =	vmul.f32 v24, v14;
	[tilespmem:s25+$0x0] =	vst v22;
	v26 =	vadd.f32 v18, v13  }
0x361: {  	v21 =	vmul.f32 v23, v14;
	v18 =	vld [tilespmem:s28+$0x20];
	v23 =	vadd.f32 v19, v13;
	[tilespmem:s25+$0x10] =	vst v25  }
0x362: {  	s28 =	sadd.s32 $0x80, s28;
	v19 =	vld [tilespmem:s24+$0xFFFFFFC0];
	v22 =	vmul.f32 v20, v14;
	v20 =	vadd.f32 v24, v13;
	[tilespmem:s25+$0x20] =	vst v26  }
0x363: {  	v21 =	vadd.f32 v21, v13;
	v17 =	vmul.f32 v17, v14;
	[tilespmem:s25+$0xFFFFFFC0] =	vst v23  }
0x364: {  	v22 =	vadd.f32 v22, v13;
	v16 =	vmul.f32 v16, v14;
	[tilespmem:s24+$0x30] =	vst v20  }
0x365: {  	[tilespmem:s24+$0xFFFFFFD0] =	vst v21;
	v17 =	vadd.f32 v17, v13;
	v15 =	vmul.f32 v15, v14  }
0x366: {  	[tilespmem:s24+$0xFFFFFFE0] =	vst v22;
	v16 =	vadd.f32 v16, v13;
	v18 =	vmul.f32 v18, v14  }
0x367: {  	v19 =	vmul.f32 v19, v14;
	[tilespmem:s24+$0xFFFFFFF0] =	vst v17;
	v15 =	vadd.f32 v15, v13  }
0x368: {  	[tilespmem:s24+$0x0] =	vst v16;
	v16 =	vadd.f32 v18, v13  }
0x369: {  	v17 =	vadd.f32 v19, v13;
	[tilespmem:s24+$0x10] =	vst v15  }
0x36a: {  	[tilespmem:s24+$0x20] =	vst v16  }
0x36b: {  	[tilespmem:s24+$0xFFFFFFC0] =	vst v17  }
0x36c: {  	s24 =	rddreg [dreg:$0x1a]  }
0x36d: {  	[hbm4b:s24+s19] =	stream.strided.scatter [tilespmem:s21], [sflag:$0x1], $0x2000, s20, s19, $0x38;
	[tilespmem:$0x1C800] =	vst v63  }
0x36e: {  	_ =	swait.ge [sflag:s18], $0x2000  }
0x36f: {  	[sflag:s18] =	ssyncset.done $0x0  }
0x370: {  	[sflag:s18] =	ssyncadd.s32 $0xFFFFE000  }
0x371: {  	[tilespmem:s21], [sflag:$0x1] =	stream.strided.gather [hbm4b:s4+s19], $0x2000, s20, s19, $0x38;
	[tilespmem:$0x1C800] =	vst v63  }
0x372: {  	_ =	swait.ge [sflag:s18], $0x2000  }
0x373: {  	[sflag:s18] =	ssyncset.done $0x0  }
0x374: {  	s25 =	simm.s32 $0x1A740;
	[sflag:s18] =	ssyncadd.s32 $0xFFFFE000  }
0x375: {  	v15 =	vld [tilespmem:s25+$0x30]  }
0x376: {  	v16 =	vld [tilespmem:s25+$0xFFFFFFD0]  }
0x377: {  	v17 =	vld [tilespmem:s25+$0xFFFFFFE0]  }
0x378: {  	v18 =	vld [tilespmem:s25+$0xFFFFFFF0]  }
0x379: {  	v19 =	vld [tilespmem:s25+$0x0];
	_ =	sdelay $0x1  }
0x37a: {  	v20 =	vld [tilespmem:s25+$0x10];
	v15 =	vmul.f32 v15, v14  }
0x37b: {  	v21 =	vld [tilespmem:s25+$0x20];
	v16 =	vmul.f32 v16, v14  }
0x37c: {  	s24 =	simm.s32 $0x1A7C0;
	v22 =	vld [tilespmem:s25+$0xFFFFFFC0];
	v17 =	vmul.f32 v17, v14;
	v15 =	vadd.f32 v15, v13  }
0x37d: {  	v23 =	vld [tilespmem:s24+$0x30];
	v18 =	vmul.f32 v18, v14;
	v19 =	vmul.f32 v19, v14;
	v16 =	vadd.f32 v16, v13  }
0x37e: {  	v24 =	vld [tilespmem:s24+$0xFFFFFFD0];
	v25 =	vadd.f32 v17, v13;
	[tilespmem:s25+$0x30] =	vst v15  }
0x37f: {  	v26 =	vld [tilespmem:s24+$0xFFFFFFE0];
	v19 =	vadd.f32 v19, v13;
	[tilespmem:s25+$0xFFFFFFD0] =	vst v16;
	v15 =	vadd.f32 v18, v13;
	v18 =	vmul.f32 v20, v14  }
0x380: {  	v17 =	vld [tilespmem:s24+$0xFFFFFFF0];
	[tilespmem:s25+$0xFFFFFFE0] =	vst v25;
	v20 =	vmul.f32 v21, v14  }
0x381: {  	v22 =	vmul.f32 v22, v14;
	v16 =	vld [tilespmem:s24+$0x0];
	[tilespmem:s25+$0x0] =	vst v19;
	v63 =	vadd.f32 v18, v13  }
0x382: {  	v27 =	vmul.f32 v23, v14;
	[tilespmem:s25+$0xFFFFFFF0] =	vst v15;
	v15 =	vld [tilespmem:s24+$0x10];
	v28 =	vadd.f32 v20, v13  }
0x383: {  	v23 =	vadd.f32 v22, v13;
	v21 =	vmul.f32 v24, v14;
	v18 =	vld [tilespmem:s24+$0x20];
	[tilespmem:s25+$0x10] =	vst v63  }
0x384: {  	s26 =	simm.s32 $0x80;
	s28 =	simm.s32 $0x1A840;
	v22 =	vmul.f32 v26, v14;
	v19 =	vld [tilespmem:s24+$0xFFFFFFC0];
	v20 =	vadd.f32 v27, v13;
	[tilespmem:s25+$0x20] =	vst v28  }
.LBB2_40:
0x385: {  	v24 =	vld [tilespmem:s28+$0x30];
	s26 =	sadd.s32 $0x80, s26;
	v21 =	vadd.f32 v21, v13;
	v17 =	vmul.f32 v17, v14;
	[tilespmem:s25+$0xFFFFFFC0] =	vst v23;
	s25 =	smov.u32 s24;
	s24 =	smov.u32 s28  }
0x386: {  	v23 =	vld [tilespmem:s28+$0xFFFFFFD0];
	p0 =	slt.u32 s26, $0x1F80;
	v22 =	vadd.f32 v22, v13;
	v16 =	vmul.f32 v16, v14;
	[tilespmem:s25+$0x30] =	vst v20  }
0x387: {  	v20 =	vld [tilespmem:s28+$0xFFFFFFE0];
	[tilespmem:s25+$0xFFFFFFD0] =	vst v21;
	v21 =	vadd.f32 v17, v13;
	v15 =	vmul.f32 v15, v14  }
.Ltmp19:
0x388: {  	v17 =	vld [tilespmem:s28+$0xFFFFFFF0];
	[tilespmem:s25+$0xFFFFFFE0] =	vst v22;
	v22 =	vadd.f32 v16, v13;
	v18 =	vmul.f32 v18, v14;
	(pc) =	sbr.rel @p0 .LBB2_40-.Ltmp19, $4  }
0x389: {  	v16 =	vld [tilespmem:s28+$0x0];
	v19 =	vmul.f32 v19, v14;
	[tilespmem:s25+$0xFFFFFFF0] =	vst v21;
	v25 =	vadd.f32 v15, v13  }
0x38a: {  	v15 =	vld [tilespmem:s28+$0x10];
	v24 =	vmul.f32 v24, v14;
	[tilespmem:s25+$0x0] =	vst v22;
	v26 =	vadd.f32 v18, v13  }
0x38b: {  	v21 =	vmul.f32 v23, v14;
	v18 =	vld [tilespmem:s28+$0x20];
	v23 =	vadd.f32 v19, v13;
	[tilespmem:s25+$0x10] =	vst v25  }
0x38c: {  	s28 =	sadd.s32 $0x80, s28;
	v19 =	vld [tilespmem:s24+$0xFFFFFFC0];
	v22 =	vmul.f32 v20, v14;
	v20 =	vadd.f32 v24, v13;
	[tilespmem:s25+$0x20] =	vst v26  }
0x38d: {  	v21 =	vadd.f32 v21, v13;
	v17 =	vmul.f32 v17, v14;
	[tilespmem:s25+$0xFFFFFFC0] =	vst v23  }
0x38e: {  	v22 =	vadd.f32 v22, v13;
	v16 =	vmul.f32 v16, v14;
	[tilespmem:s24+$0x30] =	vst v20  }
0x38f: {  	[tilespmem:s24+$0xFFFFFFD0] =	vst v21;
	v17 =	vadd.f32 v17, v13;
	v15 =	vmul.f32 v15, v14  }
0x390: {  	[tilespmem:s24+$0xFFFFFFE0] =	vst v22;
	v16 =	vadd.f32 v16, v13;
	v18 =	vmul.f32 v18, v14  }
0x391: {  	v14 =	vmul.f32 v19, v14;
	[tilespmem:s24+$0xFFFFFFF0] =	vst v17;
	v15 =	vadd.f32 v15, v13  }
0x392: {  	[tilespmem:s24+$0x0] =	vst v16;
	v16 =	vadd.f32 v18, v13  }
0x393: {  	v13 =	vadd.f32 v14, v13;
	[tilespmem:s24+$0x10] =	vst v15  }
0x394: {  	[tilespmem:s24+$0x20] =	vst v16  }
0x395: {  	[tilespmem:s24+$0xFFFFFFC0] =	vst v13  }
0x396: {  	s24 =	rddreg [dreg:$0x1b]  }
0x397: {  	[hbm4b:s24+s19] =	stream.strided.scatter [tilespmem:s21], [sflag:$0x1], $0x2000, s20, s19, $0x38;
	[tilespmem:$0x1C800] =	vst v63  }
0x398: {  	_ =	swait.ge [sflag:s18], $0x2000  }
0x399: {  	[sflag:s18] =	ssyncset.done $0x0  }
0x39a: {  	[sflag:s18] =	ssyncadd.s32 $0xFFFFE000  }
0x39b: {  	v13 =	vld [tilespmem:$0x1C700]  }
0x39c: {  	v15 =	vld [tilespmem:$0x1C780];
	[tilespmem:s21], [sflag:$0x1] =	stream.strided.gather [hbm4b:s8+s19], $0x2000, s20, s19, $0x38  }
0x39d: {  	_ =	swait.ge [sflag:s18], $0x2000  }
0x39e: {  	[sflag:s18] =	ssyncset.done $0x0  }
0x39f: {  	s25 =	simm.s32 $0x1A740;
	[sflag:s18] =	ssyncadd.s32 $0xFFFFE000  }
0x3a0: {  	v16 =	vld [tilespmem:s25+$0x30]  }
0x3a1: {  	v17 =	vld [tilespmem:s25+$0xFFFFFFD0]  }
0x3a2: {  	v18 =	vld [tilespmem:s25+$0xFFFFFFE0]  }
0x3a3: {  	v19 =	vld [tilespmem:s25+$0xFFFFFFF0];
	v14 =	vperm.xlane v13, v10  }
0x3a4: {  	v20 =	vld [tilespmem:s25+$0x0]  }
0x3a5: {  	v13 =	vperm.xlane v15, v10;
	v15 =	vld [tilespmem:s25+$0x10];
	v16 =	vmul.f32 v16, v14  }
0x3a6: {  	v21 =	vld [tilespmem:s25+$0x20];
	v17 =	vmul.f32 v17, v14  }
0x3a7: {  	s24 =	simm.s32 $0x1A7C0;
	v22 =	vld [tilespmem:s25+$0xFFFFFFC0];
	v18 =	vmul.f32 v18, v14;
	v16 =	vadd.f32 v16, v13  }
0x3a8: {  	v23 =	vld [tilespmem:s24+$0x30];
	v19 =	vmul.f32 v19, v14;
	v17 =	vadd.f32 v17, v13  }
0x3a9: {  	v24 =	vld [tilespmem:s24+$0xFFFFFFD0];
	v20 =	vmul.f32 v20, v14;
	v18 =	vadd.f32 v18, v13;
	[tilespmem:s25+$0x30] =	vst v16  }
0x3aa: {  	v25 =	vld [tilespmem:s24+$0xFFFFFFE0];
	v15 =	vmul.f32 v15, v14;
	v19 =	vadd.f32 v19, v13;
	[tilespmem:s25+$0xFFFFFFD0] =	vst v17  }
0x3ab: {  	v17 =	vld [tilespmem:s24+$0xFFFFFFF0];
	[tilespmem:s25+$0xFFFFFFE0] =	vst v18;
	v18 =	vadd.f32 v20, v13;
	v20 =	vmul.f32 v21, v14  }
0x3ac: {  	v22 =	vmul.f32 v22, v14;
	v16 =	vld [tilespmem:s24+$0x0];
	[tilespmem:s25+$0xFFFFFFF0] =	vst v19;
	v19 =	vadd.f32 v15, v13  }
0x3ad: {  	v26 =	vmul.f32 v23, v14;
	v15 =	vld [tilespmem:s24+$0x10];
	[tilespmem:s25+$0x0] =	vst v18;
	v27 =	vadd.f32 v20, v13  }
0x3ae: {  	v23 =	vadd.f32 v22, v13;
	v21 =	vmul.f32 v24, v14;
	v18 =	vld [tilespmem:s24+$0x20];
	[tilespmem:s25+$0x10] =	vst v19  }
0x3af: {  	s26 =	simm.s32 $0x80;
	s28 =	simm.s32 $0x1A840;
	v22 =	vmul.f32 v25, v14;
	v19 =	vld [tilespmem:s24+$0xFFFFFFC0];
	v20 =	vadd.f32 v26, v13;
	[tilespmem:s25+$0x20] =	vst v27  }
.LBB2_42:
0x3b0: {  	v24 =	vld [tilespmem:s28+$0x30];
	s26 =	sadd.s32 $0x80, s26;
	v21 =	vadd.f32 v21, v13;
	v17 =	vmul.f32 v17, v14;
	[tilespmem:s25+$0xFFFFFFC0] =	vst v23;
	s25 =	smov.u32 s24;
	s24 =	smov.u32 s28  }
0x3b1: {  	v23 =	vld [tilespmem:s28+$0xFFFFFFD0];
	p0 =	slt.u32 s26, $0x1F80;
	v22 =	vadd.f32 v22, v13;
	v16 =	vmul.f32 v16, v14;
	[tilespmem:s25+$0x30] =	vst v20  }
0x3b2: {  	v20 =	vld [tilespmem:s28+$0xFFFFFFE0];
	[tilespmem:s25+$0xFFFFFFD0] =	vst v21;
	v21 =	vadd.f32 v17, v13;
	v15 =	vmul.f32 v15, v14  }
.Ltmp20:
0x3b3: {  	v17 =	vld [tilespmem:s28+$0xFFFFFFF0];
	[tilespmem:s25+$0xFFFFFFE0] =	vst v22;
	v22 =	vadd.f32 v16, v13;
	v18 =	vmul.f32 v18, v14;
	(pc) =	sbr.rel @p0 .LBB2_42-.Ltmp20, $4  }
0x3b4: {  	v16 =	vld [tilespmem:s28+$0x0];
	v19 =	vmul.f32 v19, v14;
	[tilespmem:s25+$0xFFFFFFF0] =	vst v21;
	v25 =	vadd.f32 v15, v13  }
0x3b5: {  	v15 =	vld [tilespmem:s28+$0x10];
	v24 =	vmul.f32 v24, v14;
	[tilespmem:s25+$0x0] =	vst v22;
	v26 =	vadd.f32 v18, v13  }
0x3b6: {  	v21 =	vmul.f32 v23, v14;
	v18 =	vld [tilespmem:s28+$0x20];
	v23 =	vadd.f32 v19, v13;
	[tilespmem:s25+$0x10] =	vst v25  }
0x3b7: {  	s28 =	sadd.s32 $0x80, s28;
	v19 =	vld [tilespmem:s24+$0xFFFFFFC0];
	v22 =	vmul.f32 v20, v14;
	v20 =	vadd.f32 v24, v13;
	[tilespmem:s25+$0x20] =	vst v26  }
0x3b8: {  	v21 =	vadd.f32 v21, v13;
	v17 =	vmul.f32 v17, v14;
	[tilespmem:s25+$0xFFFFFFC0] =	vst v23  }
0x3b9: {  	v22 =	vadd.f32 v22, v13;
	v16 =	vmul.f32 v16, v14;
	[tilespmem:s24+$0x30] =	vst v20  }
0x3ba: {  	[tilespmem:s24+$0xFFFFFFD0] =	vst v21;
	v17 =	vadd.f32 v17, v13;
	v15 =	vmul.f32 v15, v14  }
0x3bb: {  	[tilespmem:s24+$0xFFFFFFE0] =	vst v22;
	v16 =	vadd.f32 v16, v13;
	v18 =	vmul.f32 v18, v14  }
0x3bc: {  	v19 =	vmul.f32 v19, v14;
	[tilespmem:s24+$0xFFFFFFF0] =	vst v17;
	v15 =	vadd.f32 v15, v13  }
0x3bd: {  	[tilespmem:s24+$0x0] =	vst v16;
	v16 =	vadd.f32 v18, v13  }
0x3be: {  	v17 =	vadd.f32 v19, v13;
	[tilespmem:s24+$0x10] =	vst v15  }
0x3bf: {  	[tilespmem:s24+$0x20] =	vst v16  }
0x3c0: {  	[tilespmem:s24+$0xFFFFFFC0] =	vst v17  }
0x3c1: {  	s24 =	rddreg [dreg:$0x1c]  }
0x3c2: {  	[hbm4b:s24+s19] =	stream.strided.scatter [tilespmem:s21], [sflag:$0x1], $0x2000, s20, s19, $0x38;
	[tilespmem:$0x1C800] =	vst v63  }
0x3c3: {  	_ =	swait.ge [sflag:s18], $0x2000  }
0x3c4: {  	[sflag:s18] =	ssyncset.done $0x0  }
0x3c5: {  	[sflag:s18] =	ssyncadd.s32 $0xFFFFE000  }
0x3c6: {  	[tilespmem:s21], [sflag:$0x1] =	stream.strided.gather [hbm4b:s9+s19], $0x2000, s20, s19, $0x38;
	[tilespmem:$0x1C800] =	vst v63  }
0x3c7: {  	_ =	swait.ge [sflag:s18], $0x2000  }
0x3c8: {  	[sflag:s18] =	ssyncset.done $0x0  }
0x3c9: {  	s25 =	simm.s32 $0x1A740;
	[sflag:s18] =	ssyncadd.s32 $0xFFFFE000  }
0x3ca: {  	v15 =	vld [tilespmem:s25+$0x30]  }
0x3cb: {  	v16 =	vld [tilespmem:s25+$0xFFFFFFD0]  }
0x3cc: {  	v17 =	vld [tilespmem:s25+$0xFFFFFFE0]  }
0x3cd: {  	v18 =	vld [tilespmem:s25+$0xFFFFFFF0]  }
0x3ce: {  	v19 =	vld [tilespmem:s25+$0x0];
	_ =	sdelay $0x1  }
0x3cf: {  	v20 =	vld [tilespmem:s25+$0x10];
	v15 =	vmul.f32 v15, v14  }
0x3d0: {  	v21 =	vld [tilespmem:s25+$0x20];
	v16 =	vmul.f32 v16, v14  }
0x3d1: {  	s24 =	simm.s32 $0x1A7C0;
	v22 =	vld [tilespmem:s25+$0xFFFFFFC0];
	v17 =	vmul.f32 v17, v14;
	v15 =	vadd.f32 v15, v13  }
0x3d2: {  	v23 =	vld [tilespmem:s24+$0x30];
	v18 =	vmul.f32 v18, v14;
	v19 =	vmul.f32 v19, v14;
	v16 =	vadd.f32 v16, v13  }
0x3d3: {  	v24 =	vld [tilespmem:s24+$0xFFFFFFD0];
	v25 =	vadd.f32 v17, v13;
	[tilespmem:s25+$0x30] =	vst v15  }
0x3d4: {  	v26 =	vld [tilespmem:s24+$0xFFFFFFE0];
	v19 =	vadd.f32 v19, v13;
	[tilespmem:s25+$0xFFFFFFD0] =	vst v16;
	v15 =	vadd.f32 v18, v13;
	v18 =	vmul.f32 v20, v14  }
0x3d5: {  	v17 =	vld [tilespmem:s24+$0xFFFFFFF0];
	[tilespmem:s25+$0xFFFFFFE0] =	vst v25;
	v20 =	vmul.f32 v21, v14  }
0x3d6: {  	v22 =	vmul.f32 v22, v14;
	v16 =	vld [tilespmem:s24+$0x0];
	[tilespmem:s25+$0x0] =	vst v19;
	v63 =	vadd.f32 v18, v13  }
0x3d7: {  	v27 =	vmul.f32 v23, v14;
	[tilespmem:s25+$0xFFFFFFF0] =	vst v15;
	v15 =	vld [tilespmem:s24+$0x10];
	v28 =	vadd.f32 v20, v13  }
0x3d8: {  	v23 =	vadd.f32 v22, v13;
	v21 =	vmul.f32 v24, v14;
	v18 =	vld [tilespmem:s24+$0x20];
	[tilespmem:s25+$0x10] =	vst v63  }
0x3d9: {  	s26 =	simm.s32 $0x80;
	s28 =	simm.s32 $0x1A840;
	v22 =	vmul.f32 v26, v14;
	v19 =	vld [tilespmem:s24+$0xFFFFFFC0];
	v20 =	vadd.f32 v27, v13;
	[tilespmem:s25+$0x20] =	vst v28  }
.LBB2_44:
0x3da: {  	v24 =	vld [tilespmem:s28+$0x30];
	s26 =	sadd.s32 $0x80, s26;
	v21 =	vadd.f32 v21, v13;
	v17 =	vmul.f32 v17, v14;
	[tilespmem:s25+$0xFFFFFFC0] =	vst v23;
	s25 =	smov.u32 s24;
	s24 =	smov.u32 s28  }
0x3db: {  	v23 =	vld [tilespmem:s28+$0xFFFFFFD0];
	p0 =	slt.u32 s26, $0x1F80;
	v22 =	vadd.f32 v22, v13;
	v16 =	vmul.f32 v16, v14;
	[tilespmem:s25+$0x30] =	vst v20  }
0x3dc: {  	v20 =	vld [tilespmem:s28+$0xFFFFFFE0];
	[tilespmem:s25+$0xFFFFFFD0] =	vst v21;
	v21 =	vadd.f32 v17, v13;
	v15 =	vmul.f32 v15, v14  }
.Ltmp21:
0x3dd: {  	v17 =	vld [tilespmem:s28+$0xFFFFFFF0];
	[tilespmem:s25+$0xFFFFFFE0] =	vst v22;
	v22 =	vadd.f32 v16, v13;
	v18 =	vmul.f32 v18, v14;
	(pc) =	sbr.rel @p0 .LBB2_44-.Ltmp21, $4  }
0x3de: {  	v16 =	vld [tilespmem:s28+$0x0];
	v19 =	vmul.f32 v19, v14;
	[tilespmem:s25+$0xFFFFFFF0] =	vst v21;
	v25 =	vadd.f32 v15, v13  }
0x3df: {  	v15 =	vld [tilespmem:s28+$0x10];
	v24 =	vmul.f32 v24, v14;
	[tilespmem:s25+$0x0] =	vst v22;
	v26 =	vadd.f32 v18, v13  }
0x3e0: {  	v21 =	vmul.f32 v23, v14;
	v18 =	vld [tilespmem:s28+$0x20];
	v23 =	vadd.f32 v19, v13;
	[tilespmem:s25+$0x10] =	vst v25  }
0x3e1: {  	s28 =	sadd.s32 $0x80, s28;
	v19 =	vld [tilespmem:s24+$0xFFFFFFC0];
	v22 =	vmul.f32 v20, v14;
	v20 =	vadd.f32 v24, v13;
	[tilespmem:s25+$0x20] =	vst v26  }
0x3e2: {  	v21 =	vadd.f32 v21, v13;
	v17 =	vmul.f32 v17, v14;
	[tilespmem:s25+$0xFFFFFFC0] =	vst v23  }
0x3e3: {  	v22 =	vadd.f32 v22, v13;
	v16 =	vmul.f32 v16, v14;
	[tilespmem:s24+$0x30] =	vst v20  }
0x3e4: {  	[tilespmem:s24+$0xFFFFFFD0] =	vst v21;
	v17 =	vadd.f32 v17, v13;
	v15 =	vmul.f32 v15, v14  }
0x3e5: {  	[tilespmem:s24+$0xFFFFFFE0] =	vst v22;
	v16 =	vadd.f32 v16, v13;
	v18 =	vmul.f32 v18, v14  }
0x3e6: {  	v14 =	vmul.f32 v19, v14;
	[tilespmem:s24+$0xFFFFFFF0] =	vst v17;
	v15 =	vadd.f32 v15, v13  }
0x3e7: {  	[tilespmem:s24+$0x0] =	vst v16;
	v16 =	vadd.f32 v18, v13  }
0x3e8: {  	v13 =	vadd.f32 v14, v13;
	[tilespmem:s24+$0x10] =	vst v15  }
0x3e9: {  	[tilespmem:s24+$0x20] =	vst v16  }
0x3ea: {  	[tilespmem:s24+$0xFFFFFFC0] =	vst v13  }
0x3eb: {  	s24 =	rddreg [dreg:$0x1d]  }
0x3ec: {  	[hbm4b:s24+s19] =	stream.strided.scatter [tilespmem:s21], [sflag:$0x1], $0x2000, s20, s19, $0x38;
	[tilespmem:$0x1C800] =	vst v63  }
0x3ed: {  	_ =	swait.ge [sflag:s18], $0x2000  }
0x3ee: {  	[sflag:s18] =	ssyncset.done $0x0  }
0x3ef: {  	[sflag:s18] =	ssyncadd.s32 $0xFFFFE000  }
0x3f0: {  	v13 =	vld [tilespmem:$0x1C700]  }
0x3f1: {  	v15 =	vld [tilespmem:$0x1C780];
	[tilespmem:s21], [sflag:$0x1] =	stream.strided.gather [hbm4b:s10+s19], $0x2000, s20, s19, $0x38  }
0x3f2: {  	_ =	swait.ge [sflag:s18], $0x2000  }
0x3f3: {  	[sflag:s18] =	ssyncset.done $0x0  }
0x3f4: {  	s25 =	simm.s32 $0x1A740;
	[sflag:s18] =	ssyncadd.s32 $0xFFFFE000  }
0x3f5: {  	v16 =	vld [tilespmem:s25+$0x30]  }
0x3f6: {  	v17 =	vld [tilespmem:s25+$0xFFFFFFD0]  }
0x3f7: {  	v18 =	vld [tilespmem:s25+$0xFFFFFFE0]  }
0x3f8: {  	v19 =	vld [tilespmem:s25+$0xFFFFFFF0];
	v14 =	vperm.xlane v13, v11  }
0x3f9: {  	v20 =	vld [tilespmem:s25+$0x0]  }
0x3fa: {  	v13 =	vperm.xlane v15, v11;
	v15 =	vld [tilespmem:s25+$0x10];
	v16 =	vmul.f32 v16, v14  }
0x3fb: {  	v21 =	vld [tilespmem:s25+$0x20];
	v17 =	vmul.f32 v17, v14  }
0x3fc: {  	s24 =	simm.s32 $0x1A7C0;
	v22 =	vld [tilespmem:s25+$0xFFFFFFC0];
	v18 =	vmul.f32 v18, v14;
	v16 =	vadd.f32 v16, v13  }
0x3fd: {  	v23 =	vld [tilespmem:s24+$0x30];
	v19 =	vmul.f32 v19, v14;
	v17 =	vadd.f32 v17, v13  }
0x3fe: {  	v24 =	vld [tilespmem:s24+$0xFFFFFFD0];
	v20 =	vmul.f32 v20, v14;
	v18 =	vadd.f32 v18, v13;
	[tilespmem:s25+$0x30] =	vst v16  }
0x3ff: {  	v25 =	vld [tilespmem:s24+$0xFFFFFFE0];
	v15 =	vmul.f32 v15, v14;
	v19 =	vadd.f32 v19, v13;
	[tilespmem:s25+$0xFFFFFFD0] =	vst v17  }
0x400: {  	v17 =	vld [tilespmem:s24+$0xFFFFFFF0];
	[tilespmem:s25+$0xFFFFFFE0] =	vst v18;
	v18 =	vadd.f32 v20, v13;
	v20 =	vmul.f32 v21, v14  }
0x401: {  	v22 =	vmul.f32 v22, v14;
	v16 =	vld [tilespmem:s24+$0x0];
	[tilespmem:s25+$0xFFFFFFF0] =	vst v19;
	v19 =	vadd.f32 v15, v13  }
0x402: {  	v26 =	vmul.f32 v23, v14;
	v15 =	vld [tilespmem:s24+$0x10];
	[tilespmem:s25+$0x0] =	vst v18;
	v27 =	vadd.f32 v20, v13  }
0x403: {  	v23 =	vadd.f32 v22, v13;
	v21 =	vmul.f32 v24, v14;
	v18 =	vld [tilespmem:s24+$0x20];
	[tilespmem:s25+$0x10] =	vst v19  }
0x404: {  	s26 =	simm.s32 $0x80;
	s28 =	simm.s32 $0x1A840;
	v22 =	vmul.f32 v25, v14;
	v19 =	vld [tilespmem:s24+$0xFFFFFFC0];
	v20 =	vadd.f32 v26, v13;
	[tilespmem:s25+$0x20] =	vst v27  }
.LBB2_46:
0x405: {  	v24 =	vld [tilespmem:s28+$0x30];
	s26 =	sadd.s32 $0x80, s26;
	v21 =	vadd.f32 v21, v13;
	v17 =	vmul.f32 v17, v14;
	[tilespmem:s25+$0xFFFFFFC0] =	vst v23;
	s25 =	smov.u32 s24;
	s24 =	smov.u32 s28  }
0x406: {  	v23 =	vld [tilespmem:s28+$0xFFFFFFD0];
	p0 =	slt.u32 s26, $0x1F80;
	v22 =	vadd.f32 v22, v13;
	v16 =	vmul.f32 v16, v14;
	[tilespmem:s25+$0x30] =	vst v20  }
0x407: {  	v20 =	vld [tilespmem:s28+$0xFFFFFFE0];
	[tilespmem:s25+$0xFFFFFFD0] =	vst v21;
	v21 =	vadd.f32 v17, v13;
	v15 =	vmul.f32 v15, v14  }
.Ltmp22:
0x408: {  	v17 =	vld [tilespmem:s28+$0xFFFFFFF0];
	[tilespmem:s25+$0xFFFFFFE0] =	vst v22;
	v22 =	vadd.f32 v16, v13;
	v18 =	vmul.f32 v18, v14;
	(pc) =	sbr.rel @p0 .LBB2_46-.Ltmp22, $4  }
0x409: {  	v16 =	vld [tilespmem:s28+$0x0];
	v19 =	vmul.f32 v19, v14;
	[tilespmem:s25+$0xFFFFFFF0] =	vst v21;
	v25 =	vadd.f32 v15, v13  }
0x40a: {  	v15 =	vld [tilespmem:s28+$0x10];
	v24 =	vmul.f32 v24, v14;
	[tilespmem:s25+$0x0] =	vst v22;
	v26 =	vadd.f32 v18, v13  }
0x40b: {  	v21 =	vmul.f32 v23, v14;
	v18 =	vld [tilespmem:s28+$0x20];
	v23 =	vadd.f32 v19, v13;
	[tilespmem:s25+$0x10] =	vst v25  }
0x40c: {  	s28 =	sadd.s32 $0x80, s28;
	v19 =	vld [tilespmem:s24+$0xFFFFFFC0];
	v22 =	vmul.f32 v20, v14;
	v20 =	vadd.f32 v24, v13;
	[tilespmem:s25+$0x20] =	vst v26  }
0x40d: {  	v21 =	vadd.f32 v21, v13;
	v17 =	vmul.f32 v17, v14;
	[tilespmem:s25+$0xFFFFFFC0] =	vst v23  }
0x40e: {  	v22 =	vadd.f32 v22, v13;
	v16 =	vmul.f32 v16, v14;
	[tilespmem:s24+$0x30] =	vst v20  }
0x40f: {  	[tilespmem:s24+$0xFFFFFFD0] =	vst v21;
	v17 =	vadd.f32 v17, v13;
	v15 =	vmul.f32 v15, v14  }
0x410: {  	[tilespmem:s24+$0xFFFFFFE0] =	vst v22;
	v16 =	vadd.f32 v16, v13;
	v18 =	vmul.f32 v18, v14  }
0x411: {  	v19 =	vmul.f32 v19, v14;
	[tilespmem:s24+$0xFFFFFFF0] =	vst v17;
	v15 =	vadd.f32 v15, v13  }
0x412: {  	[tilespmem:s24+$0x0] =	vst v16;
	v16 =	vadd.f32 v18, v13  }
0x413: {  	v17 =	vadd.f32 v19, v13;
	[tilespmem:s24+$0x10] =	vst v15  }
0x414: {  	[tilespmem:s24+$0x20] =	vst v16  }
0x415: {  	[tilespmem:s24+$0xFFFFFFC0] =	vst v17  }
0x416: {  	s24 =	rddreg [dreg:$0x1e]  }
0x417: {  	[hbm4b:s24+s19] =	stream.strided.scatter [tilespmem:s21], [sflag:$0x1], $0x2000, s20, s19, $0x38;
	[tilespmem:$0x1C800] =	vst v63  }
0x418: {  	_ =	swait.ge [sflag:s18], $0x2000  }
0x419: {  	[sflag:s18] =	ssyncset.done $0x0  }
0x41a: {  	[sflag:s18] =	ssyncadd.s32 $0xFFFFE000  }
0x41b: {  	[tilespmem:s21], [sflag:$0x1] =	stream.strided.gather [hbm4b:s13+s19], $0x2000, s20, s19, $0x38;
	[tilespmem:$0x1C800] =	vst v63  }
0x41c: {  	_ =	swait.ge [sflag:s18], $0x2000  }
0x41d: {  	[sflag:s18] =	ssyncset.done $0x0  }
0x41e: {  	s25 =	simm.s32 $0x1A740;
	[sflag:s18] =	ssyncadd.s32 $0xFFFFE000  }
0x41f: {  	v15 =	vld [tilespmem:s25+$0x30]  }
0x420: {  	v16 =	vld [tilespmem:s25+$0xFFFFFFD0]  }
0x421: {  	v17 =	vld [tilespmem:s25+$0xFFFFFFE0]  }
0x422: {  	v18 =	vld [tilespmem:s25+$0xFFFFFFF0]  }
0x423: {  	v19 =	vld [tilespmem:s25+$0x0];
	_ =	sdelay $0x1  }
0x424: {  	v20 =	vld [tilespmem:s25+$0x10];
	v15 =	vmul.f32 v15, v14  }
0x425: {  	v21 =	vld [tilespmem:s25+$0x20];
	v16 =	vmul.f32 v16, v14  }
0x426: {  	s24 =	simm.s32 $0x1A7C0;
	v22 =	vld [tilespmem:s25+$0xFFFFFFC0];
	v17 =	vmul.f32 v17, v14;
	v15 =	vadd.f32 v15, v13  }
0x427: {  	v23 =	vld [tilespmem:s24+$0x30];
	v18 =	vmul.f32 v18, v14;
	v19 =	vmul.f32 v19, v14;
	v16 =	vadd.f32 v16, v13  }
0x428: {  	v24 =	vld [tilespmem:s24+$0xFFFFFFD0];
	v25 =	vadd.f32 v17, v13;
	[tilespmem:s25+$0x30] =	vst v15  }
0x429: {  	v26 =	vld [tilespmem:s24+$0xFFFFFFE0];
	v19 =	vadd.f32 v19, v13;
	[tilespmem:s25+$0xFFFFFFD0] =	vst v16;
	v15 =	vadd.f32 v18, v13;
	v18 =	vmul.f32 v20, v14  }
0x42a: {  	v17 =	vld [tilespmem:s24+$0xFFFFFFF0];
	[tilespmem:s25+$0xFFFFFFE0] =	vst v25;
	v20 =	vmul.f32 v21, v14  }
0x42b: {  	v22 =	vmul.f32 v22, v14;
	v16 =	vld [tilespmem:s24+$0x0];
	[tilespmem:s25+$0x0] =	vst v19;
	v63 =	vadd.f32 v18, v13  }
0x42c: {  	v27 =	vmul.f32 v23, v14;
	[tilespmem:s25+$0xFFFFFFF0] =	vst v15;
	v15 =	vld [tilespmem:s24+$0x10];
	v28 =	vadd.f32 v20, v13  }
0x42d: {  	v23 =	vadd.f32 v22, v13;
	v21 =	vmul.f32 v24, v14;
	v18 =	vld [tilespmem:s24+$0x20];
	[tilespmem:s25+$0x10] =	vst v63  }
0x42e: {  	s26 =	simm.s32 $0x80;
	s28 =	simm.s32 $0x1A840;
	v22 =	vmul.f32 v26, v14;
	v19 =	vld [tilespmem:s24+$0xFFFFFFC0];
	v20 =	vadd.f32 v27, v13;
	[tilespmem:s25+$0x20] =	vst v28  }
.LBB2_48:
0x42f: {  	v24 =	vld [tilespmem:s28+$0x30];
	s26 =	sadd.s32 $0x80, s26;
	v21 =	vadd.f32 v21, v13;
	v17 =	vmul.f32 v17, v14;
	[tilespmem:s25+$0xFFFFFFC0] =	vst v23;
	s25 =	smov.u32 s24;
	s24 =	smov.u32 s28  }
0x430: {  	v23 =	vld [tilespmem:s28+$0xFFFFFFD0];
	p0 =	slt.u32 s26, $0x1F80;
	v22 =	vadd.f32 v22, v13;
	v16 =	vmul.f32 v16, v14;
	[tilespmem:s25+$0x30] =	vst v20  }
0x431: {  	v20 =	vld [tilespmem:s28+$0xFFFFFFE0];
	[tilespmem:s25+$0xFFFFFFD0] =	vst v21;
	v21 =	vadd.f32 v17, v13;
	v15 =	vmul.f32 v15, v14  }
.Ltmp23:
0x432: {  	v17 =	vld [tilespmem:s28+$0xFFFFFFF0];
	[tilespmem:s25+$0xFFFFFFE0] =	vst v22;
	v22 =	vadd.f32 v16, v13;
	v18 =	vmul.f32 v18, v14;
	(pc) =	sbr.rel @p0 .LBB2_48-.Ltmp23, $4  }
0x433: {  	v16 =	vld [tilespmem:s28+$0x0];
	v19 =	vmul.f32 v19, v14;
	[tilespmem:s25+$0xFFFFFFF0] =	vst v21;
	v25 =	vadd.f32 v15, v13  }
0x434: {  	v15 =	vld [tilespmem:s28+$0x10];
	v24 =	vmul.f32 v24, v14;
	[tilespmem:s25+$0x0] =	vst v22;
	v26 =	vadd.f32 v18, v13  }
0x435: {  	v21 =	vmul.f32 v23, v14;
	v18 =	vld [tilespmem:s28+$0x20];
	v23 =	vadd.f32 v19, v13;
	[tilespmem:s25+$0x10] =	vst v25  }
0x436: {  	s28 =	sadd.s32 $0x80, s28;
	v19 =	vld [tilespmem:s24+$0xFFFFFFC0];
	v22 =	vmul.f32 v20, v14;
	v20 =	vadd.f32 v24, v13;
	[tilespmem:s25+$0x20] =	vst v26  }
0x437: {  	v21 =	vadd.f32 v21, v13;
	v17 =	vmul.f32 v17, v14;
	[tilespmem:s25+$0xFFFFFFC0] =	vst v23  }
0x438: {  	v22 =	vadd.f32 v22, v13;
	v16 =	vmul.f32 v16, v14;
	[tilespmem:s24+$0x30] =	vst v20  }
0x439: {  	[tilespmem:s24+$0xFFFFFFD0] =	vst v21;
	v17 =	vadd.f32 v17, v13;
	v15 =	vmul.f32 v15, v14  }
0x43a: {  	[tilespmem:s24+$0xFFFFFFE0] =	vst v22;
	v16 =	vadd.f32 v16, v13;
	v18 =	vmul.f32 v18, v14  }
0x43b: {  	v14 =	vmul.f32 v19, v14;
	[tilespmem:s24+$0xFFFFFFF0] =	vst v17;
	v15 =	vadd.f32 v15, v13  }
0x43c: {  	[tilespmem:s24+$0x0] =	vst v16;
	v16 =	vadd.f32 v18, v13  }
0x43d: {  	v13 =	vadd.f32 v14, v13;
	[tilespmem:s24+$0x10] =	vst v15  }
0x43e: {  	[tilespmem:s24+$0x20] =	vst v16  }
0x43f: {  	[tilespmem:s24+$0xFFFFFFC0] =	vst v13  }
0x440: {  	s24 =	rddreg [dreg:$0x1f]  }
0x441: {  	[hbm4b:s24+s19] =	stream.strided.scatter [tilespmem:s21], [sflag:$0x1], $0x2000, s20, s19, $0x38;
	[tilespmem:$0x1C800] =	vst v63  }
0x442: {  	_ =	swait.ge [sflag:s18], $0x2000  }
0x443: {  	[sflag:s18] =	ssyncset.done $0x0  }
0x444: {  	[sflag:s18] =	ssyncadd.s32 $0xFFFFE000  }
0x445: {  	v13 =	vld [tilespmem:$0x1C700]  }
0x446: {  	v15 =	vld [tilespmem:$0x1C780];
	[tilespmem:s21], [sflag:$0x1] =	stream.strided.gather [hbm4b:s15+s19], $0x2000, s20, s19, $0x38  }
0x447: {  	_ =	swait.ge [sflag:s18], $0x2000  }
0x448: {  	[sflag:s18] =	ssyncset.done $0x0  }
0x449: {  	s25 =	simm.s32 $0x1A740;
	[sflag:s18] =	ssyncadd.s32 $0xFFFFE000  }
0x44a: {  	v16 =	vld [tilespmem:s25+$0x30]  }
0x44b: {  	v17 =	vld [tilespmem:s25+$0xFFFFFFD0]  }
0x44c: {  	v18 =	vld [tilespmem:s25+$0xFFFFFFE0]  }
0x44d: {  	v19 =	vld [tilespmem:s25+$0xFFFFFFF0];
	v14 =	vperm.xlane v13, v12  }
0x44e: {  	v20 =	vld [tilespmem:s25+$0x0]  }
0x44f: {  	v13 =	vperm.xlane v15, v12;
	v15 =	vld [tilespmem:s25+$0x10];
	v16 =	vmul.f32 v16, v14  }
0x450: {  	v21 =	vld [tilespmem:s25+$0x20];
	v17 =	vmul.f32 v17, v14  }
0x451: {  	s24 =	simm.s32 $0x1A7C0;
	v22 =	vld [tilespmem:s25+$0xFFFFFFC0];
	v18 =	vmul.f32 v18, v14;
	v16 =	vadd.f32 v16, v13  }
0x452: {  	v23 =	vld [tilespmem:s24+$0x30];
	v19 =	vmul.f32 v19, v14;
	v17 =	vadd.f32 v17, v13  }
0x453: {  	v24 =	vld [tilespmem:s24+$0xFFFFFFD0];
	v20 =	vmul.f32 v20, v14;
	v18 =	vadd.f32 v18, v13;
	[tilespmem:s25+$0x30] =	vst v16  }
0x454: {  	v25 =	vld [tilespmem:s24+$0xFFFFFFE0];
	v15 =	vmul.f32 v15, v14;
	v19 =	vadd.f32 v19, v13;
	[tilespmem:s25+$0xFFFFFFD0] =	vst v17  }
0x455: {  	v17 =	vld [tilespmem:s24+$0xFFFFFFF0];
	[tilespmem:s25+$0xFFFFFFE0] =	vst v18;
	v18 =	vadd.f32 v20, v13;
	v20 =	vmul.f32 v21, v14  }
0x456: {  	v22 =	vmul.f32 v22, v14;
	v16 =	vld [tilespmem:s24+$0x0];
	[tilespmem:s25+$0xFFFFFFF0] =	vst v19;
	v19 =	vadd.f32 v15, v13  }
0x457: {  	v26 =	vmul.f32 v23, v14;
	v15 =	vld [tilespmem:s24+$0x10];
	[tilespmem:s25+$0x0] =	vst v18;
	v27 =	vadd.f32 v20, v13  }
0x458: {  	v23 =	vadd.f32 v22, v13;
	v21 =	vmul.f32 v24, v14;
	v18 =	vld [tilespmem:s24+$0x20];
	[tilespmem:s25+$0x10] =	vst v19  }
0x459: {  	s26 =	simm.s32 $0x80;
	s28 =	simm.s32 $0x1A840;
	v22 =	vmul.f32 v25, v14;
	v19 =	vld [tilespmem:s24+$0xFFFFFFC0];
	v20 =	vadd.f32 v26, v13;
	[tilespmem:s25+$0x20] =	vst v27  }
.LBB2_50:
0x45a: {  	v24 =	vld [tilespmem:s28+$0x30];
	s26 =	sadd.s32 $0x80, s26;
	v21 =	vadd.f32 v21, v13;
	v17 =	vmul.f32 v17, v14;
	[tilespmem:s25+$0xFFFFFFC0] =	vst v23;
	s25 =	smov.u32 s24;
	s24 =	smov.u32 s28  }
0x45b: {  	v23 =	vld [tilespmem:s28+$0xFFFFFFD0];
	p0 =	slt.u32 s26, $0x1F80;
	v22 =	vadd.f32 v22, v13;
	v16 =	vmul.f32 v16, v14;
	[tilespmem:s25+$0x30] =	vst v20  }
0x45c: {  	v20 =	vld [tilespmem:s28+$0xFFFFFFE0];
	[tilespmem:s25+$0xFFFFFFD0] =	vst v21;
	v21 =	vadd.f32 v17, v13;
	v15 =	vmul.f32 v15, v14  }
.Ltmp24:
0x45d: {  	v17 =	vld [tilespmem:s28+$0xFFFFFFF0];
	[tilespmem:s25+$0xFFFFFFE0] =	vst v22;
	v22 =	vadd.f32 v16, v13;
	v18 =	vmul.f32 v18, v14;
	(pc) =	sbr.rel @p0 .LBB2_50-.Ltmp24, $4  }
0x45e: {  	v16 =	vld [tilespmem:s28+$0x0];
	v19 =	vmul.f32 v19, v14;
	[tilespmem:s25+$0xFFFFFFF0] =	vst v21;
	v25 =	vadd.f32 v15, v13  }
0x45f: {  	v15 =	vld [tilespmem:s28+$0x10];
	v24 =	vmul.f32 v24, v14;
	[tilespmem:s25+$0x0] =	vst v22;
	v26 =	vadd.f32 v18, v13  }
0x460: {  	v21 =	vmul.f32 v23, v14;
	v18 =	vld [tilespmem:s28+$0x20];
	v23 =	vadd.f32 v19, v13;
	[tilespmem:s25+$0x10] =	vst v25  }
0x461: {  	s28 =	sadd.s32 $0x80, s28;
	v19 =	vld [tilespmem:s24+$0xFFFFFFC0];
	v22 =	vmul.f32 v20, v14;
	v20 =	vadd.f32 v24, v13;
	[tilespmem:s25+$0x20] =	vst v26  }
0x462: {  	v21 =	vadd.f32 v21, v13;
	v17 =	vmul.f32 v17, v14;
	[tilespmem:s25+$0xFFFFFFC0] =	vst v23  }
0x463: {  	v22 =	vadd.f32 v22, v13;
	v16 =	vmul.f32 v16, v14;
	[tilespmem:s24+$0x30] =	vst v20  }
0x464: {  	[tilespmem:s24+$0xFFFFFFD0] =	vst v21;
	v17 =	vadd.f32 v17, v13;
	v15 =	vmul.f32 v15, v14  }
0x465: {  	[tilespmem:s24+$0xFFFFFFE0] =	vst v22;
	v16 =	vadd.f32 v16, v13;
	v18 =	vmul.f32 v18, v14  }
0x466: {  	v19 =	vmul.f32 v19, v14;
	[tilespmem:s24+$0xFFFFFFF0] =	vst v17;
	v15 =	vadd.f32 v15, v13  }
0x467: {  	[tilespmem:s24+$0x0] =	vst v16;
	v16 =	vadd.f32 v18, v13  }
0x468: {  	v17 =	vadd.f32 v19, v13;
	[tilespmem:s24+$0x10] =	vst v15  }
0x469: {  	[tilespmem:s24+$0x20] =	vst v16  }
0x46a: {  	[tilespmem:s24+$0xFFFFFFC0] =	vst v17  }
0x46b: {  	s24 =	sld [smem:$0x7ED];
	_ =	sdelay $0x2  }
0x46c: {  	[hbm4b:s24+s19] =	stream.strided.scatter [tilespmem:s21], [sflag:$0x1], $0x2000, s20, s19, $0x38;
	[tilespmem:$0x1C800] =	vst v63  }
0x46d: {  	_ =	swait.ge [sflag:s18], $0x2000  }
0x46e: {  	[sflag:s18] =	ssyncset.done $0x0  }
0x46f: {  	[sflag:s18] =	ssyncadd.s32 $0xFFFFE000  }
0x470: {  	[tilespmem:s21], [sflag:$0x1] =	stream.strided.gather [hbm4b:s16+s19], $0x2000, s20, s19, $0x38;
	[tilespmem:$0x1C800] =	vst v63  }
0x471: {  	_ =	swait.ge [sflag:s18], $0x2000  }
0x472: {  	[sflag:s18] =	ssyncset.done $0x0  }
0x473: {  	s25 =	simm.s32 $0x1A740;
	[sflag:s18] =	ssyncadd.s32 $0xFFFFE000  }
0x474: {  	v15 =	vld [tilespmem:s25+$0x30]  }
0x475: {  	v16 =	vld [tilespmem:s25+$0xFFFFFFD0]  }
0x476: {  	v17 =	vld [tilespmem:s25+$0xFFFFFFE0]  }
0x477: {  	v18 =	vld [tilespmem:s25+$0xFFFFFFF0]  }
0x478: {  	v19 =	vld [tilespmem:s25+$0x0];
	_ =	sdelay $0x1  }
0x479: {  	v20 =	vld [tilespmem:s25+$0x10];
	v15 =	vmul.f32 v15, v14  }
0x47a: {  	v21 =	vld [tilespmem:s25+$0x20];
	v16 =	vmul.f32 v16, v14  }
0x47b: {  	s24 =	simm.s32 $0x1A7C0;
	v22 =	vld [tilespmem:s25+$0xFFFFFFC0];
	v17 =	vmul.f32 v17, v14;
	v15 =	vadd.f32 v15, v13  }
0x47c: {  	v23 =	vld [tilespmem:s24+$0x30];
	v18 =	vmul.f32 v18, v14;
	v19 =	vmul.f32 v19, v14;
	v16 =	vadd.f32 v16, v13  }
0x47d: {  	v24 =	vld [tilespmem:s24+$0xFFFFFFD0];
	v25 =	vadd.f32 v17, v13;
	[tilespmem:s25+$0x30] =	vst v15  }
0x47e: {  	v26 =	vld [tilespmem:s24+$0xFFFFFFE0];
	v19 =	vadd.f32 v19, v13;
	[tilespmem:s25+$0xFFFFFFD0] =	vst v16;
	v15 =	vadd.f32 v18, v13;
	v18 =	vmul.f32 v20, v14  }
0x47f: {  	v17 =	vld [tilespmem:s24+$0xFFFFFFF0];
	[tilespmem:s25+$0xFFFFFFE0] =	vst v25;
	v20 =	vmul.f32 v21, v14  }
0x480: {  	v22 =	vmul.f32 v22, v14;
	v16 =	vld [tilespmem:s24+$0x0];
	[tilespmem:s25+$0x0] =	vst v19;
	v63 =	vadd.f32 v18, v13  }
0x481: {  	v27 =	vmul.f32 v23, v14;
	[tilespmem:s25+$0xFFFFFFF0] =	vst v15;
	v15 =	vld [tilespmem:s24+$0x10];
	v28 =	vadd.f32 v20, v13  }
0x482: {  	v23 =	vadd.f32 v22, v13;
	v21 =	vmul.f32 v24, v14;
	v18 =	vld [tilespmem:s24+$0x20];
	[tilespmem:s25+$0x10] =	vst v63  }
0x483: {  	s26 =	simm.s32 $0x80;
	s28 =	simm.s32 $0x1A840;
	v22 =	vmul.f32 v26, v14;
	v19 =	vld [tilespmem:s24+$0xFFFFFFC0];
	v20 =	vadd.f32 v27, v13;
	[tilespmem:s25+$0x20] =	vst v28  }
.LBB2_52:
0x484: {  	v24 =	vld [tilespmem:s28+$0x30];
	s26 =	sadd.s32 $0x80, s26;
	v21 =	vadd.f32 v21, v13;
	v17 =	vmul.f32 v17, v14;
	[tilespmem:s25+$0xFFFFFFC0] =	vst v23;
	s25 =	smov.u32 s24;
	s24 =	smov.u32 s28  }
0x485: {  	v23 =	vld [tilespmem:s28+$0xFFFFFFD0];
	p0 =	slt.u32 s26, $0x1F80;
	v22 =	vadd.f32 v22, v13;
	v16 =	vmul.f32 v16, v14;
	[tilespmem:s25+$0x30] =	vst v20  }
0x486: {  	v20 =	vld [tilespmem:s28+$0xFFFFFFE0];
	[tilespmem:s25+$0xFFFFFFD0] =	vst v21;
	v21 =	vadd.f32 v17, v13;
	v15 =	vmul.f32 v15, v14  }
.Ltmp25:
0x487: {  	v17 =	vld [tilespmem:s28+$0xFFFFFFF0];
	[tilespmem:s25+$0xFFFFFFE0] =	vst v22;
	v22 =	vadd.f32 v16, v13;
	v18 =	vmul.f32 v18, v14;
	(pc) =	sbr.rel @p0 .LBB2_52-.Ltmp25, $4  }
0x488: {  	v16 =	vld [tilespmem:s28+$0x0];
	v19 =	vmul.f32 v19, v14;
	[tilespmem:s25+$0xFFFFFFF0] =	vst v21;
	v25 =	vadd.f32 v15, v13  }
0x489: {  	v15 =	vld [tilespmem:s28+$0x10];
	v24 =	vmul.f32 v24, v14;
	[tilespmem:s25+$0x0] =	vst v22;
	v26 =	vadd.f32 v18, v13  }
0x48a: {  	v21 =	vmul.f32 v23, v14;
	v18 =	vld [tilespmem:s28+$0x20];
	v23 =	vadd.f32 v19, v13;
	[tilespmem:s25+$0x10] =	vst v25  }
0x48b: {  	s28 =	sadd.s32 $0x80, s28;
	v19 =	vld [tilespmem:s24+$0xFFFFFFC0];
	v22 =	vmul.f32 v20, v14;
	v20 =	vadd.f32 v24, v13;
	[tilespmem:s25+$0x20] =	vst v26  }
0x48c: {  	v21 =	vadd.f32 v21, v13;
	v17 =	vmul.f32 v17, v14;
	[tilespmem:s25+$0xFFFFFFC0] =	vst v23  }
0x48d: {  	v22 =	vadd.f32 v22, v13;
	v16 =	vmul.f32 v16, v14;
	[tilespmem:s24+$0x30] =	vst v20  }
0x48e: {  	[tilespmem:s24+$0xFFFFFFD0] =	vst v21;
	v17 =	vadd.f32 v17, v13;
	v15 =	vmul.f32 v15, v14  }
0x48f: {  	[tilespmem:s24+$0xFFFFFFE0] =	vst v22;
	v16 =	vadd.f32 v16, v13;
	v18 =	vmul.f32 v18, v14  }
0x490: {  	v14 =	vmul.f32 v19, v14;
	[tilespmem:s24+$0xFFFFFFF0] =	vst v17;
	v15 =	vadd.f32 v15, v13  }
0x491: {  	[tilespmem:s24+$0x0] =	vst v16;
	v63 =	vadd.f32 v18, v13  }
0x492: {  	v13 =	vadd.f32 v14, v13;
	[tilespmem:s24+$0x10] =	vst v15  }
0x493: {  	[tilespmem:s24+$0x20] =	vst v63  }
0x494: {  	[tilespmem:s24+$0xFFFFFFC0] =	vst v13  }
0x495: {  	s24 =	sld [smem:$0x7EE];
	_ =	sdelay $0x2  }
0x496: {  	[hbm4b:s24+s19] =	stream.strided.scatter [tilespmem:s21], [sflag:$0x1], $0x2000, s20, s19, $0x38;
	[tilespmem:$0x1C800] =	vst v63  }
0x497: {  	_ =	swait.ge [sflag:s18], $0x2000  }
0x498: {  	[sflag:s18] =	ssyncset.done $0x0  }
0x499: {  	s24 =	simm.s32 $0x0;
	[sflag:s18] =	ssyncadd.s32 $0xFFFFE000  }
.LBB2_54:
0x49a: {  	s25 =	smul.u32 $0x30E000, s24;
	_ =	sdelay $0x1  }
0x49b: {  	s25 =	sadd.s32 s12, s25  }
0x49c: {  	s25 =	sshrl.u32 s25, $0x3  }
0x49d: {  	s25 =	sadd.s32 s0, s25  }
0x49e: {  	[tilespmem:s6], [sflag:$0x1] =	stream.strided.gather [hbm4b:s25+s19], $0x18700, s20, s19, $0x38;
	[tilespmem:$0x1C800] =	vst v63  }
0x49f: {  	s26 =	sshll.u32 s24, $0x4;
	s25 =	sshll.u32 s24, $0xB  }
0x4a0: {  	s26 =	sand.u32 $0x70, s26;
	_ =	swait.ge [sflag:s18], $0x18700;
	s25 =	sand.u32 $0xC000, s25  }
0x4a1: {  	[sflag:s18] =	ssyncset.done $0x0;
	s25 =	sor.u32 s26, s25  }
0x4a2: {  	[sflag:s18] =	ssyncadd.s32 $0xFFFE7900;
	s26 =	sadd.s32 s2, s25  }
0x4a3: {  	[tilespmem:s22], [sflag:$0x1] =	stream.strided.gather [hbm4b:s26+s19], $0x2000, s20, s19, $0x38;
	[tilespmem:$0x1C800] =	vst v63  }
0x4a4: {  	_ =	swait.ge [sflag:s18], $0x2000  }
0x4a5: {  	[sflag:s18] =	ssyncset.done $0x0  }
0x4a6: {  	s26 =	simm.s32 $0x18740;
	[sflag:s18] =	ssyncadd.s32 $0xFFFFE000  }
0x4a7: {  	v13 =	vld [tilespmem:s26+$0x30]  }
0x4a8: {  	v14 =	vld [tilespmem:s26+$0xFFFFFFD0]  }
0x4a9: {  	v15 =	vld [tilespmem:s26+$0xFFFFFFE0]  }
0x4aa: {  	v16 =	vld [tilespmem:s26+$0xFFFFFFF0]  }
0x4ab: {  	v19 =	vld [tilespmem:s26+$0x0]  }
0x4ac: {  	v20 =	vld [tilespmem:s26+$0x10]  }
0x4ad: {  	v21 =	vld [tilespmem:s26+$0x20]  }
0x4ae: {  	v22 =	vld [tilespmem:s26+$0xFFFFFFC0]  }
0x4af: {  	v23 =	vld.idx.msk [tilespmem:v13+s6+$0x0], $0xffff  }
0x4b0: {  	v24 =	vld.idx.msk [tilespmem:v14+s6+$0x0], $0xffff  }
0x4b1: {  	v18 =	vld.idx.msk [tilespmem:v15+s6+$0x0], $0xffff  }
0x4b2: {  	v17 =	vld.idx.msk [tilespmem:v16+s6+$0x0], $0xffff  }
0x4b3: {  	v16 =	vld.idx.msk [tilespmem:v19+s6+$0x0], $0xffff  }
0x4b4: {  	s28 =	simm.s32 $0x1A740;
	v14 =	vld.idx.msk [tilespmem:v20+s6+$0x0], $0xffff  }
0x4b5: {  	v13 =	vld.idx.msk [tilespmem:v21+s6+$0x0], $0xffff;
	[tilespmem:s28+$0x30] =	vst v23  }
0x4b6: {  	s29 =	simm.s32 $0x187C0;
	s26 =	simm.s32 $0x0;
	v15 =	vld.idx.msk [tilespmem:v22+s6+$0x0], $0xffff;
	[tilespmem:s28+$0xFFFFFFD0] =	vst v24  }
.LBB2_55:
0x4b7: {  	v19 =	vld [tilespmem:s29+$0x30];
	s26 =	sadd.s32 $0x80, s26;
	[tilespmem:s28+$0xFFFFFFE0] =	vst v18  }
0x4b8: {  	v18 =	vld [tilespmem:s29+$0xFFFFFFD0];
	p0 =	slt.u32 s26, $0x1F80;
	[tilespmem:s28+$0xFFFFFFF0] =	vst v17  }
0x4b9: {  	v17 =	vld [tilespmem:s29+$0xFFFFFFE0];
	[tilespmem:s28+$0x0] =	vst v16  }
0x4ba: {  	v16 =	vld [tilespmem:s29+$0xFFFFFFF0];
	[tilespmem:s28+$0x10] =	vst v14  }
0x4bb: {  	v14 =	vld [tilespmem:s29+$0x0];
	[tilespmem:s28+$0x20] =	vst v13  }
0x4bc: {  	v13 =	vld [tilespmem:s29+$0x10];
	[tilespmem:s28+$0xFFFFFFC0] =	vst v15  }
0x4bd: {  	v15 =	vld [tilespmem:s29+$0x20]  }
0x4be: {  	v20 =	vld [tilespmem:s29+$0xFFFFFFC0]  }
0x4bf: {  	v19 =	vld.idx.msk [tilespmem:v19+s6+$0x0], $0xffff  }
0x4c0: {  	v21 =	vld.idx.msk [tilespmem:v18+s6+$0x0], $0xffff  }
0x4c1: {  	v18 =	vld.idx.msk [tilespmem:v17+s6+$0x0], $0xffff  }
.Ltmp26:
0x4c2: {  	v17 =	vld.idx.msk [tilespmem:v16+s6+$0x0], $0xffff;
	(pc) =	sbr.rel @p0 .LBB2_55-.Ltmp26, $4  }
0x4c3: {  	v16 =	vld.idx.msk [tilespmem:v14+s6+$0x0], $0xffff  }
0x4c4: {  	s28 =	sadd.s32 $0x80, s28;
	v14 =	vld.idx.msk [tilespmem:v13+s6+$0x0], $0xffff  }
0x4c5: {  	v13 =	vld.idx.msk [tilespmem:v15+s6+$0x0], $0xffff;
	[tilespmem:s28+$0x30] =	vst v19  }
0x4c6: {  	s29 =	sadd.s32 $0x80, s29;
	v15 =	vld.idx.msk [tilespmem:v20+s6+$0x0], $0xffff;
	[tilespmem:s28+$0xFFFFFFD0] =	vst v21  }
0x4c7: {  	[tilespmem:s28+$0xFFFFFFE0] =	vst v18;
	s26 =	sshll.u32 s24, $0x13  }
0x4c8: {  	[tilespmem:s28+$0xFFFFFFF0] =	vst v17;
	s26 =	sadd.s32 s14, s26  }
0x4c9: {  	[tilespmem:s28+$0x0] =	vst v16;
	s26 =	sand.u32 $0x1FE0000, s26  }
0x4ca: {  	[tilespmem:s28+$0x10] =	vst v14;
	s26 =	sor.u32 s7, s26  }
0x4cb: {  	[tilespmem:s28+$0x20] =	vst v13;
	s26 =	sshrl.u32 s26, $0x3  }
0x4cc: {  	[tilespmem:s28+$0xFFFFFFC0] =	vst v15;
	s28 =	sadd.s32 s5, s26  }
0x4cd: {  	[hbm4b:s28+s19] =	stream.strided.scatter [tilespmem:s21], [sflag:$0x1], $0x2000, s20, s19, $0x38;
	[tilespmem:$0x1C800] =	vst v63  }
0x4ce: {  	_ =	swait.ge [sflag:s18], $0x2000  }
0x4cf: {  	[sflag:s18] =	ssyncset.done $0x0  }
0x4d0: {  	s25 =	sadd.s32 s25, s17;
	[sflag:s18] =	ssyncadd.s32 $0xFFFFE000  }
0x4d1: {  	[tilespmem:s22], [sflag:$0x1] =	stream.strided.gather [hbm4b:s25+s19], $0x2000, s20, s19, $0x38;
	[tilespmem:$0x1C800] =	vst v63  }
0x4d2: {  	_ =	swait.ge [sflag:s18], $0x2000  }
0x4d3: {  	[sflag:s18] =	ssyncset.done $0x0  }
0x4d4: {  	s25 =	simm.s32 $0x18740;
	[sflag:s18] =	ssyncadd.s32 $0xFFFFE000  }
0x4d5: {  	v13 =	vld [tilespmem:s25+$0x30]  }
0x4d6: {  	v14 =	vld [tilespmem:s25+$0xFFFFFFD0]  }
0x4d7: {  	v15 =	vld [tilespmem:s25+$0xFFFFFFE0]  }
0x4d8: {  	v16 =	vld [tilespmem:s25+$0xFFFFFFF0]  }
0x4d9: {  	v17 =	vld [tilespmem:s25+$0x0]  }
0x4da: {  	v19 =	vld [tilespmem:s25+$0x10]  }
0x4db: {  	v20 =	vld [tilespmem:s25+$0x20]  }
0x4dc: {  	v21 =	vld [tilespmem:s25+$0xFFFFFFC0]  }
0x4dd: {  	v22 =	vld.idx.msk [tilespmem:v13+s6+$0x0], $0xffff  }
0x4de: {  	v23 =	vld.idx.msk [tilespmem:v14+s6+$0x0], $0xffff  }
0x4df: {  	v18 =	vld.idx.msk [tilespmem:v15+s6+$0x0], $0xffff  }
0x4e0: {  	v16 =	vld.idx.msk [tilespmem:v16+s6+$0x0], $0xffff  }
0x4e1: {  	v13 =	vld.idx.msk [tilespmem:v17+s6+$0x0], $0xffff  }
0x4e2: {  	s25 =	simm.s32 $0x1A740;
	v14 =	vld.idx.msk [tilespmem:v19+s6+$0x0], $0xffff  }
0x4e3: {  	v15 =	vld.idx.msk [tilespmem:v20+s6+$0x0], $0xffff;
	[tilespmem:s25+$0x30] =	vst v22  }
0x4e4: {  	s29 =	simm.s32 $0x187C0;
	s28 =	simm.s32 $0x0;
	v17 =	vld.idx.msk [tilespmem:v21+s6+$0x0], $0xffff;
	[tilespmem:s25+$0xFFFFFFD0] =	vst v23  }
.LBB2_57:
0x4e5: {  	v19 =	vld [tilespmem:s29+$0x30];
	s28 =	sadd.s32 $0x80, s28;
	[tilespmem:s25+$0xFFFFFFE0] =	vst v18  }
0x4e6: {  	v18 =	vld [tilespmem:s29+$0xFFFFFFD0];
	p0 =	slt.u32 s28, $0x1F80;
	[tilespmem:s25+$0xFFFFFFF0] =	vst v16  }
0x4e7: {  	v16 =	vld [tilespmem:s29+$0xFFFFFFE0];
	[tilespmem:s25+$0x0] =	vst v13  }
0x4e8: {  	v13 =	vld [tilespmem:s29+$0xFFFFFFF0];
	[tilespmem:s25+$0x10] =	vst v14  }
0x4e9: {  	v14 =	vld [tilespmem:s29+$0x0];
	[tilespmem:s25+$0x20] =	vst v15  }
0x4ea: {  	v15 =	vld [tilespmem:s29+$0x10];
	[tilespmem:s25+$0xFFFFFFC0] =	vst v17  }
0x4eb: {  	v17 =	vld [tilespmem:s29+$0x20]  }
0x4ec: {  	v20 =	vld [tilespmem:s29+$0xFFFFFFC0]  }
0x4ed: {  	v19 =	vld.idx.msk [tilespmem:v19+s6+$0x0], $0xffff  }
0x4ee: {  	v21 =	vld.idx.msk [tilespmem:v18+s6+$0x0], $0xffff  }
0x4ef: {  	v18 =	vld.idx.msk [tilespmem:v16+s6+$0x0], $0xffff  }
.Ltmp27:
0x4f0: {  	v16 =	vld.idx.msk [tilespmem:v13+s6+$0x0], $0xffff;
	(pc) =	sbr.rel @p0 .LBB2_57-.Ltmp27, $4  }
0x4f1: {  	v13 =	vld.idx.msk [tilespmem:v14+s6+$0x0], $0xffff  }
0x4f2: {  	s25 =	sadd.s32 $0x80, s25;
	v14 =	vld.idx.msk [tilespmem:v15+s6+$0x0], $0xffff  }
0x4f3: {  	v15 =	vld.idx.msk [tilespmem:v17+s6+$0x0], $0xffff;
	[tilespmem:s25+$0x30] =	vst v19  }
0x4f4: {  	s29 =	sadd.s32 $0x80, s29;
	v17 =	vld.idx.msk [tilespmem:v20+s6+$0x0], $0xffff;
	[tilespmem:s25+$0xFFFFFFD0] =	vst v21  }
0x4f5: {  	[tilespmem:s25+$0xFFFFFFE0] =	vst v18  }
0x4f6: {  	[tilespmem:s25+$0xFFFFFFF0] =	vst v16  }
0x4f7: {  	[tilespmem:s25+$0x0] =	vst v13  }
0x4f8: {  	s24 =	sadd.s32 $0x1, s24;
	[tilespmem:s25+$0x10] =	vst v14  }
0x4f9: {  	p0 =	sne.s32 s24, $0x1A;
	[tilespmem:s25+$0x20] =	vst v15  }
.Ltmp28:
0x4fa: {  	s29 =	sadd.s32 s26, s11;
	[tilespmem:s25+$0xFFFFFFC0] =	vst v17;
	(pc) =	sbr.rel @p0 .LBB2_54-.Ltmp28, $4  }
0x4fb: {  	[hbm4b:s29+s19] =	stream.strided.scatter [tilespmem:s21], [sflag:$0x1], $0x2000, s20, s19, $0x38;
	[tilespmem:$0x1C800] =	vst v63  }
0x4fc: {  	_ =	swait.ge [sflag:s18], $0x2000  }
0x4fd: {  	[sflag:s18] =	ssyncset.done $0x0  }
0x4fe: {  	[sflag:s18] =	ssyncadd.s32 $0xFFFFE000  }
0x4ff: {  	s24 =	sld [smem:$0x7EF];
	_ =	sdelay $0x1  }
0x500: {  	s23 =	sadd.s32 $0x1, s23  }
0x501: {  	p0 =	sne.s32 s23, s24  }
.Ltmp29:
0x502: {  	_ = 	snop;
	(pc) =	sbr.rel @p0 .LBB2_1-.Ltmp29, $1  }
0x503: {  	_ =	sdelay $0x3  }
0x504: {  	_ =	sfence.sel $0x180000  }
0x505: {  	[bflag:$0x0] =	sbarrier.arrive $0xFFFF  }
0x506: {  	_ =	strace $0x90000047  }
0x507: {  	s0 =	stileid.u32;
	[bflag:$0x2] =	sbarrier.arrive $0xFFFF  }
0x508: {  	p0 =	sne.s32 s0, $0x0;
	s0 =	rddreg [dreg:$0x5]  }
0x509: {  	s0 =	sadd.s32 @!p0 $0x100000, s0  }
0x50a: {  	[sflag:s0] =	ssyncadd.tile.s32 @!p0 $0x1;
	_ =	shalt  }
.Lfunc_end2:
_tile_overlayer_lowered:
.L_overlay_start_2:
0x50b: {  	(tag) =	ssettag $0x2  }
0x50c: {  	s0 =	rddreg [dreg:$0x0];
	s2 =	stileid.u32  }
0x50d: {  	s1 =	rddreg [dreg:$0x1];
	p0 =	sne.s32 s2, $0x0  }
0x50e: {  	s3 =	rddreg [dreg:$0x2];
	[bflag:$0x3] =	sbarrier.arrive $0xFFFF;
	s2 =	simm.s32 @!p0 $0x1C01  }
0x50f: {  	[timem:s3], [sflag:s2] =	dma.local @!p0 [hbm:s0], s1  }
0x510: {  	s0 =	simm.s32 @!p0 $0x1  }
0x511: {  	_ =	swait.ge @!p0 [sflag:s0], s1  }
0x512: {  	s1 =	ssub.s32 @!p0 $0x0, s1;
	[sflag:s0] =	ssyncset.done @!p0 $0x0  }
0x513: {  	[sflag:s0] =	ssyncadd.s32 @!p0 s1  }
0x514: {  	[bflag:$0x3] =	sbarrier.arrive $0xFFFF  }
0x515: {  	_ =	shalt  }

</sc_bundles>
